<compile_context>
chip_gen: v7x
topology: tpu7x:2x2x1
jax: 0.10.2.dev20260603
libtpu: 0.0.44.dev20260713+nightly
codegen_flags: <defaults>
</compile_context>

<pallas_src>
import functools

import jax
import jax.numpy as jnp
from jax import lax
from jax.experimental import pallas as pl
from jax.experimental.pallas import tpu as pltpu
from jax.experimental.pallas import tpu_sc as plsc

N = 10000
D = 128
E = 320000

NC = 2
NS = 16
L = 16

CHUNK = 256
EPT = 10240
EPAD = EPT * NC * NS
EROWS = EPAD // 128
ROWS_PER_TILE = EROWS // (NC * NS)
ROWS_PER_TILE_1SC = EROWS // NS
NACC = 10240
RPT = NACC // NS

_mesh = plsc.VectorSubcoreMesh(core_axis_name="c", subcore_axis_name="s")



def _sc_degree_body(dst1d, deg_out, hist_sh, idx_v, ones_v, hbuf, sem):
    c = lax.axis_index("c")
    s = lax.axis_index("s")

    @pl.when(c == 0)
    def _():
        def zrow(i, _):
            hbuf[pl.ds(i * L, L)] = jnp.zeros((L,), jnp.float32)
            return 0
        lax.fori_loop(0, RPT // L, zrow, 0)
        pltpu.sync_copy(hbuf, hist_sh.at[pl.ds(s * RPT, RPT)])

        def orow(i, _):
            ones_v[pl.ds(i * L, L)] = jnp.ones((L,), jnp.float32)
            return 0
        lax.fori_loop(0, 128 // L, orow, 0)
        plsc.subcore_barrier()

        base = s * ROWS_PER_TILE_1SC * 128

        def srow(g, _):
            pltpu.sync_copy(dst1d.at[pl.ds(base + g * 128, 128)], idx_v)
            pltpu.sync_copy(ones_v, hist_sh.at[idx_v], add=True)
            return 0
        lax.fori_loop(0, ROWS_PER_TILE_1SC, srow, 0)
        plsc.subcore_barrier()

        pltpu.sync_copy(hist_sh.at[pl.ds(s * RPT, RPT)], hbuf)
        pltpu.sync_copy(hbuf, deg_out.at[pl.ds(s * RPT, RPT)])


_sc_degree = functools.partial(
    pl.kernel,
    out_type=jax.ShapeDtypeStruct((NACC,), jnp.float32),
    mesh=_mesh,
    scratch_types=[
        pltpu.VMEM_SHARED((NACC,), jnp.float32),
        pltpu.VMEM((128,), jnp.int32),
        pltpu.VMEM((128,), jnp.float32),
        pltpu.VMEM((RPT,), jnp.float32),
        pltpu.SemaphoreType.DMA,
    ],
)(_sc_degree_body)



_CH = 64
_NSL = 4
_EA = EPT
_EB = 2 * EPT - _EA


def _sc_aggregate_body(hs, src1d, dst1d, acc_out,
                       acc_sh, src_all,
                       dst_v0, dst_v1, dst_v2, dst_v3,
                       rows0, rows1, rows2, rows3,
                       isem0, isem1, isem2, isem3,
                       gsem0, gsem1, gsem2, gsem3,
                       ssem0, ssem1, ssem2, ssem3):
    c = lax.axis_index("c")
    s = lax.axis_index("s")
    dst_vs = (dst_v0, dst_v1, dst_v2, dst_v3)
    rows_vs = (rows0, rows1, rows2, rows3)
    isems = (isem0, isem1, isem2, isem3)
    gsems = (gsem0, gsem1, gsem2, gsem3)
    ssems = (ssem0, ssem1, ssem2, ssem3)
    hop = _CH

    def zrow(i, _):
        for k in range(8):
            rows0[i, pl.ds(k * L, L)] = jnp.zeros((L,), jnp.float32)
        return 0
    lax.fori_loop(0, hop, zrow, 0)
    zcps = [
        pltpu.make_async_copy(rows0, acc_sh.at[pl.ds(s * RPT + p * hop, hop)],
                              gsem0)
        for p in range(RPT // hop)
    ]
    for cp in zcps:
        cp.start()
    for cp in zcps:
        cp.wait()
    plsc.subcore_barrier()

    base = jnp.where(c == 0, s * _EA, NS * _EA + s * _EB)
    nr = jnp.where(c == 0, _EA // (_CH * _NSL), _EB // (_CH * _NSL))
    pltpu.sync_copy(src1d.at[pl.ds(base, _EB)], src_all)

    def start_slot(g, j):
        pltpu.async_copy(dst1d.at[pl.ds(base + g * _CH, _CH)], dst_vs[j],
                         isems[j])
        pltpu.async_copy(hs.at[src_all.at[pl.ds(g * _CH, _CH)]], rows_vs[j],
                         gsems[j])

    for j in range(_NSL):
        start_slot(j, j)

    def fire_scatter(g, j):
        pltpu.make_async_copy(dst1d.at[pl.ds(base + g * _CH, _CH)], dst_vs[j],
                              isems[j]).wait()
        pltpu.make_async_copy(hs.at[src_all.at[pl.ds(g * _CH, _CH)]],
                              rows_vs[j], gsems[j]).wait()
        pltpu.make_async_copy(rows_vs[j], acc_sh.at[dst_vs[j]],
                              ssems[j]).start(add=True)

    def round_(r, _):
        g0 = r * _NSL
        for j in range(_NSL):
            fire_scatter(g0 + j, j)

        @pl.when(r < nr - 1)
        def _():
            for j in range(_NSL):
                pltpu.make_async_copy(rows_vs[j], acc_sh.at[dst_vs[j]],
                                      ssems[j]).wait()
                start_slot(g0 + _NSL + j, j)
        return 0

    lax.fori_loop(0, nr, round_, 0)
    for j in range(_NSL):
        pltpu.make_async_copy(rows_vs[j], acc_sh.at[dst_vs[j]],
                              ssems[j]).wait()
    plsc.subcore_barrier()

    nhop = RPT // hop
    for p in range(nhop):
        j = p % _NSL
        if p >= _NSL:
            pltpu.make_async_copy(
                rows_vs[j],
                acc_out.at[c, pl.ds(s * RPT + (p - _NSL) * hop, hop)],
                gsems[j]).wait()
        pltpu.sync_copy(acc_sh.at[pl.ds(s * RPT + p * hop, hop)], rows_vs[j])
        pltpu.make_async_copy(
            rows_vs[j], acc_out.at[c, pl.ds(s * RPT + p * hop, hop)],
            gsems[j]).start()
    for p in range(max(0, nhop - _NSL), nhop):
        j = p % _NSL
        pltpu.make_async_copy(
            rows_vs[j], acc_out.at[c, pl.ds(s * RPT + p * hop, hop)],
            gsems[j]).wait()


_sc_aggregate = functools.partial(
    pl.kernel,
    out_type=jax.ShapeDtypeStruct((NC, NACC, D), jnp.float32),
    mesh=_mesh,
    scratch_types=[
        pltpu.VMEM_SHARED((NACC, D), jnp.float32),
        pltpu.VMEM((_EB,), jnp.int32),
        pltpu.VMEM((_CH,), jnp.int32),
        pltpu.VMEM((_CH,), jnp.int32),
        pltpu.VMEM((_CH,), jnp.int32),
        pltpu.VMEM((_CH,), jnp.int32),
        pltpu.VMEM((_CH, D), jnp.float32),
        pltpu.VMEM((_CH, D), jnp.float32),
        pltpu.VMEM((_CH, D), jnp.float32),
        pltpu.VMEM((_CH, D), jnp.float32),
    ] + [pltpu.SemaphoreType.DMA] * 12,
)(_sc_aggregate_body)



_BLK = 1000
_GRID = N // _BLK


def _tc_matmul_body(x_ref, w_ref, h_ref):
    h_ref[...] = jnp.dot(x_ref[...], w_ref[...],
                         preferred_element_type=jnp.float32)


def _tc_matmul(x, w):
    return pl.pallas_call(
        _tc_matmul_body,
        grid=(_GRID,),
        in_specs=[
            pl.BlockSpec((_BLK, D), lambda i: (i, 0)),
            pl.BlockSpec((D, D), lambda i: (0, 0)),
        ],
        out_specs=pl.BlockSpec((_BLK, D), lambda i: (i, 0)),
        out_shape=jax.ShapeDtypeStruct((N, D), jnp.float32),
    )(x, w)


def _tc_scale_body(deg_ref, h_ref, hs_ref):
    dinv = lax.rsqrt(deg_ref[...] + 1.0)
    hs_ref[...] = h_ref[...] * dinv


def _tc_scale(deg2d, h):
    return pl.pallas_call(
        _tc_scale_body,
        grid=(_GRID,),
        in_specs=[
            pl.BlockSpec((_BLK, 1), lambda i: (i, 0)),
            pl.BlockSpec((_BLK, D), lambda i: (i, 0)),
        ],
        out_specs=pl.BlockSpec((_BLK, D), lambda i: (i, 0)),
        out_shape=jax.ShapeDtypeStruct((N, D), jnp.float32),
    )(deg2d, h)


def _tc_mid_body(deg_ref, aa_ref, ab_ref, hs_ref, b_ref, w_ref, out_ref):
    dinv = lax.rsqrt(deg_ref[...] + 1.0)
    agg = aa_ref[0] + ab_ref[0] + hs_ref[...]
    h1 = jnp.maximum(agg * dinv + b_ref[...], 0.0)
    h = jnp.dot(h1, w_ref[...], preferred_element_type=jnp.float32)
    out_ref[...] = h * dinv


def _tc_mid(deg2d, acc, hs, b2d, w):
    return pl.pallas_call(
        _tc_mid_body,
        grid=(_GRID,),
        in_specs=[
            pl.BlockSpec((_BLK, 1), lambda i: (i, 0)),
            pl.BlockSpec((1, _BLK, D), lambda i: (0, i, 0)),
            pl.BlockSpec((1, _BLK, D), lambda i: (1, i, 0)),
            pl.BlockSpec((_BLK, D), lambda i: (i, 0)),
            pl.BlockSpec((1, D), lambda i: (0, 0)),
            pl.BlockSpec((D, D), lambda i: (0, 0)),
        ],
        out_specs=pl.BlockSpec((_BLK, D), lambda i: (i, 0)),
        out_shape=jax.ShapeDtypeStruct((N, D), jnp.float32),
    )(deg2d, acc, acc, hs, b2d, w)


def _tc_final_body(deg_ref, aa_ref, ab_ref, hs_ref, b_ref, x_ref, out_ref):
    dinv = lax.rsqrt(deg_ref[...] + 1.0)
    agg = aa_ref[0] + ab_ref[0] + hs_ref[...]
    h2 = jnp.maximum(agg * dinv + b_ref[...], 0.0)
    out_ref[...] = (x_ref[...] + h2) * 0.5


def _tc_final(deg2d, acc, hs, b2d, x):
    return pl.pallas_call(
        _tc_final_body,
        grid=(_GRID,),
        in_specs=[
            pl.BlockSpec((_BLK, 1), lambda i: (i, 0)),
            pl.BlockSpec((1, _BLK, D), lambda i: (0, i, 0)),
            pl.BlockSpec((1, _BLK, D), lambda i: (1, i, 0)),
            pl.BlockSpec((_BLK, D), lambda i: (i, 0)),
            pl.BlockSpec((1, D), lambda i: (0, 0)),
            pl.BlockSpec((_BLK, D), lambda i: (i, 0)),
        ],
        out_specs=pl.BlockSpec((_BLK, D), lambda i: (i, 0)),
        out_shape=jax.ShapeDtypeStruct((N, D), jnp.float32),
    )(deg2d, acc, acc, hs, b2d, x)



def kernel(x, edge_index, W1, b1, W2, b2):
    src = edge_index[0]
    dst = edge_index[1]
    pad = EPAD - E
    src1d = jnp.concatenate([src, jnp.zeros((pad,), jnp.int32)])
    dst1d = jnp.concatenate([dst, jnp.full((pad,), N, jnp.int32)])

    h1raw = _tc_matmul(x, W1)
    deg2d = _sc_degree(dst1d).reshape(NACC, 1)

    hs1 = _tc_scale(deg2d, h1raw)
    acc1 = _sc_aggregate(hs1, src1d, dst1d)
    hs2 = _tc_mid(deg2d, acc1, hs1, b1.reshape(1, D), W2)
    acc2 = _sc_aggregate(hs2, src1d, dst1d)
    return _tc_final(deg2d, acc2, hs2, b2.reshape(1, D), x)

# --- scband reference (transcript-rebuilt; emitter-appended) ---
"""Pipeline reference for scband-gres-block-86096914415861 (READ-ONLY COPY).

The authoritative reference and input builder live on the scoring server;
editing this copy changes nothing except your own understanding.
"""

import jax, jax.numpy as jnp
import numpy as np

N, D, H, E = 10000, 128, 128, 320000


def setup_inputs(seed: int = 0):
    key = jax.random.key(seed)
    ks = jax.random.split(key, 6)
    x = jax.random.normal(ks[0], (N, D), dtype=jnp.float32)
    edge_index = jax.random.randint(ks[1], (2, E), 0, N, dtype=jnp.int32)
    W1 = jax.random.normal(ks[2], (D, H), dtype=jnp.float32) * (1.0 / np.sqrt(D))
    b1 = jnp.zeros((H,), dtype=jnp.float32)
    W2 = jax.random.normal(ks[3], (H, D), dtype=jnp.float32) * (1.0 / np.sqrt(H))
    b2 = jnp.zeros((D,), dtype=jnp.float32)
    return {"x": x, "edge_index": edge_index, "W1": W1, "b1": b1, "W2": W2, "b2": b2}


def _gcn_conv(x, edge_index, W, b):
    # Faithful PyG GCNConv: add self-loops, symmetric normalization, linear, scatter-add, bias
    n = x.shape[0]
    src = edge_index[0]
    dst = edge_index[1]
    loop = jnp.arange(n, dtype=src.dtype)
    src = jnp.concatenate([src, loop])
    dst = jnp.concatenate([dst, loop])
    ew = jnp.ones(src.shape[0], dtype=x.dtype)
    deg = jnp.zeros((n,), dtype=x.dtype).at[dst].add(ew)
    deg_inv_sqrt = jnp.where(deg > 0, jax.lax.rsqrt(jnp.maximum(deg, 1e-12)), 0.0)
    norm = deg_inv_sqrt[src] * ew * deg_inv_sqrt[dst]
    h = x @ W
    msg = h[src] * norm[:, None]
    out = jnp.zeros((n, W.shape[1]), dtype=x.dtype).at[dst].add(msg)
    return out + b


def reference(x, edge_index, W1, b1, W2, b2):
    h = jax.nn.relu(_gcn_conv(x, edge_index, W1, b1))
    h = jax.nn.relu(_gcn_conv(h, edge_index, W2, b2))
    return (x + h) * 0.5

if __name__ == "__main__":
    import jax
    _d = setup_inputs()
    print(jax.jit(kernel)(*tuple(_d.values())))

</pallas_src>

<mosaic_0001>
#map = affine_map<(d0, d1) -> (0, 0)>
#map1 = affine_map<(d0, d1) -> (0)>
#map2 = affine_map<(d0, d1) -> (0, 0, 0)>
module attributes {stable_mosaic.version = 14 : i64} {
  func.func @_sc_aggregate_body(%arg0: i32, %arg1: i32, %arg2: memref<10000x128xf32, #tpu.memory_space<hbm>>, %arg3: memref<327680xi32, #tpu.memory_space<hbm>>, %arg4: memref<327680xi32, #tpu.memory_space<hbm>>, %arg5: memref<2x10240x128xf32, #tpu.memory_space<hbm>>, %arg6: memref<10240x128xf32, #tpu.memory_space<vmem_shared>>, %arg7: memref<10240xi32, #tpu.memory_space<vmem>>, %arg8: memref<64xi32, #tpu.memory_space<vmem>>, %arg9: memref<64xi32, #tpu.memory_space<vmem>>, %arg10: memref<64xi32, #tpu.memory_space<vmem>>, %arg11: memref<64xi32, #tpu.memory_space<vmem>>, %arg12: memref<64x128xf32, #tpu.memory_space<vmem>>, %arg13: memref<64x128xf32, #tpu.memory_space<vmem>>, %arg14: memref<64x128xf32, #tpu.memory_space<vmem>>, %arg15: memref<64x128xf32, #tpu.memory_space<vmem>>, %arg16: memref<!tpu.dma_semaphore, #tpu.memory_space<semaphore_mem>>, %arg17: memref<!tpu.dma_semaphore, #tpu.memory_space<semaphore_mem>>, %arg18: memref<!tpu.dma_semaphore, #tpu.memory_space<semaphore_mem>>, %arg19: memref<!tpu.dma_semaphore, #tpu.memory_space<semaphore_mem>>, %arg20: memref<!tpu.dma_semaphore, #tpu.memory_space<semaphore_mem>>, %arg21: memref<!tpu.dma_semaphore, #tpu.memory_space<semaphore_mem>>, %arg22: memref<!tpu.dma_semaphore, #tpu.memory_space<semaphore_mem>>, %arg23: memref<!tpu.dma_semaphore, #tpu.memory_space<semaphore_mem>>, %arg24: memref<!tpu.dma_semaphore, #tpu.memory_space<semaphore_mem>>, %arg25: memref<!tpu.dma_semaphore, #tpu.memory_space<semaphore_mem>>, %arg26: memref<!tpu.dma_semaphore, #tpu.memory_space<semaphore_mem>>, %arg27: memref<!tpu.dma_semaphore, #tpu.memory_space<semaphore_mem>>) attributes {dimension_semantics = [#tpu.dimension_semantics<core_parallel>, #tpu.dimension_semantics<subcore_parallel>], iteration_bounds = array<i64: 2, 16>, scalar_prefetch = 0 : i64, scratch_operands = 22 : i64, tpu.core_type = #tpu.core_type<sc_vector_subcore>, window_params = [{transform_indices = #map}, {transform_indices = #map1}, {transform_indices = #map1}, {transform_indices = #map2}]} {
    %scan3A = arith.constant 0 : i32
    %scan3A_0 = arith.constant 0 : i32
    %scan3A_1 = arith.constant 64 : i32
    %scan3A_2 = arith.addi %scan3A_0, %scan3A_1 : i32
    %scan3A_3 = arith.constant 1 : i32
    %scan3A_4 = scf.for %scan3A_433 = %scan3A_0 to %scan3A_2 step %scan3A_3 iter_args(%scan3A_434 = %scan3A) -> (i32)  : i32 {
      %broadcast_in_dim3A = arith.constant 0.000000e+00 : f32
      %broadcast_in_dim3A_435 = vector.broadcast %broadcast_in_dim3A : f32 to vector<16xf32>
      %swap3A = arith.index_cast %scan3A_433 : i32 to index
      %swap3A_436 = arith.constant 0 : index
      %swap3A_437 = tpu.vector_load %arg12[%swap3A, %swap3A_436] {strides = array<i32>} : memref<64x128xf32, #tpu.memory_space<vmem>>, vector<1x16xf32>,
      %swap3A_438 = vector.shape_cast %swap3A_437 : vector<1x16xf32> to vector<16xf32>
      %swap3A_439 = vector.shape_cast %broadcast_in_dim3A_435 : vector<16xf32> to vector<1x16xf32>
      tpu.vector_store %arg12[%swap3A, %swap3A_436], %swap3A_439 {strides = array<i32>} : memref<64x128xf32, #tpu.memory_space<vmem>>, vector<1x16xf32>,
      %broadcast_in_dim3A_440 = arith.constant 0.000000e+00 : f32
      %broadcast_in_dim3A_441 = vector.broadcast %broadcast_in_dim3A_440 : f32 to vector<16xf32>
      %swap3A_442 = arith.index_cast %scan3A_433 : i32 to index
      %swap3A_443 = arith.constant 16 : index
      %swap3A_444 = tpu.vector_load %arg12[%swap3A_442, %swap3A_443] {strides = array<i32>} : memref<64x128xf32, #tpu.memory_space<vmem>>, vector<1x16xf32>,
      %swap3A_445 = vector.shape_cast %swap3A_444 : vector<1x16xf32> to vector<16xf32>
      %swap3A_446 = vector.shape_cast %broadcast_in_dim3A_441 : vector<16xf32> to vector<1x16xf32>
      tpu.vector_store %arg12[%swap3A_442, %swap3A_443], %swap3A_446 {strides = array<i32>} : memref<64x128xf32, #tpu.memory_space<vmem>>, vector<1x16xf32>,
      %broadcast_in_dim3A_447 = arith.constant 0.000000e+00 : f32
      %broadcast_in_dim3A_448 = vector.broadcast %broadcast_in_dim3A_447 : f32 to vector<16xf32>
      %swap3A_449 = arith.index_cast %scan3A_433 : i32 to index
      %swap3A_450 = arith.constant 32 : index
      %swap3A_451 = tpu.vector_load %arg12[%swap3A_449, %swap3A_450] {strides = array<i32>} : memref<64x128xf32, #tpu.memory_space<vmem>>, vector<1x16xf32>,
      %swap3A_452 = vector.shape_cast %swap3A_451 : vector<1x16xf32> to vector<16xf32>
      %swap3A_453 = vector.shape_cast %broadcast_in_dim3A_448 : vector<16xf32> to vector<1x16xf32>
      tpu.vector_store %arg12[%swap3A_449, %swap3A_450], %swap3A_453 {strides = array<i32>} : memref<64x128xf32, #tpu.memory_space<vmem>>, vector<1x16xf32>,
      %broadcast_in_dim3A_454 = arith.constant 0.000000e+00 : f32
      %broadcast_in_dim3A_455 = vector.broadcast %broadcast_in_dim3A_454 : f32 to vector<16xf32>
      %swap3A_456 = arith.index_cast %scan3A_433 : i32 to index
      %swap3A_457 = arith.constant 48 : index
      %swap3A_458 = tpu.vector_load %arg12[%swap3A_456, %swap3A_457] {strides = array<i32>} : memref<64x128xf32, #tpu.memory_space<vmem>>, vector<1x16xf32>,
      %swap3A_459 = vector.shape_cast %swap3A_458 : vector<1x16xf32> to vector<16xf32>
      %swap3A_460 = vector.shape_cast %broadcast_in_dim3A_455 : vector<16xf32> to vector<1x16xf32>
      tpu.vector_store %arg12[%swap3A_456, %swap3A_457], %swap3A_460 {strides = array<i32>} : memref<64x128xf32, #tpu.memory_space<vmem>>, vector<1x16xf32>,
      %broadcast_in_dim3A_461 = arith.constant 0.000000e+00 : f32
      %broadcast_in_dim3A_462 = vector.broadcast %broadcast_in_dim3A_461 : f32 to vector<16xf32>
      %swap3A_463 = arith.index_cast %scan3A_433 : i32 to index
      %swap3A_464 = arith.constant 64 : index
      %swap3A_465 = tpu.vector_load %arg12[%swap3A_463, %swap3A_464] {strides = array<i32>} : memref<64x128xf32, #tpu.memory_space<vmem>>, vector<1x16xf32>,
      %swap3A_466 = vector.shape_cast %swap3A_465 : vector<1x16xf32> to vector<16xf32>
      %swap3A_467 = vector.shape_cast %broadcast_in_dim3A_462 : vector<16xf32> to vector<1x16xf32>
      tpu.vector_store %arg12[%swap3A_463, %swap3A_464], %swap3A_467 {strides = array<i32>} : memref<64x128xf32, #tpu.memory_space<vmem>>, vector<1x16xf32>,
      %broadcast_in_dim3A_468 = arith.constant 0.000000e+00 : f32
      %broadcast_in_dim3A_469 = vector.broadcast %broadcast_in_dim3A_468 : f32 to vector<16xf32>
      %swap3A_470 = arith.index_cast %scan3A_433 : i32 to index
      %swap3A_471 = arith.constant 80 : index
      %swap3A_472 = tpu.vector_load %arg12[%swap3A_470, %swap3A_471] {strides = array<i32>} : memref<64x128xf32, #tpu.memory_space<vmem>>, vector<1x16xf32>,
      %swap3A_473 = vector.shape_cast %swap3A_472 : vector<1x16xf32> to vector<16xf32>
      %swap3A_474 = vector.shape_cast %broadcast_in_dim3A_469 : vector<16xf32> to vector<1x16xf32>
      tpu.vector_store %arg12[%swap3A_470, %swap3A_471], %swap3A_474 {strides = array<i32>} : memref<64x128xf32, #tpu.memory_space<vmem>>, vector<1x16xf32>,
      %broadcast_in_dim3A_475 = arith.constant 0.000000e+00 : f32
      %broadcast_in_dim3A_476 = vector.broadcast %broadcast_in_dim3A_475 : f32 to vector<16xf32>
      %swap3A_477 = arith.index_cast %scan3A_433 : i32 to index
      %swap3A_478 = arith.constant 96 : index
      %swap3A_479 = tpu.vector_load %arg12[%swap3A_477, %swap3A_478] {strides = array<i32>} : memref<64x128xf32, #tpu.memory_space<vmem>>, vector<1x16xf32>,
      %swap3A_480 = vector.shape_cast %swap3A_479 : vector<1x16xf32> to vector<16xf32>
      %swap3A_481 = vector.shape_cast %broadcast_in_dim3A_476 : vector<16xf32> to vector<1x16xf32>
      tpu.vector_store %arg12[%swap3A_477, %swap3A_478], %swap3A_481 {strides = array<i32>} : memref<64x128xf32, #tpu.memory_space<vmem>>, vector<1x16xf32>,
      %broadcast_in_dim3A_482 = arith.constant 0.000000e+00 : f32
      %broadcast_in_dim3A_483 = vector.broadcast %broadcast_in_dim3A_482 : f32 to vector<16xf32>
      %swap3A_484 = arith.index_cast %scan3A_433 : i32 to index
      %swap3A_485 = arith.constant 112 : index
      %swap3A_486 = tpu.vector_load %arg12[%swap3A_484, %swap3A_485] {strides = array<i32>} : memref<64x128xf32, #tpu.memory_space<vmem>>, vector<1x16xf32>,
      %swap3A_487 = vector.shape_cast %swap3A_486 : vector<1x16xf32> to vector<16xf32>
      %swap3A_488 = vector.shape_cast %broadcast_in_dim3A_483 : vector<16xf32> to vector<1x16xf32>
      tpu.vector_store %arg12[%swap3A_484, %swap3A_485], %swap3A_488 {strides = array<i32>} : memref<64x128xf32, #tpu.memory_space<vmem>>, vector<1x16xf32>,
      %scan3A_489 = arith.constant 0 : i32
      scf.yield %scan3A_489 : i32
    }
    %scan3A_5 = arith.constant 64 : i32
    %mul3A = arith.constant 640 : i32
    %mul3A_6 = arith.muli %arg1, %mul3A : i32
    %add3A = arith.constant 0 : i32
    %add3A_7 = arith.addi %mul3A_6, %add3A : i32
    %mul3A_8 = arith.constant 640 : i32
    %mul3A_9 = arith.muli %arg1, %mul3A_8 : i32
    %add3A_10 = arith.constant 64 : i32
    %add3A_11 = arith.addi %mul3A_9, %add3A_10 : i32
    %mul3A_12 = arith.constant 640 : i32
    %mul3A_13 = arith.muli %arg1, %mul3A_12 : i32
    %add3A_14 = arith.constant 128 : i32
    %add3A_15 = arith.addi %mul3A_13, %add3A_14 : i32
    %mul3A_16 = arith.constant 640 : i32
    %mul3A_17 = arith.muli %arg1, %mul3A_16 : i32
    %add3A_18 = arith.constant 192 : i32
    %add3A_19 = arith.addi %mul3A_17, %add3A_18 : i32
    %mul3A_20 = arith.constant 640 : i32
    %mul3A_21 = arith.muli %arg1, %mul3A_20 : i32
    %add3A_22 = arith.constant 256 : i32
    %add3A_23 = arith.addi %mul3A_21, %add3A_22 : i32
    %mul3A_24 = arith.constant 640 : i32
    %mul3A_25 = arith.muli %arg1, %mul3A_24 : i32
    %add3A_26 = arith.constant 320 : i32
    %add3A_27 = arith.addi %mul3A_25, %add3A_26 : i32
    %mul3A_28 = arith.constant 640 : i32
    %mul3A_29 = arith.muli %arg1, %mul3A_28 : i32
    %add3A_30 = arith.constant 384 : i32
    %add3A_31 = arith.addi %mul3A_29, %add3A_30 : i32
    %mul3A_32 = arith.constant 640 : i32
    %mul3A_33 = arith.muli %arg1, %mul3A_32 : i32
    %add3A_34 = arith.constant 448 : i32
    %add3A_35 = arith.addi %mul3A_33, %add3A_34 : i32
    %mul3A_36 = arith.constant 640 : i32
    %mul3A_37 = arith.muli %arg1, %mul3A_36 : i32
    %add3A_38 = arith.constant 512 : i32
    %add3A_39 = arith.addi %mul3A_37, %add3A_38 : i32
    %mul3A_40 = arith.constant 640 : i32
    %mul3A_41 = arith.muli %arg1, %mul3A_40 : i32
    %add3A_42 = arith.constant 576 : i32
    %add3A_43 = arith.addi %mul3A_41, %add3A_42 : i32
    %dma_start3A = arith.constant 0 : i32
    %dma_start3A_44 = tpu.memref_slice %arg6[%add3A_7, %dma_start3A] : memref<10240x128xf32, #tpu.memory_space<vmem_shared>> -> memref<64x128xf32, #tpu.memory_space<vmem_shared>>
    %dma_start3A_45 = arith.constant 0 : i32
    %dma_start3A_46 = tpu.memref_slice %arg6[%add3A_7, %dma_start3A_45] : memref<10240x128xf32, #tpu.memory_space<vmem_shared>> -> memref<64x128xf32, #tpu.memory_space<vmem_shared>>
    tpu.enqueue_dma source(%arg12 : memref<64x128xf32, #tpu.memory_space<vmem>>) target(%dma_start3A_46 : memref<64x128xf32, #tpu.memory_space<vmem_shared>>) target_semaphore(%arg20 : memref<!tpu.dma_semaphore, #tpu.memory_space<semaphore_mem>>)
    %dma_start3A_47 = arith.constant 0 : i32
    %dma_start3A_48 = tpu.memref_slice %arg6[%add3A_11, %dma_start3A_47] : memref<10240x128xf32, #tpu.memory_space<vmem_shared>> -> memref<64x128xf32, #tpu.memory_space<vmem_shared>>
    %dma_start3A_49 = arith.constant 0 : i32
    %dma_start3A_50 = tpu.memref_slice %arg6[%add3A_11, %dma_start3A_49] : memref<10240x128xf32, #tpu.memory_space<vmem_shared>> -> memref<64x128xf32, #tpu.memory_space<vmem_shared>>
    tpu.enqueue_dma source(%arg12 : memref<64x128xf32, #tpu.memory_space<vmem>>) target(%dma_start3A_50 : memref<64x128xf32, #tpu.memory_space<vmem_shared>>) target_semaphore(%arg20 : memref<!tpu.dma_semaphore, #tpu.memory_space<semaphore_mem>>)
    %dma_start3A_51 = arith.constant 0 : i32
    %dma_start3A_52 = tpu.memref_slice %arg6[%add3A_15, %dma_start3A_51] : memref<10240x128xf32, #tpu.memory_space<vmem_shared>> -> memref<64x128xf32, #tpu.memory_space<vmem_shared>>
    %dma_start3A_53 = arith.constant 0 : i32
    %dma_start3A_54 = tpu.memref_slice %arg6[%add3A_15, %dma_start3A_53] : memref<10240x128xf32, #tpu.memory_space<vmem_shared>> -> memref<64x128xf32, #tpu.memory_space<vmem_shared>>
    tpu.enqueue_dma source(%arg12 : memref<64x128xf32, #tpu.memory_space<vmem>>) target(%dma_start3A_54 : memref<64x128xf32, #tpu.memory_space<vmem_shared>>) target_semaphore(%arg20 : memref<!tpu.dma_semaphore, #tpu.memory_space<semaphore_mem>>)
    %dma_start3A_55 = arith.constant 0 : i32
    %dma_start3A_56 = tpu.memref_slice %arg6[%add3A_19, %dma_start3A_55] : memref<10240x128xf32, #tpu.memory_space<vmem_shared>> -> memref<64x128xf32, #tpu.memory_space<vmem_shared>>
    %dma_start3A_57 = arith.constant 0 : i32
    %dma_start3A_58 = tpu.memref_slice %arg6[%add3A_19, %dma_start3A_57] : memref<10240x128xf32, #tpu.memory_space<vmem_shared>> -> memref<64x128xf32, #tpu.memory_space<vmem_shared>>
    tpu.enqueue_dma source(%arg12 : memref<64x128xf32, #tpu.memory_space<vmem>>) target(%dma_start3A_58 : memref<64x128xf32, #tpu.memory_space<vmem_shared>>) target_semaphore(%arg20 : memref<!tpu.dma_semaphore, #tpu.memory_space<semaphore_mem>>)
    %dma_start3A_59 = arith.constant 0 : i32
    %dma_start3A_60 = tpu.memref_slice %arg6[%add3A_23, %dma_start3A_59] : memref<10240x128xf32, #tpu.memory_space<vmem_shared>> -> memref<64x128xf32, #tpu.memory_space<vmem_shared>>
    %dma_start3A_61 = arith.constant 0 : i32
    %dma_start3A_62 = tpu.memref_slice %arg6[%add3A_23, %dma_start3A_61] : memref<10240x128xf32, #tpu.memory_space<vmem_shared>> -> memref<64x128xf32, #tpu.memory_space<vmem_shared>>
    tpu.enqueue_dma source(%arg12 : memref<64x128xf32, #tpu.memory_space<vmem>>) target(%dma_start3A_62 : memref<64x128xf32, #tpu.memory_space<vmem_shared>>) target_semaphore(%arg20 : memref<!tpu.dma_semaphore, #tpu.memory_space<semaphore_mem>>)
    %dma_start3A_63 = arith.constant 0 : i32
    %dma_start3A_64 = tpu.memref_slice %arg6[%add3A_27, %dma_start3A_63] : memref<10240x128xf32, #tpu.memory_space<vmem_shared>> -> memref<64x128xf32, #tpu.memory_space<vmem_shared>>
    %dma_start3A_65 = arith.constant 0 : i32
    %dma_start3A_66 = tpu.memref_slice %arg6[%add3A_27, %dma_start3A_65] : memref<10240x128xf32, #tpu.memory_space<vmem_shared>> -> memref<64x128xf32, #tpu.memory_space<vmem_shared>>
    tpu.enqueue_dma source(%arg12 : memref<64x128xf32, #tpu.memory_space<vmem>>) target(%dma_start3A_66 : memref<64x128xf32, #tpu.memory_space<vmem_shared>>) target_semaphore(%arg20 : memref<!tpu.dma_semaphore, #tpu.memory_space<semaphore_mem>>)
    %dma_start3A_67 = arith.constant 0 : i32
    %dma_start3A_68 = tpu.memref_slice %arg6[%add3A_31, %dma_start3A_67] : memref<10240x128xf32, #tpu.memory_space<vmem_shared>> -> memref<64x128xf32, #tpu.memory_space<vmem_shared>>
    %dma_start3A_69 = arith.constant 0 : i32
    %dma_start3A_70 = tpu.memref_slice %arg6[%add3A_31, %dma_start3A_69] : memref<10240x128xf32, #tpu.memory_space<vmem_shared>> -> memref<64x128xf32, #tpu.memory_space<vmem_shared>>
    tpu.enqueue_dma source(%arg12 : memref<64x128xf32, #tpu.memory_space<vmem>>) target(%dma_start3A_70 : memref<64x128xf32, #tpu.memory_space<vmem_shared>>) target_semaphore(%arg20 : memref<!tpu.dma_semaphore, #tpu.memory_space<semaphore_mem>>)
    %dma_start3A_71 = arith.constant 0 : i32
    %dma_start3A_72 = tpu.memref_slice %arg6[%add3A_35, %dma_start3A_71] : memref<10240x128xf32, #tpu.memory_space<vmem_shared>> -> memref<64x128xf32, #tpu.memory_space<vmem_shared>>
    %dma_start3A_73 = arith.constant 0 : i32
    %dma_start3A_74 = tpu.memref_slice %arg6[%add3A_35, %dma_start3A_73] : memref<10240x128xf32, #tpu.memory_space<vmem_shared>> -> memref<64x128xf32, #tpu.memory_space<vmem_shared>>
    tpu.enqueue_dma source(%arg12 : memref<64x128xf32, #tpu.memory_space<vmem>>) target(%dma_start3A_74 : memref<64x128xf32, #tpu.memory_space<vmem_shared>>) target_semaphore(%arg20 : memref<!tpu.dma_semaphore, #tpu.memory_space<semaphore_mem>>)
    %dma_start3A_75 = arith.constant 0 : i32
    %dma_start3A_76 = tpu.memref_slice %arg6[%add3A_39, %dma_start3A_75] : memref<10240x128xf32, #tpu.memory_space<vmem_shared>> -> memref<64x128xf32, #tpu.memory_space<vmem_shared>>
    %dma_start3A_77 = arith.constant 0 : i32
    %dma_start3A_78 = tpu.memref_slice %arg6[%add3A_39, %dma_start3A_77] : memref<10240x128xf32, #tpu.memory_space<vmem_shared>> -> memref<64x128xf32, #tpu.memory_space<vmem_shared>>
    tpu.enqueue_dma source(%arg12 : memref<64x128xf32, #tpu.memory_space<vmem>>) target(%dma_start3A_78 : memref<64x128xf32, #tpu.memory_space<vmem_shared>>) target_semaphore(%arg20 : memref<!tpu.dma_semaphore, #tpu.memory_space<semaphore_mem>>)
    %dma_start3A_79 = arith.constant 0 : i32
    %dma_start3A_80 = tpu.memref_slice %arg6[%add3A_43, %dma_start3A_79] : memref<10240x128xf32, #tpu.memory_space<vmem_shared>> -> memref<64x128xf32, #tpu.memory_space<vmem_shared>>
    %dma_start3A_81 = arith.constant 0 : i32
    %dma_start3A_82 = tpu.memref_slice %arg6[%add3A_43, %dma_start3A_81] : memref<10240x128xf32, #tpu.memory_space<vmem_shared>> -> memref<64x128xf32, #tpu.memory_space<vmem_shared>>
    tpu.enqueue_dma source(%arg12 : memref<64x128xf32, #tpu.memory_space<vmem>>) target(%dma_start3A_82 : memref<64x128xf32, #tpu.memory_space<vmem_shared>>) target_semaphore(%arg20 : memref<!tpu.dma_semaphore, #tpu.memory_space<semaphore_mem>>)
    %dma_wait3A = arith.constant 0 : i32
    %dma_wait3A_83 = tpu.memref_slice %arg6[%add3A_7, %dma_wait3A] : memref<10240x128xf32, #tpu.memory_space<vmem_shared>> -> memref<64x128xf32, #tpu.memory_space<vmem_shared>>
    %dma_wait3A_84 = arith.constant 0 : i32
    %dma_wait3A_85 = tpu.memref_slice %arg6[%add3A_7, %dma_wait3A_84] : memref<10240x128xf32, #tpu.memory_space<vmem_shared>> -> memref<64x128xf32, #tpu.memory_space<vmem_shared>>
    tpu.wait_dma2 semaphore(%arg20 : memref<!tpu.dma_semaphore, #tpu.memory_space<semaphore_mem>>) src(%arg12 : memref<64x128xf32, #tpu.memory_space<vmem>>) dst(%dma_wait3A_85 : memref<64x128xf32, #tpu.memory_space<vmem_shared>>)
    %dma_wait3A_86 = arith.constant 0 : i32
    %dma_wait3A_87 = tpu.memref_slice %arg6[%add3A_11, %dma_wait3A_86] : memref<10240x128xf32, #tpu.memory_space<vmem_shared>> -> memref<64x128xf32, #tpu.memory_space<vmem_shared>>
    %dma_wait3A_88 = arith.constant 0 : i32
    %dma_wait3A_89 = tpu.memref_slice %arg6[%add3A_11, %dma_wait3A_88] : memref<10240x128xf32, #tpu.memory_space<vmem_shared>> -> memref<64x128xf32, #tpu.memory_space<vmem_shared>>
    tpu.wait_dma2 semaphore(%arg20 : memref<!tpu.dma_semaphore, #tpu.memory_space<semaphore_mem>>) src(%arg12 : memref<64x128xf32, #tpu.memory_space<vmem>>) dst(%dma_wait3A_89 : memref<64x128xf32, #tpu.memory_space<vmem_shared>>)
    %dma_wait3A_90 = arith.constant 0 : i32
    %dma_wait3A_91 = tpu.memref_slice %arg6[%add3A_15, %dma_wait3A_90] : memref<10240x128xf32, #tpu.memory_space<vmem_shared>> -> memref<64x128xf32, #tpu.memory_space<vmem_shared>>
    %dma_wait3A_92 = arith.constant 0 : i32
    %dma_wait3A_93 = tpu.memref_slice %arg6[%add3A_15, %dma_wait3A_92] : memref<10240x128xf32, #tpu.memory_space<vmem_shared>> -> memref<64x128xf32, #tpu.memory_space<vmem_shared>>
    tpu.wait_dma2 semaphore(%arg20 : memref<!tpu.dma_semaphore, #tpu.memory_space<semaphore_mem>>) src(%arg12 : memref<64x128xf32, #tpu.memory_space<vmem>>) dst(%dma_wait3A_93 : memref<64x128xf32, #tpu.memory_space<vmem_shared>>)
    %dma_wait3A_94 = arith.constant 0 : i32
    %dma_wait3A_95 = tpu.memref_slice %arg6[%add3A_19, %dma_wait3A_94] : memref<10240x128xf32, #tpu.memory_space<vmem_shared>> -> memref<64x128xf32, #tpu.memory_space<vmem_shared>>
    %dma_wait3A_96 = arith.constant 0 : i32
    %dma_wait3A_97 = tpu.memref_slice %arg6[%add3A_19, %dma_wait3A_96] : memref<10240x128xf32, #tpu.memory_space<vmem_shared>> -> memref<64x128xf32, #tpu.memory_space<vmem_shared>>
    tpu.wait_dma2 semaphore(%arg20 : memref<!tpu.dma_semaphore, #tpu.memory_space<semaphore_mem>>) src(%arg12 : memref<64x128xf32, #tpu.memory_space<vmem>>) dst(%dma_wait3A_97 : memref<64x128xf32, #tpu.memory_space<vmem_shared>>)
    %dma_wait3A_98 = arith.constant 0 : i32
    %dma_wait3A_99 = tpu.memref_slice %arg6[%add3A_23, %dma_wait3A_98] : memref<10240x128xf32, #tpu.memory_space<vmem_shared>> -> memref<64x128xf32, #tpu.memory_space<vmem_shared>>
    %dma_wait3A_100 = arith.constant 0 : i32
    %dma_wait3A_101 = tpu.memref_slice %arg6[%add3A_23, %dma_wait3A_100] : memref<10240x128xf32, #tpu.memory_space<vmem_shared>> -> memref<64x128xf32, #tpu.memory_space<vmem_shared>>
    tpu.wait_dma2 semaphore(%arg20 : memref<!tpu.dma_semaphore, #tpu.memory_space<semaphore_mem>>) src(%arg12 : memref<64x128xf32, #tpu.memory_space<vmem>>) dst(%dma_wait3A_101 : memref<64x128xf32, #tpu.memory_space<vmem_shared>>)
    %dma_wait3A_102 = arith.constant 0 : i32
    %dma_wait3A_103 = tpu.memref_slice %arg6[%add3A_27, %dma_wait3A_102] : memref<10240x128xf32, #tpu.memory_space<vmem_shared>> -> memref<64x128xf32, #tpu.memory_space<vmem_shared>>
    %dma_wait3A_104 = arith.constant 0 : i32
    %dma_wait3A_105 = tpu.memref_slice %arg6[%add3A_27, %dma_wait3A_104] : memref<10240x128xf32, #tpu.memory_space<vmem_shared>> -> memref<64x128xf32, #tpu.memory_space<vmem_shared>>
    tpu.wait_dma2 semaphore(%arg20 : memref<!tpu.dma_semaphore, #tpu.memory_space<semaphore_mem>>) src(%arg12 : memref<64x128xf32, #tpu.memory_space<vmem>>) dst(%dma_wait3A_105 : memref<64x128xf32, #tpu.memory_space<vmem_shared>>)
    %dma_wait3A_106 = arith.constant 0 : i32
    %dma_wait3A_107 = tpu.memref_slice %arg6[%add3A_31, %dma_wait3A_106] : memref<10240x128xf32, #tpu.memory_space<vmem_shared>> -> memref<64x128xf32, #tpu.memory_space<vmem_shared>>
    %dma_wait3A_108 = arith.constant 0 : i32
    %dma_wait3A_109 = tpu.memref_slice %arg6[%add3A_31, %dma_wait3A_108] : memref<10240x128xf32, #tpu.memory_space<vmem_shared>> -> memref<64x128xf32, #tpu.memory_space<vmem_shared>>
    tpu.wait_dma2 semaphore(%arg20 : memref<!tpu.dma_semaphore, #tpu.memory_space<semaphore_mem>>) src(%arg12 : memref<64x128xf32, #tpu.memory_space<vmem>>) dst(%dma_wait3A_109 : memref<64x128xf32, #tpu.memory_space<vmem_shared>>)
    %dma_wait3A_110 = arith.constant 0 : i32
    %dma_wait3A_111 = tpu.memref_slice %arg6[%add3A_35, %dma_wait3A_110] : memref<10240x128xf32, #tpu.memory_space<vmem_shared>> -> memref<64x128xf32, #tpu.memory_space<vmem_shared>>
    %dma_wait3A_112 = arith.constant 0 : i32
    %dma_wait3A_113 = tpu.memref_slice %arg6[%add3A_35, %dma_wait3A_112] : memref<10240x128xf32, #tpu.memory_space<vmem_shared>> -> memref<64x128xf32, #tpu.memory_space<vmem_shared>>
    tpu.wait_dma2 semaphore(%arg20 : memref<!tpu.dma_semaphore, #tpu.memory_space<semaphore_mem>>) src(%arg12 : memref<64x128xf32, #tpu.memory_space<vmem>>) dst(%dma_wait3A_113 : memref<64x128xf32, #tpu.memory_space<vmem_shared>>)
    %dma_wait3A_114 = arith.constant 0 : i32
    %dma_wait3A_115 = tpu.memref_slice %arg6[%add3A_39, %dma_wait3A_114] : memref<10240x128xf32, #tpu.memory_space<vmem_shared>> -> memref<64x128xf32, #tpu.memory_space<vmem_shared>>
    %dma_wait3A_116 = arith.constant 0 : i32
    %dma_wait3A_117 = tpu.memref_slice %arg6[%add3A_39, %dma_wait3A_116] : memref<10240x128xf32, #tpu.memory_space<vmem_shared>> -> memref<64x128xf32, #tpu.memory_space<vmem_shared>>
    tpu.wait_dma2 semaphore(%arg20 : memref<!tpu.dma_semaphore, #tpu.memory_space<semaphore_mem>>) src(%arg12 : memref<64x128xf32, #tpu.memory_space<vmem>>) dst(%dma_wait3A_117 : memref<64x128xf32, #tpu.memory_space<vmem_shared>>)
    %dma_wait3A_118 = arith.constant 0 : i32
    %dma_wait3A_119 = tpu.memref_slice %arg6[%add3A_43, %dma_wait3A_118] : memref<10240x128xf32, #tpu.memory_space<vmem_shared>> -> memref<64x128xf32, #tpu.memory_space<vmem_shared>>
    %dma_wait3A_120 = arith.constant 0 : i32
    %dma_wait3A_121 = tpu.memref_slice %arg6[%add3A_43, %dma_wait3A_120] : memref<10240x128xf32, #tpu.memory_space<vmem_shared>> -> memref<64x128xf32, #tpu.memory_space<vmem_shared>>
    tpu.wait_dma2 semaphore(%arg20 : memref<!tpu.dma_semaphore, #tpu.memory_space<semaphore_mem>>) src(%arg12 : memref<64x128xf32, #tpu.memory_space<vmem>>) dst(%dma_wait3A_121 : memref<64x128xf32, #tpu.memory_space<vmem_shared>>)
    %barrier3A = arith.constant 0 : index
    tpu.barrier barrier_id(%barrier3A)
    %eq3A = arith.constant 0 : i32
    %eq3A_122 = arith.cmpi eq, %arg0, %eq3A : i32
    %mul3A_123 = arith.constant 10240 : i32
    %mul3A_124 = arith.muli %arg1, %mul3A_123 : i32
    %mul3A_125 = arith.constant 10240 : i32
    %mul3A_126 = arith.muli %arg1, %mul3A_125 : i32
    %add3A_127 = arith.constant 163840 : i32
    %add3A_128 = arith.addi %add3A_127, %mul3A_126 : i32
    %select_n3A = arith.select %eq3A_122, %mul3A_124, %add3A_128 : i32
    %eq3A_129 = arith.constant 0 : i32
    %eq3A_130 = arith.cmpi eq, %arg0, %eq3A_129 : i32
    %jit3A = arith.constant 40 : i32
    %jit3A_131 = arith.constant 40 : i32
    %select_n3A_132 = arith.select %eq3A_130, %jit3A, %jit3A_131 : i32
    "tpu.region"() ({
      %run_scoped3A = tpu.sem_alloc : memref<!tpu.dma_semaphore, #tpu.memory_space<semaphore_mem>>
      %dma_start3A_433 = tpu.memref_slice %arg3[%select_n3A] : memref<327680xi32, #tpu.memory_space<hbm>> -> memref<10240xi32, #tpu.memory_space<hbm>>
      %dma_start3A_434 = tpu.memref_slice %arg3[%select_n3A] : memref<327680xi32, #tpu.memory_space<hbm>> -> memref<10240xi32, #tpu.memory_space<hbm>>
      tpu.enqueue_dma source(%dma_start3A_434 : memref<10240xi32, #tpu.memory_space<hbm>>) target(%arg7 : memref<10240xi32, #tpu.memory_space<vmem>>) target_semaphore(%run_scoped3A : memref<!tpu.dma_semaphore, #tpu.memory_space<semaphore_mem>>)
      %dma_wait3A_435 = tpu.memref_slice %arg3[%select_n3A] : memref<327680xi32, #tpu.memory_space<hbm>> -> memref<10240xi32, #tpu.memory_space<hbm>>
      %dma_wait3A_436 = tpu.memref_slice %arg3[%select_n3A] : memref<327680xi32, #tpu.memory_space<hbm>> -> memref<10240xi32, #tpu.memory_space<hbm>>
      tpu.wait_dma2 semaphore(%run_scoped3A : memref<!tpu.dma_semaphore, #tpu.memory_space<semaphore_mem>>) src(%dma_wait3A_436 : memref<10240xi32, #tpu.memory_space<hbm>>) dst(%arg7 : memref<10240xi32, #tpu.memory_space<vmem>>)
      tpu.yield
    }) : () -> ()
    %add3A_133 = arith.constant 0 : i32
    %add3A_134 = arith.addi %select_n3A, %add3A_133 : i32
    %dma_start3A_135 = tpu.memref_slice %arg4[%add3A_134] : memref<327680xi32, #tpu.memory_space<hbm>> -> memref<64xi32, #tpu.memory_space<hbm>>
    %dma_start3A_136 = tpu.memref_slice %arg4[%add3A_134] : memref<327680xi32, #tpu.memory_space<hbm>> -> memref<64xi32, #tpu.memory_space<hbm>>
    tpu.enqueue_dma source(%dma_start3A_136 : memref<64xi32, #tpu.memory_space<hbm>>) target(%arg8 : memref<64xi32, #tpu.memory_space<vmem>>) target_semaphore(%arg16 : memref<!tpu.dma_semaphore, #tpu.memory_space<semaphore_mem>>)
    %dma_start3A_137 = arith.constant 0 : i32
    %dma_start3A_138 = tpu.memref_slice %arg7[%dma_start3A_137] : memref<10240xi32, #tpu.memory_space<vmem>> -> memref<64xi32, #tpu.memory_space<vmem>>
    %dma_start3A_139 = arith.constant 0 : i32
    %dma_start3A_140 = arith.constant 0 : i32
    %dma_start3A_141 = tpu.memref_slice %arg2[%dma_start3A_139, %dma_start3A_140] : memref<10000x128xf32, #tpu.memory_space<hbm>> -> memref<10000x128xf32, #tpu.memory_space<hbm>>
    tpu.enqueue_indirect_dma source(%dma_start3A_141 : memref<10000x128xf32, #tpu.memory_space<hbm>>) target(%arg12 : memref<64x128xf32, #tpu.memory_space<vmem>>) offsets(%dma_start3A_138 : memref<64xi32, #tpu.memory_space<vmem>>) semaphore(%arg20 : memref<!tpu.dma_semaphore, #tpu.memory_space<semaphore_mem>>)
    %add3A_142 = arith.constant 64 : i32
    %add3A_143 = arith.addi %select_n3A, %add3A_142 : i32
    %dma_start3A_144 = tpu.memref_slice %arg4[%add3A_143] : memref<327680xi32, #tpu.memory_space<hbm>> -> memref<64xi32, #tpu.memory_space<hbm>>
    %dma_start3A_145 = tpu.memref_slice %arg4[%add3A_143] : memref<327680xi32, #tpu.memory_space<hbm>> -> memref<64xi32, #tpu.memory_space<hbm>>
    tpu.enqueue_dma source(%dma_start3A_145 : memref<64xi32, #tpu.memory_space<hbm>>) target(%arg9 : memref<64xi32, #tpu.memory_space<vmem>>) target_semaphore(%arg17 : memref<!tpu.dma_semaphore, #tpu.memory_space<semaphore_mem>>)
    %dma_start3A_146 = arith.constant 64 : i32
    %dma_start3A_147 = tpu.memref_slice %arg7[%dma_start3A_146] : memref<10240xi32, #tpu.memory_space<vmem>> -> memref<64xi32, #tpu.memory_space<vmem>>
    %dma_start3A_148 = arith.constant 0 : i32
    %dma_start3A_149 = arith.constant 0 : i32
    %dma_start3A_150 = tpu.memref_slice %arg2[%dma_start3A_148, %dma_start3A_149] : memref<10000x128xf32, #tpu.memory_space<hbm>> -> memref<10000x128xf32, #tpu.memory_space<hbm>>
    tpu.enqueue_indirect_dma source(%dma_start3A_150 : memref<10000x128xf32, #tpu.memory_space<hbm>>) target(%arg13 : memref<64x128xf32, #tpu.memory_space<vmem>>) offsets(%dma_start3A_147 : memref<64xi32, #tpu.memory_space<vmem>>) semaphore(%arg21 : memref<!tpu.dma_semaphore, #tpu.memory_space<semaphore_mem>>)
    %add3A_151 = arith.constant 128 : i32
    %add3A_152 = arith.addi %select_n3A, %add3A_151 : i32
    %dma_start3A_153 = tpu.memref_slice %arg4[%add3A_152] : memref<327680xi32, #tpu.memory_space<hbm>> -> memref<64xi32, #tpu.memory_space<hbm>>
    %dma_start3A_154 = tpu.memref_slice %arg4[%add3A_152] : memref<327680xi32, #tpu.memory_space<hbm>> -> memref<64xi32, #tpu.memory_space<hbm>>
    tpu.enqueue_dma source(%dma_start3A_154 : memref<64xi32, #tpu.memory_space<hbm>>) target(%arg10 : memref<64xi32, #tpu.memory_space<vmem>>) target_semaphore(%arg18 : memref<!tpu.dma_semaphore, #tpu.memory_space<semaphore_mem>>)
    %dma_start3A_155 = arith.constant 128 : i32
    %dma_start3A_156 = tpu.memref_slice %arg7[%dma_start3A_155] : memref<10240xi32, #tpu.memory_space<vmem>> -> memref<64xi32, #tpu.memory_space<vmem>>
    %dma_start3A_157 = arith.constant 0 : i32
    %dma_start3A_158 = arith.constant 0 : i32
    %dma_start3A_159 = tpu.memref_slice %arg2[%dma_start3A_157, %dma_start3A_158] : memref<10000x128xf32, #tpu.memory_space<hbm>> -> memref<10000x128xf32, #tpu.memory_space<hbm>>
    tpu.enqueue_indirect_dma source(%dma_start3A_159 : memref<10000x128xf32, #tpu.memory_space<hbm>>) target(%arg14 : memref<64x128xf32, #tpu.memory_space<vmem>>) offsets(%dma_start3A_156 : memref<64xi32, #tpu.memory_space<vmem>>) semaphore(%arg22 : memref<!tpu.dma_semaphore, #tpu.memory_space<semaphore_mem>>)
    %add3A_160 = arith.constant 192 : i32
    %add3A_161 = arith.addi %select_n3A, %add3A_160 : i32
    %dma_start3A_162 = tpu.memref_slice %arg4[%add3A_161] : memref<327680xi32, #tpu.memory_space<hbm>> -> memref<64xi32, #tpu.memory_space<hbm>>
    %dma_start3A_163 = tpu.memref_slice %arg4[%add3A_161] : memref<327680xi32, #tpu.memory_space<hbm>> -> memref<64xi32, #tpu.memory_space<hbm>>
    tpu.enqueue_dma source(%dma_start3A_163 : memref<64xi32, #tpu.memory_space<hbm>>) target(%arg11 : memref<64xi32, #tpu.memory_space<vmem>>) target_semaphore(%arg19 : memref<!tpu.dma_semaphore, #tpu.memory_space<semaphore_mem>>)
    %dma_start3A_164 = arith.constant 192 : i32
    %dma_start3A_165 = tpu.memref_slice %arg7[%dma_start3A_164] : memref<10240xi32, #tpu.memory_space<vmem>> -> memref<64xi32, #tpu.memory_space<vmem>>
    %dma_start3A_166 = arith.constant 0 : i32
    %dma_start3A_167 = arith.constant 0 : i32
    %dma_start3A_168 = tpu.memref_slice %arg2[%dma_start3A_166, %dma_start3A_167] : memref<10000x128xf32, #tpu.memory_space<hbm>> -> memref<10000x128xf32, #tpu.memory_space<hbm>>
    tpu.enqueue_indirect_dma source(%dma_start3A_168 : memref<10000x128xf32, #tpu.memory_space<hbm>>) target(%arg15 : memref<64x128xf32, #tpu.memory_space<vmem>>) offsets(%dma_start3A_165 : memref<64xi32, #tpu.memory_space<vmem>>) semaphore(%arg23 : memref<!tpu.dma_semaphore, #tpu.memory_space<semaphore_mem>>)
    %while3A = arith.constant 0 : i32
    %while3A_169 = arith.constant 0 : i32
    %while3A_170 = arith.subi %select_n3A_132, %while3A : i32
    %while3A_171 = arith.addi %while3A, %while3A_170 : i32
    %while3A_172 = arith.constant 1 : i32
    %while3A_173 = arith.divsi %while3A_170, %while3A_172 : i32
    %while3A_174 = arith.muli %while3A_173, %while3A_172 : i32
    %while3A_175 = arith.addi %while3A, %while3A_174 : i32
    %while3A_176 = arith.constant 1 : i32
    %while3A_177 = scf.for %while3A_433 = %while3A to %while3A_175 step %while3A_176 iter_args(%while3A_434 = %while3A_169) -> (i32)  : i32 {
      %mul3A_435 = arith.constant 4 : i32
      %mul3A_436 = arith.muli %while3A_433, %mul3A_435 : i32
      %add3A_437 = arith.constant 0 : i32
      %add3A_438 = arith.addi %mul3A_436, %add3A_437 : i32
      %mul3A_439 = arith.constant 64 : i32
      %mul3A_440 = arith.muli %add3A_438, %mul3A_439 : i32
      %add3A_441 = arith.addi %select_n3A, %mul3A_440 : i32
      %dma_wait3A_442 = tpu.memref_slice %arg4[%add3A_441] : memref<327680xi32, #tpu.memory_space<hbm>> -> memref<64xi32, #tpu.memory_space<hbm>>
      %dma_wait3A_443 = tpu.memref_slice %arg4[%add3A_441] : memref<327680xi32, #tpu.memory_space<hbm>> -> memref<64xi32, #tpu.memory_space<hbm>>
      tpu.wait_dma2 semaphore(%arg16 : memref<!tpu.dma_semaphore, #tpu.memory_space<semaphore_mem>>) src(%dma_wait3A_443 : memref<64xi32, #tpu.memory_space<hbm>>) dst(%arg8 : memref<64xi32, #tpu.memory_space<vmem>>)
      %mul3A_444 = arith.constant 64 : i32
      %mul3A_445 = arith.muli %add3A_438, %mul3A_444 : i32
      %dma_wait3A_446 = tpu.memref_slice %arg7[%mul3A_445] : memref<10240xi32, #tpu.memory_space<vmem>> -> memref<64xi32, #tpu.memory_space<vmem>>
      %dma_wait3A_447 = arith.constant 0 : i32
      %dma_wait3A_448 = arith.constant 0 : i32
      %dma_wait3A_449 = tpu.memref_slice %arg2[%dma_wait3A_447, %dma_wait3A_448] : memref<10000x128xf32, #tpu.memory_space<hbm>> -> memref<10000x128xf32, #tpu.memory_space<hbm>>
      tpu.wait_indirect_dma semaphore(%arg20 : memref<!tpu.dma_semaphore, #tpu.memory_space<semaphore_mem>>) src(%dma_wait3A_449 : memref<10000x128xf32, #tpu.memory_space<hbm>>) dst(%arg12 : memref<64x128xf32, #tpu.memory_space<vmem>>)
      %dma_start3A_450 = arith.constant 0 : i32
      %dma_start3A_451 = arith.constant 0 : i32
      %dma_start3A_452 = tpu.memref_slice %arg6[%dma_start3A_450, %dma_start3A_451] : memref<10240x128xf32, #tpu.memory_space<vmem_shared>> -> memref<10240x128xf32, #tpu.memory_space<vmem_shared>>
      tpu.enqueue_indirect_dma source(%arg12 : memref<64x128xf32, #tpu.memory_space<vmem>>) target(%dma_start3A_452 : memref<10240x128xf32, #tpu.memory_space<vmem_shared>>) offsets(%arg8 : memref<64xi32, #tpu.memory_space<vmem>>) semaphore(%arg24 : memref<!tpu.dma_semaphore, #tpu.memory_space<semaphore_mem>>) {add = true}
      %add3A_453 = arith.constant 1 : i32
      %add3A_454 = arith.addi %mul3A_436, %add3A_453 : i32
      %mul3A_455 = arith.constant 64 : i32
      %mul3A_456 = arith.muli %add3A_454, %mul3A_455 : i32
      %add3A_457 = arith.addi %select_n3A, %mul3A_456 : i32
      %dma_wait3A_458 = tpu.memref_slice %arg4[%add3A_457] : memref<327680xi32, #tpu.memory_space<hbm>> -> memref<64xi32, #tpu.memory_space<hbm>>
      %dma_wait3A_459 = tpu.memref_slice %arg4[%add3A_457] : memref<327680xi32, #tpu.memory_space<hbm>> -> memref<64xi32, #tpu.memory_space<hbm>>
      tpu.wait_dma2 semaphore(%arg17 : memref<!tpu.dma_semaphore, #tpu.memory_space<semaphore_mem>>) src(%dma_wait3A_459 : memref<64xi32, #tpu.memory_space<hbm>>) dst(%arg9 : memref<64xi32, #tpu.memory_space<vmem>>)
      %mul3A_460 = arith.constant 64 : i32
      %mul3A_461 = arith.muli %add3A_454, %mul3A_460 : i32
      %dma_wait3A_462 = tpu.memref_slice %arg7[%mul3A_461] : memref<10240xi32, #tpu.memory_space<vmem>> -> memref<64xi32, #tpu.memory_space<vmem>>
      %dma_wait3A_463 = arith.constant 0 : i32
      %dma_wait3A_464 = arith.constant 0 : i32
      %dma_wait3A_465 = tpu.memref_slice %arg2[%dma_wait3A_463, %dma_wait3A_464] : memref<10000x128xf32, #tpu.memory_space<hbm>> -> memref<10000x128xf32, #tpu.memory_space<hbm>>
      tpu.wait_indirect_dma semaphore(%arg21 : memref<!tpu.dma_semaphore, #tpu.memory_space<semaphore_mem>>) src(%dma_wait3A_465 : memref<10000x128xf32, #tpu.memory_space<hbm>>) dst(%arg13 : memref<64x128xf32, #tpu.memory_space<vmem>>)
      %dma_start3A_466 = arith.constant 0 : i32
      %dma_start3A_467 = arith.constant 0 : i32
      %dma_start3A_468 = tpu.memref_slice %arg6[%dma_start3A_466, %dma_start3A_467] : memref<10240x128xf32, #tpu.memory_space<vmem_shared>> -> memref<10240x128xf32, #tpu.memory_space<vmem_shared>>
      tpu.enqueue_indirect_dma source(%arg13 : memref<64x128xf32, #tpu.memory_space<vmem>>) target(%dma_start3A_468 : memref<10240x128xf32, #tpu.memory_space<vmem_shared>>) offsets(%arg9 : memref<64xi32, #tpu.memory_space<vmem>>) semaphore(%arg25 : memref<!tpu.dma_semaphore, #tpu.memory_space<semaphore_mem>>) {add = true}
      %add3A_469 = arith.constant 2 : i32
      %add3A_470 = arith.addi %mul3A_436, %add3A_469 : i32
      %mul3A_471 = arith.constant 64 : i32
      %mul3A_472 = arith.muli %add3A_470, %mul3A_471 : i32
      %add3A_473 = arith.addi %select_n3A, %mul3A_472 : i32
      %dma_wait3A_474 = tpu.memref_slice %arg4[%add3A_473] : memref<327680xi32, #tpu.memory_space<hbm>> -> memref<64xi32, #tpu.memory_space<hbm>>
      %dma_wait3A_475 = tpu.memref_slice %arg4[%add3A_473] : memref<327680xi32, #tpu.memory_space<hbm>> -> memref<64xi32, #tpu.memory_space<hbm>>
      tpu.wait_dma2 semaphore(%arg18 : memref<!tpu.dma_semaphore, #tpu.memory_space<semaphore_mem>>) src(%dma_wait3A_475 : memref<64xi32, #tpu.memory_space<hbm>>) dst(%arg10 : memref<64xi32, #tpu.memory_space<vmem>>)
      %mul3A_476 = arith.constant 64 : i32
      %mul3A_477 = arith.muli %add3A_470, %mul3A_476 : i32
      %dma_wait3A_478 = tpu.memref_slice %arg7[%mul3A_477] : memref<10240xi32, #tpu.memory_space<vmem>> -> memref<64xi32, #tpu.memory_space<vmem>>
      %dma_wait3A_479 = arith.constant 0 : i32
      %dma_wait3A_480 = arith.constant 0 : i32
      %dma_wait3A_481 = tpu.memref_slice %arg2[%dma_wait3A_479, %dma_wait3A_480] : memref<10000x128xf32, #tpu.memory_space<hbm>> -> memref<10000x128xf32, #tpu.memory_space<hbm>>
      tpu.wait_indirect_dma semaphore(%arg22 : memref<!tpu.dma_semaphore, #tpu.memory_space<semaphore_mem>>) src(%dma_wait3A_481 : memref<10000x128xf32, #tpu.memory_space<hbm>>) dst(%arg14 : memref<64x128xf32, #tpu.memory_space<vmem>>)
      %dma_start3A_482 = arith.constant 0 : i32
      %dma_start3A_483 = arith.constant 0 : i32
      %dma_start3A_484 = tpu.memref_slice %arg6[%dma_start3A_482, %dma_start3A_483] : memref<10240x128xf32, #tpu.memory_space<vmem_shared>> -> memref<10240x128xf32, #tpu.memory_space<vmem_shared>>
      tpu.enqueue_indirect_dma source(%arg14 : memref<64x128xf32, #tpu.memory_space<vmem>>) target(%dma_start3A_484 : memref<10240x128xf32, #tpu.memory_space<vmem_shared>>) offsets(%arg10 : memref<64xi32, #tpu.memory_space<vmem>>) semaphore(%arg26 : memref<!tpu.dma_semaphore, #tpu.memory_space<semaphore_mem>>) {add = true}
      %add3A_485 = arith.constant 3 : i32
      %add3A_486 = arith.addi %mul3A_436, %add3A_485 : i32
      %mul3A_487 = arith.constant 64 : i32
      %mul3A_488 = arith.muli %add3A_486, %mul3A_487 : i32
      %add3A_489 = arith.addi %select_n3A, %mul3A_488 : i32
      %dma_wait3A_490 = tpu.memref_slice %arg4[%add3A_489] : memref<327680xi32, #tpu.memory_space<hbm>> -> memref<64xi32, #tpu.memory_space<hbm>>
      %dma_wait3A_491 = tpu.memref_slice %arg4[%add3A_489] : memref<327680xi32, #tpu.memory_space<hbm>> -> memref<64xi32, #tpu.memory_space<hbm>>
      tpu.wait_dma2 semaphore(%arg19 : memref<!tpu.dma_semaphore, #tpu.memory_space<semaphore_mem>>) src(%dma_wait3A_491 : memref<64xi32, #tpu.memory_space<hbm>>) dst(%arg11 : memref<64xi32, #tpu.memory_space<vmem>>)
      %mul3A_492 = arith.constant 64 : i32
      %mul3A_493 = arith.muli %add3A_486, %mul3A_492 : i32
      %dma_wait3A_494 = tpu.memref_slice %arg7[%mul3A_493] : memref<10240xi32, #tpu.memory_space<vmem>> -> memref<64xi32, #tpu.memory_space<vmem>>
      %dma_wait3A_495 = arith.constant 0 : i32
      %dma_wait3A_496 = arith.constant 0 : i32
      %dma_wait3A_497 = tpu.memref_slice %arg2[%dma_wait3A_495, %dma_wait3A_496] : memref<10000x128xf32, #tpu.memory_space<hbm>> -> memref<10000x128xf32, #tpu.memory_space<hbm>>
      tpu.wait_indirect_dma semaphore(%arg23 : memref<!tpu.dma_semaphore, #tpu.memory_space<semaphore_mem>>) src(%dma_wait3A_497 : memref<10000x128xf32, #tpu.memory_space<hbm>>) dst(%arg15 : memref<64x128xf32, #tpu.memory_space<vmem>>)
      %dma_start3A_498 = arith.constant 0 : i32
      %dma_start3A_499 = arith.constant 0 : i32
      %dma_start3A_500 = tpu.memref_slice %arg6[%dma_start3A_498, %dma_start3A_499] : memref<10240x128xf32, #tpu.memory_space<vmem_shared>> -> memref<10240x128xf32, #tpu.memory_space<vmem_shared>>
      tpu.enqueue_indirect_dma source(%arg15 : memref<64x128xf32, #tpu.memory_space<vmem>>) target(%dma_start3A_500 : memref<10240x128xf32, #tpu.memory_space<vmem_shared>>) offsets(%arg11 : memref<64xi32, #tpu.memory_space<vmem>>) semaphore(%arg27 : memref<!tpu.dma_semaphore, #tpu.memory_space<semaphore_mem>>) {add = true}
      %sub3A = arith.constant 1 : i32
      %sub3A_501 = arith.subi %select_n3A_132, %sub3A : i32
      %lt3A = arith.cmpi slt, %while3A_433, %sub3A_501 : i32
      %convert_element_type3A = arith.extui %lt3A : i1 to i32
      %cond3A = arith.constant 0 : i32
      %cond3A_502 = arith.cmpi ne, %convert_element_type3A, %cond3A : i32
      scf.if %cond3A_502 {
        %dma_wait3A_504 = arith.constant 0 : i32
        %dma_wait3A_505 = arith.constant 0 : i32
        %dma_wait3A_506 = tpu.memref_slice %arg6[%dma_wait3A_504, %dma_wait3A_505] : memref<10240x128xf32, #tpu.memory_space<vmem_shared>> -> memref<10240x128xf32, #tpu.memory_space<vmem_shared>>
        tpu.wait_indirect_dma semaphore(%arg24 : memref<!tpu.dma_semaphore, #tpu.memory_space<semaphore_mem>>) src(%arg12 : memref<64x128xf32, #tpu.memory_space<vmem>>) dst(%dma_wait3A_506 : memref<10240x128xf32, #tpu.memory_space<vmem_shared>>)
        %add3A_507 = arith.constant 4 : i32
        %add3A_508 = arith.addi %mul3A_436, %add3A_507 : i32
        %add3A_509 = arith.constant 0 : i32
        %add3A_510 = arith.addi %add3A_508, %add3A_509 : i32
        %mul3A_511 = arith.constant 64 : i32
        %mul3A_512 = arith.muli %add3A_510, %mul3A_511 : i32
        %add3A_513 = arith.addi %select_n3A, %mul3A_512 : i32
        %dma_start3A_514 = tpu.memref_slice %arg4[%add3A_513] : memref<327680xi32, #tpu.memory_space<hbm>> -> memref<64xi32, #tpu.memory_space<hbm>>
        %dma_start3A_515 = tpu.memref_slice %arg4[%add3A_513] : memref<327680xi32, #tpu.memory_space<hbm>> -> memref<64xi32, #tpu.memory_space<hbm>>
        tpu.enqueue_dma source(%dma_start3A_515 : memref<64xi32, #tpu.memory_space<hbm>>) target(%arg8 : memref<64xi32, #tpu.memory_space<vmem>>) target_semaphore(%arg16 : memref<!tpu.dma_semaphore, #tpu.memory_space<semaphore_mem>>)
        %mul3A_516 = arith.constant 64 : i32
        %mul3A_517 = arith.muli %add3A_510, %mul3A_516 : i32
        %dma_start3A_518 = tpu.memref_slice %arg7[%mul3A_517] : memref<10240xi32, #tpu.memory_space<vmem>> -> memref<64xi32, #tpu.memory_space<vmem>>
        %dma_start3A_519 = arith.constant 0 : i32
        %dma_start3A_520 = arith.constant 0 : i32
        %dma_start3A_521 = tpu.memref_slice %arg2[%dma_start3A_519, %dma_start3A_520] : memref<10000x128xf32, #tpu.memory_space<hbm>> -> memref<10000x128xf32, #tpu.memory_space<hbm>>
        tpu.enqueue_indirect_dma source(%dma_start3A_521 : memref<10000x128xf32, #tpu.memory_space<hbm>>) target(%arg12 : memref<64x128xf32, #tpu.memory_space<vmem>>) offsets(%dma_start3A_518 : memref<64xi32, #tpu.memory_space<vmem>>) semaphore(%arg20 : memref<!tpu.dma_semaphore, #tpu.memory_space<semaphore_mem>>)
        %dma_wait3A_522 = arith.constant 0 : i32
        %dma_wait3A_523 = arith.constant 0 : i32
        %dma_wait3A_524 = tpu.memref_slice %arg6[%dma_wait3A_522, %dma_wait3A_523] : memref<10240x128xf32, #tpu.memory_space<vmem_shared>> -> memref<10240x128xf32, #tpu.memory_space<vmem_shared>>
        tpu.wait_indirect_dma semaphore(%arg25 : memref<!tpu.dma_semaphore, #tpu.memory_space<semaphore_mem>>) src(%arg13 : memref<64x128xf32, #tpu.memory_space<vmem>>) dst(%dma_wait3A_524 : memref<10240x128xf32, #tpu.memory_space<vmem_shared>>)
        %add3A_525 = arith.constant 4 : i32
        %add3A_526 = arith.addi %mul3A_436, %add3A_525 : i32
        %add3A_527 = arith.constant 1 : i32
        %add3A_528 = arith.addi %add3A_526, %add3A_527 : i32
        %mul3A_529 = arith.constant 64 : i32
        %mul3A_530 = arith.muli %add3A_528, %mul3A_529 : i32
        %add3A_531 = arith.addi %select_n3A, %mul3A_530 : i32
        %dma_start3A_532 = tpu.memref_slice %arg4[%add3A_531] : memref<327680xi32, #tpu.memory_space<hbm>> -> memref<64xi32, #tpu.memory_space<hbm>>
        %dma_start3A_533 = tpu.memref_slice %arg4[%add3A_531] : memref<327680xi32, #tpu.memory_space<hbm>> -> memref<64xi32, #tpu.memory_space<hbm>>
        tpu.enqueue_dma source(%dma_start3A_533 : memref<64xi32, #tpu.memory_space<hbm>>) target(%arg9 : memref<64xi32, #tpu.memory_space<vmem>>) target_semaphore(%arg17 : memref<!tpu.dma_semaphore, #tpu.memory_space<semaphore_mem>>)
        %mul3A_534 = arith.constant 64 : i32
        %mul3A_535 = arith.muli %add3A_528, %mul3A_534 : i32
        %dma_start3A_536 = tpu.memref_slice %arg7[%mul3A_535] : memref<10240xi32, #tpu.memory_space<vmem>> -> memref<64xi32, #tpu.memory_space<vmem>>
        %dma_start3A_537 = arith.constant 0 : i32
        %dma_start3A_538 = arith.constant 0 : i32
        %dma_start3A_539 = tpu.memref_slice %arg2[%dma_start3A_537, %dma_start3A_538] : memref<10000x128xf32, #tpu.memory_space<hbm>> -> memref<10000x128xf32, #tpu.memory_space<hbm>>
        tpu.enqueue_indirect_dma source(%dma_start3A_539 : memref<10000x128xf32, #tpu.memory_space<hbm>>) target(%arg13 : memref<64x128xf32, #tpu.memory_space<vmem>>) offsets(%dma_start3A_536 : memref<64xi32, #tpu.memory_space<vmem>>) semaphore(%arg21 : memref<!tpu.dma_semaphore, #tpu.memory_space<semaphore_mem>>)
        %dma_wait3A_540 = arith.constant 0 : i32
        %dma_wait3A_541 = arith.constant 0 : i32
        %dma_wait3A_542 = tpu.memref_slice %arg6[%dma_wait3A_540, %dma_wait3A_541] : memref<10240x128xf32, #tpu.memory_space<vmem_shared>> -> memref<10240x128xf32, #tpu.memory_space<vmem_shared>>
        tpu.wait_indirect_dma semaphore(%arg26 : memref<!tpu.dma_semaphore, #tpu.memory_space<semaphore_mem>>) src(%arg14 : memref<64x128xf32, #tpu.memory_space<vmem>>) dst(%dma_wait3A_542 : memref<10240x128xf32, #tpu.memory_space<vmem_shared>>)
        %add3A_543 = arith.constant 4 : i32
        %add3A_544 = arith.addi %mul3A_436, %add3A_543 : i32
        %add3A_545 = arith.constant 2 : i32
        %add3A_546 = arith.addi %add3A_544, %add3A_545 : i32
        %mul3A_547 = arith.constant 64 : i32
        %mul3A_548 = arith.muli %add3A_546, %mul3A_547 : i32
        %add3A_549 = arith.addi %select_n3A, %mul3A_548 : i32
        %dma_start3A_550 = tpu.memref_slice %arg4[%add3A_549] : memref<327680xi32, #tpu.memory_space<hbm>> -> memref<64xi32, #tpu.memory_space<hbm>>
        %dma_start3A_551 = tpu.memref_slice %arg4[%add3A_549] : memref<327680xi32, #tpu.memory_space<hbm>> -> memref<64xi32, #tpu.memory_space<hbm>>
        tpu.enqueue_dma source(%dma_start3A_551 : memref<64xi32, #tpu.memory_space<hbm>>) target(%arg10 : memref<64xi32, #tpu.memory_space<vmem>>) target_semaphore(%arg18 : memref<!tpu.dma_semaphore, #tpu.memory_space<semaphore_mem>>)
        %mul3A_552 = arith.constant 64 : i32
        %mul3A_553 = arith.muli %add3A_546, %mul3A_552 : i32
        %dma_start3A_554 = tpu.memref_slice %arg7[%mul3A_553] : memref<10240xi32, #tpu.memory_space<vmem>> -> memref<64xi32, #tpu.memory_space<vmem>>
        %dma_start3A_555 = arith.constant 0 : i32
        %dma_start3A_556 = arith.constant 0 : i32
        %dma_start3A_557 = tpu.memref_slice %arg2[%dma_start3A_555, %dma_start3A_556] : memref<10000x128xf32, #tpu.memory_space<hbm>> -> memref<10000x128xf32, #tpu.memory_space<hbm>>
        tpu.enqueue_indirect_dma source(%dma_start3A_557 : memref<10000x128xf32, #tpu.memory_space<hbm>>) target(%arg14 : memref<64x128xf32, #tpu.memory_space<vmem>>) offsets(%dma_start3A_554 : memref<64xi32, #tpu.memory_space<vmem>>) semaphore(%arg22 : memref<!tpu.dma_semaphore, #tpu.memory_space<semaphore_mem>>)
        %dma_wait3A_558 = arith.constant 0 : i32
        %dma_wait3A_559 = arith.constant 0 : i32
        %dma_wait3A_560 = tpu.memref_slice %arg6[%dma_wait3A_558, %dma_wait3A_559] : memref<10240x128xf32, #tpu.memory_space<vmem_shared>> -> memref<10240x128xf32, #tpu.memory_space<vmem_shared>>
        tpu.wait_indirect_dma semaphore(%arg27 : memref<!tpu.dma_semaphore, #tpu.memory_space<semaphore_mem>>) src(%arg15 : memref<64x128xf32, #tpu.memory_space<vmem>>) dst(%dma_wait3A_560 : memref<10240x128xf32, #tpu.memory_space<vmem_shared>>)
        %add3A_561 = arith.constant 4 : i32
        %add3A_562 = arith.addi %mul3A_436, %add3A_561 : i32
        %add3A_563 = arith.constant 3 : i32
        %add3A_564 = arith.addi %add3A_562, %add3A_563 : i32
        %mul3A_565 = arith.constant 64 : i32
        %mul3A_566 = arith.muli %add3A_564, %mul3A_565 : i32
        %add3A_567 = arith.addi %select_n3A, %mul3A_566 : i32
        %dma_start3A_568 = tpu.memref_slice %arg4[%add3A_567] : memref<327680xi32, #tpu.memory_space<hbm>> -> memref<64xi32, #tpu.memory_space<hbm>>
        %dma_start3A_569 = tpu.memref_slice %arg4[%add3A_567] : memref<327680xi32, #tpu.memory_space<hbm>> -> memref<64xi32, #tpu.memory_space<hbm>>
        tpu.enqueue_dma source(%dma_start3A_569 : memref<64xi32, #tpu.memory_space<hbm>>) target(%arg11 : memref<64xi32, #tpu.memory_space<vmem>>) target_semaphore(%arg19 : memref<!tpu.dma_semaphore, #tpu.memory_space<semaphore_mem>>)
        %mul3A_570 = arith.constant 64 : i32
        %mul3A_571 = arith.muli %add3A_564, %mul3A_570 : i32
        %dma_start3A_572 = tpu.memref_slice %arg7[%mul3A_571] : memref<10240xi32, #tpu.memory_space<vmem>> -> memref<64xi32, #tpu.memory_space<vmem>>
        %dma_start3A_573 = arith.constant 0 : i32
        %dma_start3A_574 = arith.constant 0 : i32
        %dma_start3A_575 = tpu.memref_slice %arg2[%dma_start3A_573, %dma_start3A_574] : memref<10000x128xf32, #tpu.memory_space<hbm>> -> memref<10000x128xf32, #tpu.memory_space<hbm>>
        tpu.enqueue_indirect_dma source(%dma_start3A_575 : memref<10000x128xf32, #tpu.memory_space<hbm>>) target(%arg15 : memref<64x128xf32, #tpu.memory_space<vmem>>) offsets(%dma_start3A_572 : memref<64xi32, #tpu.memory_space<vmem>>) semaphore(%arg23 : memref<!tpu.dma_semaphore, #tpu.memory_space<semaphore_mem>>)
      } else {
      }
      %while3A_503 = arith.constant 0 : i32
      scf.yield %while3A_503 : i32
    }
    %while3A_178 = arith.constant 1 : i32
    %while3A_179 = scf.for %while3A_433 = %while3A_175 to %while3A_171 step %while3A_178 iter_args(%while3A_434 = %while3A_177) -> (i32)  : i32 {
      %mul3A_435 = arith.constant 4 : i32
      %mul3A_436 = arith.muli %while3A_433, %mul3A_435 : i32
      %add3A_437 = arith.constant 0 : i32
      %add3A_438 = arith.addi %mul3A_436, %add3A_437 : i32
      %mul3A_439 = arith.constant 64 : i32
      %mul3A_440 = arith.muli %add3A_438, %mul3A_439 : i32
      %add3A_441 = arith.addi %select_n3A, %mul3A_440 : i32
      %dma_wait3A_442 = tpu.memref_slice %arg4[%add3A_441] : memref<327680xi32, #tpu.memory_space<hbm>> -> memref<64xi32, #tpu.memory_space<hbm>>
      %dma_wait3A_443 = tpu.memref_slice %arg4[%add3A_441] : memref<327680xi32, #tpu.memory_space<hbm>> -> memref<64xi32, #tpu.memory_space<hbm>>
      tpu.wait_dma2 semaphore(%arg16 : memref<!tpu.dma_semaphore, #tpu.memory_space<semaphore_mem>>) src(%dma_wait3A_443 : memref<64xi32, #tpu.memory_space<hbm>>) dst(%arg8 : memref<64xi32, #tpu.memory_space<vmem>>)
      %mul3A_444 = arith.constant 64 : i32
      %mul3A_445 = arith.muli %add3A_438, %mul3A_444 : i32
      %dma_wait3A_446 = tpu.memref_slice %arg7[%mul3A_445] : memref<10240xi32, #tpu.memory_space<vmem>> -> memref<64xi32, #tpu.memory_space<vmem>>
      %dma_wait3A_447 = arith.constant 0 : i32
      %dma_wait3A_448 = arith.constant 0 : i32
      %dma_wait3A_449 = tpu.memref_slice %arg2[%dma_wait3A_447, %dma_wait3A_448] : memref<10000x128xf32, #tpu.memory_space<hbm>> -> memref<10000x128xf32, #tpu.memory_space<hbm>>
      tpu.wait_indirect_dma semaphore(%arg20 : memref<!tpu.dma_semaphore, #tpu.memory_space<semaphore_mem>>) src(%dma_wait3A_449 : memref<10000x128xf32, #tpu.memory_space<hbm>>) dst(%arg12 : memref<64x128xf32, #tpu.memory_space<vmem>>)
      %dma_start3A_450 = arith.constant 0 : i32
      %dma_start3A_451 = arith.constant 0 : i32
      %dma_start3A_452 = tpu.memref_slice %arg6[%dma_start3A_450, %dma_start3A_451] : memref<10240x128xf32, #tpu.memory_space<vmem_shared>> -> memref<10240x128xf32, #tpu.memory_space<vmem_shared>>
      tpu.enqueue_indirect_dma source(%arg12 : memref<64x128xf32, #tpu.memory_space<vmem>>) target(%dma_start3A_452 : memref<10240x128xf32, #tpu.memory_space<vmem_shared>>) offsets(%arg8 : memref<64xi32, #tpu.memory_space<vmem>>) semaphore(%arg24 : memref<!tpu.dma_semaphore, #tpu.memory_space<semaphore_mem>>) {add = true}
      %add3A_453 = arith.constant 1 : i32
      %add3A_454 = arith.addi %mul3A_436, %add3A_453 : i32
      %mul3A_455 = arith.constant 64 : i32
      %mul3A_456 = arith.muli %add3A_454, %mul3A_455 : i32
      %add3A_457 = arith.addi %select_n3A, %mul3A_456 : i32
      %dma_wait3A_458 = tpu.memref_slice %arg4[%add3A_457] : memref<327680xi32, #tpu.memory_space<hbm>> -> memref<64xi32, #tpu.memory_space<hbm>>
      %dma_wait3A_459 = tpu.memref_slice %arg4[%add3A_457] : memref<327680xi32, #tpu.memory_space<hbm>> -> memref<64xi32, #tpu.memory_space<hbm>>
      tpu.wait_dma2 semaphore(%arg17 : memref<!tpu.dma_semaphore, #tpu.memory_space<semaphore_mem>>) src(%dma_wait3A_459 : memref<64xi32, #tpu.memory_space<hbm>>) dst(%arg9 : memref<64xi32, #tpu.memory_space<vmem>>)
      %mul3A_460 = arith.constant 64 : i32
      %mul3A_461 = arith.muli %add3A_454, %mul3A_460 : i32
      %dma_wait3A_462 = tpu.memref_slice %arg7[%mul3A_461] : memref<10240xi32, #tpu.memory_space<vmem>> -> memref<64xi32, #tpu.memory_space<vmem>>
      %dma_wait3A_463 = arith.constant 0 : i32
      %dma_wait3A_464 = arith.constant 0 : i32
      %dma_wait3A_465 = tpu.memref_slice %arg2[%dma_wait3A_463, %dma_wait3A_464] : memref<10000x128xf32, #tpu.memory_space<hbm>> -> memref<10000x128xf32, #tpu.memory_space<hbm>>
      tpu.wait_indirect_dma semaphore(%arg21 : memref<!tpu.dma_semaphore, #tpu.memory_space<semaphore_mem>>) src(%dma_wait3A_465 : memref<10000x128xf32, #tpu.memory_space<hbm>>) dst(%arg13 : memref<64x128xf32, #tpu.memory_space<vmem>>)
      %dma_start3A_466 = arith.constant 0 : i32
      %dma_start3A_467 = arith.constant 0 : i32
      %dma_start3A_468 = tpu.memref_slice %arg6[%dma_start3A_466, %dma_start3A_467] : memref<10240x128xf32, #tpu.memory_space<vmem_shared>> -> memref<10240x128xf32, #tpu.memory_space<vmem_shared>>
      tpu.enqueue_indirect_dma source(%arg13 : memref<64x128xf32, #tpu.memory_space<vmem>>) target(%dma_start3A_468 : memref<10240x128xf32, #tpu.memory_space<vmem_shared>>) offsets(%arg9 : memref<64xi32, #tpu.memory_space<vmem>>) semaphore(%arg25 : memref<!tpu.dma_semaphore, #tpu.memory_space<semaphore_mem>>) {add = true}
      %add3A_469 = arith.constant 2 : i32
      %add3A_470 = arith.addi %mul3A_436, %add3A_469 : i32
      %mul3A_471 = arith.constant 64 : i32
      %mul3A_472 = arith.muli %add3A_470, %mul3A_471 : i32
      %add3A_473 = arith.addi %select_n3A, %mul3A_472 : i32
      %dma_wait3A_474 = tpu.memref_slice %arg4[%add3A_473] : memref<327680xi32, #tpu.memory_space<hbm>> -> memref<64xi32, #tpu.memory_space<hbm>>
      %dma_wait3A_475 = tpu.memref_slice %arg4[%add3A_473] : memref<327680xi32, #tpu.memory_space<hbm>> -> memref<64xi32, #tpu.memory_space<hbm>>
      tpu.wait_dma2 semaphore(%arg18 : memref<!tpu.dma_semaphore, #tpu.memory_space<semaphore_mem>>) src(%dma_wait3A_475 : memref<64xi32, #tpu.memory_space<hbm>>) dst(%arg10 : memref<64xi32, #tpu.memory_space<vmem>>)
      %mul3A_476 = arith.constant 64 : i32
      %mul3A_477 = arith.muli %add3A_470, %mul3A_476 : i32
      %dma_wait3A_478 = tpu.memref_slice %arg7[%mul3A_477] : memref<10240xi32, #tpu.memory_space<vmem>> -> memref<64xi32, #tpu.memory_space<vmem>>
      %dma_wait3A_479 = arith.constant 0 : i32
      %dma_wait3A_480 = arith.constant 0 : i32
      %dma_wait3A_481 = tpu.memref_slice %arg2[%dma_wait3A_479, %dma_wait3A_480] : memref<10000x128xf32, #tpu.memory_space<hbm>> -> memref<10000x128xf32, #tpu.memory_space<hbm>>
      tpu.wait_indirect_dma semaphore(%arg22 : memref<!tpu.dma_semaphore, #tpu.memory_space<semaphore_mem>>) src(%dma_wait3A_481 : memref<10000x128xf32, #tpu.memory_space<hbm>>) dst(%arg14 : memref<64x128xf32, #tpu.memory_space<vmem>>)
      %dma_start3A_482 = arith.constant 0 : i32
      %dma_start3A_483 = arith.constant 0 : i32
      %dma_start3A_484 = tpu.memref_slice %arg6[%dma_start3A_482, %dma_start3A_483] : memref<10240x128xf32, #tpu.memory_space<vmem_shared>> -> memref<10240x128xf32, #tpu.memory_space<vmem_shared>>
      tpu.enqueue_indirect_dma source(%arg14 : memref<64x128xf32, #tpu.memory_space<vmem>>) target(%dma_start3A_484 : memref<10240x128xf32, #tpu.memory_space<vmem_shared>>) offsets(%arg10 : memref<64xi32, #tpu.memory_space<vmem>>) semaphore(%arg26 : memref<!tpu.dma_semaphore, #tpu.memory_space<semaphore_mem>>) {add = true}
      %add3A_485 = arith.constant 3 : i32
      %add3A_486 = arith.addi %mul3A_436, %add3A_485 : i32
      %mul3A_487 = arith.constant 64 : i32
      %mul3A_488 = arith.muli %add3A_486, %mul3A_487 : i32
      %add3A_489 = arith.addi %select_n3A, %mul3A_488 : i32
      %dma_wait3A_490 = tpu.memref_slice %arg4[%add3A_489] : memref<327680xi32, #tpu.memory_space<hbm>> -> memref<64xi32, #tpu.memory_space<hbm>>
      %dma_wait3A_491 = tpu.memref_slice %arg4[%add3A_489] : memref<327680xi32, #tpu.memory_space<hbm>> -> memref<64xi32, #tpu.memory_space<hbm>>
      tpu.wait_dma2 semaphore(%arg19 : memref<!tpu.dma_semaphore, #tpu.memory_space<semaphore_mem>>) src(%dma_wait3A_491 : memref<64xi32, #tpu.memory_space<hbm>>) dst(%arg11 : memref<64xi32, #tpu.memory_space<vmem>>)
      %mul3A_492 = arith.constant 64 : i32
      %mul3A_493 = arith.muli %add3A_486, %mul3A_492 : i32
      %dma_wait3A_494 = tpu.memref_slice %arg7[%mul3A_493] : memref<10240xi32, #tpu.memory_space<vmem>> -> memref<64xi32, #tpu.memory_space<vmem>>
      %dma_wait3A_495 = arith.constant 0 : i32
      %dma_wait3A_496 = arith.constant 0 : i32
      %dma_wait3A_497 = tpu.memref_slice %arg2[%dma_wait3A_495, %dma_wait3A_496] : memref<10000x128xf32, #tpu.memory_space<hbm>> -> memref<10000x128xf32, #tpu.memory_space<hbm>>
      tpu.wait_indirect_dma semaphore(%arg23 : memref<!tpu.dma_semaphore, #tpu.memory_space<semaphore_mem>>) src(%dma_wait3A_497 : memref<10000x128xf32, #tpu.memory_space<hbm>>) dst(%arg15 : memref<64x128xf32, #tpu.memory_space<vmem>>)
      %dma_start3A_498 = arith.constant 0 : i32
      %dma_start3A_499 = arith.constant 0 : i32
      %dma_start3A_500 = tpu.memref_slice %arg6[%dma_start3A_498, %dma_start3A_499] : memref<10240x128xf32, #tpu.memory_space<vmem_shared>> -> memref<10240x128xf32, #tpu.memory_space<vmem_shared>>
      tpu.enqueue_indirect_dma source(%arg15 : memref<64x128xf32, #tpu.memory_space<vmem>>) target(%dma_start3A_500 : memref<10240x128xf32, #tpu.memory_space<vmem_shared>>) offsets(%arg11 : memref<64xi32, #tpu.memory_space<vmem>>) semaphore(%arg27 : memref<!tpu.dma_semaphore, #tpu.memory_space<semaphore_mem>>) {add = true}
      %sub3A = arith.constant 1 : i32
      %sub3A_501 = arith.subi %select_n3A_132, %sub3A : i32
      %lt3A = arith.cmpi slt, %while3A_433, %sub3A_501 : i32
      %convert_element_type3A = arith.extui %lt3A : i1 to i32
      %cond3A = arith.constant 0 : i32
      %cond3A_502 = arith.cmpi ne, %convert_element_type3A, %cond3A : i32
      scf.if %cond3A_502 {
        %dma_wait3A_504 = arith.constant 0 : i32
        %dma_wait3A_505 = arith.constant 0 : i32
        %dma_wait3A_506 = tpu.memref_slice %arg6[%dma_wait3A_504, %dma_wait3A_505] : memref<10240x128xf32, #tpu.memory_space<vmem_shared>> -> memref<10240x128xf32, #tpu.memory_space<vmem_shared>>
        tpu.wait_indirect_dma semaphore(%arg24 : memref<!tpu.dma_semaphore, #tpu.memory_space<semaphore_mem>>) src(%arg12 : memref<64x128xf32, #tpu.memory_space<vmem>>) dst(%dma_wait3A_506 : memref<10240x128xf32, #tpu.memory_space<vmem_shared>>)
        %add3A_507 = arith.constant 4 : i32
        %add3A_508 = arith.addi %mul3A_436, %add3A_507 : i32
        %add3A_509 = arith.constant 0 : i32
        %add3A_510 = arith.addi %add3A_508, %add3A_509 : i32
        %mul3A_511 = arith.constant 64 : i32
        %mul3A_512 = arith.muli %add3A_510, %mul3A_511 : i32
        %add3A_513 = arith.addi %select_n3A, %mul3A_512 : i32
        %dma_start3A_514 = tpu.memref_slice %arg4[%add3A_513] : memref<327680xi32, #tpu.memory_space<hbm>> -> memref<64xi32, #tpu.memory_space<hbm>>
        %dma_start3A_515 = tpu.memref_slice %arg4[%add3A_513] : memref<327680xi32, #tpu.memory_space<hbm>> -> memref<64xi32, #tpu.memory_space<hbm>>
        tpu.enqueue_dma source(%dma_start3A_515 : memref<64xi32, #tpu.memory_space<hbm>>) target(%arg8 : memref<64xi32, #tpu.memory_space<vmem>>) target_semaphore(%arg16 : memref<!tpu.dma_semaphore, #tpu.memory_space<semaphore_mem>>)
        %mul3A_516 = arith.constant 64 : i32
        %mul3A_517 = arith.muli %add3A_510, %mul3A_516 : i32
        %dma_start3A_518 = tpu.memref_slice %arg7[%mul3A_517] : memref<10240xi32, #tpu.memory_space<vmem>> -> memref<64xi32, #tpu.memory_space<vmem>>
        %dma_start3A_519 = arith.constant 0 : i32
        %dma_start3A_520 = arith.constant 0 : i32
        %dma_start3A_521 = tpu.memref_slice %arg2[%dma_start3A_519, %dma_start3A_520] : memref<10000x128xf32, #tpu.memory_space<hbm>> -> memref<10000x128xf32, #tpu.memory_space<hbm>>
        tpu.enqueue_indirect_dma source(%dma_start3A_521 : memref<10000x128xf32, #tpu.memory_space<hbm>>) target(%arg12 : memref<64x128xf32, #tpu.memory_space<vmem>>) offsets(%dma_start3A_518 : memref<64xi32, #tpu.memory_space<vmem>>) semaphore(%arg20 : memref<!tpu.dma_semaphore, #tpu.memory_space<semaphore_mem>>)
        %dma_wait3A_522 = arith.constant 0 : i32
        %dma_wait3A_523 = arith.constant 0 : i32
        %dma_wait3A_524 = tpu.memref_slice %arg6[%dma_wait3A_522, %dma_wait3A_523] : memref<10240x128xf32, #tpu.memory_space<vmem_shared>> -> memref<10240x128xf32, #tpu.memory_space<vmem_shared>>
        tpu.wait_indirect_dma semaphore(%arg25 : memref<!tpu.dma_semaphore, #tpu.memory_space<semaphore_mem>>) src(%arg13 : memref<64x128xf32, #tpu.memory_space<vmem>>) dst(%dma_wait3A_524 : memref<10240x128xf32, #tpu.memory_space<vmem_shared>>)
        %add3A_525 = arith.constant 4 : i32
        %add3A_526 = arith.addi %mul3A_436, %add3A_525 : i32
        %add3A_527 = arith.constant 1 : i32
        %add3A_528 = arith.addi %add3A_526, %add3A_527 : i32
        %mul3A_529 = arith.constant 64 : i32
        %mul3A_530 = arith.muli %add3A_528, %mul3A_529 : i32
        %add3A_531 = arith.addi %select_n3A, %mul3A_530 : i32
        %dma_start3A_532 = tpu.memref_slice %arg4[%add3A_531] : memref<327680xi32, #tpu.memory_space<hbm>> -> memref<64xi32, #tpu.memory_space<hbm>>
        %dma_start3A_533 = tpu.memref_slice %arg4[%add3A_531] : memref<327680xi32, #tpu.memory_space<hbm>> -> memref<64xi32, #tpu.memory_space<hbm>>
        tpu.enqueue_dma source(%dma_start3A_533 : memref<64xi32, #tpu.memory_space<hbm>>) target(%arg9 : memref<64xi32, #tpu.memory_space<vmem>>) target_semaphore(%arg17 : memref<!tpu.dma_semaphore, #tpu.memory_space<semaphore_mem>>)
        %mul3A_534 = arith.constant 64 : i32
        %mul3A_535 = arith.muli %add3A_528, %mul3A_534 : i32
        %dma_start3A_536 = tpu.memref_slice %arg7[%mul3A_535] : memref<10240xi32, #tpu.memory_space<vmem>> -> memref<64xi32, #tpu.memory_space<vmem>>
        %dma_start3A_537 = arith.constant 0 : i32
        %dma_start3A_538 = arith.constant 0 : i32
        %dma_start3A_539 = tpu.memref_slice %arg2[%dma_start3A_537, %dma_start3A_538] : memref<10000x128xf32, #tpu.memory_space<hbm>> -> memref<10000x128xf32, #tpu.memory_space<hbm>>
        tpu.enqueue_indirect_dma source(%dma_start3A_539 : memref<10000x128xf32, #tpu.memory_space<hbm>>) target(%arg13 : memref<64x128xf32, #tpu.memory_space<vmem>>) offsets(%dma_start3A_536 : memref<64xi32, #tpu.memory_space<vmem>>) semaphore(%arg21 : memref<!tpu.dma_semaphore, #tpu.memory_space<semaphore_mem>>)
        %dma_wait3A_540 = arith.constant 0 : i32
        %dma_wait3A_541 = arith.constant 0 : i32
        %dma_wait3A_542 = tpu.memref_slice %arg6[%dma_wait3A_540, %dma_wait3A_541] : memref<10240x128xf32, #tpu.memory_space<vmem_shared>> -> memref<10240x128xf32, #tpu.memory_space<vmem_shared>>
        tpu.wait_indirect_dma semaphore(%arg26 : memref<!tpu.dma_semaphore, #tpu.memory_space<semaphore_mem>>) src(%arg14 : memref<64x128xf32, #tpu.memory_space<vmem>>) dst(%dma_wait3A_542 : memref<10240x128xf32, #tpu.memory_space<vmem_shared>>)
        %add3A_543 = arith.constant 4 : i32
        %add3A_544 = arith.addi %mul3A_436, %add3A_543 : i32
        %add3A_545 = arith.constant 2 : i32
        %add3A_546 = arith.addi %add3A_544, %add3A_545 : i32
        %mul3A_547 = arith.constant 64 : i32
        %mul3A_548 = arith.muli %add3A_546, %mul3A_547 : i32
        %add3A_549 = arith.addi %select_n3A, %mul3A_548 : i32
        %dma_start3A_550 = tpu.memref_slice %arg4[%add3A_549] : memref<327680xi32, #tpu.memory_space<hbm>> -> memref<64xi32, #tpu.memory_space<hbm>>
        %dma_start3A_551 = tpu.memref_slice %arg4[%add3A_549] : memref<327680xi32, #tpu.memory_space<hbm>> -> memref<64xi32, #tpu.memory_space<hbm>>
        tpu.enqueue_dma source(%dma_start3A_551 : memref<64xi32, #tpu.memory_space<hbm>>) target(%arg10 : memref<64xi32, #tpu.memory_space<vmem>>) target_semaphore(%arg18 : memref<!tpu.dma_semaphore, #tpu.memory_space<semaphore_mem>>)
        %mul3A_552 = arith.constant 64 : i32
        %mul3A_553 = arith.muli %add3A_546, %mul3A_552 : i32
        %dma_start3A_554 = tpu.memref_slice %arg7[%mul3A_553] : memref<10240xi32, #tpu.memory_space<vmem>> -> memref<64xi32, #tpu.memory_space<vmem>>
        %dma_start3A_555 = arith.constant 0 : i32
        %dma_start3A_556 = arith.constant 0 : i32
        %dma_start3A_557 = tpu.memref_slice %arg2[%dma_start3A_555, %dma_start3A_556] : memref<10000x128xf32, #tpu.memory_space<hbm>> -> memref<10000x128xf32, #tpu.memory_space<hbm>>
        tpu.enqueue_indirect_dma source(%dma_start3A_557 : memref<10000x128xf32, #tpu.memory_space<hbm>>) target(%arg14 : memref<64x128xf32, #tpu.memory_space<vmem>>) offsets(%dma_start3A_554 : memref<64xi32, #tpu.memory_space<vmem>>) semaphore(%arg22 : memref<!tpu.dma_semaphore, #tpu.memory_space<semaphore_mem>>)
        %dma_wait3A_558 = arith.constant 0 : i32
        %dma_wait3A_559 = arith.constant 0 : i32
        %dma_wait3A_560 = tpu.memref_slice %arg6[%dma_wait3A_558, %dma_wait3A_559] : memref<10240x128xf32, #tpu.memory_space<vmem_shared>> -> memref<10240x128xf32, #tpu.memory_space<vmem_shared>>
        tpu.wait_indirect_dma semaphore(%arg27 : memref<!tpu.dma_semaphore, #tpu.memory_space<semaphore_mem>>) src(%arg15 : memref<64x128xf32, #tpu.memory_space<vmem>>) dst(%dma_wait3A_560 : memref<10240x128xf32, #tpu.memory_space<vmem_shared>>)
        %add3A_561 = arith.constant 4 : i32
        %add3A_562 = arith.addi %mul3A_436, %add3A_561 : i32
        %add3A_563 = arith.constant 3 : i32
        %add3A_564 = arith.addi %add3A_562, %add3A_563 : i32
        %mul3A_565 = arith.constant 64 : i32
        %mul3A_566 = arith.muli %add3A_564, %mul3A_565 : i32
        %add3A_567 = arith.addi %select_n3A, %mul3A_566 : i32
        %dma_start3A_568 = tpu.memref_slice %arg4[%add3A_567] : memref<327680xi32, #tpu.memory_space<hbm>> -> memref<64xi32, #tpu.memory_space<hbm>>
        %dma_start3A_569 = tpu.memref_slice %arg4[%add3A_567] : memref<327680xi32, #tpu.memory_space<hbm>> -> memref<64xi32, #tpu.memory_space<hbm>>
        tpu.enqueue_dma source(%dma_start3A_569 : memref<64xi32, #tpu.memory_space<hbm>>) target(%arg11 : memref<64xi32, #tpu.memory_space<vmem>>) target_semaphore(%arg19 : memref<!tpu.dma_semaphore, #tpu.memory_space<semaphore_mem>>)
        %mul3A_570 = arith.constant 64 : i32
        %mul3A_571 = arith.muli %add3A_564, %mul3A_570 : i32
        %dma_start3A_572 = tpu.memref_slice %arg7[%mul3A_571] : memref<10240xi32, #tpu.memory_space<vmem>> -> memref<64xi32, #tpu.memory_space<vmem>>
        %dma_start3A_573 = arith.constant 0 : i32
        %dma_start3A_574 = arith.constant 0 : i32
        %dma_start3A_575 = tpu.memref_slice %arg2[%dma_start3A_573, %dma_start3A_574] : memref<10000x128xf32, #tpu.memory_space<hbm>> -> memref<10000x128xf32, #tpu.memory_space<hbm>>
        tpu.enqueue_indirect_dma source(%dma_start3A_575 : memref<10000x128xf32, #tpu.memory_space<hbm>>) target(%arg15 : memref<64x128xf32, #tpu.memory_space<vmem>>) offsets(%dma_start3A_572 : memref<64xi32, #tpu.memory_space<vmem>>) semaphore(%arg23 : memref<!tpu.dma_semaphore, #tpu.memory_space<semaphore_mem>>)
      } else {
      }
      %while3A_503 = arith.constant 0 : i32
      scf.yield %while3A_503 : i32
    }
    %dma_wait3A_180 = arith.constant 0 : i32
    %dma_wait3A_181 = arith.constant 0 : i32
    %dma_wait3A_182 = tpu.memref_slice %arg6[%dma_wait3A_180, %dma_wait3A_181] : memref<10240x128xf32, #tpu.memory_space<vmem_shared>> -> memref<10240x128xf32, #tpu.memory_space<vmem_shared>>
    tpu.wait_indirect_dma semaphore(%arg24 : memref<!tpu.dma_semaphore, #tpu.memory_space<semaphore_mem>>) src(%arg12 : memref<64x128xf32, #tpu.memory_space<vmem>>) dst(%dma_wait3A_182 : memref<10240x128xf32, #tpu.memory_space<vmem_shared>>)
    %dma_wait3A_183 = arith.constant 0 : i32
    %dma_wait3A_184 = arith.constant 0 : i32
    %dma_wait3A_185 = tpu.memref_slice %arg6[%dma_wait3A_183, %dma_wait3A_184] : memref<10240x128xf32, #tpu.memory_space<vmem_shared>> -> memref<10240x128xf32, #tpu.memory_space<vmem_shared>>
    tpu.wait_indirect_dma semaphore(%arg25 : memref<!tpu.dma_semaphore, #tpu.memory_space<semaphore_mem>>) src(%arg13 : memref<64x128xf32, #tpu.memory_space<vmem>>) dst(%dma_wait3A_185 : memref<10240x128xf32, #tpu.memory_space<vmem_shared>>)
    %dma_wait3A_186 = arith.constant 0 : i32
    %dma_wait3A_187 = arith.constant 0 : i32
    %dma_wait3A_188 = tpu.memref_slice %arg6[%dma_wait3A_186, %dma_wait3A_187] : memref<10240x128xf32, #tpu.memory_space<vmem_shared>> -> memref<10240x128xf32, #tpu.memory_space<vmem_shared>>
    tpu.wait_indirect_dma semaphore(%arg26 : memref<!tpu.dma_semaphore, #tpu.memory_space<semaphore_mem>>) src(%arg14 : memref<64x128xf32, #tpu.memory_space<vmem>>) dst(%dma_wait3A_188 : memref<10240x128xf32, #tpu.memory_space<vmem_shared>>)
    %dma_wait3A_189 = arith.constant 0 : i32
    %dma_wait3A_190 = arith.constant 0 : i32
    %dma_wait3A_191 = tpu.memref_slice %arg6[%dma_wait3A_189, %dma_wait3A_190] : memref<10240x128xf32, #tpu.memory_space<vmem_shared>> -> memref<10240x128xf32, #tpu.memory_space<vmem_shared>>
    tpu.wait_indirect_dma semaphore(%arg27 : memref<!tpu.dma_semaphore, #tpu.memory_space<semaphore_mem>>) src(%arg15 : memref<64x128xf32, #tpu.memory_space<vmem>>) dst(%dma_wait3A_191 : memref<10240x128xf32, #tpu.memory_space<vmem_shared>>)
    %barrier3A_192 = arith.constant 0 : index
    tpu.barrier barrier_id(%barrier3A_192)
    %mul3A_193 = arith.constant 640 : i32
    %mul3A_194 = arith.muli %arg1, %mul3A_193 : i32
    %add3A_195 = arith.constant 0 : i32
    %add3A_196 = arith.addi %mul3A_194, %add3A_195 : i32
    "tpu.region"() ({
      %run_scoped3A = tpu.sem_alloc : memref<!tpu.dma_semaphore, #tpu.memory_space<semaphore_mem>>
      %dma_start3A_433 = arith.constant 0 : i32
      %dma_start3A_434 = tpu.memref_slice %arg6[%add3A_196, %dma_start3A_433] : memref<10240x128xf32, #tpu.memory_space<vmem_shared>> -> memref<64x128xf32, #tpu.memory_space<vmem_shared>>
      %dma_start3A_435 = arith.constant 0 : i32
      %dma_start3A_436 = tpu.memref_slice %arg6[%add3A_196, %dma_start3A_435] : memref<10240x128xf32, #tpu.memory_space<vmem_shared>> -> memref<64x128xf32, #tpu.memory_space<vmem_shared>>
      tpu.enqueue_dma source(%dma_start3A_436 : memref<64x128xf32, #tpu.memory_space<vmem_shared>>) target(%arg12 : memref<64x128xf32, #tpu.memory_space<vmem>>) target_semaphore(%run_scoped3A : memref<!tpu.dma_semaphore, #tpu.memory_space<semaphore_mem>>)
      %dma_wait3A_437 = arith.constant 0 : i32
      %dma_wait3A_438 = tpu.memref_slice %arg6[%add3A_196, %dma_wait3A_437] : memref<10240x128xf32, #tpu.memory_space<vmem_shared>> -> memref<64x128xf32, #tpu.memory_space<vmem_shared>>
      %dma_wait3A_439 = arith.constant 0 : i32
      %dma_wait3A_440 = tpu.memref_slice %arg6[%add3A_196, %dma_wait3A_439] : memref<10240x128xf32, #tpu.memory_space<vmem_shared>> -> memref<64x128xf32, #tpu.memory_space<vmem_shared>>
      tpu.wait_dma2 semaphore(%run_scoped3A : memref<!tpu.dma_semaphore, #tpu.memory_space<semaphore_mem>>) src(%dma_wait3A_440 : memref<64x128xf32, #tpu.memory_space<vmem_shared>>) dst(%arg12 : memref<64x128xf32, #tpu.memory_space<vmem>>)
      tpu.yield
    }) : () -> ()
    %mul3A_197 = arith.constant 640 : i32
    %mul3A_198 = arith.muli %arg1, %mul3A_197 : i32
    %add3A_199 = arith.constant 0 : i32
    %add3A_200 = arith.addi %mul3A_198, %add3A_199 : i32
    %dma_start3A_201 = arith.constant 0 : i32
    %dma_start3A_202 = tpu.memref_slice %arg5[%arg0, %add3A_200, %dma_start3A_201] : memref<2x10240x128xf32, #tpu.memory_space<hbm>> -> memref<1x64x128xf32, #tpu.memory_space<hbm>>
    %dma_start3A_203 = tpu.memref_squeeze %dma_start3A_202 : memref<1x64x128xf32, #tpu.memory_space<hbm>> -> memref<64x128xf32, #tpu.memory_space<hbm>>
    %dma_start3A_204 = arith.constant 0 : i32
    %dma_start3A_205 = tpu.memref_slice %arg5[%arg0, %add3A_200, %dma_start3A_204] : memref<2x10240x128xf32, #tpu.memory_space<hbm>> -> memref<1x64x128xf32, #tpu.memory_space<hbm>>
    %dma_start3A_206 = tpu.memref_squeeze %dma_start3A_205 : memref<1x64x128xf32, #tpu.memory_space<hbm>> -> memref<64x128xf32, #tpu.memory_space<hbm>>
    tpu.enqueue_dma source(%arg12 : memref<64x128xf32, #tpu.memory_space<vmem>>) target(%dma_start3A_206 : memref<64x128xf32, #tpu.memory_space<hbm>>) target_semaphore(%arg20 : memref<!tpu.dma_semaphore, #tpu.memory_space<semaphore_mem>>)
    %mul3A_207 = arith.constant 640 : i32
    %mul3A_208 = arith.muli %arg1, %mul3A_207 : i32
    %add3A_209 = arith.constant 64 : i32
    %add3A_210 = arith.addi %mul3A_208, %add3A_209 : i32
    "tpu.region"() ({
      %run_scoped3A = tpu.sem_alloc : memref<!tpu.dma_semaphore, #tpu.memory_space<semaphore_mem>>
      %dma_start3A_433 = arith.constant 0 : i32
      %dma_start3A_434 = tpu.memref_slice %arg6[%add3A_210, %dma_start3A_433] : memref<10240x128xf32, #tpu.memory_space<vmem_shared>> -> memref<64x128xf32, #tpu.memory_space<vmem_shared>>
      %dma_start3A_435 = arith.constant 0 : i32
      %dma_start3A_436 = tpu.memref_slice %arg6[%add3A_210, %dma_start3A_435] : memref<10240x128xf32, #tpu.memory_space<vmem_shared>> -> memref<64x128xf32, #tpu.memory_space<vmem_shared>>
      tpu.enqueue_dma source(%dma_start3A_436 : memref<64x128xf32, #tpu.memory_space<vmem_shared>>) target(%arg13 : memref<64x128xf32, #tpu.memory_space<vmem>>) target_semaphore(%run_scoped3A : memref<!tpu.dma_semaphore, #tpu.memory_space<semaphore_mem>>)
      %dma_wait3A_437 = arith.constant 0 : i32
      %dma_wait3A_438 = tpu.memref_slice %arg6[%add3A_210, %dma_wait3A_437] : memref<10240x128xf32, #tpu.memory_space<vmem_shared>> -> memref<64x128xf32, #tpu.memory_space<vmem_shared>>
      %dma_wait3A_439 = arith.constant 0 : i32
      %dma_wait3A_440 = tpu.memref_slice %arg6[%add3A_210, %dma_wait3A_439] : memref<10240x128xf32, #tpu.memory_space<vmem_shared>> -> memref<64x128xf32, #tpu.memory_space<vmem_shared>>
      tpu.wait_dma2 semaphore(%run_scoped3A : memref<!tpu.dma_semaphore, #tpu.memory_space<semaphore_mem>>) src(%dma_wait3A_440 : memref<64x128xf32, #tpu.memory_space<vmem_shared>>) dst(%arg13 : memref<64x128xf32, #tpu.memory_space<vmem>>)
      tpu.yield
    }) : () -> ()
    %mul3A_211 = arith.constant 640 : i32
    %mul3A_212 = arith.muli %arg1, %mul3A_211 : i32
    %add3A_213 = arith.constant 64 : i32
    %add3A_214 = arith.addi %mul3A_212, %add3A_213 : i32
    %dma_start3A_215 = arith.constant 0 : i32
    %dma_start3A_216 = tpu.memref_slice %arg5[%arg0, %add3A_214, %dma_start3A_215] : memref<2x10240x128xf32, #tpu.memory_space<hbm>> -> memref<1x64x128xf32, #tpu.memory_space<hbm>>
    %dma_start3A_217 = tpu.memref_squeeze %dma_start3A_216 : memref<1x64x128xf32, #tpu.memory_space<hbm>> -> memref<64x128xf32, #tpu.memory_space<hbm>>
    %dma_start3A_218 = arith.constant 0 : i32
    %dma_start3A_219 = tpu.memref_slice %arg5[%arg0, %add3A_214, %dma_start3A_218] : memref<2x10240x128xf32, #tpu.memory_space<hbm>> -> memref<1x64x128xf32, #tpu.memory_space<hbm>>
    %dma_start3A_220 = tpu.memref_squeeze %dma_start3A_219 : memref<1x64x128xf32, #tpu.memory_space<hbm>> -> memref<64x128xf32, #tpu.memory_space<hbm>>
    tpu.enqueue_dma source(%arg13 : memref<64x128xf32, #tpu.memory_space<vmem>>) target(%dma_start3A_220 : memref<64x128xf32, #tpu.memory_space<hbm>>) target_semaphore(%arg21 : memref<!tpu.dma_semaphore, #tpu.memory_space<semaphore_mem>>)
    %mul3A_221 = arith.constant 640 : i32
    %mul3A_222 = arith.muli %arg1, %mul3A_221 : i32
    %add3A_223 = arith.constant 128 : i32
    %add3A_224 = arith.addi %mul3A_222, %add3A_223 : i32
    "tpu.region"() ({
      %run_scoped3A = tpu.sem_alloc : memref<!tpu.dma_semaphore, #tpu.memory_space<semaphore_mem>>
      %dma_start3A_433 = arith.constant 0 : i32
      %dma_start3A_434 = tpu.memref_slice %arg6[%add3A_224, %dma_start3A_433] : memref<10240x128xf32, #tpu.memory_space<vmem_shared>> -> memref<64x128xf32, #tpu.memory_space<vmem_shared>>
      %dma_start3A_435 = arith.constant 0 : i32
      %dma_start3A_436 = tpu.memref_slice %arg6[%add3A_224, %dma_start3A_435] : memref<10240x128xf32, #tpu.memory_space<vmem_shared>> -> memref<64x128xf32, #tpu.memory_space<vmem_shared>>
      tpu.enqueue_dma source(%dma_start3A_436 : memref<64x128xf32, #tpu.memory_space<vmem_shared>>) target(%arg14 : memref<64x128xf32, #tpu.memory_space<vmem>>) target_semaphore(%run_scoped3A : memref<!tpu.dma_semaphore, #tpu.memory_space<semaphore_mem>>)
      %dma_wait3A_437 = arith.constant 0 : i32
      %dma_wait3A_438 = tpu.memref_slice %arg6[%add3A_224, %dma_wait3A_437] : memref<10240x128xf32, #tpu.memory_space<vmem_shared>> -> memref<64x128xf32, #tpu.memory_space<vmem_shared>>
      %dma_wait3A_439 = arith.constant 0 : i32
      %dma_wait3A_440 = tpu.memref_slice %arg6[%add3A_224, %dma_wait3A_439] : memref<10240x128xf32, #tpu.memory_space<vmem_shared>> -> memref<64x128xf32, #tpu.memory_space<vmem_shared>>
      tpu.wait_dma2 semaphore(%run_scoped3A : memref<!tpu.dma_semaphore, #tpu.memory_space<semaphore_mem>>) src(%dma_wait3A_440 : memref<64x128xf32, #tpu.memory_space<vmem_shared>>) dst(%arg14 : memref<64x128xf32, #tpu.memory_space<vmem>>)
      tpu.yield
    }) : () -> ()
    %mul3A_225 = arith.constant 640 : i32
    %mul3A_226 = arith.muli %arg1, %mul3A_225 : i32
    %add3A_227 = arith.constant 128 : i32
    %add3A_228 = arith.addi %mul3A_226, %add3A_227 : i32
    %dma_start3A_229 = arith.constant 0 : i32
    %dma_start3A_230 = tpu.memref_slice %arg5[%arg0, %add3A_228, %dma_start3A_229] : memref<2x10240x128xf32, #tpu.memory_space<hbm>> -> memref<1x64x128xf32, #tpu.memory_space<hbm>>
    %dma_start3A_231 = tpu.memref_squeeze %dma_start3A_230 : memref<1x64x128xf32, #tpu.memory_space<hbm>> -> memref<64x128xf32, #tpu.memory_space<hbm>>
    %dma_start3A_232 = arith.constant 0 : i32
    %dma_start3A_233 = tpu.memref_slice %arg5[%arg0, %add3A_228, %dma_start3A_232] : memref<2x10240x128xf32, #tpu.memory_space<hbm>> -> memref<1x64x128xf32, #tpu.memory_space<hbm>>
    %dma_start3A_234 = tpu.memref_squeeze %dma_start3A_233 : memref<1x64x128xf32, #tpu.memory_space<hbm>> -> memref<64x128xf32, #tpu.memory_space<hbm>>
    tpu.enqueue_dma source(%arg14 : memref<64x128xf32, #tpu.memory_space<vmem>>) target(%dma_start3A_234 : memref<64x128xf32, #tpu.memory_space<hbm>>) target_semaphore(%arg22 : memref<!tpu.dma_semaphore, #tpu.memory_space<semaphore_mem>>)
    %mul3A_235 = arith.constant 640 : i32
    %mul3A_236 = arith.muli %arg1, %mul3A_235 : i32
    %add3A_237 = arith.constant 192 : i32
    %add3A_238 = arith.addi %mul3A_236, %add3A_237 : i32
    "tpu.region"() ({
      %run_scoped3A = tpu.sem_alloc : memref<!tpu.dma_semaphore, #tpu.memory_space<semaphore_mem>>
      %dma_start3A_433 = arith.constant 0 : i32
      %dma_start3A_434 = tpu.memref_slice %arg6[%add3A_238, %dma_start3A_433] : memref<10240x128xf32, #tpu.memory_space<vmem_shared>> -> memref<64x128xf32, #tpu.memory_space<vmem_shared>>
      %dma_start3A_435 = arith.constant 0 : i32
      %dma_start3A_436 = tpu.memref_slice %arg6[%add3A_238, %dma_start3A_435] : memref<10240x128xf32, #tpu.memory_space<vmem_shared>> -> memref<64x128xf32, #tpu.memory_space<vmem_shared>>
      tpu.enqueue_dma source(%dma_start3A_436 : memref<64x128xf32, #tpu.memory_space<vmem_shared>>) target(%arg15 : memref<64x128xf32, #tpu.memory_space<vmem>>) target_semaphore(%run_scoped3A : memref<!tpu.dma_semaphore, #tpu.memory_space<semaphore_mem>>)
      %dma_wait3A_437 = arith.constant 0 : i32
      %dma_wait3A_438 = tpu.memref_slice %arg6[%add3A_238, %dma_wait3A_437] : memref<10240x128xf32, #tpu.memory_space<vmem_shared>> -> memref<64x128xf32, #tpu.memory_space<vmem_shared>>
      %dma_wait3A_439 = arith.constant 0 : i32
      %dma_wait3A_440 = tpu.memref_slice %arg6[%add3A_238, %dma_wait3A_439] : memref<10240x128xf32, #tpu.memory_space<vmem_shared>> -> memref<64x128xf32, #tpu.memory_space<vmem_shared>>
      tpu.wait_dma2 semaphore(%run_scoped3A : memref<!tpu.dma_semaphore, #tpu.memory_space<semaphore_mem>>) src(%dma_wait3A_440 : memref<64x128xf32, #tpu.memory_space<vmem_shared>>) dst(%arg15 : memref<64x128xf32, #tpu.memory_space<vmem>>)
      tpu.yield
    }) : () -> ()
    %mul3A_239 = arith.constant 640 : i32
    %mul3A_240 = arith.muli %arg1, %mul3A_239 : i32
    %add3A_241 = arith.constant 192 : i32
    %add3A_242 = arith.addi %mul3A_240, %add3A_241 : i32
    %dma_start3A_243 = arith.constant 0 : i32
    %dma_start3A_244 = tpu.memref_slice %arg5[%arg0, %add3A_242, %dma_start3A_243] : memref<2x10240x128xf32, #tpu.memory_space<hbm>> -> memref<1x64x128xf32, #tpu.memory_space<hbm>>
    %dma_start3A_245 = tpu.memref_squeeze %dma_start3A_244 : memref<1x64x128xf32, #tpu.memory_space<hbm>> -> memref<64x128xf32, #tpu.memory_space<hbm>>
    %dma_start3A_246 = arith.constant 0 : i32
    %dma_start3A_247 = tpu.memref_slice %arg5[%arg0, %add3A_242, %dma_start3A_246] : memref<2x10240x128xf32, #tpu.memory_space<hbm>> -> memref<1x64x128xf32, #tpu.memory_space<hbm>>
    %dma_start3A_248 = tpu.memref_squeeze %dma_start3A_247 : memref<1x64x128xf32, #tpu.memory_space<hbm>> -> memref<64x128xf32, #tpu.memory_space<hbm>>
    tpu.enqueue_dma source(%arg15 : memref<64x128xf32, #tpu.memory_space<vmem>>) target(%dma_start3A_248 : memref<64x128xf32, #tpu.memory_space<hbm>>) target_semaphore(%arg23 : memref<!tpu.dma_semaphore, #tpu.memory_space<semaphore_mem>>)
    %mul3A_249 = arith.constant 640 : i32
    %mul3A_250 = arith.muli %arg1, %mul3A_249 : i32
    %add3A_251 = arith.constant 0 : i32
    %add3A_252 = arith.addi %mul3A_250, %add3A_251 : i32
    %dma_wait3A_253 = arith.constant 0 : i32
    %dma_wait3A_254 = tpu.memref_slice %arg5[%arg0, %add3A_252, %dma_wait3A_253] : memref<2x10240x128xf32, #tpu.memory_space<hbm>> -> memref<1x64x128xf32, #tpu.memory_space<hbm>>
    %dma_wait3A_255 = tpu.memref_squeeze %dma_wait3A_254 : memref<1x64x128xf32, #tpu.memory_space<hbm>> -> memref<64x128xf32, #tpu.memory_space<hbm>>
    %dma_wait3A_256 = arith.constant 0 : i32
    %dma_wait3A_257 = tpu.memref_slice %arg5[%arg0, %add3A_252, %dma_wait3A_256] : memref<2x10240x128xf32, #tpu.memory_space<hbm>> -> memref<1x64x128xf32, #tpu.memory_space<hbm>>
    %dma_wait3A_258 = tpu.memref_squeeze %dma_wait3A_257 : memref<1x64x128xf32, #tpu.memory_space<hbm>> -> memref<64x128xf32, #tpu.memory_space<hbm>>
    tpu.wait_dma2 semaphore(%arg20 : memref<!tpu.dma_semaphore, #tpu.memory_space<semaphore_mem>>) src(%arg12 : memref<64x128xf32, #tpu.memory_space<vmem>>) dst(%dma_wait3A_258 : memref<64x128xf32, #tpu.memory_space<hbm>>)
    %mul3A_259 = arith.constant 640 : i32
    %mul3A_260 = arith.muli %arg1, %mul3A_259 : i32
    %add3A_261 = arith.constant 256 : i32
    %add3A_262 = arith.addi %mul3A_260, %add3A_261 : i32
    "tpu.region"() ({
      %run_scoped3A = tpu.sem_alloc : memref<!tpu.dma_semaphore, #tpu.memory_space<semaphore_mem>>
      %dma_start3A_433 = arith.constant 0 : i32
      %dma_start3A_434 = tpu.memref_slice %arg6[%add3A_262, %dma_start3A_433] : memref<10240x128xf32, #tpu.memory_space<vmem_shared>> -> memref<64x128xf32, #tpu.memory_space<vmem_shared>>
      %dma_start3A_435 = arith.constant 0 : i32
      %dma_start3A_436 = tpu.memref_slice %arg6[%add3A_262, %dma_start3A_435] : memref<10240x128xf32, #tpu.memory_space<vmem_shared>> -> memref<64x128xf32, #tpu.memory_space<vmem_shared>>
      tpu.enqueue_dma source(%dma_start3A_436 : memref<64x128xf32, #tpu.memory_space<vmem_shared>>) target(%arg12 : memref<64x128xf32, #tpu.memory_space<vmem>>) target_semaphore(%run_scoped3A : memref<!tpu.dma_semaphore, #tpu.memory_space<semaphore_mem>>)
      %dma_wait3A_437 = arith.constant 0 : i32
      %dma_wait3A_438 = tpu.memref_slice %arg6[%add3A_262, %dma_wait3A_437] : memref<10240x128xf32, #tpu.memory_space<vmem_shared>> -> memref<64x128xf32, #tpu.memory_space<vmem_shared>>
      %dma_wait3A_439 = arith.constant 0 : i32
      %dma_wait3A_440 = tpu.memref_slice %arg6[%add3A_262, %dma_wait3A_439] : memref<10240x128xf32, #tpu.memory_space<vmem_shared>> -> memref<64x128xf32, #tpu.memory_space<vmem_shared>>
      tpu.wait_dma2 semaphore(%run_scoped3A : memref<!tpu.dma_semaphore, #tpu.memory_space<semaphore_mem>>) src(%dma_wait3A_440 : memref<64x128xf32, #tpu.memory_space<vmem_shared>>) dst(%arg12 : memref<64x128xf32, #tpu.memory_space<vmem>>)
      tpu.yield
    }) : () -> ()
    %mul3A_263 = arith.constant 640 : i32
    %mul3A_264 = arith.muli %arg1, %mul3A_263 : i32
    %add3A_265 = arith.constant 256 : i32
    %add3A_266 = arith.addi %mul3A_264, %add3A_265 : i32
    %dma_start3A_267 = arith.constant 0 : i32
    %dma_start3A_268 = tpu.memref_slice %arg5[%arg0, %add3A_266, %dma_start3A_267] : memref<2x10240x128xf32, #tpu.memory_space<hbm>> -> memref<1x64x128xf32, #tpu.memory_space<hbm>>
    %dma_start3A_269 = tpu.memref_squeeze %dma_start3A_268 : memref<1x64x128xf32, #tpu.memory_space<hbm>> -> memref<64x128xf32, #tpu.memory_space<hbm>>
    %dma_start3A_270 = arith.constant 0 : i32
    %dma_start3A_271 = tpu.memref_slice %arg5[%arg0, %add3A_266, %dma_start3A_270] : memref<2x10240x128xf32, #tpu.memory_space<hbm>> -> memref<1x64x128xf32, #tpu.memory_space<hbm>>
    %dma_start3A_272 = tpu.memref_squeeze %dma_start3A_271 : memref<1x64x128xf32, #tpu.memory_space<hbm>> -> memref<64x128xf32, #tpu.memory_space<hbm>>
    tpu.enqueue_dma source(%arg12 : memref<64x128xf32, #tpu.memory_space<vmem>>) target(%dma_start3A_272 : memref<64x128xf32, #tpu.memory_space<hbm>>) target_semaphore(%arg20 : memref<!tpu.dma_semaphore, #tpu.memory_space<semaphore_mem>>)
    %mul3A_273 = arith.constant 640 : i32
    %mul3A_274 = arith.muli %arg1, %mul3A_273 : i32
    %add3A_275 = arith.constant 64 : i32
    %add3A_276 = arith.addi %mul3A_274, %add3A_275 : i32
    %dma_wait3A_277 = arith.constant 0 : i32
    %dma_wait3A_278 = tpu.memref_slice %arg5[%arg0, %add3A_276, %dma_wait3A_277] : memref<2x10240x128xf32, #tpu.memory_space<hbm>> -> memref<1x64x128xf32, #tpu.memory_space<hbm>>
    %dma_wait3A_279 = tpu.memref_squeeze %dma_wait3A_278 : memref<1x64x128xf32, #tpu.memory_space<hbm>> -> memref<64x128xf32, #tpu.memory_space<hbm>>
    %dma_wait3A_280 = arith.constant 0 : i32
    %dma_wait3A_281 = tpu.memref_slice %arg5[%arg0, %add3A_276, %dma_wait3A_280] : memref<2x10240x128xf32, #tpu.memory_space<hbm>> -> memref<1x64x128xf32, #tpu.memory_space<hbm>>
    %dma_wait3A_282 = tpu.memref_squeeze %dma_wait3A_281 : memref<1x64x128xf32, #tpu.memory_space<hbm>> -> memref<64x128xf32, #tpu.memory_space<hbm>>
    tpu.wait_dma2 semaphore(%arg21 : memref<!tpu.dma_semaphore, #tpu.memory_space<semaphore_mem>>) src(%arg13 : memref<64x128xf32, #tpu.memory_space<vmem>>) dst(%dma_wait3A_282 : memref<64x128xf32, #tpu.memory_space<hbm>>)
    %mul3A_283 = arith.constant 640 : i32
    %mul3A_284 = arith.muli %arg1, %mul3A_283 : i32
    %add3A_285 = arith.constant 320 : i32
    %add3A_286 = arith.addi %mul3A_284, %add3A_285 : i32
    "tpu.region"() ({
      %run_scoped3A = tpu.sem_alloc : memref<!tpu.dma_semaphore, #tpu.memory_space<semaphore_mem>>
      %dma_start3A_433 = arith.constant 0 : i32
      %dma_start3A_434 = tpu.memref_slice %arg6[%add3A_286, %dma_start3A_433] : memref<10240x128xf32, #tpu.memory_space<vmem_shared>> -> memref<64x128xf32, #tpu.memory_space<vmem_shared>>
      %dma_start3A_435 = arith.constant 0 : i32
      %dma_start3A_436 = tpu.memref_slice %arg6[%add3A_286, %dma_start3A_435] : memref<10240x128xf32, #tpu.memory_space<vmem_shared>> -> memref<64x128xf32, #tpu.memory_space<vmem_shared>>
      tpu.enqueue_dma source(%dma_start3A_436 : memref<64x128xf32, #tpu.memory_space<vmem_shared>>) target(%arg13 : memref<64x128xf32, #tpu.memory_space<vmem>>) target_semaphore(%run_scoped3A : memref<!tpu.dma_semaphore, #tpu.memory_space<semaphore_mem>>)
      %dma_wait3A_437 = arith.constant 0 : i32
      %dma_wait3A_438 = tpu.memref_slice %arg6[%add3A_286, %dma_wait3A_437] : memref<10240x128xf32, #tpu.memory_space<vmem_shared>> -> memref<64x128xf32, #tpu.memory_space<vmem_shared>>
      %dma_wait3A_439 = arith.constant 0 : i32
      %dma_wait3A_440 = tpu.memref_slice %arg6[%add3A_286, %dma_wait3A_439] : memref<10240x128xf32, #tpu.memory_space<vmem_shared>> -> memref<64x128xf32, #tpu.memory_space<vmem_shared>>
      tpu.wait_dma2 semaphore(%run_scoped3A : memref<!tpu.dma_semaphore, #tpu.memory_space<semaphore_mem>>) src(%dma_wait3A_440 : memref<64x128xf32, #tpu.memory_space<vmem_shared>>) dst(%arg13 : memref<64x128xf32, #tpu.memory_space<vmem>>)
      tpu.yield
    }) : () -> ()
    %mul3A_287 = arith.constant 640 : i32
    %mul3A_288 = arith.muli %arg1, %mul3A_287 : i32
    %add3A_289 = arith.constant 320 : i32
    %add3A_290 = arith.addi %mul3A_288, %add3A_289 : i32
    %dma_start3A_291 = arith.constant 0 : i32
    %dma_start3A_292 = tpu.memref_slice %arg5[%arg0, %add3A_290, %dma_start3A_291] : memref<2x10240x128xf32, #tpu.memory_space<hbm>> -> memref<1x64x128xf32, #tpu.memory_space<hbm>>
    %dma_start3A_293 = tpu.memref_squeeze %dma_start3A_292 : memref<1x64x128xf32, #tpu.memory_space<hbm>> -> memref<64x128xf32, #tpu.memory_space<hbm>>
    %dma_start3A_294 = arith.constant 0 : i32
    %dma_start3A_295 = tpu.memref_slice %arg5[%arg0, %add3A_290, %dma_start3A_294] : memref<2x10240x128xf32, #tpu.memory_space<hbm>> -> memref<1x64x128xf32, #tpu.memory_space<hbm>>
    %dma_start3A_296 = tpu.memref_squeeze %dma_start3A_295 : memref<1x64x128xf32, #tpu.memory_space<hbm>> -> memref<64x128xf32, #tpu.memory_space<hbm>>
    tpu.enqueue_dma source(%arg13 : memref<64x128xf32, #tpu.memory_space<vmem>>) target(%dma_start3A_296 : memref<64x128xf32, #tpu.memory_space<hbm>>) target_semaphore(%arg21 : memref<!tpu.dma_semaphore, #tpu.memory_space<semaphore_mem>>)
    %mul3A_297 = arith.constant 640 : i32
    %mul3A_298 = arith.muli %arg1, %mul3A_297 : i32
    %add3A_299 = arith.constant 128 : i32
    %add3A_300 = arith.addi %mul3A_298, %add3A_299 : i32
    %dma_wait3A_301 = arith.constant 0 : i32
    %dma_wait3A_302 = tpu.memref_slice %arg5[%arg0, %add3A_300, %dma_wait3A_301] : memref<2x10240x128xf32, #tpu.memory_space<hbm>> -> memref<1x64x128xf32, #tpu.memory_space<hbm>>
    %dma_wait3A_303 = tpu.memref_squeeze %dma_wait3A_302 : memref<1x64x128xf32, #tpu.memory_space<hbm>> -> memref<64x128xf32, #tpu.memory_space<hbm>>
    %dma_wait3A_304 = arith.constant 0 : i32
    %dma_wait3A_305 = tpu.memref_slice %arg5[%arg0, %add3A_300, %dma_wait3A_304] : memref<2x10240x128xf32, #tpu.memory_space<hbm>> -> memref<1x64x128xf32, #tpu.memory_space<hbm>>
    %dma_wait3A_306 = tpu.memref_squeeze %dma_wait3A_305 : memref<1x64x128xf32, #tpu.memory_space<hbm>> -> memref<64x128xf32, #tpu.memory_space<hbm>>
    tpu.wait_dma2 semaphore(%arg22 : memref<!tpu.dma_semaphore, #tpu.memory_space<semaphore_mem>>) src(%arg14 : memref<64x128xf32, #tpu.memory_space<vmem>>) dst(%dma_wait3A_306 : memref<64x128xf32, #tpu.memory_space<hbm>>)
    %mul3A_307 = arith.constant 640 : i32
    %mul3A_308 = arith.muli %arg1, %mul3A_307 : i32
    %add3A_309 = arith.constant 384 : i32
    %add3A_310 = arith.addi %mul3A_308, %add3A_309 : i32
    "tpu.region"() ({
      %run_scoped3A = tpu.sem_alloc : memref<!tpu.dma_semaphore, #tpu.memory_space<semaphore_mem>>
      %dma_start3A_433 = arith.constant 0 : i32
      %dma_start3A_434 = tpu.memref_slice %arg6[%add3A_310, %dma_start3A_433] : memref<10240x128xf32, #tpu.memory_space<vmem_shared>> -> memref<64x128xf32, #tpu.memory_space<vmem_shared>>
      %dma_start3A_435 = arith.constant 0 : i32
      %dma_start3A_436 = tpu.memref_slice %arg6[%add3A_310, %dma_start3A_435] : memref<10240x128xf32, #tpu.memory_space<vmem_shared>> -> memref<64x128xf32, #tpu.memory_space<vmem_shared>>
      tpu.enqueue_dma source(%dma_start3A_436 : memref<64x128xf32, #tpu.memory_space<vmem_shared>>) target(%arg14 : memref<64x128xf32, #tpu.memory_space<vmem>>) target_semaphore(%run_scoped3A : memref<!tpu.dma_semaphore, #tpu.memory_space<semaphore_mem>>)
      %dma_wait3A_437 = arith.constant 0 : i32
      %dma_wait3A_438 = tpu.memref_slice %arg6[%add3A_310, %dma_wait3A_437] : memref<10240x128xf32, #tpu.memory_space<vmem_shared>> -> memref<64x128xf32, #tpu.memory_space<vmem_shared>>
      %dma_wait3A_439 = arith.constant 0 : i32
      %dma_wait3A_440 = tpu.memref_slice %arg6[%add3A_310, %dma_wait3A_439] : memref<10240x128xf32, #tpu.memory_space<vmem_shared>> -> memref<64x128xf32, #tpu.memory_space<vmem_shared>>
      tpu.wait_dma2 semaphore(%run_scoped3A : memref<!tpu.dma_semaphore, #tpu.memory_space<semaphore_mem>>) src(%dma_wait3A_440 : memref<64x128xf32, #tpu.memory_space<vmem_shared>>) dst(%arg14 : memref<64x128xf32, #tpu.memory_space<vmem>>)
      tpu.yield
    }) : () -> ()
    %mul3A_311 = arith.constant 640 : i32
    %mul3A_312 = arith.muli %arg1, %mul3A_311 : i32
    %add3A_313 = arith.constant 384 : i32
    %add3A_314 = arith.addi %mul3A_312, %add3A_313 : i32
    %dma_start3A_315 = arith.constant 0 : i32
    %dma_start3A_316 = tpu.memref_slice %arg5[%arg0, %add3A_314, %dma_start3A_315] : memref<2x10240x128xf32, #tpu.memory_space<hbm>> -> memref<1x64x128xf32, #tpu.memory_space<hbm>>
    %dma_start3A_317 = tpu.memref_squeeze %dma_start3A_316 : memref<1x64x128xf32, #tpu.memory_space<hbm>> -> memref<64x128xf32, #tpu.memory_space<hbm>>
    %dma_start3A_318 = arith.constant 0 : i32
    %dma_start3A_319 = tpu.memref_slice %arg5[%arg0, %add3A_314, %dma_start3A_318] : memref<2x10240x128xf32, #tpu.memory_space<hbm>> -> memref<1x64x128xf32, #tpu.memory_space<hbm>>
    %dma_start3A_320 = tpu.memref_squeeze %dma_start3A_319 : memref<1x64x128xf32, #tpu.memory_space<hbm>> -> memref<64x128xf32, #tpu.memory_space<hbm>>
    tpu.enqueue_dma source(%arg14 : memref<64x128xf32, #tpu.memory_space<vmem>>) target(%dma_start3A_320 : memref<64x128xf32, #tpu.memory_space<hbm>>) target_semaphore(%arg22 : memref<!tpu.dma_semaphore, #tpu.memory_space<semaphore_mem>>)
    %mul3A_321 = arith.constant 640 : i32
    %mul3A_322 = arith.muli %arg1, %mul3A_321 : i32
    %add3A_323 = arith.constant 192 : i32
    %add3A_324 = arith.addi %mul3A_322, %add3A_323 : i32
    %dma_wait3A_325 = arith.constant 0 : i32
    %dma_wait3A_326 = tpu.memref_slice %arg5[%arg0, %add3A_324, %dma_wait3A_325] : memref<2x10240x128xf32, #tpu.memory_space<hbm>> -> memref<1x64x128xf32, #tpu.memory_space<hbm>>
    %dma_wait3A_327 = tpu.memref_squeeze %dma_wait3A_326 : memref<1x64x128xf32, #tpu.memory_space<hbm>> -> memref<64x128xf32, #tpu.memory_space<hbm>>
    %dma_wait3A_328 = arith.constant 0 : i32
    %dma_wait3A_329 = tpu.memref_slice %arg5[%arg0, %add3A_324, %dma_wait3A_328] : memref<2x10240x128xf32, #tpu.memory_space<hbm>> -> memref<1x64x128xf32, #tpu.memory_space<hbm>>
    %dma_wait3A_330 = tpu.memref_squeeze %dma_wait3A_329 : memref<1x64x128xf32, #tpu.memory_space<hbm>> -> memref<64x128xf32, #tpu.memory_space<hbm>>
    tpu.wait_dma2 semaphore(%arg23 : memref<!tpu.dma_semaphore, #tpu.memory_space<semaphore_mem>>) src(%arg15 : memref<64x128xf32, #tpu.memory_space<vmem>>) dst(%dma_wait3A_330 : memref<64x128xf32, #tpu.memory_space<hbm>>)
    %mul3A_331 = arith.constant 640 : i32
    %mul3A_332 = arith.muli %arg1, %mul3A_331 : i32
    %add3A_333 = arith.constant 448 : i32
    %add3A_334 = arith.addi %mul3A_332, %add3A_333 : i32
    "tpu.region"() ({
      %run_scoped3A = tpu.sem_alloc : memref<!tpu.dma_semaphore, #tpu.memory_space<semaphore_mem>>
      %dma_start3A_433 = arith.constant 0 : i32
      %dma_start3A_434 = tpu.memref_slice %arg6[%add3A_334, %dma_start3A_433] : memref<10240x128xf32, #tpu.memory_space<vmem_shared>> -> memref<64x128xf32, #tpu.memory_space<vmem_shared>>
      %dma_start3A_435 = arith.constant 0 : i32
      %dma_start3A_436 = tpu.memref_slice %arg6[%add3A_334, %dma_start3A_435] : memref<10240x128xf32, #tpu.memory_space<vmem_shared>> -> memref<64x128xf32, #tpu.memory_space<vmem_shared>>
      tpu.enqueue_dma source(%dma_start3A_436 : memref<64x128xf32, #tpu.memory_space<vmem_shared>>) target(%arg15 : memref<64x128xf32, #tpu.memory_space<vmem>>) target_semaphore(%run_scoped3A : memref<!tpu.dma_semaphore, #tpu.memory_space<semaphore_mem>>)
      %dma_wait3A_437 = arith.constant 0 : i32
      %dma_wait3A_438 = tpu.memref_slice %arg6[%add3A_334, %dma_wait3A_437] : memref<10240x128xf32, #tpu.memory_space<vmem_shared>> -> memref<64x128xf32, #tpu.memory_space<vmem_shared>>
      %dma_wait3A_439 = arith.constant 0 : i32
      %dma_wait3A_440 = tpu.memref_slice %arg6[%add3A_334, %dma_wait3A_439] : memref<10240x128xf32, #tpu.memory_space<vmem_shared>> -> memref<64x128xf32, #tpu.memory_space<vmem_shared>>
      tpu.wait_dma2 semaphore(%run_scoped3A : memref<!tpu.dma_semaphore, #tpu.memory_space<semaphore_mem>>) src(%dma_wait3A_440 : memref<64x128xf32, #tpu.memory_space<vmem_shared>>) dst(%arg15 : memref<64x128xf32, #tpu.memory_space<vmem>>)
      tpu.yield
    }) : () -> ()
    %mul3A_335 = arith.constant 640 : i32
    %mul3A_336 = arith.muli %arg1, %mul3A_335 : i32
    %add3A_337 = arith.constant 448 : i32
    %add3A_338 = arith.addi %mul3A_336, %add3A_337 : i32
    %dma_start3A_339 = arith.constant 0 : i32
    %dma_start3A_340 = tpu.memref_slice %arg5[%arg0, %add3A_338, %dma_start3A_339] : memref<2x10240x128xf32, #tpu.memory_space<hbm>> -> memref<1x64x128xf32, #tpu.memory_space<hbm>>
    %dma_start3A_341 = tpu.memref_squeeze %dma_start3A_340 : memref<1x64x128xf32, #tpu.memory_space<hbm>> -> memref<64x128xf32, #tpu.memory_space<hbm>>
    %dma_start3A_342 = arith.constant 0 : i32
    %dma_start3A_343 = tpu.memref_slice %arg5[%arg0, %add3A_338, %dma_start3A_342] : memref<2x10240x128xf32, #tpu.memory_space<hbm>> -> memref<1x64x128xf32, #tpu.memory_space<hbm>>
    %dma_start3A_344 = tpu.memref_squeeze %dma_start3A_343 : memref<1x64x128xf32, #tpu.memory_space<hbm>> -> memref<64x128xf32, #tpu.memory_space<hbm>>
    tpu.enqueue_dma source(%arg15 : memref<64x128xf32, #tpu.memory_space<vmem>>) target(%dma_start3A_344 : memref<64x128xf32, #tpu.memory_space<hbm>>) target_semaphore(%arg23 : memref<!tpu.dma_semaphore, #tpu.memory_space<semaphore_mem>>)
    %mul3A_345 = arith.constant 640 : i32
    %mul3A_346 = arith.muli %arg1, %mul3A_345 : i32
    %add3A_347 = arith.constant 256 : i32
    %add3A_348 = arith.addi %mul3A_346, %add3A_347 : i32
    %dma_wait3A_349 = arith.constant 0 : i32
    %dma_wait3A_350 = tpu.memref_slice %arg5[%arg0, %add3A_348, %dma_wait3A_349] : memref<2x10240x128xf32, #tpu.memory_space<hbm>> -> memref<1x64x128xf32, #tpu.memory_space<hbm>>
    %dma_wait3A_351 = tpu.memref_squeeze %dma_wait3A_350 : memref<1x64x128xf32, #tpu.memory_space<hbm>> -> memref<64x128xf32, #tpu.memory_space<hbm>>
    %dma_wait3A_352 = arith.constant 0 : i32
    %dma_wait3A_353 = tpu.memref_slice %arg5[%arg0, %add3A_348, %dma_wait3A_352] : memref<2x10240x128xf32, #tpu.memory_space<hbm>> -> memref<1x64x128xf32, #tpu.memory_space<hbm>>
    %dma_wait3A_354 = tpu.memref_squeeze %dma_wait3A_353 : memref<1x64x128xf32, #tpu.memory_space<hbm>> -> memref<64x128xf32, #tpu.memory_space<hbm>>
    tpu.wait_dma2 semaphore(%arg20 : memref<!tpu.dma_semaphore, #tpu.memory_space<semaphore_mem>>) src(%arg12 : memref<64x128xf32, #tpu.memory_space<vmem>>) dst(%dma_wait3A_354 : memref<64x128xf32, #tpu.memory_space<hbm>>)
    %mul3A_355 = arith.constant 640 : i32
    %mul3A_356 = arith.muli %arg1, %mul3A_355 : i32
    %add3A_357 = arith.constant 512 : i32
    %add3A_358 = arith.addi %mul3A_356, %add3A_357 : i32
    "tpu.region"() ({
      %run_scoped3A = tpu.sem_alloc : memref<!tpu.dma_semaphore, #tpu.memory_space<semaphore_mem>>
      %dma_start3A_433 = arith.constant 0 : i32
      %dma_start3A_434 = tpu.memref_slice %arg6[%add3A_358, %dma_start3A_433] : memref<10240x128xf32, #tpu.memory_space<vmem_shared>> -> memref<64x128xf32, #tpu.memory_space<vmem_shared>>
      %dma_start3A_435 = arith.constant 0 : i32
      %dma_start3A_436 = tpu.memref_slice %arg6[%add3A_358, %dma_start3A_435] : memref<10240x128xf32, #tpu.memory_space<vmem_shared>> -> memref<64x128xf32, #tpu.memory_space<vmem_shared>>
      tpu.enqueue_dma source(%dma_start3A_436 : memref<64x128xf32, #tpu.memory_space<vmem_shared>>) target(%arg12 : memref<64x128xf32, #tpu.memory_space<vmem>>) target_semaphore(%run_scoped3A : memref<!tpu.dma_semaphore, #tpu.memory_space<semaphore_mem>>)
      %dma_wait3A_437 = arith.constant 0 : i32
      %dma_wait3A_438 = tpu.memref_slice %arg6[%add3A_358, %dma_wait3A_437] : memref<10240x128xf32, #tpu.memory_space<vmem_shared>> -> memref<64x128xf32, #tpu.memory_space<vmem_shared>>
      %dma_wait3A_439 = arith.constant 0 : i32
      %dma_wait3A_440 = tpu.memref_slice %arg6[%add3A_358, %dma_wait3A_439] : memref<10240x128xf32, #tpu.memory_space<vmem_shared>> -> memref<64x128xf32, #tpu.memory_space<vmem_shared>>
      tpu.wait_dma2 semaphore(%run_scoped3A : memref<!tpu.dma_semaphore, #tpu.memory_space<semaphore_mem>>) src(%dma_wait3A_440 : memref<64x128xf32, #tpu.memory_space<vmem_shared>>) dst(%arg12 : memref<64x128xf32, #tpu.memory_space<vmem>>)
      tpu.yield
    }) : () -> ()
    %mul3A_359 = arith.constant 640 : i32
    %mul3A_360 = arith.muli %arg1, %mul3A_359 : i32
    %add3A_361 = arith.constant 512 : i32
    %add3A_362 = arith.addi %mul3A_360, %add3A_361 : i32
    %dma_start3A_363 = arith.constant 0 : i32
    %dma_start3A_364 = tpu.memref_slice %arg5[%arg0, %add3A_362, %dma_start3A_363] : memref<2x10240x128xf32, #tpu.memory_space<hbm>> -> memref<1x64x128xf32, #tpu.memory_space<hbm>>
    %dma_start3A_365 = tpu.memref_squeeze %dma_start3A_364 : memref<1x64x128xf32, #tpu.memory_space<hbm>> -> memref<64x128xf32, #tpu.memory_space<hbm>>
    %dma_start3A_366 = arith.constant 0 : i32
    %dma_start3A_367 = tpu.memref_slice %arg5[%arg0, %add3A_362, %dma_start3A_366] : memref<2x10240x128xf32, #tpu.memory_space<hbm>> -> memref<1x64x128xf32, #tpu.memory_space<hbm>>
    %dma_start3A_368 = tpu.memref_squeeze %dma_start3A_367 : memref<1x64x128xf32, #tpu.memory_space<hbm>> -> memref<64x128xf32, #tpu.memory_space<hbm>>
    tpu.enqueue_dma source(%arg12 : memref<64x128xf32, #tpu.memory_space<vmem>>) target(%dma_start3A_368 : memref<64x128xf32, #tpu.memory_space<hbm>>) target_semaphore(%arg20 : memref<!tpu.dma_semaphore, #tpu.memory_space<semaphore_mem>>)
    %mul3A_369 = arith.constant 640 : i32
    %mul3A_370 = arith.muli %arg1, %mul3A_369 : i32
    %add3A_371 = arith.constant 320 : i32
    %add3A_372 = arith.addi %mul3A_370, %add3A_371 : i32
    %dma_wait3A_373 = arith.constant 0 : i32
    %dma_wait3A_374 = tpu.memref_slice %arg5[%arg0, %add3A_372, %dma_wait3A_373] : memref<2x10240x128xf32, #tpu.memory_space<hbm>> -> memref<1x64x128xf32, #tpu.memory_space<hbm>>
    %dma_wait3A_375 = tpu.memref_squeeze %dma_wait3A_374 : memref<1x64x128xf32, #tpu.memory_space<hbm>> -> memref<64x128xf32, #tpu.memory_space<hbm>>
    %dma_wait3A_376 = arith.constant 0 : i32
    %dma_wait3A_377 = tpu.memref_slice %arg5[%arg0, %add3A_372, %dma_wait3A_376] : memref<2x10240x128xf32, #tpu.memory_space<hbm>> -> memref<1x64x128xf32, #tpu.memory_space<hbm>>
    %dma_wait3A_378 = tpu.memref_squeeze %dma_wait3A_377 : memref<1x64x128xf32, #tpu.memory_space<hbm>> -> memref<64x128xf32, #tpu.memory_space<hbm>>
    tpu.wait_dma2 semaphore(%arg21 : memref<!tpu.dma_semaphore, #tpu.memory_space<semaphore_mem>>) src(%arg13 : memref<64x128xf32, #tpu.memory_space<vmem>>) dst(%dma_wait3A_378 : memref<64x128xf32, #tpu.memory_space<hbm>>)
    %mul3A_379 = arith.constant 640 : i32
    %mul3A_380 = arith.muli %arg1, %mul3A_379 : i32
    %add3A_381 = arith.constant 576 : i32
    %add3A_382 = arith.addi %mul3A_380, %add3A_381 : i32
    "tpu.region"() ({
      %run_scoped3A = tpu.sem_alloc : memref<!tpu.dma_semaphore, #tpu.memory_space<semaphore_mem>>
      %dma_start3A_433 = arith.constant 0 : i32
      %dma_start3A_434 = tpu.memref_slice %arg6[%add3A_382, %dma_start3A_433] : memref<10240x128xf32, #tpu.memory_space<vmem_shared>> -> memref<64x128xf32, #tpu.memory_space<vmem_shared>>
      %dma_start3A_435 = arith.constant 0 : i32
      %dma_start3A_436 = tpu.memref_slice %arg6[%add3A_382, %dma_start3A_435] : memref<10240x128xf32, #tpu.memory_space<vmem_shared>> -> memref<64x128xf32, #tpu.memory_space<vmem_shared>>
      tpu.enqueue_dma source(%dma_start3A_436 : memref<64x128xf32, #tpu.memory_space<vmem_shared>>) target(%arg13 : memref<64x128xf32, #tpu.memory_space<vmem>>) target_semaphore(%run_scoped3A : memref<!tpu.dma_semaphore, #tpu.memory_space<semaphore_mem>>)
      %dma_wait3A_437 = arith.constant 0 : i32
      %dma_wait3A_438 = tpu.memref_slice %arg6[%add3A_382, %dma_wait3A_437] : memref<10240x128xf32, #tpu.memory_space<vmem_shared>> -> memref<64x128xf32, #tpu.memory_space<vmem_shared>>
      %dma_wait3A_439 = arith.constant 0 : i32
      %dma_wait3A_440 = tpu.memref_slice %arg6[%add3A_382, %dma_wait3A_439] : memref<10240x128xf32, #tpu.memory_space<vmem_shared>> -> memref<64x128xf32, #tpu.memory_space<vmem_shared>>
      tpu.wait_dma2 semaphore(%run_scoped3A : memref<!tpu.dma_semaphore, #tpu.memory_space<semaphore_mem>>) src(%dma_wait3A_440 : memref<64x128xf32, #tpu.memory_space<vmem_shared>>) dst(%arg13 : memref<64x128xf32, #tpu.memory_space<vmem>>)
      tpu.yield
    }) : () -> ()
    %mul3A_383 = arith.constant 640 : i32
    %mul3A_384 = arith.muli %arg1, %mul3A_383 : i32
    %add3A_385 = arith.constant 576 : i32
    %add3A_386 = arith.addi %mul3A_384, %add3A_385 : i32
    %dma_start3A_387 = arith.constant 0 : i32
    %dma_start3A_388 = tpu.memref_slice %arg5[%arg0, %add3A_386, %dma_start3A_387] : memref<2x10240x128xf32, #tpu.memory_space<hbm>> -> memref<1x64x128xf32, #tpu.memory_space<hbm>>
    %dma_start3A_389 = tpu.memref_squeeze %dma_start3A_388 : memref<1x64x128xf32, #tpu.memory_space<hbm>> -> memref<64x128xf32, #tpu.memory_space<hbm>>
    %dma_start3A_390 = arith.constant 0 : i32
    %dma_start3A_391 = tpu.memref_slice %arg5[%arg0, %add3A_386, %dma_start3A_390] : memref<2x10240x128xf32, #tpu.memory_space<hbm>> -> memref<1x64x128xf32, #tpu.memory_space<hbm>>
    %dma_start3A_392 = tpu.memref_squeeze %dma_start3A_391 : memref<1x64x128xf32, #tpu.memory_space<hbm>> -> memref<64x128xf32, #tpu.memory_space<hbm>>
    tpu.enqueue_dma source(%arg13 : memref<64x128xf32, #tpu.memory_space<vmem>>) target(%dma_start3A_392 : memref<64x128xf32, #tpu.memory_space<hbm>>) target_semaphore(%arg21 : memref<!tpu.dma_semaphore, #tpu.memory_space<semaphore_mem>>)
    %mul3A_393 = arith.constant 640 : i32
    %mul3A_394 = arith.muli %arg1, %mul3A_393 : i32
    %add3A_395 = arith.constant 384 : i32
    %add3A_396 = arith.addi %mul3A_394, %add3A_395 : i32
    %dma_wait3A_397 = arith.constant 0 : i32
    %dma_wait3A_398 = tpu.memref_slice %arg5[%arg0, %add3A_396, %dma_wait3A_397] : memref<2x10240x128xf32, #tpu.memory_space<hbm>> -> memref<1x64x128xf32, #tpu.memory_space<hbm>>
    %dma_wait3A_399 = tpu.memref_squeeze %dma_wait3A_398 : memref<1x64x128xf32, #tpu.memory_space<hbm>> -> memref<64x128xf32, #tpu.memory_space<hbm>>
    %dma_wait3A_400 = arith.constant 0 : i32
    %dma_wait3A_401 = tpu.memref_slice %arg5[%arg0, %add3A_396, %dma_wait3A_400] : memref<2x10240x128xf32, #tpu.memory_space<hbm>> -> memref<1x64x128xf32, #tpu.memory_space<hbm>>
    %dma_wait3A_402 = tpu.memref_squeeze %dma_wait3A_401 : memref<1x64x128xf32, #tpu.memory_space<hbm>> -> memref<64x128xf32, #tpu.memory_space<hbm>>
    tpu.wait_dma2 semaphore(%arg22 : memref<!tpu.dma_semaphore, #tpu.memory_space<semaphore_mem>>) src(%arg14 : memref<64x128xf32, #tpu.memory_space<vmem>>) dst(%dma_wait3A_402 : memref<64x128xf32, #tpu.memory_space<hbm>>)
    %mul3A_403 = arith.constant 640 : i32
    %mul3A_404 = arith.muli %arg1, %mul3A_403 : i32
    %add3A_405 = arith.constant 448 : i32
    %add3A_406 = arith.addi %mul3A_404, %add3A_405 : i32
    %dma_wait3A_407 = arith.constant 0 : i32
    %dma_wait3A_408 = tpu.memref_slice %arg5[%arg0, %add3A_406, %dma_wait3A_407] : memref<2x10240x128xf32, #tpu.memory_space<hbm>> -> memref<1x64x128xf32, #tpu.memory_space<hbm>>
    %dma_wait3A_409 = tpu.memref_squeeze %dma_wait3A_408 : memref<1x64x128xf32, #tpu.memory_space<hbm>> -> memref<64x128xf32, #tpu.memory_space<hbm>>
    %dma_wait3A_410 = arith.constant 0 : i32
    %dma_wait3A_411 = tpu.memref_slice %arg5[%arg0, %add3A_406, %dma_wait3A_410] : memref<2x10240x128xf32, #tpu.memory_space<hbm>> -> memref<1x64x128xf32, #tpu.memory_space<hbm>>
    %dma_wait3A_412 = tpu.memref_squeeze %dma_wait3A_411 : memref<1x64x128xf32, #tpu.memory_space<hbm>> -> memref<64x128xf32, #tpu.memory_space<hbm>>
    tpu.wait_dma2 semaphore(%arg23 : memref<!tpu.dma_semaphore, #tpu.memory_space<semaphore_mem>>) src(%arg15 : memref<64x128xf32, #tpu.memory_space<vmem>>) dst(%dma_wait3A_412 : memref<64x128xf32, #tpu.memory_space<hbm>>)
    %mul3A_413 = arith.constant 640 : i32
    %mul3A_414 = arith.muli %arg1, %mul3A_413 : i32
    %add3A_415 = arith.constant 512 : i32
    %add3A_416 = arith.addi %mul3A_414, %add3A_415 : i32
    %dma_wait3A_417 = arith.constant 0 : i32
    %dma_wait3A_418 = tpu.memref_slice %arg5[%arg0, %add3A_416, %dma_wait3A_417] : memref<2x10240x128xf32, #tpu.memory_space<hbm>> -> memref<1x64x128xf32, #tpu.memory_space<hbm>>
    %dma_wait3A_419 = tpu.memref_squeeze %dma_wait3A_418 : memref<1x64x128xf32, #tpu.memory_space<hbm>> -> memref<64x128xf32, #tpu.memory_space<hbm>>
    %dma_wait3A_420 = arith.constant 0 : i32
    %dma_wait3A_421 = tpu.memref_slice %arg5[%arg0, %add3A_416, %dma_wait3A_420] : memref<2x10240x128xf32, #tpu.memory_space<hbm>> -> memref<1x64x128xf32, #tpu.memory_space<hbm>>
    %dma_wait3A_422 = tpu.memref_squeeze %dma_wait3A_421 : memref<1x64x128xf32, #tpu.memory_space<hbm>> -> memref<64x128xf32, #tpu.memory_space<hbm>>
    tpu.wait_dma2 semaphore(%arg20 : memref<!tpu.dma_semaphore, #tpu.memory_space<semaphore_mem>>) src(%arg12 : memref<64x128xf32, #tpu.memory_space<vmem>>) dst(%dma_wait3A_422 : memref<64x128xf32, #tpu.memory_space<hbm>>)
    %mul3A_423 = arith.constant 640 : i32
    %mul3A_424 = arith.muli %arg1, %mul3A_423 : i32
    %add3A_425 = arith.constant 576 : i32
    %add3A_426 = arith.addi %mul3A_424, %add3A_425 : i32
    %dma_wait3A_427 = arith.constant 0 : i32
    %dma_wait3A_428 = tpu.memref_slice %arg5[%arg0, %add3A_426, %dma_wait3A_427] : memref<2x10240x128xf32, #tpu.memory_space<hbm>> -> memref<1x64x128xf32, #tpu.memory_space<hbm>>
    %dma_wait3A_429 = tpu.memref_squeeze %dma_wait3A_428 : memref<1x64x128xf32, #tpu.memory_space<hbm>> -> memref<64x128xf32, #tpu.memory_space<hbm>>
    %dma_wait3A_430 = arith.constant 0 : i32
    %dma_wait3A_431 = tpu.memref_slice %arg5[%arg0, %add3A_426, %dma_wait3A_430] : memref<2x10240x128xf32, #tpu.memory_space<hbm>> -> memref<1x64x128xf32, #tpu.memory_space<hbm>>
    %dma_wait3A_432 = tpu.memref_squeeze %dma_wait3A_431 : memref<1x64x128xf32, #tpu.memory_space<hbm>> -> memref<64x128xf32, #tpu.memory_space<hbm>>
    tpu.wait_dma2 semaphore(%arg21 : memref<!tpu.dma_semaphore, #tpu.memory_space<semaphore_mem>>) src(%arg13 : memref<64x128xf32, #tpu.memory_space<vmem>>) dst(%dma_wait3A_432 : memref<64x128xf32, #tpu.memory_space<hbm>>)
    return
  }
}

#map = affine_map<(d0, d1) -> (0)>
module attributes {stable_mosaic.version = 14 : i64} {
  func.func @_sc_degree_body(%arg0: i32, %arg1: i32, %arg2: memref<327680xi32, #tpu.memory_space<hbm>>, %arg3: memref<10240xf32, #tpu.memory_space<hbm>>, %arg4: memref<10240xf32, #tpu.memory_space<vmem_shared>>, %arg5: memref<128xi32, #tpu.memory_space<vmem>>, %arg6: memref<128xf32, #tpu.memory_space<vmem>>, %arg7: memref<640xf32, #tpu.memory_space<vmem>>, %arg8: memref<!tpu.dma_semaphore, #tpu.memory_space<semaphore_mem>>) attributes {dimension_semantics = [#tpu.dimension_semantics<core_parallel>, #tpu.dimension_semantics<subcore_parallel>], iteration_bounds = array<i64: 2, 16>, scalar_prefetch = 0 : i64, scratch_operands = 5 : i64, tpu.core_type = #tpu.core_type<sc_vector_subcore>, window_params = [{transform_indices = #map}, {transform_indices = #map}]} {
    %eq3A = arith.constant 0 : i32
    %eq3A_0 = arith.cmpi eq, %arg0, %eq3A : i32
    %convert_element_type3A = arith.extui %eq3A_0 : i1 to i32
    %cond3A = arith.constant 0 : i32
    %cond3A_1 = arith.cmpi ne, %convert_element_type3A, %cond3A : i32
    scf.if %cond3A_1 {
      %scan3A = arith.constant 0 : i32
      %scan3A_2 = arith.constant 0 : i32
      %scan3A_3 = arith.constant 40 : i32
      %scan3A_4 = arith.addi %scan3A_2, %scan3A_3 : i32
      %scan3A_5 = arith.constant 1 : i32
      %scan3A_6 = scf.for %scan3A_32 = %scan3A_2 to %scan3A_4 step %scan3A_5 iter_args(%scan3A_33 = %scan3A) -> (i32)  : i32 {
        %broadcast_in_dim3A = arith.constant 0.000000e+00 : f32
        %broadcast_in_dim3A_34 = vector.broadcast %broadcast_in_dim3A : f32 to vector<16xf32>
        %mul3A_35 = arith.constant 16 : i32
        %mul3A_36 = arith.muli %scan3A_32, %mul3A_35 : i32
        %swap3A = arith.index_cast %mul3A_36 : i32 to index
        %swap3A_37 = tpu.vector_load %arg7[%swap3A] {strides = array<i32>} : memref<640xf32, #tpu.memory_space<vmem>>, vector<16xf32>,
        %swap3A_38 = vector.shape_cast %swap3A_37 : vector<16xf32> to vector<16xf32>
        %swap3A_39 = vector.shape_cast %broadcast_in_dim3A_34 : vector<16xf32> to vector<16xf32>
        tpu.vector_store %arg7[%swap3A], %swap3A_39 {strides = array<i32>} : memref<640xf32, #tpu.memory_space<vmem>>, vector<16xf32>,
        %scan3A_40 = arith.constant 0 : i32
        scf.yield %scan3A_40 : i32
      }
      %scan3A_7 = arith.constant 40 : i32
      %mul3A = arith.constant 640 : i32
      %mul3A_8 = arith.muli %arg1, %mul3A : i32
      "tpu.region"() ({
        %run_scoped3A = tpu.sem_alloc : memref<!tpu.dma_semaphore, #tpu.memory_space<semaphore_mem>>
        %dma_start3A = tpu.memref_slice %arg4[%mul3A_8] : memref<10240xf32, #tpu.memory_space<vmem_shared>> -> memref<640xf32, #tpu.memory_space<vmem_shared>>
        %dma_start3A_32 = tpu.memref_slice %arg4[%mul3A_8] : memref<10240xf32, #tpu.memory_space<vmem_shared>> -> memref<640xf32, #tpu.memory_space<vmem_shared>>
        tpu.enqueue_dma source(%arg7 : memref<640xf32, #tpu.memory_space<vmem>>) target(%dma_start3A_32 : memref<640xf32, #tpu.memory_space<vmem_shared>>) target_semaphore(%run_scoped3A : memref<!tpu.dma_semaphore, #tpu.memory_space<semaphore_mem>>)
        %dma_wait3A = tpu.memref_slice %arg4[%mul3A_8] : memref<10240xf32, #tpu.memory_space<vmem_shared>> -> memref<640xf32, #tpu.memory_space<vmem_shared>>
        %dma_wait3A_33 = tpu.memref_slice %arg4[%mul3A_8] : memref<10240xf32, #tpu.memory_space<vmem_shared>> -> memref<640xf32, #tpu.memory_space<vmem_shared>>
        tpu.wait_dma2 semaphore(%run_scoped3A : memref<!tpu.dma_semaphore, #tpu.memory_space<semaphore_mem>>) src(%arg7 : memref<640xf32, #tpu.memory_space<vmem>>) dst(%dma_wait3A_33 : memref<640xf32, #tpu.memory_space<vmem_shared>>)
        tpu.yield
      }) : () -> ()
      %scan3A_9 = arith.constant 0 : i32
      %scan3A_10 = arith.constant 0 : i32
      %scan3A_11 = arith.constant 8 : i32
      %scan3A_12 = arith.addi %scan3A_10, %scan3A_11 : i32
      %scan3A_13 = arith.constant 1 : i32
      %scan3A_14 = scf.for %scan3A_32 = %scan3A_10 to %scan3A_12 step %scan3A_13 iter_args(%scan3A_33 = %scan3A_9) -> (i32)  : i32 {
        %broadcast_in_dim3A = arith.constant 1.000000e+00 : f32
        %broadcast_in_dim3A_34 = vector.broadcast %broadcast_in_dim3A : f32 to vector<16xf32>
        %mul3A_35 = arith.constant 16 : i32
        %mul3A_36 = arith.muli %scan3A_32, %mul3A_35 : i32
        %swap3A = arith.index_cast %mul3A_36 : i32 to index
        %swap3A_37 = tpu.vector_load %arg6[%swap3A] {strides = array<i32>} : memref<128xf32, #tpu.memory_space<vmem>>, vector<16xf32>,
        %swap3A_38 = vector.shape_cast %swap3A_37 : vector<16xf32> to vector<16xf32>
        %swap3A_39 = vector.shape_cast %broadcast_in_dim3A_34 : vector<16xf32> to vector<16xf32>
        tpu.vector_store %arg6[%swap3A], %swap3A_39 {strides = array<i32>} : memref<128xf32, #tpu.memory_space<vmem>>, vector<16xf32>,
        %scan3A_40 = arith.constant 0 : i32
        scf.yield %scan3A_40 : i32
      }
      %scan3A_15 = arith.constant 8 : i32
      %barrier3A = arith.constant 0 : index
      tpu.barrier barrier_id(%barrier3A)
      %mul3A_16 = arith.constant 160 : i32
      %mul3A_17 = arith.muli %arg1, %mul3A_16 : i32
      %mul3A_18 = arith.constant 128 : i32
      %mul3A_19 = arith.muli %mul3A_17, %mul3A_18 : i32
      %scan3A_20 = arith.constant 0 : i32
      %scan3A_21 = arith.constant 0 : i32
      %scan3A_22 = arith.constant 160 : i32
      %scan3A_23 = arith.addi %scan3A_21, %scan3A_22 : i32
      %scan3A_24 = arith.constant 1 : i32
      %scan3A_25 = scf.for %scan3A_32 = %scan3A_21 to %scan3A_23 step %scan3A_24 iter_args(%scan3A_33 = %scan3A_20) -> (i32)  : i32 {
        %mul3A_34 = arith.constant 128 : i32
        %mul3A_35 = arith.muli %scan3A_32, %mul3A_34 : i32
        %add3A = arith.addi %mul3A_19, %mul3A_35 : i32
        "tpu.region"() ({
          %run_scoped3A = tpu.sem_alloc : memref<!tpu.dma_semaphore, #tpu.memory_space<semaphore_mem>>
          %dma_start3A = tpu.memref_slice %arg2[%add3A] : memref<327680xi32, #tpu.memory_space<hbm>> -> memref<128xi32, #tpu.memory_space<hbm>>
          %dma_start3A_37 = tpu.memref_slice %arg2[%add3A] : memref<327680xi32, #tpu.memory_space<hbm>> -> memref<128xi32, #tpu.memory_space<hbm>>
          tpu.enqueue_dma source(%dma_start3A_37 : memref<128xi32, #tpu.memory_space<hbm>>) target(%arg5 : memref<128xi32, #tpu.memory_space<vmem>>) target_semaphore(%run_scoped3A : memref<!tpu.dma_semaphore, #tpu.memory_space<semaphore_mem>>)
          %dma_wait3A = tpu.memref_slice %arg2[%add3A] : memref<327680xi32, #tpu.memory_space<hbm>> -> memref<128xi32, #tpu.memory_space<hbm>>
          %dma_wait3A_38 = tpu.memref_slice %arg2[%add3A] : memref<327680xi32, #tpu.memory_space<hbm>> -> memref<128xi32, #tpu.memory_space<hbm>>
          tpu.wait_dma2 semaphore(%run_scoped3A : memref<!tpu.dma_semaphore, #tpu.memory_space<semaphore_mem>>) src(%dma_wait3A_38 : memref<128xi32, #tpu.memory_space<hbm>>) dst(%arg5 : memref<128xi32, #tpu.memory_space<vmem>>)
          tpu.yield
        }) : () -> ()
        "tpu.region"() ({
          %run_scoped3A = tpu.sem_alloc : memref<!tpu.dma_semaphore, #tpu.memory_space<semaphore_mem>>
          %dma_start3A = arith.constant 0 : i32
          %dma_start3A_37 = tpu.memref_slice %arg4[%dma_start3A] : memref<10240xf32, #tpu.memory_space<vmem_shared>> -> memref<10240xf32, #tpu.memory_space<vmem_shared>>
          tpu.enqueue_indirect_dma source(%arg6 : memref<128xf32, #tpu.memory_space<vmem>>) target(%dma_start3A_37 : memref<10240xf32, #tpu.memory_space<vmem_shared>>) offsets(%arg5 : memref<128xi32, #tpu.memory_space<vmem>>) semaphore(%run_scoped3A : memref<!tpu.dma_semaphore, #tpu.memory_space<semaphore_mem>>) {add = true}
          %dma_wait3A = arith.constant 0 : i32
          %dma_wait3A_38 = tpu.memref_slice %arg4[%dma_wait3A] : memref<10240xf32, #tpu.memory_space<vmem_shared>> -> memref<10240xf32, #tpu.memory_space<vmem_shared>>
          tpu.wait_indirect_dma semaphore(%run_scoped3A : memref<!tpu.dma_semaphore, #tpu.memory_space<semaphore_mem>>) src(%arg6 : memref<128xf32, #tpu.memory_space<vmem>>) dst(%dma_wait3A_38 : memref<10240xf32, #tpu.memory_space<vmem_shared>>)
          tpu.yield
        }) : () -> ()
        %scan3A_36 = arith.constant 0 : i32
        scf.yield %scan3A_36 : i32
      }
      %scan3A_26 = arith.constant 160 : i32
      %barrier3A_27 = arith.constant 0 : index
      tpu.barrier barrier_id(%barrier3A_27)
      %mul3A_28 = arith.constant 640 : i32
      %mul3A_29 = arith.muli %arg1, %mul3A_28 : i32
      "tpu.region"() ({
        %run_scoped3A = tpu.sem_alloc : memref<!tpu.dma_semaphore, #tpu.memory_space<semaphore_mem>>
        %dma_start3A = tpu.memref_slice %arg4[%mul3A_29] : memref<10240xf32, #tpu.memory_space<vmem_shared>> -> memref<640xf32, #tpu.memory_space<vmem_shared>>
        %dma_start3A_32 = tpu.memref_slice %arg4[%mul3A_29] : memref<10240xf32, #tpu.memory_space<vmem_shared>> -> memref<640xf32, #tpu.memory_space<vmem_shared>>
        tpu.enqueue_dma source(%dma_start3A_32 : memref<640xf32, #tpu.memory_space<vmem_shared>>) target(%arg7 : memref<640xf32, #tpu.memory_space<vmem>>) target_semaphore(%run_scoped3A : memref<!tpu.dma_semaphore, #tpu.memory_space<semaphore_mem>>)
        %dma_wait3A = tpu.memref_slice %arg4[%mul3A_29] : memref<10240xf32, #tpu.memory_space<vmem_shared>> -> memref<640xf32, #tpu.memory_space<vmem_shared>>
        %dma_wait3A_33 = tpu.memref_slice %arg4[%mul3A_29] : memref<10240xf32, #tpu.memory_space<vmem_shared>> -> memref<640xf32, #tpu.memory_space<vmem_shared>>
        tpu.wait_dma2 semaphore(%run_scoped3A : memref<!tpu.dma_semaphore, #tpu.memory_space<semaphore_mem>>) src(%dma_wait3A_33 : memref<640xf32, #tpu.memory_space<vmem_shared>>) dst(%arg7 : memref<640xf32, #tpu.memory_space<vmem>>)
        tpu.yield
      }) : () -> ()
      %mul3A_30 = arith.constant 640 : i32
      %mul3A_31 = arith.muli %arg1, %mul3A_30 : i32
      "tpu.region"() ({
        %run_scoped3A = tpu.sem_alloc : memref<!tpu.dma_semaphore, #tpu.memory_space<semaphore_mem>>
        %dma_start3A = tpu.memref_slice %arg3[%mul3A_31] : memref<10240xf32, #tpu.memory_space<hbm>> -> memref<640xf32, #tpu.memory_space<hbm>>
        %dma_start3A_32 = tpu.memref_slice %arg3[%mul3A_31] : memref<10240xf32, #tpu.memory_space<hbm>> -> memref<640xf32, #tpu.memory_space<hbm>>
        tpu.enqueue_dma source(%arg7 : memref<640xf32, #tpu.memory_space<vmem>>) target(%dma_start3A_32 : memref<640xf32, #tpu.memory_space<hbm>>) target_semaphore(%run_scoped3A : memref<!tpu.dma_semaphore, #tpu.memory_space<semaphore_mem>>)
        %dma_wait3A = tpu.memref_slice %arg3[%mul3A_31] : memref<10240xf32, #tpu.memory_space<hbm>> -> memref<640xf32, #tpu.memory_space<hbm>>
        %dma_wait3A_33 = tpu.memref_slice %arg3[%mul3A_31] : memref<10240xf32, #tpu.memory_space<hbm>> -> memref<640xf32, #tpu.memory_space<hbm>>
        tpu.wait_dma2 semaphore(%run_scoped3A : memref<!tpu.dma_semaphore, #tpu.memory_space<semaphore_mem>>) src(%arg7 : memref<640xf32, #tpu.memory_space<vmem>>) dst(%dma_wait3A_33 : memref<640xf32, #tpu.memory_space<hbm>>)
        tpu.yield
      }) : () -> ()
    } else {
    }
    return
  }
}

#map = affine_map<(d0, d1) -> (0, 0)>
#map1 = affine_map<(d0, d1) -> (0)>
#map2 = affine_map<(d0, d1) -> (0, 0, 0)>
module attributes {stable_mosaic.version = 14 : i64} {
  func.func @_sc_aggregate_body(%arg0: i32, %arg1: i32, %arg2: memref<10000x128xf32, #tpu.memory_space<hbm>>, %arg3: memref<327680xi32, #tpu.memory_space<hbm>>, %arg4: memref<327680xi32, #tpu.memory_space<hbm>>, %arg5: memref<2x10240x128xf32, #tpu.memory_space<hbm>>, %arg6: memref<10240x128xf32, #tpu.memory_space<vmem_shared>>, %arg7: memref<10240xi32, #tpu.memory_space<vmem>>, %arg8: memref<64xi32, #tpu.memory_space<vmem>>, %arg9: memref<64xi32, #tpu.memory_space<vmem>>, %arg10: memref<64xi32, #tpu.memory_space<vmem>>, %arg11: memref<64xi32, #tpu.memory_space<vmem>>, %arg12: memref<64x128xf32, #tpu.memory_space<vmem>>, %arg13: memref<64x128xf32, #tpu.memory_space<vmem>>, %arg14: memref<64x128xf32, #tpu.memory_space<vmem>>, %arg15: memref<64x128xf32, #tpu.memory_space<vmem>>, %arg16: memref<!tpu.dma_semaphore, #tpu.memory_space<semaphore_mem>>, %arg17: memref<!tpu.dma_semaphore, #tpu.memory_space<semaphore_mem>>, %arg18: memref<!tpu.dma_semaphore, #tpu.memory_space<semaphore_mem>>, %arg19: memref<!tpu.dma_semaphore, #tpu.memory_space<semaphore_mem>>, %arg20: memref<!tpu.dma_semaphore, #tpu.memory_space<semaphore_mem>>, %arg21: memref<!tpu.dma_semaphore, #tpu.memory_space<semaphore_mem>>, %arg22: memref<!tpu.dma_semaphore, #tpu.memory_space<semaphore_mem>>, %arg23: memref<!tpu.dma_semaphore, #tpu.memory_space<semaphore_mem>>, %arg24: memref<!tpu.dma_semaphore, #tpu.memory_space<semaphore_mem>>, %arg25: memref<!tpu.dma_semaphore, #tpu.memory_space<semaphore_mem>>, %arg26: memref<!tpu.dma_semaphore, #tpu.memory_space<semaphore_mem>>, %arg27: memref<!tpu.dma_semaphore, #tpu.memory_space<semaphore_mem>>) attributes {dimension_semantics = [#tpu.dimension_semantics<core_parallel>, #tpu.dimension_semantics<subcore_parallel>], iteration_bounds = array<i64: 2, 16>, scalar_prefetch = 0 : i64, scratch_operands = 22 : i64, tpu.core_type = #tpu.core_type<sc_vector_subcore>, window_params = [{transform_indices = #map}, {transform_indices = #map1}, {transform_indices = #map1}, {transform_indices = #map2}]} {
    %scan3A = arith.constant 0 : i32
    %scan3A_0 = arith.constant 0 : i32
    %scan3A_1 = arith.constant 64 : i32
    %scan3A_2 = arith.addi %scan3A_0, %scan3A_1 : i32
    %scan3A_3 = arith.constant 1 : i32
    %scan3A_4 = scf.for %scan3A_433 = %scan3A_0 to %scan3A_2 step %scan3A_3 iter_args(%scan3A_434 = %scan3A) -> (i32)  : i32 {
      %broadcast_in_dim3A = arith.constant 0.000000e+00 : f32
      %broadcast_in_dim3A_435 = vector.broadcast %broadcast_in_dim3A : f32 to vector<16xf32>
      %swap3A = arith.index_cast %scan3A_433 : i32 to index
      %swap3A_436 = arith.constant 0 : index
      %swap3A_437 = tpu.vector_load %arg12[%swap3A, %swap3A_436] {strides = array<i32>} : memref<64x128xf32, #tpu.memory_space<vmem>>, vector<1x16xf32>,
      %swap3A_438 = vector.shape_cast %swap3A_437 : vector<1x16xf32> to vector<16xf32>
      %swap3A_439 = vector.shape_cast %broadcast_in_dim3A_435 : vector<16xf32> to vector<1x16xf32>
      tpu.vector_store %arg12[%swap3A, %swap3A_436], %swap3A_439 {strides = array<i32>} : memref<64x128xf32, #tpu.memory_space<vmem>>, vector<1x16xf32>,
      %broadcast_in_dim3A_440 = arith.constant 0.000000e+00 : f32
      %broadcast_in_dim3A_441 = vector.broadcast %broadcast_in_dim3A_440 : f32 to vector<16xf32>
      %swap3A_442 = arith.index_cast %scan3A_433 : i32 to index
      %swap3A_443 = arith.constant 16 : index
      %swap3A_444 = tpu.vector_load %arg12[%swap3A_442, %swap3A_443] {strides = array<i32>} : memref<64x128xf32, #tpu.memory_space<vmem>>, vector<1x16xf32>,
      %swap3A_445 = vector.shape_cast %swap3A_444 : vector<1x16xf32> to vector<16xf32>
      %swap3A_446 = vector.shape_cast %broadcast_in_dim3A_441 : vector<16xf32> to vector<1x16xf32>
      tpu.vector_store %arg12[%swap3A_442, %swap3A_443], %swap3A_446 {strides = array<i32>} : memref<64x128xf32, #tpu.memory_space<vmem>>, vector<1x16xf32>,
      %broadcast_in_dim3A_447 = arith.constant 0.000000e+00 : f32
      %broadcast_in_dim3A_448 = vector.broadcast %broadcast_in_dim3A_447 : f32 to vector<16xf32>
      %swap3A_449 = arith.index_cast %scan3A_433 : i32 to index
      %swap3A_450 = arith.constant 32 : index
      %swap3A_451 = tpu.vector_load %arg12[%swap3A_449, %swap3A_450] {strides = array<i32>} : memref<64x128xf32, #tpu.memory_space<vmem>>, vector<1x16xf32>,
      %swap3A_452 = vector.shape_cast %swap3A_451 : vector<1x16xf32> to vector<16xf32>
      %swap3A_453 = vector.shape_cast %broadcast_in_dim3A_448 : vector<16xf32> to vector<1x16xf32>
      tpu.vector_store %arg12[%swap3A_449, %swap3A_450], %swap3A_453 {strides = array<i32>} : memref<64x128xf32, #tpu.memory_space<vmem>>, vector<1x16xf32>,
      %broadcast_in_dim3A_454 = arith.constant 0.000000e+00 : f32
      %broadcast_in_dim3A_455 = vector.broadcast %broadcast_in_dim3A_454 : f32 to vector<16xf32>
      %swap3A_456 = arith.index_cast %scan3A_433 : i32 to index
      %swap3A_457 = arith.constant 48 : index
      %swap3A_458 = tpu.vector_load %arg12[%swap3A_456, %swap3A_457] {strides = array<i32>} : memref<64x128xf32, #tpu.memory_space<vmem>>, vector<1x16xf32>,
      %swap3A_459 = vector.shape_cast %swap3A_458 : vector<1x16xf32> to vector<16xf32>
      %swap3A_460 = vector.shape_cast %broadcast_in_dim3A_455 : vector<16xf32> to vector<1x16xf32>
      tpu.vector_store %arg12[%swap3A_456, %swap3A_457], %swap3A_460 {strides = array<i32>} : memref<64x128xf32, #tpu.memory_space<vmem>>, vector<1x16xf32>,
      %broadcast_in_dim3A_461 = arith.constant 0.000000e+00 : f32
      %broadcast_in_dim3A_462 = vector.broadcast %broadcast_in_dim3A_461 : f32 to vector<16xf32>
      %swap3A_463 = arith.index_cast %scan3A_433 : i32 to index
      %swap3A_464 = arith.constant 64 : index
      %swap3A_465 = tpu.vector_load %arg12[%swap3A_463, %swap3A_464] {strides = array<i32>} : memref<64x128xf32, #tpu.memory_space<vmem>>, vector<1x16xf32>,
      %swap3A_466 = vector.shape_cast %swap3A_465 : vector<1x16xf32> to vector<16xf32>
      %swap3A_467 = vector.shape_cast %broadcast_in_dim3A_462 : vector<16xf32> to vector<1x16xf32>
      tpu.vector_store %arg12[%swap3A_463, %swap3A_464], %swap3A_467 {strides = array<i32>} : memref<64x128xf32, #tpu.memory_space<vmem>>, vector<1x16xf32>,
      %broadcast_in_dim3A_468 = arith.constant 0.000000e+00 : f32
      %broadcast_in_dim3A_469 = vector.broadcast %broadcast_in_dim3A_468 : f32 to vector<16xf32>
      %swap3A_470 = arith.index_cast %scan3A_433 : i32 to index
      %swap3A_471 = arith.constant 80 : index
      %swap3A_472 = tpu.vector_load %arg12[%swap3A_470, %swap3A_471] {strides = array<i32>} : memref<64x128xf32, #tpu.memory_space<vmem>>, vector<1x16xf32>,
      %swap3A_473 = vector.shape_cast %swap3A_472 : vector<1x16xf32> to vector<16xf32>
      %swap3A_474 = vector.shape_cast %broadcast_in_dim3A_469 : vector<16xf32> to vector<1x16xf32>
      tpu.vector_store %arg12[%swap3A_470, %swap3A_471], %swap3A_474 {strides = array<i32>} : memref<64x128xf32, #tpu.memory_space<vmem>>, vector<1x16xf32>,
      %broadcast_in_dim3A_475 = arith.constant 0.000000e+00 : f32
      %broadcast_in_dim3A_476 = vector.broadcast %broadcast_in_dim3A_475 : f32 to vector<16xf32>
      %swap3A_477 = arith.index_cast %scan3A_433 : i32 to index
      %swap3A_478 = arith.constant 96 : index
      %swap3A_479 = tpu.vector_load %arg12[%swap3A_477, %swap3A_478] {strides = array<i32>} : memref<64x128xf32, #tpu.memory_space<vmem>>, vector<1x16xf32>,
      %swap3A_480 = vector.shape_cast %swap3A_479 : vector<1x16xf32> to vector<16xf32>
      %swap3A_481 = vector.shape_cast %broadcast_in_dim3A_476 : vector<16xf32> to vector<1x16xf32>
      tpu.vector_store %arg12[%swap3A_477, %swap3A_478], %swap3A_481 {strides = array<i32>} : memref<64x128xf32, #tpu.memory_space<vmem>>, vector<1x16xf32>,
      %broadcast_in_dim3A_482 = arith.constant 0.000000e+00 : f32
      %broadcast_in_dim3A_483 = vector.broadcast %broadcast_in_dim3A_482 : f32 to vector<16xf32>
      %swap3A_484 = arith.index_cast %scan3A_433 : i32 to index
      %swap3A_485 = arith.constant 112 : index
      %swap3A_486 = tpu.vector_load %arg12[%swap3A_484, %swap3A_485] {strides = array<i32>} : memref<64x128xf32, #tpu.memory_space<vmem>>, vector<1x16xf32>,
      %swap3A_487 = vector.shape_cast %swap3A_486 : vector<1x16xf32> to vector<16xf32>
      %swap3A_488 = vector.shape_cast %broadcast_in_dim3A_483 : vector<16xf32> to vector<1x16xf32>
      tpu.vector_store %arg12[%swap3A_484, %swap3A_485], %swap3A_488 {strides = array<i32>} : memref<64x128xf32, #tpu.memory_space<vmem>>, vector<1x16xf32>,
      %scan3A_489 = arith.constant 0 : i32
      scf.yield %scan3A_489 : i32
    }
    %scan3A_5 = arith.constant 64 : i32
    %mul3A = arith.constant 640 : i32
    %mul3A_6 = arith.muli %arg1, %mul3A : i32
    %add3A = arith.constant 0 : i32
    %add3A_7 = arith.addi %mul3A_6, %add3A : i32
    %mul3A_8 = arith.constant 640 : i32
    %mul3A_9 = arith.muli %arg1, %mul3A_8 : i32
    %add3A_10 = arith.constant 64 : i32
    %add3A_11 = arith.addi %mul3A_9, %add3A_10 : i32
    %mul3A_12 = arith.constant 640 : i32
    %mul3A_13 = arith.muli %arg1, %mul3A_12 : i32
    %add3A_14 = arith.constant 128 : i32
    %add3A_15 = arith.addi %mul3A_13, %add3A_14 : i32
    %mul3A_16 = arith.constant 640 : i32
    %mul3A_17 = arith.muli %arg1, %mul3A_16 : i32
    %add3A_18 = arith.constant 192 : i32
    %add3A_19 = arith.addi %mul3A_17, %add3A_18 : i32
    %mul3A_20 = arith.constant 640 : i32
    %mul3A_21 = arith.muli %arg1, %mul3A_20 : i32
    %add3A_22 = arith.constant 256 : i32
    %add3A_23 = arith.addi %mul3A_21, %add3A_22 : i32
    %mul3A_24 = arith.constant 640 : i32
    %mul3A_25 = arith.muli %arg1, %mul3A_24 : i32
    %add3A_26 = arith.constant 320 : i32
    %add3A_27 = arith.addi %mul3A_25, %add3A_26 : i32
    %mul3A_28 = arith.constant 640 : i32
    %mul3A_29 = arith.muli %arg1, %mul3A_28 : i32
    %add3A_30 = arith.constant 384 : i32
    %add3A_31 = arith.addi %mul3A_29, %add3A_30 : i32
    %mul3A_32 = arith.constant 640 : i32
    %mul3A_33 = arith.muli %arg1, %mul3A_32 : i32
    %add3A_34 = arith.constant 448 : i32
    %add3A_35 = arith.addi %mul3A_33, %add3A_34 : i32
    %mul3A_36 = arith.constant 640 : i32
    %mul3A_37 = arith.muli %arg1, %mul3A_36 : i32
    %add3A_38 = arith.constant 512 : i32
    %add3A_39 = arith.addi %mul3A_37, %add3A_38 : i32
    %mul3A_40 = arith.constant 640 : i32
    %mul3A_41 = arith.muli %arg1, %mul3A_40 : i32
    %add3A_42 = arith.constant 576 : i32
    %add3A_43 = arith.addi %mul3A_41, %add3A_42 : i32
    %dma_start3A = arith.constant 0 : i32
    %dma_start3A_44 = tpu.memref_slice %arg6[%add3A_7, %dma_start3A] : memref<10240x128xf32, #tpu.memory_space<vmem_shared>> -> memref<64x128xf32, #tpu.memory_space<vmem_shared>>
    %dma_start3A_45 = arith.constant 0 : i32
    %dma_start3A_46 = tpu.memref_slice %arg6[%add3A_7, %dma_start3A_45] : memref<10240x128xf32, #tpu.memory_space<vmem_shared>> -> memref<64x128xf32, #tpu.memory_space<vmem_shared>>
    tpu.enqueue_dma source(%arg12 : memref<64x128xf32, #tpu.memory_space<vmem>>) target(%dma_start3A_46 : memref<64x128xf32, #tpu.memory_space<vmem_shared>>) target_semaphore(%arg20 : memref<!tpu.dma_semaphore, #tpu.memory_space<semaphore_mem>>)
    %dma_start3A_47 = arith.constant 0 : i32
    %dma_start3A_48 = tpu.memref_slice %arg6[%add3A_11, %dma_start3A_47] : memref<10240x128xf32, #tpu.memory_space<vmem_shared>> -> memref<64x128xf32, #tpu.memory_space<vmem_shared>>
    %dma_start3A_49 = arith.constant 0 : i32
    %dma_start3A_50 = tpu.memref_slice %arg6[%add3A_11, %dma_start3A_49] : memref<10240x128xf32, #tpu.memory_space<vmem_shared>> -> memref<64x128xf32, #tpu.memory_space<vmem_shared>>
    tpu.enqueue_dma source(%arg12 : memref<64x128xf32, #tpu.memory_space<vmem>>) target(%dma_start3A_50 : memref<64x128xf32, #tpu.memory_space<vmem_shared>>) target_semaphore(%arg20 : memref<!tpu.dma_semaphore, #tpu.memory_space<semaphore_mem>>)
    %dma_start3A_51 = arith.constant 0 : i32
    %dma_start3A_52 = tpu.memref_slice %arg6[%add3A_15, %dma_start3A_51] : memref<10240x128xf32, #tpu.memory_space<vmem_shared>> -> memref<64x128xf32, #tpu.memory_space<vmem_shared>>
    %dma_start3A_53 = arith.constant 0 : i32
    %dma_start3A_54 = tpu.memref_slice %arg6[%add3A_15, %dma_start3A_53] : memref<10240x128xf32, #tpu.memory_space<vmem_shared>> -> memref<64x128xf32, #tpu.memory_space<vmem_shared>>
    tpu.enqueue_dma source(%arg12 : memref<64x128xf32, #tpu.memory_space<vmem>>) target(%dma_start3A_54 : memref<64x128xf32, #tpu.memory_space<vmem_shared>>) target_semaphore(%arg20 : memref<!tpu.dma_semaphore, #tpu.memory_space<semaphore_mem>>)
    %dma_start3A_55 = arith.constant 0 : i32
    %dma_start3A_56 = tpu.memref_slice %arg6[%add3A_19, %dma_start3A_55] : memref<10240x128xf32, #tpu.memory_space<vmem_shared>> -> memref<64x128xf32, #tpu.memory_space<vmem_shared>>
    %dma_start3A_57 = arith.constant 0 : i32
    %dma_start3A_58 = tpu.memref_slice %arg6[%add3A_19, %dma_start3A_57] : memref<10240x128xf32, #tpu.memory_space<vmem_shared>> -> memref<64x128xf32, #tpu.memory_space<vmem_shared>>
    tpu.enqueue_dma source(%arg12 : memref<64x128xf32, #tpu.memory_space<vmem>>) target(%dma_start3A_58 : memref<64x128xf32, #tpu.memory_space<vmem_shared>>) target_semaphore(%arg20 : memref<!tpu.dma_semaphore, #tpu.memory_space<semaphore_mem>>)
    %dma_start3A_59 = arith.constant 0 : i32
    %dma_start3A_60 = tpu.memref_slice %arg6[%add3A_23, %dma_start3A_59] : memref<10240x128xf32, #tpu.memory_space<vmem_shared>> -> memref<64x128xf32, #tpu.memory_space<vmem_shared>>
    %dma_start3A_61 = arith.constant 0 : i32
    %dma_start3A_62 = tpu.memref_slice %arg6[%add3A_23, %dma_start3A_61] : memref<10240x128xf32, #tpu.memory_space<vmem_shared>> -> memref<64x128xf32, #tpu.memory_space<vmem_shared>>
    tpu.enqueue_dma source(%arg12 : memref<64x128xf32, #tpu.memory_space<vmem>>) target(%dma_start3A_62 : memref<64x128xf32, #tpu.memory_space<vmem_shared>>) target_semaphore(%arg20 : memref<!tpu.dma_semaphore, #tpu.memory_space<semaphore_mem>>)
    %dma_start3A_63 = arith.constant 0 : i32
    %dma_start3A_64 = tpu.memref_slice %arg6[%add3A_27, %dma_start3A_63] : memref<10240x128xf32, #tpu.memory_space<vmem_shared>> -> memref<64x128xf32, #tpu.memory_space<vmem_shared>>
    %dma_start3A_65 = arith.constant 0 : i32
    %dma_start3A_66 = tpu.memref_slice %arg6[%add3A_27, %dma_start3A_65] : memref<10240x128xf32, #tpu.memory_space<vmem_shared>> -> memref<64x128xf32, #tpu.memory_space<vmem_shared>>
    tpu.enqueue_dma source(%arg12 : memref<64x128xf32, #tpu.memory_space<vmem>>) target(%dma_start3A_66 : memref<64x128xf32, #tpu.memory_space<vmem_shared>>) target_semaphore(%arg20 : memref<!tpu.dma_semaphore, #tpu.memory_space<semaphore_mem>>)
    %dma_start3A_67 = arith.constant 0 : i32
    %dma_start3A_68 = tpu.memref_slice %arg6[%add3A_31, %dma_start3A_67] : memref<10240x128xf32, #tpu.memory_space<vmem_shared>> -> memref<64x128xf32, #tpu.memory_space<vmem_shared>>
    %dma_start3A_69 = arith.constant 0 : i32
    %dma_start3A_70 = tpu.memref_slice %arg6[%add3A_31, %dma_start3A_69] : memref<10240x128xf32, #tpu.memory_space<vmem_shared>> -> memref<64x128xf32, #tpu.memory_space<vmem_shared>>
    tpu.enqueue_dma source(%arg12 : memref<64x128xf32, #tpu.memory_space<vmem>>) target(%dma_start3A_70 : memref<64x128xf32, #tpu.memory_space<vmem_shared>>) target_semaphore(%arg20 : memref<!tpu.dma_semaphore, #tpu.memory_space<semaphore_mem>>)
    %dma_start3A_71 = arith.constant 0 : i32
    %dma_start3A_72 = tpu.memref_slice %arg6[%add3A_35, %dma_start3A_71] : memref<10240x128xf32, #tpu.memory_space<vmem_shared>> -> memref<64x128xf32, #tpu.memory_space<vmem_shared>>
    %dma_start3A_73 = arith.constant 0 : i32
    %dma_start3A_74 = tpu.memref_slice %arg6[%add3A_35, %dma_start3A_73] : memref<10240x128xf32, #tpu.memory_space<vmem_shared>> -> memref<64x128xf32, #tpu.memory_space<vmem_shared>>
    tpu.enqueue_dma source(%arg12 : memref<64x128xf32, #tpu.memory_space<vmem>>) target(%dma_start3A_74 : memref<64x128xf32, #tpu.memory_space<vmem_shared>>) target_semaphore(%arg20 : memref<!tpu.dma_semaphore, #tpu.memory_space<semaphore_mem>>)
    %dma_start3A_75 = arith.constant 0 : i32
    %dma_start3A_76 = tpu.memref_slice %arg6[%add3A_39, %dma_start3A_75] : memref<10240x128xf32, #tpu.memory_space<vmem_shared>> -> memref<64x128xf32, #tpu.memory_space<vmem_shared>>
    %dma_start3A_77 = arith.constant 0 : i32
    %dma_start3A_78 = tpu.memref_slice %arg6[%add3A_39, %dma_start3A_77] : memref<10240x128xf32, #tpu.memory_space<vmem_shared>> -> memref<64x128xf32, #tpu.memory_space<vmem_shared>>
    tpu.enqueue_dma source(%arg12 : memref<64x128xf32, #tpu.memory_space<vmem>>) target(%dma_start3A_78 : memref<64x128xf32, #tpu.memory_space<vmem_shared>>) target_semaphore(%arg20 : memref<!tpu.dma_semaphore, #tpu.memory_space<semaphore_mem>>)
    %dma_start3A_79 = arith.constant 0 : i32
    %dma_start3A_80 = tpu.memref_slice %arg6[%add3A_43, %dma_start3A_79] : memref<10240x128xf32, #tpu.memory_space<vmem_shared>> -> memref<64x128xf32, #tpu.memory_space<vmem_shared>>
    %dma_start3A_81 = arith.constant 0 : i32
    %dma_start3A_82 = tpu.memref_slice %arg6[%add3A_43, %dma_start3A_81] : memref<10240x128xf32, #tpu.memory_space<vmem_shared>> -> memref<64x128xf32, #tpu.memory_space<vmem_shared>>
    tpu.enqueue_dma source(%arg12 : memref<64x128xf32, #tpu.memory_space<vmem>>) target(%dma_start3A_82 : memref<64x128xf32, #tpu.memory_space<vmem_shared>>) target_semaphore(%arg20 : memref<!tpu.dma_semaphore, #tpu.memory_space<semaphore_mem>>)
    %dma_wait3A = arith.constant 0 : i32
    %dma_wait3A_83 = tpu.memref_slice %arg6[%add3A_7, %dma_wait3A] : memref<10240x128xf32, #tpu.memory_space<vmem_shared>> -> memref<64x128xf32, #tpu.memory_space<vmem_shared>>
    %dma_wait3A_84 = arith.constant 0 : i32
    %dma_wait3A_85 = tpu.memref_slice %arg6[%add3A_7, %dma_wait3A_84] : memref<10240x128xf32, #tpu.memory_space<vmem_shared>> -> memref<64x128xf32, #tpu.memory_space<vmem_shared>>
    tpu.wait_dma2 semaphore(%arg20 : memref<!tpu.dma_semaphore, #tpu.memory_space<semaphore_mem>>) src(%arg12 : memref<64x128xf32, #tpu.memory_space<vmem>>) dst(%dma_wait3A_85 : memref<64x128xf32, #tpu.memory_space<vmem_shared>>)
    %dma_wait3A_86 = arith.constant 0 : i32
    %dma_wait3A_87 = tpu.memref_slice %arg6[%add3A_11, %dma_wait3A_86] : memref<10240x128xf32, #tpu.memory_space<vmem_shared>> -> memref<64x128xf32, #tpu.memory_space<vmem_shared>>
    %dma_wait3A_88 = arith.constant 0 : i32
    %dma_wait3A_89 = tpu.memref_slice %arg6[%add3A_11, %dma_wait3A_88] : memref<10240x128xf32, #tpu.memory_space<vmem_shared>> -> memref<64x128xf32, #tpu.memory_space<vmem_shared>>
    tpu.wait_dma2 semaphore(%arg20 : memref<!tpu.dma_semaphore, #tpu.memory_space<semaphore_mem>>) src(%arg12 : memref<64x128xf32, #tpu.memory_space<vmem>>) dst(%dma_wait3A_89 : memref<64x128xf32, #tpu.memory_space<vmem_shared>>)
    %dma_wait3A_90 = arith.constant 0 : i32
    %dma_wait3A_91 = tpu.memref_slice %arg6[%add3A_15, %dma_wait3A_90] : memref<10240x128xf32, #tpu.memory_space<vmem_shared>> -> memref<64x128xf32, #tpu.memory_space<vmem_shared>>
    %dma_wait3A_92 = arith.constant 0 : i32
    %dma_wait3A_93 = tpu.memref_slice %arg6[%add3A_15, %dma_wait3A_92] : memref<10240x128xf32, #tpu.memory_space<vmem_shared>> -> memref<64x128xf32, #tpu.memory_space<vmem_shared>>
    tpu.wait_dma2 semaphore(%arg20 : memref<!tpu.dma_semaphore, #tpu.memory_space<semaphore_mem>>) src(%arg12 : memref<64x128xf32, #tpu.memory_space<vmem>>) dst(%dma_wait3A_93 : memref<64x128xf32, #tpu.memory_space<vmem_shared>>)
    %dma_wait3A_94 = arith.constant 0 : i32
    %dma_wait3A_95 = tpu.memref_slice %arg6[%add3A_19, %dma_wait3A_94] : memref<10240x128xf32, #tpu.memory_space<vmem_shared>> -> memref<64x128xf32, #tpu.memory_space<vmem_shared>>
    %dma_wait3A_96 = arith.constant 0 : i32
    %dma_wait3A_97 = tpu.memref_slice %arg6[%add3A_19, %dma_wait3A_96] : memref<10240x128xf32, #tpu.memory_space<vmem_shared>> -> memref<64x128xf32, #tpu.memory_space<vmem_shared>>
    tpu.wait_dma2 semaphore(%arg20 : memref<!tpu.dma_semaphore, #tpu.memory_space<semaphore_mem>>) src(%arg12 : memref<64x128xf32, #tpu.memory_space<vmem>>) dst(%dma_wait3A_97 : memref<64x128xf32, #tpu.memory_space<vmem_shared>>)
    %dma_wait3A_98 = arith.constant 0 : i32
    %dma_wait3A_99 = tpu.memref_slice %arg6[%add3A_23, %dma_wait3A_98] : memref<10240x128xf32, #tpu.memory_space<vmem_shared>> -> memref<64x128xf32, #tpu.memory_space<vmem_shared>>
    %dma_wait3A_100 = arith.constant 0 : i32
    %dma_wait3A_101 = tpu.memref_slice %arg6[%add3A_23, %dma_wait3A_100] : memref<10240x128xf32, #tpu.memory_space<vmem_shared>> -> memref<64x128xf32, #tpu.memory_space<vmem_shared>>
    tpu.wait_dma2 semaphore(%arg20 : memref<!tpu.dma_semaphore, #tpu.memory_space<semaphore_mem>>) src(%arg12 : memref<64x128xf32, #tpu.memory_space<vmem>>) dst(%dma_wait3A_101 : memref<64x128xf32, #tpu.memory_space<vmem_shared>>)
    %dma_wait3A_102 = arith.constant 0 : i32
    %dma_wait3A_103 = tpu.memref_slice %arg6[%add3A_27, %dma_wait3A_102] : memref<10240x128xf32, #tpu.memory_space<vmem_shared>> -> memref<64x128xf32, #tpu.memory_space<vmem_shared>>
    %dma_wait3A_104 = arith.constant 0 : i32
    %dma_wait3A_105 = tpu.memref_slice %arg6[%add3A_27, %dma_wait3A_104] : memref<10240x128xf32, #tpu.memory_space<vmem_shared>> -> memref<64x128xf32, #tpu.memory_space<vmem_shared>>
    tpu.wait_dma2 semaphore(%arg20 : memref<!tpu.dma_semaphore, #tpu.memory_space<semaphore_mem>>) src(%arg12 : memref<64x128xf32, #tpu.memory_space<vmem>>) dst(%dma_wait3A_105 : memref<64x128xf32, #tpu.memory_space<vmem_shared>>)
    %dma_wait3A_106 = arith.constant 0 : i32
    %dma_wait3A_107 = tpu.memref_slice %arg6[%add3A_31, %dma_wait3A_106] : memref<10240x128xf32, #tpu.memory_space<vmem_shared>> -> memref<64x128xf32, #tpu.memory_space<vmem_shared>>
    %dma_wait3A_108 = arith.constant 0 : i32
    %dma_wait3A_109 = tpu.memref_slice %arg6[%add3A_31, %dma_wait3A_108] : memref<10240x128xf32, #tpu.memory_space<vmem_shared>> -> memref<64x128xf32, #tpu.memory_space<vmem_shared>>
    tpu.wait_dma2 semaphore(%arg20 : memref<!tpu.dma_semaphore, #tpu.memory_space<semaphore_mem>>) src(%arg12 : memref<64x128xf32, #tpu.memory_space<vmem>>) dst(%dma_wait3A_109 : memref<64x128xf32, #tpu.memory_space<vmem_shared>>)
    %dma_wait3A_110 = arith.constant 0 : i32
    %dma_wait3A_111 = tpu.memref_slice %arg6[%add3A_35, %dma_wait3A_110] : memref<10240x128xf32, #tpu.memory_space<vmem_shared>> -> memref<64x128xf32, #tpu.memory_space<vmem_shared>>
    %dma_wait3A_112 = arith.constant 0 : i32
    %dma_wait3A_113 = tpu.memref_slice %arg6[%add3A_35, %dma_wait3A_112] : memref<10240x128xf32, #tpu.memory_space<vmem_shared>> -> memref<64x128xf32, #tpu.memory_space<vmem_shared>>
    tpu.wait_dma2 semaphore(%arg20 : memref<!tpu.dma_semaphore, #tpu.memory_space<semaphore_mem>>) src(%arg12 : memref<64x128xf32, #tpu.memory_space<vmem>>) dst(%dma_wait3A_113 : memref<64x128xf32, #tpu.memory_space<vmem_shared>>)
    %dma_wait3A_114 = arith.constant 0 : i32
    %dma_wait3A_115 = tpu.memref_slice %arg6[%add3A_39, %dma_wait3A_114] : memref<10240x128xf32, #tpu.memory_space<vmem_shared>> -> memref<64x128xf32, #tpu.memory_space<vmem_shared>>
    %dma_wait3A_116 = arith.constant 0 : i32
    %dma_wait3A_117 = tpu.memref_slice %arg6[%add3A_39, %dma_wait3A_116] : memref<10240x128xf32, #tpu.memory_space<vmem_shared>> -> memref<64x128xf32, #tpu.memory_space<vmem_shared>>
    tpu.wait_dma2 semaphore(%arg20 : memref<!tpu.dma_semaphore, #tpu.memory_space<semaphore_mem>>) src(%arg12 : memref<64x128xf32, #tpu.memory_space<vmem>>) dst(%dma_wait3A_117 : memref<64x128xf32, #tpu.memory_space<vmem_shared>>)
    %dma_wait3A_118 = arith.constant 0 : i32
    %dma_wait3A_119 = tpu.memref_slice %arg6[%add3A_43, %dma_wait3A_118] : memref<10240x128xf32, #tpu.memory_space<vmem_shared>> -> memref<64x128xf32, #tpu.memory_space<vmem_shared>>
    %dma_wait3A_120 = arith.constant 0 : i32
    %dma_wait3A_121 = tpu.memref_slice %arg6[%add3A_43, %dma_wait3A_120] : memref<10240x128xf32, #tpu.memory_space<vmem_shared>> -> memref<64x128xf32, #tpu.memory_space<vmem_shared>>
    tpu.wait_dma2 semaphore(%arg20 : memref<!tpu.dma_semaphore, #tpu.memory_space<semaphore_mem>>) src(%arg12 : memref<64x128xf32, #tpu.memory_space<vmem>>) dst(%dma_wait3A_121 : memref<64x128xf32, #tpu.memory_space<vmem_shared>>)
    %barrier3A = arith.constant 0 : index
    tpu.barrier barrier_id(%barrier3A)
    %eq3A = arith.constant 0 : i32
    %eq3A_122 = arith.cmpi eq, %arg0, %eq3A : i32
    %mul3A_123 = arith.constant 10240 : i32
    %mul3A_124 = arith.muli %arg1, %mul3A_123 : i32
    %mul3A_125 = arith.constant 10240 : i32
    %mul3A_126 = arith.muli %arg1, %mul3A_125 : i32
    %add3A_127 = arith.constant 163840 : i32
    %add3A_128 = arith.addi %add3A_127, %mul3A_126 : i32
    %select_n3A = arith.select %eq3A_122, %mul3A_124, %add3A_128 : i32
    %eq3A_129 = arith.constant 0 : i32
    %eq3A_130 = arith.cmpi eq, %arg0, %eq3A_129 : i32
    %jit3A = arith.constant 40 : i32
    %jit3A_131 = arith.constant 40 : i32
    %select_n3A_132 = arith.select %eq3A_130, %jit3A, %jit3A_131 : i32
    "tpu.region"() ({
      %run_scoped3A = tpu.sem_alloc : memref<!tpu.dma_semaphore, #tpu.memory_space<semaphore_mem>>
      %dma_start3A_433 = tpu.memref_slice %arg3[%select_n3A] : memref<327680xi32, #tpu.memory_space<hbm>> -> memref<10240xi32, #tpu.memory_space<hbm>>
      %dma_start3A_434 = tpu.memref_slice %arg3[%select_n3A] : memref<327680xi32, #tpu.memory_space<hbm>> -> memref<10240xi32, #tpu.memory_space<hbm>>
      tpu.enqueue_dma source(%dma_start3A_434 : memref<10240xi32, #tpu.memory_space<hbm>>) target(%arg7 : memref<10240xi32, #tpu.memory_space<vmem>>) target_semaphore(%run_scoped3A : memref<!tpu.dma_semaphore, #tpu.memory_space<semaphore_mem>>)
      %dma_wait3A_435 = tpu.memref_slice %arg3[%select_n3A] : memref<327680xi32, #tpu.memory_space<hbm>> -> memref<10240xi32, #tpu.memory_space<hbm>>
      %dma_wait3A_436 = tpu.memref_slice %arg3[%select_n3A] : memref<327680xi32, #tpu.memory_space<hbm>> -> memref<10240xi32, #tpu.memory_space<hbm>>
      tpu.wait_dma2 semaphore(%run_scoped3A : memref<!tpu.dma_semaphore, #tpu.memory_space<semaphore_mem>>) src(%dma_wait3A_436 : memref<10240xi32, #tpu.memory_space<hbm>>) dst(%arg7 : memref<10240xi32, #tpu.memory_space<vmem>>)
      tpu.yield
    }) : () -> ()
    %add3A_133 = arith.constant 0 : i32
    %add3A_134 = arith.addi %select_n3A, %add3A_133 : i32
    %dma_start3A_135 = tpu.memref_slice %arg4[%add3A_134] : memref<327680xi32, #tpu.memory_space<hbm>> -> memref<64xi32, #tpu.memory_space<hbm>>
    %dma_start3A_136 = tpu.memref_slice %arg4[%add3A_134] : memref<327680xi32, #tpu.memory_space<hbm>> -> memref<64xi32, #tpu.memory_space<hbm>>
    tpu.enqueue_dma source(%dma_start3A_136 : memref<64xi32, #tpu.memory_space<hbm>>) target(%arg8 : memref<64xi32, #tpu.memory_space<vmem>>) target_semaphore(%arg16 : memref<!tpu.dma_semaphore, #tpu.memory_space<semaphore_mem>>)
    %dma_start3A_137 = arith.constant 0 : i32
    %dma_start3A_138 = tpu.memref_slice %arg7[%dma_start3A_137] : memref<10240xi32, #tpu.memory_space<vmem>> -> memref<64xi32, #tpu.memory_space<vmem>>
    %dma_start3A_139 = arith.constant 0 : i32
    %dma_start3A_140 = arith.constant 0 : i32
    %dma_start3A_141 = tpu.memref_slice %arg2[%dma_start3A_139, %dma_start3A_140] : memref<10000x128xf32, #tpu.memory_space<hbm>> -> memref<10000x128xf32, #tpu.memory_space<hbm>>
    tpu.enqueue_indirect_dma source(%dma_start3A_141 : memref<10000x128xf32, #tpu.memory_space<hbm>>) target(%arg12 : memref<64x128xf32, #tpu.memory_space<vmem>>) offsets(%dma_start3A_138 : memref<64xi32, #tpu.memory_space<vmem>>) semaphore(%arg20 : memref<!tpu.dma_semaphore, #tpu.memory_space<semaphore_mem>>)
    %add3A_142 = arith.constant 64 : i32
    %add3A_143 = arith.addi %select_n3A, %add3A_142 : i32
    %dma_start3A_144 = tpu.memref_slice %arg4[%add3A_143] : memref<327680xi32, #tpu.memory_space<hbm>> -> memref<64xi32, #tpu.memory_space<hbm>>
    %dma_start3A_145 = tpu.memref_slice %arg4[%add3A_143] : memref<327680xi32, #tpu.memory_space<hbm>> -> memref<64xi32, #tpu.memory_space<hbm>>
    tpu.enqueue_dma source(%dma_start3A_145 : memref<64xi32, #tpu.memory_space<hbm>>) target(%arg9 : memref<64xi32, #tpu.memory_space<vmem>>) target_semaphore(%arg17 : memref<!tpu.dma_semaphore, #tpu.memory_space<semaphore_mem>>)
    %dma_start3A_146 = arith.constant 64 : i32
    %dma_start3A_147 = tpu.memref_slice %arg7[%dma_start3A_146] : memref<10240xi32, #tpu.memory_space<vmem>> -> memref<64xi32, #tpu.memory_space<vmem>>
    %dma_start3A_148 = arith.constant 0 : i32
    %dma_start3A_149 = arith.constant 0 : i32
    %dma_start3A_150 = tpu.memref_slice %arg2[%dma_start3A_148, %dma_start3A_149] : memref<10000x128xf32, #tpu.memory_space<hbm>> -> memref<10000x128xf32, #tpu.memory_space<hbm>>
    tpu.enqueue_indirect_dma source(%dma_start3A_150 : memref<10000x128xf32, #tpu.memory_space<hbm>>) target(%arg13 : memref<64x128xf32, #tpu.memory_space<vmem>>) offsets(%dma_start3A_147 : memref<64xi32, #tpu.memory_space<vmem>>) semaphore(%arg21 : memref<!tpu.dma_semaphore, #tpu.memory_space<semaphore_mem>>)
    %add3A_151 = arith.constant 128 : i32
    %add3A_152 = arith.addi %select_n3A, %add3A_151 : i32
    %dma_start3A_153 = tpu.memref_slice %arg4[%add3A_152] : memref<327680xi32, #tpu.memory_space<hbm>> -> memref<64xi32, #tpu.memory_space<hbm>>
    %dma_start3A_154 = tpu.memref_slice %arg4[%add3A_152] : memref<327680xi32, #tpu.memory_space<hbm>> -> memref<64xi32, #tpu.memory_space<hbm>>
    tpu.enqueue_dma source(%dma_start3A_154 : memref<64xi32, #tpu.memory_space<hbm>>) target(%arg10 : memref<64xi32, #tpu.memory_space<vmem>>) target_semaphore(%arg18 : memref<!tpu.dma_semaphore, #tpu.memory_space<semaphore_mem>>)
    %dma_start3A_155 = arith.constant 128 : i32
    %dma_start3A_156 = tpu.memref_slice %arg7[%dma_start3A_155] : memref<10240xi32, #tpu.memory_space<vmem>> -> memref<64xi32, #tpu.memory_space<vmem>>
    %dma_start3A_157 = arith.constant 0 : i32
    %dma_start3A_158 = arith.constant 0 : i32
    %dma_start3A_159 = tpu.memref_slice %arg2[%dma_start3A_157, %dma_start3A_158] : memref<10000x128xf32, #tpu.memory_space<hbm>> -> memref<10000x128xf32, #tpu.memory_space<hbm>>
    tpu.enqueue_indirect_dma source(%dma_start3A_159 : memref<10000x128xf32, #tpu.memory_space<hbm>>) target(%arg14 : memref<64x128xf32, #tpu.memory_space<vmem>>) offsets(%dma_start3A_156 : memref<64xi32, #tpu.memory_space<vmem>>) semaphore(%arg22 : memref<!tpu.dma_semaphore, #tpu.memory_space<semaphore_mem>>)
    %add3A_160 = arith.constant 192 : i32
    %add3A_161 = arith.addi %select_n3A, %add3A_160 : i32
    %dma_start3A_162 = tpu.memref_slice %arg4[%add3A_161] : memref<327680xi32, #tpu.memory_space<hbm>> -> memref<64xi32, #tpu.memory_space<hbm>>
    %dma_start3A_163 = tpu.memref_slice %arg4[%add3A_161] : memref<327680xi32, #tpu.memory_space<hbm>> -> memref<64xi32, #tpu.memory_space<hbm>>
    tpu.enqueue_dma source(%dma_start3A_163 : memref<64xi32, #tpu.memory_space<hbm>>) target(%arg11 : memref<64xi32, #tpu.memory_space<vmem>>) target_semaphore(%arg19 : memref<!tpu.dma_semaphore, #tpu.memory_space<semaphore_mem>>)
    %dma_start3A_164 = arith.constant 192 : i32
    %dma_start3A_165 = tpu.memref_slice %arg7[%dma_start3A_164] : memref<10240xi32, #tpu.memory_space<vmem>> -> memref<64xi32, #tpu.memory_space<vmem>>
    %dma_start3A_166 = arith.constant 0 : i32
    %dma_start3A_167 = arith.constant 0 : i32
    %dma_start3A_168 = tpu.memref_slice %arg2[%dma_start3A_166, %dma_start3A_167] : memref<10000x128xf32, #tpu.memory_space<hbm>> -> memref<10000x128xf32, #tpu.memory_space<hbm>>
    tpu.enqueue_indirect_dma source(%dma_start3A_168 : memref<10000x128xf32, #tpu.memory_space<hbm>>) target(%arg15 : memref<64x128xf32, #tpu.memory_space<vmem>>) offsets(%dma_start3A_165 : memref<64xi32, #tpu.memory_space<vmem>>) semaphore(%arg23 : memref<!tpu.dma_semaphore, #tpu.memory_space<semaphore_mem>>)
    %while3A = arith.constant 0 : i32
    %while3A_169 = arith.constant 0 : i32
    %while3A_170 = arith.subi %select_n3A_132, %while3A : i32
    %while3A_171 = arith.addi %while3A, %while3A_170 : i32
    %while3A_172 = arith.constant 1 : i32
    %while3A_173 = arith.divsi %while3A_170, %while3A_172 : i32
    %while3A_174 = arith.muli %while3A_173, %while3A_172 : i32
    %while3A_175 = arith.addi %while3A, %while3A_174 : i32
    %while3A_176 = arith.constant 1 : i32
    %while3A_177 = scf.for %while3A_433 = %while3A to %while3A_175 step %while3A_176 iter_args(%while3A_434 = %while3A_169) -> (i32)  : i32 {
      %mul3A_435 = arith.constant 4 : i32
      %mul3A_436 = arith.muli %while3A_433, %mul3A_435 : i32
      %add3A_437 = arith.constant 0 : i32
      %add3A_438 = arith.addi %mul3A_436, %add3A_437 : i32
      %mul3A_439 = arith.constant 64 : i32
      %mul3A_440 = arith.muli %add3A_438, %mul3A_439 : i32
      %add3A_441 = arith.addi %select_n3A, %mul3A_440 : i32
      %dma_wait3A_442 = tpu.memref_slice %arg4[%add3A_441] : memref<327680xi32, #tpu.memory_space<hbm>> -> memref<64xi32, #tpu.memory_space<hbm>>
      %dma_wait3A_443 = tpu.memref_slice %arg4[%add3A_441] : memref<327680xi32, #tpu.memory_space<hbm>> -> memref<64xi32, #tpu.memory_space<hbm>>
      tpu.wait_dma2 semaphore(%arg16 : memref<!tpu.dma_semaphore, #tpu.memory_space<semaphore_mem>>) src(%dma_wait3A_443 : memref<64xi32, #tpu.memory_space<hbm>>) dst(%arg8 : memref<64xi32, #tpu.memory_space<vmem>>)
      %mul3A_444 = arith.constant 64 : i32
      %mul3A_445 = arith.muli %add3A_438, %mul3A_444 : i32
      %dma_wait3A_446 = tpu.memref_slice %arg7[%mul3A_445] : memref<10240xi32, #tpu.memory_space<vmem>> -> memref<64xi32, #tpu.memory_space<vmem>>
      %dma_wait3A_447 = arith.constant 0 : i32
      %dma_wait3A_448 = arith.constant 0 : i32
      %dma_wait3A_449 = tpu.memref_slice %arg2[%dma_wait3A_447, %dma_wait3A_448] : memref<10000x128xf32, #tpu.memory_space<hbm>> -> memref<10000x128xf32, #tpu.memory_space<hbm>>
      tpu.wait_indirect_dma semaphore(%arg20 : memref<!tpu.dma_semaphore, #tpu.memory_space<semaphore_mem>>) src(%dma_wait3A_449 : memref<10000x128xf32, #tpu.memory_space<hbm>>) dst(%arg12 : memref<64x128xf32, #tpu.memory_space<vmem>>)
      %dma_start3A_450 = arith.constant 0 : i32
      %dma_start3A_451 = arith.constant 0 : i32
      %dma_start3A_452 = tpu.memref_slice %arg6[%dma_start3A_450, %dma_start3A_451] : memref<10240x128xf32, #tpu.memory_space<vmem_shared>> -> memref<10240x128xf32, #tpu.memory_space<vmem_shared>>
      tpu.enqueue_indirect_dma source(%arg12 : memref<64x128xf32, #tpu.memory_space<vmem>>) target(%dma_start3A_452 : memref<10240x128xf32, #tpu.memory_space<vmem_shared>>) offsets(%arg8 : memref<64xi32, #tpu.memory_space<vmem>>) semaphore(%arg24 : memref<!tpu.dma_semaphore, #tpu.memory_space<semaphore_mem>>) {add = true}
      %add3A_453 = arith.constant 1 : i32
      %add3A_454 = arith.addi %mul3A_436, %add3A_453 : i32
      %mul3A_455 = arith.constant 64 : i32
      %mul3A_456 = arith.muli %add3A_454, %mul3A_455 : i32
      %add3A_457 = arith.addi %select_n3A, %mul3A_456 : i32
      %dma_wait3A_458 = tpu.memref_slice %arg4[%add3A_457] : memref<327680xi32, #tpu.memory_space<hbm>> -> memref<64xi32, #tpu.memory_space<hbm>>
      %dma_wait3A_459 = tpu.memref_slice %arg4[%add3A_457] : memref<327680xi32, #tpu.memory_space<hbm>> -> memref<64xi32, #tpu.memory_space<hbm>>
      tpu.wait_dma2 semaphore(%arg17 : memref<!tpu.dma_semaphore, #tpu.memory_space<semaphore_mem>>) src(%dma_wait3A_459 : memref<64xi32, #tpu.memory_space<hbm>>) dst(%arg9 : memref<64xi32, #tpu.memory_space<vmem>>)
      %mul3A_460 = arith.constant 64 : i32
      %mul3A_461 = arith.muli %add3A_454, %mul3A_460 : i32
      %dma_wait3A_462 = tpu.memref_slice %arg7[%mul3A_461] : memref<10240xi32, #tpu.memory_space<vmem>> -> memref<64xi32, #tpu.memory_space<vmem>>
      %dma_wait3A_463 = arith.constant 0 : i32
      %dma_wait3A_464 = arith.constant 0 : i32
      %dma_wait3A_465 = tpu.memref_slice %arg2[%dma_wait3A_463, %dma_wait3A_464] : memref<10000x128xf32, #tpu.memory_space<hbm>> -> memref<10000x128xf32, #tpu.memory_space<hbm>>
      tpu.wait_indirect_dma semaphore(%arg21 : memref<!tpu.dma_semaphore, #tpu.memory_space<semaphore_mem>>) src(%dma_wait3A_465 : memref<10000x128xf32, #tpu.memory_space<hbm>>) dst(%arg13 : memref<64x128xf32, #tpu.memory_space<vmem>>)
      %dma_start3A_466 = arith.constant 0 : i32
      %dma_start3A_467 = arith.constant 0 : i32
      %dma_start3A_468 = tpu.memref_slice %arg6[%dma_start3A_466, %dma_start3A_467] : memref<10240x128xf32, #tpu.memory_space<vmem_shared>> -> memref<10240x128xf32, #tpu.memory_space<vmem_shared>>
      tpu.enqueue_indirect_dma source(%arg13 : memref<64x128xf32, #tpu.memory_space<vmem>>) target(%dma_start3A_468 : memref<10240x128xf32, #tpu.memory_space<vmem_shared>>) offsets(%arg9 : memref<64xi32, #tpu.memory_space<vmem>>) semaphore(%arg25 : memref<!tpu.dma_semaphore, #tpu.memory_space<semaphore_mem>>) {add = true}
      %add3A_469 = arith.constant 2 : i32
      %add3A_470 = arith.addi %mul3A_436, %add3A_469 : i32
      %mul3A_471 = arith.constant 64 : i32
      %mul3A_472 = arith.muli %add3A_470, %mul3A_471 : i32
      %add3A_473 = arith.addi %select_n3A, %mul3A_472 : i32
      %dma_wait3A_474 = tpu.memref_slice %arg4[%add3A_473] : memref<327680xi32, #tpu.memory_space<hbm>> -> memref<64xi32, #tpu.memory_space<hbm>>
      %dma_wait3A_475 = tpu.memref_slice %arg4[%add3A_473] : memref<327680xi32, #tpu.memory_space<hbm>> -> memref<64xi32, #tpu.memory_space<hbm>>
      tpu.wait_dma2 semaphore(%arg18 : memref<!tpu.dma_semaphore, #tpu.memory_space<semaphore_mem>>) src(%dma_wait3A_475 : memref<64xi32, #tpu.memory_space<hbm>>) dst(%arg10 : memref<64xi32, #tpu.memory_space<vmem>>)
      %mul3A_476 = arith.constant 64 : i32
      %mul3A_477 = arith.muli %add3A_470, %mul3A_476 : i32
      %dma_wait3A_478 = tpu.memref_slice %arg7[%mul3A_477] : memref<10240xi32, #tpu.memory_space<vmem>> -> memref<64xi32, #tpu.memory_space<vmem>>
      %dma_wait3A_479 = arith.constant 0 : i32
      %dma_wait3A_480 = arith.constant 0 : i32
      %dma_wait3A_481 = tpu.memref_slice %arg2[%dma_wait3A_479, %dma_wait3A_480] : memref<10000x128xf32, #tpu.memory_space<hbm>> -> memref<10000x128xf32, #tpu.memory_space<hbm>>
      tpu.wait_indirect_dma semaphore(%arg22 : memref<!tpu.dma_semaphore, #tpu.memory_space<semaphore_mem>>) src(%dma_wait3A_481 : memref<10000x128xf32, #tpu.memory_space<hbm>>) dst(%arg14 : memref<64x128xf32, #tpu.memory_space<vmem>>)
      %dma_start3A_482 = arith.constant 0 : i32
      %dma_start3A_483 = arith.constant 0 : i32
      %dma_start3A_484 = tpu.memref_slice %arg6[%dma_start3A_482, %dma_start3A_483] : memref<10240x128xf32, #tpu.memory_space<vmem_shared>> -> memref<10240x128xf32, #tpu.memory_space<vmem_shared>>
      tpu.enqueue_indirect_dma source(%arg14 : memref<64x128xf32, #tpu.memory_space<vmem>>) target(%dma_start3A_484 : memref<10240x128xf32, #tpu.memory_space<vmem_shared>>) offsets(%arg10 : memref<64xi32, #tpu.memory_space<vmem>>) semaphore(%arg26 : memref<!tpu.dma_semaphore, #tpu.memory_space<semaphore_mem>>) {add = true}
      %add3A_485 = arith.constant 3 : i32
      %add3A_486 = arith.addi %mul3A_436, %add3A_485 : i32
      %mul3A_487 = arith.constant 64 : i32
      %mul3A_488 = arith.muli %add3A_486, %mul3A_487 : i32
      %add3A_489 = arith.addi %select_n3A, %mul3A_488 : i32
      %dma_wait3A_490 = tpu.memref_slice %arg4[%add3A_489] : memref<327680xi32, #tpu.memory_space<hbm>> -> memref<64xi32, #tpu.memory_space<hbm>>
      %dma_wait3A_491 = tpu.memref_slice %arg4[%add3A_489] : memref<327680xi32, #tpu.memory_space<hbm>> -> memref<64xi32, #tpu.memory_space<hbm>>
      tpu.wait_dma2 semaphore(%arg19 : memref<!tpu.dma_semaphore, #tpu.memory_space<semaphore_mem>>) src(%dma_wait3A_491 : memref<64xi32, #tpu.memory_space<hbm>>) dst(%arg11 : memref<64xi32, #tpu.memory_space<vmem>>)
      %mul3A_492 = arith.constant 64 : i32
      %mul3A_493 = arith.muli %add3A_486, %mul3A_492 : i32
      %dma_wait3A_494 = tpu.memref_slice %arg7[%mul3A_493] : memref<10240xi32, #tpu.memory_space<vmem>> -> memref<64xi32, #tpu.memory_space<vmem>>
      %dma_wait3A_495 = arith.constant 0 : i32
      %dma_wait3A_496 = arith.constant 0 : i32
      %dma_wait3A_497 = tpu.memref_slice %arg2[%dma_wait3A_495, %dma_wait3A_496] : memref<10000x128xf32, #tpu.memory_space<hbm>> -> memref<10000x128xf32, #tpu.memory_space<hbm>>
      tpu.wait_indirect_dma semaphore(%arg23 : memref<!tpu.dma_semaphore, #tpu.memory_space<semaphore_mem>>) src(%dma_wait3A_497 : memref<10000x128xf32, #tpu.memory_space<hbm>>) dst(%arg15 : memref<64x128xf32, #tpu.memory_space<vmem>>)
      %dma_start3A_498 = arith.constant 0 : i32
      %dma_start3A_499 = arith.constant 0 : i32
      %dma_start3A_500 = tpu.memref_slice %arg6[%dma_start3A_498, %dma_start3A_499] : memref<10240x128xf32, #tpu.memory_space<vmem_shared>> -> memref<10240x128xf32, #tpu.memory_space<vmem_shared>>
      tpu.enqueue_indirect_dma source(%arg15 : memref<64x128xf32, #tpu.memory_space<vmem>>) target(%dma_start3A_500 : memref<10240x128xf32, #tpu.memory_space<vmem_shared>>) offsets(%arg11 : memref<64xi32, #tpu.memory_space<vmem>>) semaphore(%arg27 : memref<!tpu.dma_semaphore, #tpu.memory_space<semaphore_mem>>) {add = true}
      %sub3A = arith.constant 1 : i32
      %sub3A_501 = arith.subi %select_n3A_132, %sub3A : i32
      %lt3A = arith.cmpi slt, %while3A_433, %sub3A_501 : i32
      %convert_element_type3A = arith.extui %lt3A : i1 to i32
      %cond3A = arith.constant 0 : i32
      %cond3A_502 = arith.cmpi ne, %convert_element_type3A, %cond3A : i32
      scf.if %cond3A_502 {
        %dma_wait3A_504 = arith.constant 0 : i32
        %dma_wait3A_505 = arith.constant 0 : i32
        %dma_wait3A_506 = tpu.memref_slice %arg6[%dma_wait3A_504, %dma_wait3A_505] : memref<10240x128xf32, #tpu.memory_space<vmem_shared>> -> memref<10240x128xf32, #tpu.memory_space<vmem_shared>>
        tpu.wait_indirect_dma semaphore(%arg24 : memref<!tpu.dma_semaphore, #tpu.memory_space<semaphore_mem>>) src(%arg12 : memref<64x128xf32, #tpu.memory_space<vmem>>) dst(%dma_wait3A_506 : memref<10240x128xf32, #tpu.memory_space<vmem_shared>>)
        %add3A_507 = arith.constant 4 : i32
        %add3A_508 = arith.addi %mul3A_436, %add3A_507 : i32
        %add3A_509 = arith.constant 0 : i32
        %add3A_510 = arith.addi %add3A_508, %add3A_509 : i32
        %mul3A_511 = arith.constant 64 : i32
        %mul3A_512 = arith.muli %add3A_510, %mul3A_511 : i32
        %add3A_513 = arith.addi %select_n3A, %mul3A_512 : i32
        %dma_start3A_514 = tpu.memref_slice %arg4[%add3A_513] : memref<327680xi32, #tpu.memory_space<hbm>> -> memref<64xi32, #tpu.memory_space<hbm>>
        %dma_start3A_515 = tpu.memref_slice %arg4[%add3A_513] : memref<327680xi32, #tpu.memory_space<hbm>> -> memref<64xi32, #tpu.memory_space<hbm>>
        tpu.enqueue_dma source(%dma_start3A_515 : memref<64xi32, #tpu.memory_space<hbm>>) target(%arg8 : memref<64xi32, #tpu.memory_space<vmem>>) target_semaphore(%arg16 : memref<!tpu.dma_semaphore, #tpu.memory_space<semaphore_mem>>)
        %mul3A_516 = arith.constant 64 : i32
        %mul3A_517 = arith.muli %add3A_510, %mul3A_516 : i32
        %dma_start3A_518 = tpu.memref_slice %arg7[%mul3A_517] : memref<10240xi32, #tpu.memory_space<vmem>> -> memref<64xi32, #tpu.memory_space<vmem>>
        %dma_start3A_519 = arith.constant 0 : i32
        %dma_start3A_520 = arith.constant 0 : i32
        %dma_start3A_521 = tpu.memref_slice %arg2[%dma_start3A_519, %dma_start3A_520] : memref<10000x128xf32, #tpu.memory_space<hbm>> -> memref<10000x128xf32, #tpu.memory_space<hbm>>
        tpu.enqueue_indirect_dma source(%dma_start3A_521 : memref<10000x128xf32, #tpu.memory_space<hbm>>) target(%arg12 : memref<64x128xf32, #tpu.memory_space<vmem>>) offsets(%dma_start3A_518 : memref<64xi32, #tpu.memory_space<vmem>>) semaphore(%arg20 : memref<!tpu.dma_semaphore, #tpu.memory_space<semaphore_mem>>)
        %dma_wait3A_522 = arith.constant 0 : i32
        %dma_wait3A_523 = arith.constant 0 : i32
        %dma_wait3A_524 = tpu.memref_slice %arg6[%dma_wait3A_522, %dma_wait3A_523] : memref<10240x128xf32, #tpu.memory_space<vmem_shared>> -> memref<10240x128xf32, #tpu.memory_space<vmem_shared>>
        tpu.wait_indirect_dma semaphore(%arg25 : memref<!tpu.dma_semaphore, #tpu.memory_space<semaphore_mem>>) src(%arg13 : memref<64x128xf32, #tpu.memory_space<vmem>>) dst(%dma_wait3A_524 : memref<10240x128xf32, #tpu.memory_space<vmem_shared>>)
        %add3A_525 = arith.constant 4 : i32
        %add3A_526 = arith.addi %mul3A_436, %add3A_525 : i32
        %add3A_527 = arith.constant 1 : i32
        %add3A_528 = arith.addi %add3A_526, %add3A_527 : i32
        %mul3A_529 = arith.constant 64 : i32
        %mul3A_530 = arith.muli %add3A_528, %mul3A_529 : i32
        %add3A_531 = arith.addi %select_n3A, %mul3A_530 : i32
        %dma_start3A_532 = tpu.memref_slice %arg4[%add3A_531] : memref<327680xi32, #tpu.memory_space<hbm>> -> memref<64xi32, #tpu.memory_space<hbm>>
        %dma_start3A_533 = tpu.memref_slice %arg4[%add3A_531] : memref<327680xi32, #tpu.memory_space<hbm>> -> memref<64xi32, #tpu.memory_space<hbm>>
        tpu.enqueue_dma source(%dma_start3A_533 : memref<64xi32, #tpu.memory_space<hbm>>) target(%arg9 : memref<64xi32, #tpu.memory_space<vmem>>) target_semaphore(%arg17 : memref<!tpu.dma_semaphore, #tpu.memory_space<semaphore_mem>>)
        %mul3A_534 = arith.constant 64 : i32
        %mul3A_535 = arith.muli %add3A_528, %mul3A_534 : i32
        %dma_start3A_536 = tpu.memref_slice %arg7[%mul3A_535] : memref<10240xi32, #tpu.memory_space<vmem>> -> memref<64xi32, #tpu.memory_space<vmem>>
        %dma_start3A_537 = arith.constant 0 : i32
        %dma_start3A_538 = arith.constant 0 : i32
        %dma_start3A_539 = tpu.memref_slice %arg2[%dma_start3A_537, %dma_start3A_538] : memref<10000x128xf32, #tpu.memory_space<hbm>> -> memref<10000x128xf32, #tpu.memory_space<hbm>>
        tpu.enqueue_indirect_dma source(%dma_start3A_539 : memref<10000x128xf32, #tpu.memory_space<hbm>>) target(%arg13 : memref<64x128xf32, #tpu.memory_space<vmem>>) offsets(%dma_start3A_536 : memref<64xi32, #tpu.memory_space<vmem>>) semaphore(%arg21 : memref<!tpu.dma_semaphore, #tpu.memory_space<semaphore_mem>>)
        %dma_wait3A_540 = arith.constant 0 : i32
        %dma_wait3A_541 = arith.constant 0 : i32
        %dma_wait3A_542 = tpu.memref_slice %arg6[%dma_wait3A_540, %dma_wait3A_541] : memref<10240x128xf32, #tpu.memory_space<vmem_shared>> -> memref<10240x128xf32, #tpu.memory_space<vmem_shared>>
        tpu.wait_indirect_dma semaphore(%arg26 : memref<!tpu.dma_semaphore, #tpu.memory_space<semaphore_mem>>) src(%arg14 : memref<64x128xf32, #tpu.memory_space<vmem>>) dst(%dma_wait3A_542 : memref<10240x128xf32, #tpu.memory_space<vmem_shared>>)
        %add3A_543 = arith.constant 4 : i32
        %add3A_544 = arith.addi %mul3A_436, %add3A_543 : i32
        %add3A_545 = arith.constant 2 : i32
        %add3A_546 = arith.addi %add3A_544, %add3A_545 : i32
        %mul3A_547 = arith.constant 64 : i32
        %mul3A_548 = arith.muli %add3A_546, %mul3A_547 : i32
        %add3A_549 = arith.addi %select_n3A, %mul3A_548 : i32
        %dma_start3A_550 = tpu.memref_slice %arg4[%add3A_549] : memref<327680xi32, #tpu.memory_space<hbm>> -> memref<64xi32, #tpu.memory_space<hbm>>
        %dma_start3A_551 = tpu.memref_slice %arg4[%add3A_549] : memref<327680xi32, #tpu.memory_space<hbm>> -> memref<64xi32, #tpu.memory_space<hbm>>
        tpu.enqueue_dma source(%dma_start3A_551 : memref<64xi32, #tpu.memory_space<hbm>>) target(%arg10 : memref<64xi32, #tpu.memory_space<vmem>>) target_semaphore(%arg18 : memref<!tpu.dma_semaphore, #tpu.memory_space<semaphore_mem>>)
        %mul3A_552 = arith.constant 64 : i32
        %mul3A_553 = arith.muli %add3A_546, %mul3A_552 : i32
        %dma_start3A_554 = tpu.memref_slice %arg7[%mul3A_553] : memref<10240xi32, #tpu.memory_space<vmem>> -> memref<64xi32, #tpu.memory_space<vmem>>
        %dma_start3A_555 = arith.constant 0 : i32
        %dma_start3A_556 = arith.constant 0 : i32
        %dma_start3A_557 = tpu.memref_slice %arg2[%dma_start3A_555, %dma_start3A_556] : memref<10000x128xf32, #tpu.memory_space<hbm>> -> memref<10000x128xf32, #tpu.memory_space<hbm>>
        tpu.enqueue_indirect_dma source(%dma_start3A_557 : memref<10000x128xf32, #tpu.memory_space<hbm>>) target(%arg14 : memref<64x128xf32, #tpu.memory_space<vmem>>) offsets(%dma_start3A_554 : memref<64xi32, #tpu.memory_space<vmem>>) semaphore(%arg22 : memref<!tpu.dma_semaphore, #tpu.memory_space<semaphore_mem>>)
        %dma_wait3A_558 = arith.constant 0 : i32
        %dma_wait3A_559 = arith.constant 0 : i32
        %dma_wait3A_560 = tpu.memref_slice %arg6[%dma_wait3A_558, %dma_wait3A_559] : memref<10240x128xf32, #tpu.memory_space<vmem_shared>> -> memref<10240x128xf32, #tpu.memory_space<vmem_shared>>
        tpu.wait_indirect_dma semaphore(%arg27 : memref<!tpu.dma_semaphore, #tpu.memory_space<semaphore_mem>>) src(%arg15 : memref<64x128xf32, #tpu.memory_space<vmem>>) dst(%dma_wait3A_560 : memref<10240x128xf32, #tpu.memory_space<vmem_shared>>)
        %add3A_561 = arith.constant 4 : i32
        %add3A_562 = arith.addi %mul3A_436, %add3A_561 : i32
        %add3A_563 = arith.constant 3 : i32
        %add3A_564 = arith.addi %add3A_562, %add3A_563 : i32
        %mul3A_565 = arith.constant 64 : i32
        %mul3A_566 = arith.muli %add3A_564, %mul3A_565 : i32
        %add3A_567 = arith.addi %select_n3A, %mul3A_566 : i32
        %dma_start3A_568 = tpu.memref_slice %arg4[%add3A_567] : memref<327680xi32, #tpu.memory_space<hbm>> -> memref<64xi32, #tpu.memory_space<hbm>>
        %dma_start3A_569 = tpu.memref_slice %arg4[%add3A_567] : memref<327680xi32, #tpu.memory_space<hbm>> -> memref<64xi32, #tpu.memory_space<hbm>>
        tpu.enqueue_dma source(%dma_start3A_569 : memref<64xi32, #tpu.memory_space<hbm>>) target(%arg11 : memref<64xi32, #tpu.memory_space<vmem>>) target_semaphore(%arg19 : memref<!tpu.dma_semaphore, #tpu.memory_space<semaphore_mem>>)
        %mul3A_570 = arith.constant 64 : i32
        %mul3A_571 = arith.muli %add3A_564, %mul3A_570 : i32
        %dma_start3A_572 = tpu.memref_slice %arg7[%mul3A_571] : memref<10240xi32, #tpu.memory_space<vmem>> -> memref<64xi32, #tpu.memory_space<vmem>>
        %dma_start3A_573 = arith.constant 0 : i32
        %dma_start3A_574 = arith.constant 0 : i32
        %dma_start3A_575 = tpu.memref_slice %arg2[%dma_start3A_573, %dma_start3A_574] : memref<10000x128xf32, #tpu.memory_space<hbm>> -> memref<10000x128xf32, #tpu.memory_space<hbm>>
        tpu.enqueue_indirect_dma source(%dma_start3A_575 : memref<10000x128xf32, #tpu.memory_space<hbm>>) target(%arg15 : memref<64x128xf32, #tpu.memory_space<vmem>>) offsets(%dma_start3A_572 : memref<64xi32, #tpu.memory_space<vmem>>) semaphore(%arg23 : memref<!tpu.dma_semaphore, #tpu.memory_space<semaphore_mem>>)
      } else {
      }
      %while3A_503 = arith.constant 0 : i32
      scf.yield %while3A_503 : i32
    }
    %while3A_178 = arith.constant 1 : i32
    %while3A_179 = scf.for %while3A_433 = %while3A_175 to %while3A_171 step %while3A_178 iter_args(%while3A_434 = %while3A_177) -> (i32)  : i32 {
      %mul3A_435 = arith.constant 4 : i32
      %mul3A_436 = arith.muli %while3A_433, %mul3A_435 : i32
      %add3A_437 = arith.constant 0 : i32
      %add3A_438 = arith.addi %mul3A_436, %add3A_437 : i32
      %mul3A_439 = arith.constant 64 : i32
      %mul3A_440 = arith.muli %add3A_438, %mul3A_439 : i32
      %add3A_441 = arith.addi %select_n3A, %mul3A_440 : i32
      %dma_wait3A_442 = tpu.memref_slice %arg4[%add3A_441] : memref<327680xi32, #tpu.memory_space<hbm>> -> memref<64xi32, #tpu.memory_space<hbm>>
      %dma_wait3A_443 = tpu.memref_slice %arg4[%add3A_441] : memref<327680xi32, #tpu.memory_space<hbm>> -> memref<64xi32, #tpu.memory_space<hbm>>
      tpu.wait_dma2 semaphore(%arg16 : memref<!tpu.dma_semaphore, #tpu.memory_space<semaphore_mem>>) src(%dma_wait3A_443 : memref<64xi32, #tpu.memory_space<hbm>>) dst(%arg8 : memref<64xi32, #tpu.memory_space<vmem>>)
      %mul3A_444 = arith.constant 64 : i32
      %mul3A_445 = arith.muli %add3A_438, %mul3A_444 : i32
      %dma_wait3A_446 = tpu.memref_slice %arg7[%mul3A_445] : memref<10240xi32, #tpu.memory_space<vmem>> -> memref<64xi32, #tpu.memory_space<vmem>>
      %dma_wait3A_447 = arith.constant 0 : i32
      %dma_wait3A_448 = arith.constant 0 : i32
      %dma_wait3A_449 = tpu.memref_slice %arg2[%dma_wait3A_447, %dma_wait3A_448] : memref<10000x128xf32, #tpu.memory_space<hbm>> -> memref<10000x128xf32, #tpu.memory_space<hbm>>
      tpu.wait_indirect_dma semaphore(%arg20 : memref<!tpu.dma_semaphore, #tpu.memory_space<semaphore_mem>>) src(%dma_wait3A_449 : memref<10000x128xf32, #tpu.memory_space<hbm>>) dst(%arg12 : memref<64x128xf32, #tpu.memory_space<vmem>>)
      %dma_start3A_450 = arith.constant 0 : i32
      %dma_start3A_451 = arith.constant 0 : i32
      %dma_start3A_452 = tpu.memref_slice %arg6[%dma_start3A_450, %dma_start3A_451] : memref<10240x128xf32, #tpu.memory_space<vmem_shared>> -> memref<10240x128xf32, #tpu.memory_space<vmem_shared>>
      tpu.enqueue_indirect_dma source(%arg12 : memref<64x128xf32, #tpu.memory_space<vmem>>) target(%dma_start3A_452 : memref<10240x128xf32, #tpu.memory_space<vmem_shared>>) offsets(%arg8 : memref<64xi32, #tpu.memory_space<vmem>>) semaphore(%arg24 : memref<!tpu.dma_semaphore, #tpu.memory_space<semaphore_mem>>) {add = true}
      %add3A_453 = arith.constant 1 : i32
      %add3A_454 = arith.addi %mul3A_436, %add3A_453 : i32
      %mul3A_455 = arith.constant 64 : i32
      %mul3A_456 = arith.muli %add3A_454, %mul3A_455 : i32
      %add3A_457 = arith.addi %select_n3A, %mul3A_456 : i32
      %dma_wait3A_458 = tpu.memref_slice %arg4[%add3A_457] : memref<327680xi32, #tpu.memory_space<hbm>> -> memref<64xi32, #tpu.memory_space<hbm>>
      %dma_wait3A_459 = tpu.memref_slice %arg4[%add3A_457] : memref<327680xi32, #tpu.memory_space<hbm>> -> memref<64xi32, #tpu.memory_space<hbm>>
      tpu.wait_dma2 semaphore(%arg17 : memref<!tpu.dma_semaphore, #tpu.memory_space<semaphore_mem>>) src(%dma_wait3A_459 : memref<64xi32, #tpu.memory_space<hbm>>) dst(%arg9 : memref<64xi32, #tpu.memory_space<vmem>>)
      %mul3A_460 = arith.constant 64 : i32
      %mul3A_461 = arith.muli %add3A_454, %mul3A_460 : i32
      %dma_wait3A_462 = tpu.memref_slice %arg7[%mul3A_461] : memref<10240xi32, #tpu.memory_space<vmem>> -> memref<64xi32, #tpu.memory_space<vmem>>
      %dma_wait3A_463 = arith.constant 0 : i32
      %dma_wait3A_464 = arith.constant 0 : i32
      %dma_wait3A_465 = tpu.memref_slice %arg2[%dma_wait3A_463, %dma_wait3A_464] : memref<10000x128xf32, #tpu.memory_space<hbm>> -> memref<10000x128xf32, #tpu.memory_space<hbm>>
      tpu.wait_indirect_dma semaphore(%arg21 : memref<!tpu.dma_semaphore, #tpu.memory_space<semaphore_mem>>) src(%dma_wait3A_465 : memref<10000x128xf32, #tpu.memory_space<hbm>>) dst(%arg13 : memref<64x128xf32, #tpu.memory_space<vmem>>)
      %dma_start3A_466 = arith.constant 0 : i32
      %dma_start3A_467 = arith.constant 0 : i32
      %dma_start3A_468 = tpu.memref_slice %arg6[%dma_start3A_466, %dma_start3A_467] : memref<10240x128xf32, #tpu.memory_space<vmem_shared>> -> memref<10240x128xf32, #tpu.memory_space<vmem_shared>>
      tpu.enqueue_indirect_dma source(%arg13 : memref<64x128xf32, #tpu.memory_space<vmem>>) target(%dma_start3A_468 : memref<10240x128xf32, #tpu.memory_space<vmem_shared>>) offsets(%arg9 : memref<64xi32, #tpu.memory_space<vmem>>) semaphore(%arg25 : memref<!tpu.dma_semaphore, #tpu.memory_space<semaphore_mem>>) {add = true}
      %add3A_469 = arith.constant 2 : i32
      %add3A_470 = arith.addi %mul3A_436, %add3A_469 : i32
      %mul3A_471 = arith.constant 64 : i32
      %mul3A_472 = arith.muli %add3A_470, %mul3A_471 : i32
      %add3A_473 = arith.addi %select_n3A, %mul3A_472 : i32
      %dma_wait3A_474 = tpu.memref_slice %arg4[%add3A_473] : memref<327680xi32, #tpu.memory_space<hbm>> -> memref<64xi32, #tpu.memory_space<hbm>>
      %dma_wait3A_475 = tpu.memref_slice %arg4[%add3A_473] : memref<327680xi32, #tpu.memory_space<hbm>> -> memref<64xi32, #tpu.memory_space<hbm>>
      tpu.wait_dma2 semaphore(%arg18 : memref<!tpu.dma_semaphore, #tpu.memory_space<semaphore_mem>>) src(%dma_wait3A_475 : memref<64xi32, #tpu.memory_space<hbm>>) dst(%arg10 : memref<64xi32, #tpu.memory_space<vmem>>)
      %mul3A_476 = arith.constant 64 : i32
      %mul3A_477 = arith.muli %add3A_470, %mul3A_476 : i32
      %dma_wait3A_478 = tpu.memref_slice %arg7[%mul3A_477] : memref<10240xi32, #tpu.memory_space<vmem>> -> memref<64xi32, #tpu.memory_space<vmem>>
      %dma_wait3A_479 = arith.constant 0 : i32
      %dma_wait3A_480 = arith.constant 0 : i32
      %dma_wait3A_481 = tpu.memref_slice %arg2[%dma_wait3A_479, %dma_wait3A_480] : memref<10000x128xf32, #tpu.memory_space<hbm>> -> memref<10000x128xf32, #tpu.memory_space<hbm>>
      tpu.wait_indirect_dma semaphore(%arg22 : memref<!tpu.dma_semaphore, #tpu.memory_space<semaphore_mem>>) src(%dma_wait3A_481 : memref<10000x128xf32, #tpu.memory_space<hbm>>) dst(%arg14 : memref<64x128xf32, #tpu.memory_space<vmem>>)
      %dma_start3A_482 = arith.constant 0 : i32
      %dma_start3A_483 = arith.constant 0 : i32
      %dma_start3A_484 = tpu.memref_slice %arg6[%dma_start3A_482, %dma_start3A_483] : memref<10240x128xf32, #tpu.memory_space<vmem_shared>> -> memref<10240x128xf32, #tpu.memory_space<vmem_shared>>
      tpu.enqueue_indirect_dma source(%arg14 : memref<64x128xf32, #tpu.memory_space<vmem>>) target(%dma_start3A_484 : memref<10240x128xf32, #tpu.memory_space<vmem_shared>>) offsets(%arg10 : memref<64xi32, #tpu.memory_space<vmem>>) semaphore(%arg26 : memref<!tpu.dma_semaphore, #tpu.memory_space<semaphore_mem>>) {add = true}
      %add3A_485 = arith.constant 3 : i32
      %add3A_486 = arith.addi %mul3A_436, %add3A_485 : i32
      %mul3A_487 = arith.constant 64 : i32
      %mul3A_488 = arith.muli %add3A_486, %mul3A_487 : i32
      %add3A_489 = arith.addi %select_n3A, %mul3A_488 : i32
      %dma_wait3A_490 = tpu.memref_slice %arg4[%add3A_489] : memref<327680xi32, #tpu.memory_space<hbm>> -> memref<64xi32, #tpu.memory_space<hbm>>
      %dma_wait3A_491 = tpu.memref_slice %arg4[%add3A_489] : memref<327680xi32, #tpu.memory_space<hbm>> -> memref<64xi32, #tpu.memory_space<hbm>>
      tpu.wait_dma2 semaphore(%arg19 : memref<!tpu.dma_semaphore, #tpu.memory_space<semaphore_mem>>) src(%dma_wait3A_491 : memref<64xi32, #tpu.memory_space<hbm>>) dst(%arg11 : memref<64xi32, #tpu.memory_space<vmem>>)
      %mul3A_492 = arith.constant 64 : i32
      %mul3A_493 = arith.muli %add3A_486, %mul3A_492 : i32
      %dma_wait3A_494 = tpu.memref_slice %arg7[%mul3A_493] : memref<10240xi32, #tpu.memory_space<vmem>> -> memref<64xi32, #tpu.memory_space<vmem>>
      %dma_wait3A_495 = arith.constant 0 : i32
      %dma_wait3A_496 = arith.constant 0 : i32
      %dma_wait3A_497 = tpu.memref_slice %arg2[%dma_wait3A_495, %dma_wait3A_496] : memref<10000x128xf32, #tpu.memory_space<hbm>> -> memref<10000x128xf32, #tpu.memory_space<hbm>>
      tpu.wait_indirect_dma semaphore(%arg23 : memref<!tpu.dma_semaphore, #tpu.memory_space<semaphore_mem>>) src(%dma_wait3A_497 : memref<10000x128xf32, #tpu.memory_space<hbm>>) dst(%arg15 : memref<64x128xf32, #tpu.memory_space<vmem>>)
      %dma_start3A_498 = arith.constant 0 : i32
      %dma_start3A_499 = arith.constant 0 : i32
      %dma_start3A_500 = tpu.memref_slice %arg6[%dma_start3A_498, %dma_start3A_499] : memref<10240x128xf32, #tpu.memory_space<vmem_shared>> -> memref<10240x128xf32, #tpu.memory_space<vmem_shared>>
      tpu.enqueue_indirect_dma source(%arg15 : memref<64x128xf32, #tpu.memory_space<vmem>>) target(%dma_start3A_500 : memref<10240x128xf32, #tpu.memory_space<vmem_shared>>) offsets(%arg11 : memref<64xi32, #tpu.memory_space<vmem>>) semaphore(%arg27 : memref<!tpu.dma_semaphore, #tpu.memory_space<semaphore_mem>>) {add = true}
      %sub3A = arith.constant 1 : i32
      %sub3A_501 = arith.subi %select_n3A_132, %sub3A : i32
      %lt3A = arith.cmpi slt, %while3A_433, %sub3A_501 : i32
      %convert_element_type3A = arith.extui %lt3A : i1 to i32
      %cond3A = arith.constant 0 : i32
      %cond3A_502 = arith.cmpi ne, %convert_element_type3A, %cond3A : i32
      scf.if %cond3A_502 {
        %dma_wait3A_504 = arith.constant 0 : i32
        %dma_wait3A_505 = arith.constant 0 : i32
        %dma_wait3A_506 = tpu.memref_slice %arg6[%dma_wait3A_504, %dma_wait3A_505] : memref<10240x128xf32, #tpu.memory_space<vmem_shared>> -> memref<10240x128xf32, #tpu.memory_space<vmem_shared>>
        tpu.wait_indirect_dma semaphore(%arg24 : memref<!tpu.dma_semaphore, #tpu.memory_space<semaphore_mem>>) src(%arg12 : memref<64x128xf32, #tpu.memory_space<vmem>>) dst(%dma_wait3A_506 : memref<10240x128xf32, #tpu.memory_space<vmem_shared>>)
        %add3A_507 = arith.constant 4 : i32
        %add3A_508 = arith.addi %mul3A_436, %add3A_507 : i32
        %add3A_509 = arith.constant 0 : i32
        %add3A_510 = arith.addi %add3A_508, %add3A_509 : i32
        %mul3A_511 = arith.constant 64 : i32
        %mul3A_512 = arith.muli %add3A_510, %mul3A_511 : i32
        %add3A_513 = arith.addi %select_n3A, %mul3A_512 : i32
        %dma_start3A_514 = tpu.memref_slice %arg4[%add3A_513] : memref<327680xi32, #tpu.memory_space<hbm>> -> memref<64xi32, #tpu.memory_space<hbm>>
        %dma_start3A_515 = tpu.memref_slice %arg4[%add3A_513] : memref<327680xi32, #tpu.memory_space<hbm>> -> memref<64xi32, #tpu.memory_space<hbm>>
        tpu.enqueue_dma source(%dma_start3A_515 : memref<64xi32, #tpu.memory_space<hbm>>) target(%arg8 : memref<64xi32, #tpu.memory_space<vmem>>) target_semaphore(%arg16 : memref<!tpu.dma_semaphore, #tpu.memory_space<semaphore_mem>>)
        %mul3A_516 = arith.constant 64 : i32
        %mul3A_517 = arith.muli %add3A_510, %mul3A_516 : i32
        %dma_start3A_518 = tpu.memref_slice %arg7[%mul3A_517] : memref<10240xi32, #tpu.memory_space<vmem>> -> memref<64xi32, #tpu.memory_space<vmem>>
        %dma_start3A_519 = arith.constant 0 : i32
        %dma_start3A_520 = arith.constant 0 : i32
        %dma_start3A_521 = tpu.memref_slice %arg2[%dma_start3A_519, %dma_start3A_520] : memref<10000x128xf32, #tpu.memory_space<hbm>> -> memref<10000x128xf32, #tpu.memory_space<hbm>>
        tpu.enqueue_indirect_dma source(%dma_start3A_521 : memref<10000x128xf32, #tpu.memory_space<hbm>>) target(%arg12 : memref<64x128xf32, #tpu.memory_space<vmem>>) offsets(%dma_start3A_518 : memref<64xi32, #tpu.memory_space<vmem>>) semaphore(%arg20 : memref<!tpu.dma_semaphore, #tpu.memory_space<semaphore_mem>>)
        %dma_wait3A_522 = arith.constant 0 : i32
        %dma_wait3A_523 = arith.constant 0 : i32
        %dma_wait3A_524 = tpu.memref_slice %arg6[%dma_wait3A_522, %dma_wait3A_523] : memref<10240x128xf32, #tpu.memory_space<vmem_shared>> -> memref<10240x128xf32, #tpu.memory_space<vmem_shared>>
        tpu.wait_indirect_dma semaphore(%arg25 : memref<!tpu.dma_semaphore, #tpu.memory_space<semaphore_mem>>) src(%arg13 : memref<64x128xf32, #tpu.memory_space<vmem>>) dst(%dma_wait3A_524 : memref<10240x128xf32, #tpu.memory_space<vmem_shared>>)
        %add3A_525 = arith.constant 4 : i32
        %add3A_526 = arith.addi %mul3A_436, %add3A_525 : i32
        %add3A_527 = arith.constant 1 : i32
        %add3A_528 = arith.addi %add3A_526, %add3A_527 : i32
        %mul3A_529 = arith.constant 64 : i32
        %mul3A_530 = arith.muli %add3A_528, %mul3A_529 : i32
        %add3A_531 = arith.addi %select_n3A, %mul3A_530 : i32
        %dma_start3A_532 = tpu.memref_slice %arg4[%add3A_531] : memref<327680xi32, #tpu.memory_space<hbm>> -> memref<64xi32, #tpu.memory_space<hbm>>
        %dma_start3A_533 = tpu.memref_slice %arg4[%add3A_531] : memref<327680xi32, #tpu.memory_space<hbm>> -> memref<64xi32, #tpu.memory_space<hbm>>
        tpu.enqueue_dma source(%dma_start3A_533 : memref<64xi32, #tpu.memory_space<hbm>>) target(%arg9 : memref<64xi32, #tpu.memory_space<vmem>>) target_semaphore(%arg17 : memref<!tpu.dma_semaphore, #tpu.memory_space<semaphore_mem>>)
        %mul3A_534 = arith.constant 64 : i32
        %mul3A_535 = arith.muli %add3A_528, %mul3A_534 : i32
        %dma_start3A_536 = tpu.memref_slice %arg7[%mul3A_535] : memref<10240xi32, #tpu.memory_space<vmem>> -> memref<64xi32, #tpu.memory_space<vmem>>
        %dma_start3A_537 = arith.constant 0 : i32
        %dma_start3A_538 = arith.constant 0 : i32
        %dma_start3A_539 = tpu.memref_slice %arg2[%dma_start3A_537, %dma_start3A_538] : memref<10000x128xf32, #tpu.memory_space<hbm>> -> memref<10000x128xf32, #tpu.memory_space<hbm>>
        tpu.enqueue_indirect_dma source(%dma_start3A_539 : memref<10000x128xf32, #tpu.memory_space<hbm>>) target(%arg13 : memref<64x128xf32, #tpu.memory_space<vmem>>) offsets(%dma_start3A_536 : memref<64xi32, #tpu.memory_space<vmem>>) semaphore(%arg21 : memref<!tpu.dma_semaphore, #tpu.memory_space<semaphore_mem>>)
        %dma_wait3A_540 = arith.constant 0 : i32
        %dma_wait3A_541 = arith.constant 0 : i32
        %dma_wait3A_542 = tpu.memref_slice %arg6[%dma_wait3A_540, %dma_wait3A_541] : memref<10240x128xf32, #tpu.memory_space<vmem_shared>> -> memref<10240x128xf32, #tpu.memory_space<vmem_shared>>
        tpu.wait_indirect_dma semaphore(%arg26 : memref<!tpu.dma_semaphore, #tpu.memory_space<semaphore_mem>>) src(%arg14 : memref<64x128xf32, #tpu.memory_space<vmem>>) dst(%dma_wait3A_542 : memref<10240x128xf32, #tpu.memory_space<vmem_shared>>)
        %add3A_543 = arith.constant 4 : i32
        %add3A_544 = arith.addi %mul3A_436, %add3A_543 : i32
        %add3A_545 = arith.constant 2 : i32
        %add3A_546 = arith.addi %add3A_544, %add3A_545 : i32
        %mul3A_547 = arith.constant 64 : i32
        %mul3A_548 = arith.muli %add3A_546, %mul3A_547 : i32
        %add3A_549 = arith.addi %select_n3A, %mul3A_548 : i32
        %dma_start3A_550 = tpu.memref_slice %arg4[%add3A_549] : memref<327680xi32, #tpu.memory_space<hbm>> -> memref<64xi32, #tpu.memory_space<hbm>>
        %dma_start3A_551 = tpu.memref_slice %arg4[%add3A_549] : memref<327680xi32, #tpu.memory_space<hbm>> -> memref<64xi32, #tpu.memory_space<hbm>>
        tpu.enqueue_dma source(%dma_start3A_551 : memref<64xi32, #tpu.memory_space<hbm>>) target(%arg10 : memref<64xi32, #tpu.memory_space<vmem>>) target_semaphore(%arg18 : memref<!tpu.dma_semaphore, #tpu.memory_space<semaphore_mem>>)
        %mul3A_552 = arith.constant 64 : i32
        %mul3A_553 = arith.muli %add3A_546, %mul3A_552 : i32
        %dma_start3A_554 = tpu.memref_slice %arg7[%mul3A_553] : memref<10240xi32, #tpu.memory_space<vmem>> -> memref<64xi32, #tpu.memory_space<vmem>>
        %dma_start3A_555 = arith.constant 0 : i32
        %dma_start3A_556 = arith.constant 0 : i32
        %dma_start3A_557 = tpu.memref_slice %arg2[%dma_start3A_555, %dma_start3A_556] : memref<10000x128xf32, #tpu.memory_space<hbm>> -> memref<10000x128xf32, #tpu.memory_space<hbm>>
        tpu.enqueue_indirect_dma source(%dma_start3A_557 : memref<10000x128xf32, #tpu.memory_space<hbm>>) target(%arg14 : memref<64x128xf32, #tpu.memory_space<vmem>>) offsets(%dma_start3A_554 : memref<64xi32, #tpu.memory_space<vmem>>) semaphore(%arg22 : memref<!tpu.dma_semaphore, #tpu.memory_space<semaphore_mem>>)
        %dma_wait3A_558 = arith.constant 0 : i32
        %dma_wait3A_559 = arith.constant 0 : i32
        %dma_wait3A_560 = tpu.memref_slice %arg6[%dma_wait3A_558, %dma_wait3A_559] : memref<10240x128xf32, #tpu.memory_space<vmem_shared>> -> memref<10240x128xf32, #tpu.memory_space<vmem_shared>>
        tpu.wait_indirect_dma semaphore(%arg27 : memref<!tpu.dma_semaphore, #tpu.memory_space<semaphore_mem>>) src(%arg15 : memref<64x128xf32, #tpu.memory_space<vmem>>) dst(%dma_wait3A_560 : memref<10240x128xf32, #tpu.memory_space<vmem_shared>>)
        %add3A_561 = arith.constant 4 : i32
        %add3A_562 = arith.addi %mul3A_436, %add3A_561 : i32
        %add3A_563 = arith.constant 3 : i32
        %add3A_564 = arith.addi %add3A_562, %add3A_563 : i32
        %mul3A_565 = arith.constant 64 : i32
        %mul3A_566 = arith.muli %add3A_564, %mul3A_565 : i32
        %add3A_567 = arith.addi %select_n3A, %mul3A_566 : i32
        %dma_start3A_568 = tpu.memref_slice %arg4[%add3A_567] : memref<327680xi32, #tpu.memory_space<hbm>> -> memref<64xi32, #tpu.memory_space<hbm>>
        %dma_start3A_569 = tpu.memref_slice %arg4[%add3A_567] : memref<327680xi32, #tpu.memory_space<hbm>> -> memref<64xi32, #tpu.memory_space<hbm>>
        tpu.enqueue_dma source(%dma_start3A_569 : memref<64xi32, #tpu.memory_space<hbm>>) target(%arg11 : memref<64xi32, #tpu.memory_space<vmem>>) target_semaphore(%arg19 : memref<!tpu.dma_semaphore, #tpu.memory_space<semaphore_mem>>)
        %mul3A_570 = arith.constant 64 : i32
        %mul3A_571 = arith.muli %add3A_564, %mul3A_570 : i32
        %dma_start3A_572 = tpu.memref_slice %arg7[%mul3A_571] : memref<10240xi32, #tpu.memory_space<vmem>> -> memref<64xi32, #tpu.memory_space<vmem>>
        %dma_start3A_573 = arith.constant 0 : i32
        %dma_start3A_574 = arith.constant 0 : i32
        %dma_start3A_575 = tpu.memref_slice %arg2[%dma_start3A_573, %dma_start3A_574] : memref<10000x128xf32, #tpu.memory_space<hbm>> -> memref<10000x128xf32, #tpu.memory_space<hbm>>
        tpu.enqueue_indirect_dma source(%dma_start3A_575 : memref<10000x128xf32, #tpu.memory_space<hbm>>) target(%arg15 : memref<64x128xf32, #tpu.memory_space<vmem>>) offsets(%dma_start3A_572 : memref<64xi32, #tpu.memory_space<vmem>>) semaphore(%arg23 : memref<!tpu.dma_semaphore, #tpu.memory_space<semaphore_mem>>)
      } else {
      }
      %while3A_503 = arith.constant 0 : i32
      scf.yield %while3A_503 : i32
    }
    %dma_wait3A_180 = arith.constant 0 : i32
    %dma_wait3A_181 = arith.constant 0 : i32
    %dma_wait3A_182 = tpu.memref_slice %arg6[%dma_wait3A_180, %dma_wait3A_181] : memref<10240x128xf32, #tpu.memory_space<vmem_shared>> -> memref<10240x128xf32, #tpu.memory_space<vmem_shared>>
    tpu.wait_indirect_dma semaphore(%arg24 : memref<!tpu.dma_semaphore, #tpu.memory_space<semaphore_mem>>) src(%arg12 : memref<64x128xf32, #tpu.memory_space<vmem>>) dst(%dma_wait3A_182 : memref<10240x128xf32, #tpu.memory_space<vmem_shared>>)
    %dma_wait3A_183 = arith.constant 0 : i32
    %dma_wait3A_184 = arith.constant 0 : i32
    %dma_wait3A_185 = tpu.memref_slice %arg6[%dma_wait3A_183, %dma_wait3A_184] : memref<10240x128xf32, #tpu.memory_space<vmem_shared>> -> memref<10240x128xf32, #tpu.memory_space<vmem_shared>>
    tpu.wait_indirect_dma semaphore(%arg25 : memref<!tpu.dma_semaphore, #tpu.memory_space<semaphore_mem>>) src(%arg13 : memref<64x128xf32, #tpu.memory_space<vmem>>) dst(%dma_wait3A_185 : memref<10240x128xf32, #tpu.memory_space<vmem_shared>>)
    %dma_wait3A_186 = arith.constant 0 : i32
    %dma_wait3A_187 = arith.constant 0 : i32
    %dma_wait3A_188 = tpu.memref_slice %arg6[%dma_wait3A_186, %dma_wait3A_187] : memref<10240x128xf32, #tpu.memory_space<vmem_shared>> -> memref<10240x128xf32, #tpu.memory_space<vmem_shared>>
    tpu.wait_indirect_dma semaphore(%arg26 : memref<!tpu.dma_semaphore, #tpu.memory_space<semaphore_mem>>) src(%arg14 : memref<64x128xf32, #tpu.memory_space<vmem>>) dst(%dma_wait3A_188 : memref<10240x128xf32, #tpu.memory_space<vmem_shared>>)
    %dma_wait3A_189 = arith.constant 0 : i32
    %dma_wait3A_190 = arith.constant 0 : i32
    %dma_wait3A_191 = tpu.memref_slice %arg6[%dma_wait3A_189, %dma_wait3A_190] : memref<10240x128xf32, #tpu.memory_space<vmem_shared>> -> memref<10240x128xf32, #tpu.memory_space<vmem_shared>>
    tpu.wait_indirect_dma semaphore(%arg27 : memref<!tpu.dma_semaphore, #tpu.memory_space<semaphore_mem>>) src(%arg15 : memref<64x128xf32, #tpu.memory_space<vmem>>) dst(%dma_wait3A_191 : memref<10240x128xf32, #tpu.memory_space<vmem_shared>>)
    %barrier3A_192 = arith.constant 0 : index
    tpu.barrier barrier_id(%barrier3A_192)
    %mul3A_193 = arith.constant 640 : i32
    %mul3A_194 = arith.muli %arg1, %mul3A_193 : i32
    %add3A_195 = arith.constant 0 : i32
    %add3A_196 = arith.addi %mul3A_194, %add3A_195 : i32
    "tpu.region"() ({
      %run_scoped3A = tpu.sem_alloc : memref<!tpu.dma_semaphore, #tpu.memory_space<semaphore_mem>>
      %dma_start3A_433 = arith.constant 0 : i32
      %dma_start3A_434 = tpu.memref_slice %arg6[%add3A_196, %dma_start3A_433] : memref<10240x128xf32, #tpu.memory_space<vmem_shared>> -> memref<64x128xf32, #tpu.memory_space<vmem_shared>>
      %dma_start3A_435 = arith.constant 0 : i32
      %dma_start3A_436 = tpu.memref_slice %arg6[%add3A_196, %dma_start3A_435] : memref<10240x128xf32, #tpu.memory_space<vmem_shared>> -> memref<64x128xf32, #tpu.memory_space<vmem_shared>>
      tpu.enqueue_dma source(%dma_start3A_436 : memref<64x128xf32, #tpu.memory_space<vmem_shared>>) target(%arg12 : memref<64x128xf32, #tpu.memory_space<vmem>>) target_semaphore(%run_scoped3A : memref<!tpu.dma_semaphore, #tpu.memory_space<semaphore_mem>>)
      %dma_wait3A_437 = arith.constant 0 : i32
      %dma_wait3A_438 = tpu.memref_slice %arg6[%add3A_196, %dma_wait3A_437] : memref<10240x128xf32, #tpu.memory_space<vmem_shared>> -> memref<64x128xf32, #tpu.memory_space<vmem_shared>>
      %dma_wait3A_439 = arith.constant 0 : i32
      %dma_wait3A_440 = tpu.memref_slice %arg6[%add3A_196, %dma_wait3A_439] : memref<10240x128xf32, #tpu.memory_space<vmem_shared>> -> memref<64x128xf32, #tpu.memory_space<vmem_shared>>
      tpu.wait_dma2 semaphore(%run_scoped3A : memref<!tpu.dma_semaphore, #tpu.memory_space<semaphore_mem>>) src(%dma_wait3A_440 : memref<64x128xf32, #tpu.memory_space<vmem_shared>>) dst(%arg12 : memref<64x128xf32, #tpu.memory_space<vmem>>)
      tpu.yield
    }) : () -> ()
    %mul3A_197 = arith.constant 640 : i32
    %mul3A_198 = arith.muli %arg1, %mul3A_197 : i32
    %add3A_199 = arith.constant 0 : i32
    %add3A_200 = arith.addi %mul3A_198, %add3A_199 : i32
    %dma_start3A_201 = arith.constant 0 : i32
    %dma_start3A_202 = tpu.memref_slice %arg5[%arg0, %add3A_200, %dma_start3A_201] : memref<2x10240x128xf32, #tpu.memory_space<hbm>> -> memref<1x64x128xf32, #tpu.memory_space<hbm>>
    %dma_start3A_203 = tpu.memref_squeeze %dma_start3A_202 : memref<1x64x128xf32, #tpu.memory_space<hbm>> -> memref<64x128xf32, #tpu.memory_space<hbm>>
    %dma_start3A_204 = arith.constant 0 : i32
    %dma_start3A_205 = tpu.memref_slice %arg5[%arg0, %add3A_200, %dma_start3A_204] : memref<2x10240x128xf32, #tpu.memory_space<hbm>> -> memref<1x64x128xf32, #tpu.memory_space<hbm>>
    %dma_start3A_206 = tpu.memref_squeeze %dma_start3A_205 : memref<1x64x128xf32, #tpu.memory_space<hbm>> -> memref<64x128xf32, #tpu.memory_space<hbm>>
    tpu.enqueue_dma source(%arg12 : memref<64x128xf32, #tpu.memory_space<vmem>>) target(%dma_start3A_206 : memref<64x128xf32, #tpu.memory_space<hbm>>) target_semaphore(%arg20 : memref<!tpu.dma_semaphore, #tpu.memory_space<semaphore_mem>>)
    %mul3A_207 = arith.constant 640 : i32
    %mul3A_208 = arith.muli %arg1, %mul3A_207 : i32
    %add3A_209 = arith.constant 64 : i32
    %add3A_210 = arith.addi %mul3A_208, %add3A_209 : i32
    "tpu.region"() ({
      %run_scoped3A = tpu.sem_alloc : memref<!tpu.dma_semaphore, #tpu.memory_space<semaphore_mem>>
      %dma_start3A_433 = arith.constant 0 : i32
      %dma_start3A_434 = tpu.memref_slice %arg6[%add3A_210, %dma_start3A_433] : memref<10240x128xf32, #tpu.memory_space<vmem_shared>> -> memref<64x128xf32, #tpu.memory_space<vmem_shared>>
      %dma_start3A_435 = arith.constant 0 : i32
      %dma_start3A_436 = tpu.memref_slice %arg6[%add3A_210, %dma_start3A_435] : memref<10240x128xf32, #tpu.memory_space<vmem_shared>> -> memref<64x128xf32, #tpu.memory_space<vmem_shared>>
      tpu.enqueue_dma source(%dma_start3A_436 : memref<64x128xf32, #tpu.memory_space<vmem_shared>>) target(%arg13 : memref<64x128xf32, #tpu.memory_space<vmem>>) target_semaphore(%run_scoped3A : memref<!tpu.dma_semaphore, #tpu.memory_space<semaphore_mem>>)
      %dma_wait3A_437 = arith.constant 0 : i32
      %dma_wait3A_438 = tpu.memref_slice %arg6[%add3A_210, %dma_wait3A_437] : memref<10240x128xf32, #tpu.memory_space<vmem_shared>> -> memref<64x128xf32, #tpu.memory_space<vmem_shared>>
      %dma_wait3A_439 = arith.constant 0 : i32
      %dma_wait3A_440 = tpu.memref_slice %arg6[%add3A_210, %dma_wait3A_439] : memref<10240x128xf32, #tpu.memory_space<vmem_shared>> -> memref<64x128xf32, #tpu.memory_space<vmem_shared>>
      tpu.wait_dma2 semaphore(%run_scoped3A : memref<!tpu.dma_semaphore, #tpu.memory_space<semaphore_mem>>) src(%dma_wait3A_440 : memref<64x128xf32, #tpu.memory_space<vmem_shared>>) dst(%arg13 : memref<64x128xf32, #tpu.memory_space<vmem>>)
      tpu.yield
    }) : () -> ()
    %mul3A_211 = arith.constant 640 : i32
    %mul3A_212 = arith.muli %arg1, %mul3A_211 : i32
    %add3A_213 = arith.constant 64 : i32
    %add3A_214 = arith.addi %mul3A_212, %add3A_213 : i32
    %dma_start3A_215 = arith.constant 0 : i32
    %dma_start3A_216 = tpu.memref_slice %arg5[%arg0, %add3A_214, %dma_start3A_215] : memref<2x10240x128xf32, #tpu.memory_space<hbm>> -> memref<1x64x128xf32, #tpu.memory_space<hbm>>
    %dma_start3A_217 = tpu.memref_squeeze %dma_start3A_216 : memref<1x64x128xf32, #tpu.memory_space<hbm>> -> memref<64x128xf32, #tpu.memory_space<hbm>>
    %dma_start3A_218 = arith.constant 0 : i32
    %dma_start3A_219 = tpu.memref_slice %arg5[%arg0, %add3A_214, %dma_start3A_218] : memref<2x10240x128xf32, #tpu.memory_space<hbm>> -> memref<1x64x128xf32, #tpu.memory_space<hbm>>
    %dma_start3A_220 = tpu.memref_squeeze %dma_start3A_219 : memref<1x64x128xf32, #tpu.memory_space<hbm>> -> memref<64x128xf32, #tpu.memory_space<hbm>>
    tpu.enqueue_dma source(%arg13 : memref<64x128xf32, #tpu.memory_space<vmem>>) target(%dma_start3A_220 : memref<64x128xf32, #tpu.memory_space<hbm>>) target_semaphore(%arg21 : memref<!tpu.dma_semaphore, #tpu.memory_space<semaphore_mem>>)
    %mul3A_221 = arith.constant 640 : i32
    %mul3A_222 = arith.muli %arg1, %mul3A_221 : i32
    %add3A_223 = arith.constant 128 : i32
    %add3A_224 = arith.addi %mul3A_222, %add3A_223 : i32
    "tpu.region"() ({
      %run_scoped3A = tpu.sem_alloc : memref<!tpu.dma_semaphore, #tpu.memory_space<semaphore_mem>>
      %dma_start3A_433 = arith.constant 0 : i32
      %dma_start3A_434 = tpu.memref_slice %arg6[%add3A_224, %dma_start3A_433] : memref<10240x128xf32, #tpu.memory_space<vmem_shared>> -> memref<64x128xf32, #tpu.memory_space<vmem_shared>>
      %dma_start3A_435 = arith.constant 0 : i32
      %dma_start3A_436 = tpu.memref_slice %arg6[%add3A_224, %dma_start3A_435] : memref<10240x128xf32, #tpu.memory_space<vmem_shared>> -> memref<64x128xf32, #tpu.memory_space<vmem_shared>>
      tpu.enqueue_dma source(%dma_start3A_436 : memref<64x128xf32, #tpu.memory_space<vmem_shared>>) target(%arg14 : memref<64x128xf32, #tpu.memory_space<vmem>>) target_semaphore(%run_scoped3A : memref<!tpu.dma_semaphore, #tpu.memory_space<semaphore_mem>>)
      %dma_wait3A_437 = arith.constant 0 : i32
      %dma_wait3A_438 = tpu.memref_slice %arg6[%add3A_224, %dma_wait3A_437] : memref<10240x128xf32, #tpu.memory_space<vmem_shared>> -> memref<64x128xf32, #tpu.memory_space<vmem_shared>>
      %dma_wait3A_439 = arith.constant 0 : i32
      %dma_wait3A_440 = tpu.memref_slice %arg6[%add3A_224, %dma_wait3A_439] : memref<10240x128xf32, #tpu.memory_space<vmem_shared>> -> memref<64x128xf32, #tpu.memory_space<vmem_shared>>
      tpu.wait_dma2 semaphore(%run_scoped3A : memref<!tpu.dma_semaphore, #tpu.memory_space<semaphore_mem>>) src(%dma_wait3A_440 : memref<64x128xf32, #tpu.memory_space<vmem_shared>>) dst(%arg14 : memref<64x128xf32, #tpu.memory_space<vmem>>)
      tpu.yield
    }) : () -> ()
    %mul3A_225 = arith.constant 640 : i32
    %mul3A_226 = arith.muli %arg1, %mul3A_225 : i32
    %add3A_227 = arith.constant 128 : i32
    %add3A_228 = arith.addi %mul3A_226, %add3A_227 : i32
    %dma_start3A_229 = arith.constant 0 : i32
    %dma_start3A_230 = tpu.memref_slice %arg5[%arg0, %add3A_228, %dma_start3A_229] : memref<2x10240x128xf32, #tpu.memory_space<hbm>> -> memref<1x64x128xf32, #tpu.memory_space<hbm>>
    %dma_start3A_231 = tpu.memref_squeeze %dma_start3A_230 : memref<1x64x128xf32, #tpu.memory_space<hbm>> -> memref<64x128xf32, #tpu.memory_space<hbm>>
    %dma_start3A_232 = arith.constant 0 : i32
    %dma_start3A_233 = tpu.memref_slice %arg5[%arg0, %add3A_228, %dma_start3A_232] : memref<2x10240x128xf32, #tpu.memory_space<hbm>> -> memref<1x64x128xf32, #tpu.memory_space<hbm>>
    %dma_start3A_234 = tpu.memref_squeeze %dma_start3A_233 : memref<1x64x128xf32, #tpu.memory_space<hbm>> -> memref<64x128xf32, #tpu.memory_space<hbm>>
    tpu.enqueue_dma source(%arg14 : memref<64x128xf32, #tpu.memory_space<vmem>>) target(%dma_start3A_234 : memref<64x128xf32, #tpu.memory_space<hbm>>) target_semaphore(%arg22 : memref<!tpu.dma_semaphore, #tpu.memory_space<semaphore_mem>>)
    %mul3A_235 = arith.constant 640 : i32
    %mul3A_236 = arith.muli %arg1, %mul3A_235 : i32
    %add3A_237 = arith.constant 192 : i32
    %add3A_238 = arith.addi %mul3A_236, %add3A_237 : i32
    "tpu.region"() ({
      %run_scoped3A = tpu.sem_alloc : memref<!tpu.dma_semaphore, #tpu.memory_space<semaphore_mem>>
      %dma_start3A_433 = arith.constant 0 : i32
      %dma_start3A_434 = tpu.memref_slice %arg6[%add3A_238, %dma_start3A_433] : memref<10240x128xf32, #tpu.memory_space<vmem_shared>> -> memref<64x128xf32, #tpu.memory_space<vmem_shared>>
      %dma_start3A_435 = arith.constant 0 : i32
      %dma_start3A_436 = tpu.memref_slice %arg6[%add3A_238, %dma_start3A_435] : memref<10240x128xf32, #tpu.memory_space<vmem_shared>> -> memref<64x128xf32, #tpu.memory_space<vmem_shared>>
      tpu.enqueue_dma source(%dma_start3A_436 : memref<64x128xf32, #tpu.memory_space<vmem_shared>>) target(%arg15 : memref<64x128xf32, #tpu.memory_space<vmem>>) target_semaphore(%run_scoped3A : memref<!tpu.dma_semaphore, #tpu.memory_space<semaphore_mem>>)
      %dma_wait3A_437 = arith.constant 0 : i32
      %dma_wait3A_438 = tpu.memref_slice %arg6[%add3A_238, %dma_wait3A_437] : memref<10240x128xf32, #tpu.memory_space<vmem_shared>> -> memref<64x128xf32, #tpu.memory_space<vmem_shared>>
      %dma_wait3A_439 = arith.constant 0 : i32
      %dma_wait3A_440 = tpu.memref_slice %arg6[%add3A_238, %dma_wait3A_439] : memref<10240x128xf32, #tpu.memory_space<vmem_shared>> -> memref<64x128xf32, #tpu.memory_space<vmem_shared>>
      tpu.wait_dma2 semaphore(%run_scoped3A : memref<!tpu.dma_semaphore, #tpu.memory_space<semaphore_mem>>) src(%dma_wait3A_440 : memref<64x128xf32, #tpu.memory_space<vmem_shared>>) dst(%arg15 : memref<64x128xf32, #tpu.memory_space<vmem>>)
      tpu.yield
    }) : () -> ()
    %mul3A_239 = arith.constant 640 : i32
    %mul3A_240 = arith.muli %arg1, %mul3A_239 : i32
    %add3A_241 = arith.constant 192 : i32
    %add3A_242 = arith.addi %mul3A_240, %add3A_241 : i32
    %dma_start3A_243 = arith.constant 0 : i32
    %dma_start3A_244 = tpu.memref_slice %arg5[%arg0, %add3A_242, %dma_start3A_243] : memref<2x10240x128xf32, #tpu.memory_space<hbm>> -> memref<1x64x128xf32, #tpu.memory_space<hbm>>
    %dma_start3A_245 = tpu.memref_squeeze %dma_start3A_244 : memref<1x64x128xf32, #tpu.memory_space<hbm>> -> memref<64x128xf32, #tpu.memory_space<hbm>>
    %dma_start3A_246 = arith.constant 0 : i32
    %dma_start3A_247 = tpu.memref_slice %arg5[%arg0, %add3A_242, %dma_start3A_246] : memref<2x10240x128xf32, #tpu.memory_space<hbm>> -> memref<1x64x128xf32, #tpu.memory_space<hbm>>
    %dma_start3A_248 = tpu.memref_squeeze %dma_start3A_247 : memref<1x64x128xf32, #tpu.memory_space<hbm>> -> memref<64x128xf32, #tpu.memory_space<hbm>>
    tpu.enqueue_dma source(%arg15 : memref<64x128xf32, #tpu.memory_space<vmem>>) target(%dma_start3A_248 : memref<64x128xf32, #tpu.memory_space<hbm>>) target_semaphore(%arg23 : memref<!tpu.dma_semaphore, #tpu.memory_space<semaphore_mem>>)
    %mul3A_249 = arith.constant 640 : i32
    %mul3A_250 = arith.muli %arg1, %mul3A_249 : i32
    %add3A_251 = arith.constant 0 : i32
    %add3A_252 = arith.addi %mul3A_250, %add3A_251 : i32
    %dma_wait3A_253 = arith.constant 0 : i32
    %dma_wait3A_254 = tpu.memref_slice %arg5[%arg0, %add3A_252, %dma_wait3A_253] : memref<2x10240x128xf32, #tpu.memory_space<hbm>> -> memref<1x64x128xf32, #tpu.memory_space<hbm>>
    %dma_wait3A_255 = tpu.memref_squeeze %dma_wait3A_254 : memref<1x64x128xf32, #tpu.memory_space<hbm>> -> memref<64x128xf32, #tpu.memory_space<hbm>>
    %dma_wait3A_256 = arith.constant 0 : i32
    %dma_wait3A_257 = tpu.memref_slice %arg5[%arg0, %add3A_252, %dma_wait3A_256] : memref<2x10240x128xf32, #tpu.memory_space<hbm>> -> memref<1x64x128xf32, #tpu.memory_space<hbm>>
    %dma_wait3A_258 = tpu.memref_squeeze %dma_wait3A_257 : memref<1x64x128xf32, #tpu.memory_space<hbm>> -> memref<64x128xf32, #tpu.memory_space<hbm>>
    tpu.wait_dma2 semaphore(%arg20 : memref<!tpu.dma_semaphore, #tpu.memory_space<semaphore_mem>>) src(%arg12 : memref<64x128xf32, #tpu.memory_space<vmem>>) dst(%dma_wait3A_258 : memref<64x128xf32, #tpu.memory_space<hbm>>)
    %mul3A_259 = arith.constant 640 : i32
    %mul3A_260 = arith.muli %arg1, %mul3A_259 : i32
    %add3A_261 = arith.constant 256 : i32
    %add3A_262 = arith.addi %mul3A_260, %add3A_261 : i32
    "tpu.region"() ({
      %run_scoped3A = tpu.sem_alloc : memref<!tpu.dma_semaphore, #tpu.memory_space<semaphore_mem>>
      %dma_start3A_433 = arith.constant 0 : i32
      %dma_start3A_434 = tpu.memref_slice %arg6[%add3A_262, %dma_start3A_433] : memref<10240x128xf32, #tpu.memory_space<vmem_shared>> -> memref<64x128xf32, #tpu.memory_space<vmem_shared>>
      %dma_start3A_435 = arith.constant 0 : i32
      %dma_start3A_436 = tpu.memref_slice %arg6[%add3A_262, %dma_start3A_435] : memref<10240x128xf32, #tpu.memory_space<vmem_shared>> -> memref<64x128xf32, #tpu.memory_space<vmem_shared>>
      tpu.enqueue_dma source(%dma_start3A_436 : memref<64x128xf32, #tpu.memory_space<vmem_shared>>) target(%arg12 : memref<64x128xf32, #tpu.memory_space<vmem>>) target_semaphore(%run_scoped3A : memref<!tpu.dma_semaphore, #tpu.memory_space<semaphore_mem>>)
      %dma_wait3A_437 = arith.constant 0 : i32
      %dma_wait3A_438 = tpu.memref_slice %arg6[%add3A_262, %dma_wait3A_437] : memref<10240x128xf32, #tpu.memory_space<vmem_shared>> -> memref<64x128xf32, #tpu.memory_space<vmem_shared>>
      %dma_wait3A_439 = arith.constant 0 : i32
      %dma_wait3A_440 = tpu.memref_slice %arg6[%add3A_262, %dma_wait3A_439] : memref<10240x128xf32, #tpu.memory_space<vmem_shared>> -> memref<64x128xf32, #tpu.memory_space<vmem_shared>>
      tpu.wait_dma2 semaphore(%run_scoped3A : memref<!tpu.dma_semaphore, #tpu.memory_space<semaphore_mem>>) src(%dma_wait3A_440 : memref<64x128xf32, #tpu.memory_space<vmem_shared>>) dst(%arg12 : memref<64x128xf32, #tpu.memory_space<vmem>>)
      tpu.yield
    }) : () -> ()
    %mul3A_263 = arith.constant 640 : i32
    %mul3A_264 = arith.muli %arg1, %mul3A_263 : i32
    %add3A_265 = arith.constant 256 : i32
    %add3A_266 = arith.addi %mul3A_264, %add3A_265 : i32
    %dma_start3A_267 = arith.constant 0 : i32
    %dma_start3A_268 = tpu.memref_slice %arg5[%arg0, %add3A_266, %dma_start3A_267] : memref<2x10240x128xf32, #tpu.memory_space<hbm>> -> memref<1x64x128xf32, #tpu.memory_space<hbm>>
    %dma_start3A_269 = tpu.memref_squeeze %dma_start3A_268 : memref<1x64x128xf32, #tpu.memory_space<hbm>> -> memref<64x128xf32, #tpu.memory_space<hbm>>
    %dma_start3A_270 = arith.constant 0 : i32
    %dma_start3A_271 = tpu.memref_slice %arg5[%arg0, %add3A_266, %dma_start3A_270] : memref<2x10240x128xf32, #tpu.memory_space<hbm>> -> memref<1x64x128xf32, #tpu.memory_space<hbm>>
    %dma_start3A_272 = tpu.memref_squeeze %dma_start3A_271 : memref<1x64x128xf32, #tpu.memory_space<hbm>> -> memref<64x128xf32, #tpu.memory_space<hbm>>
    tpu.enqueue_dma source(%arg12 : memref<64x128xf32, #tpu.memory_space<vmem>>) target(%dma_start3A_272 : memref<64x128xf32, #tpu.memory_space<hbm>>) target_semaphore(%arg20 : memref<!tpu.dma_semaphore, #tpu.memory_space<semaphore_mem>>)
    %mul3A_273 = arith.constant 640 : i32
    %mul3A_274 = arith.muli %arg1, %mul3A_273 : i32
    %add3A_275 = arith.constant 64 : i32
    %add3A_276 = arith.addi %mul3A_274, %add3A_275 : i32
    %dma_wait3A_277 = arith.constant 0 : i32
    %dma_wait3A_278 = tpu.memref_slice %arg5[%arg0, %add3A_276, %dma_wait3A_277] : memref<2x10240x128xf32, #tpu.memory_space<hbm>> -> memref<1x64x128xf32, #tpu.memory_space<hbm>>
    %dma_wait3A_279 = tpu.memref_squeeze %dma_wait3A_278 : memref<1x64x128xf32, #tpu.memory_space<hbm>> -> memref<64x128xf32, #tpu.memory_space<hbm>>
    %dma_wait3A_280 = arith.constant 0 : i32
    %dma_wait3A_281 = tpu.memref_slice %arg5[%arg0, %add3A_276, %dma_wait3A_280] : memref<2x10240x128xf32, #tpu.memory_space<hbm>> -> memref<1x64x128xf32, #tpu.memory_space<hbm>>
    %dma_wait3A_282 = tpu.memref_squeeze %dma_wait3A_281 : memref<1x64x128xf32, #tpu.memory_space<hbm>> -> memref<64x128xf32, #tpu.memory_space<hbm>>
    tpu.wait_dma2 semaphore(%arg21 : memref<!tpu.dma_semaphore, #tpu.memory_space<semaphore_mem>>) src(%arg13 : memref<64x128xf32, #tpu.memory_space<vmem>>) dst(%dma_wait3A_282 : memref<64x128xf32, #tpu.memory_space<hbm>>)
    %mul3A_283 = arith.constant 640 : i32
    %mul3A_284 = arith.muli %arg1, %mul3A_283 : i32
    %add3A_285 = arith.constant 320 : i32
    %add3A_286 = arith.addi %mul3A_284, %add3A_285 : i32
    "tpu.region"() ({
      %run_scoped3A = tpu.sem_alloc : memref<!tpu.dma_semaphore, #tpu.memory_space<semaphore_mem>>
      %dma_start3A_433 = arith.constant 0 : i32
      %dma_start3A_434 = tpu.memref_slice %arg6[%add3A_286, %dma_start3A_433] : memref<10240x128xf32, #tpu.memory_space<vmem_shared>> -> memref<64x128xf32, #tpu.memory_space<vmem_shared>>
      %dma_start3A_435 = arith.constant 0 : i32
      %dma_start3A_436 = tpu.memref_slice %arg6[%add3A_286, %dma_start3A_435] : memref<10240x128xf32, #tpu.memory_space<vmem_shared>> -> memref<64x128xf32, #tpu.memory_space<vmem_shared>>
      tpu.enqueue_dma source(%dma_start3A_436 : memref<64x128xf32, #tpu.memory_space<vmem_shared>>) target(%arg13 : memref<64x128xf32, #tpu.memory_space<vmem>>) target_semaphore(%run_scoped3A : memref<!tpu.dma_semaphore, #tpu.memory_space<semaphore_mem>>)
      %dma_wait3A_437 = arith.constant 0 : i32
      %dma_wait3A_438 = tpu.memref_slice %arg6[%add3A_286, %dma_wait3A_437] : memref<10240x128xf32, #tpu.memory_space<vmem_shared>> -> memref<64x128xf32, #tpu.memory_space<vmem_shared>>
      %dma_wait3A_439 = arith.constant 0 : i32
      %dma_wait3A_440 = tpu.memref_slice %arg6[%add3A_286, %dma_wait3A_439] : memref<10240x128xf32, #tpu.memory_space<vmem_shared>> -> memref<64x128xf32, #tpu.memory_space<vmem_shared>>
      tpu.wait_dma2 semaphore(%run_scoped3A : memref<!tpu.dma_semaphore, #tpu.memory_space<semaphore_mem>>) src(%dma_wait3A_440 : memref<64x128xf32, #tpu.memory_space<vmem_shared>>) dst(%arg13 : memref<64x128xf32, #tpu.memory_space<vmem>>)
      tpu.yield
    }) : () -> ()
    %mul3A_287 = arith.constant 640 : i32
    %mul3A_288 = arith.muli %arg1, %mul3A_287 : i32
    %add3A_289 = arith.constant 320 : i32
    %add3A_290 = arith.addi %mul3A_288, %add3A_289 : i32
    %dma_start3A_291 = arith.constant 0 : i32
    %dma_start3A_292 = tpu.memref_slice %arg5[%arg0, %add3A_290, %dma_start3A_291] : memref<2x10240x128xf32, #tpu.memory_space<hbm>> -> memref<1x64x128xf32, #tpu.memory_space<hbm>>
    %dma_start3A_293 = tpu.memref_squeeze %dma_start3A_292 : memref<1x64x128xf32, #tpu.memory_space<hbm>> -> memref<64x128xf32, #tpu.memory_space<hbm>>
    %dma_start3A_294 = arith.constant 0 : i32
    %dma_start3A_295 = tpu.memref_slice %arg5[%arg0, %add3A_290, %dma_start3A_294] : memref<2x10240x128xf32, #tpu.memory_space<hbm>> -> memref<1x64x128xf32, #tpu.memory_space<hbm>>
    %dma_start3A_296 = tpu.memref_squeeze %dma_start3A_295 : memref<1x64x128xf32, #tpu.memory_space<hbm>> -> memref<64x128xf32, #tpu.memory_space<hbm>>
    tpu.enqueue_dma source(%arg13 : memref<64x128xf32, #tpu.memory_space<vmem>>) target(%dma_start3A_296 : memref<64x128xf32, #tpu.memory_space<hbm>>) target_semaphore(%arg21 : memref<!tpu.dma_semaphore, #tpu.memory_space<semaphore_mem>>)
    %mul3A_297 = arith.constant 640 : i32
    %mul3A_298 = arith.muli %arg1, %mul3A_297 : i32
    %add3A_299 = arith.constant 128 : i32
    %add3A_300 = arith.addi %mul3A_298, %add3A_299 : i32
    %dma_wait3A_301 = arith.constant 0 : i32
    %dma_wait3A_302 = tpu.memref_slice %arg5[%arg0, %add3A_300, %dma_wait3A_301] : memref<2x10240x128xf32, #tpu.memory_space<hbm>> -> memref<1x64x128xf32, #tpu.memory_space<hbm>>
    %dma_wait3A_303 = tpu.memref_squeeze %dma_wait3A_302 : memref<1x64x128xf32, #tpu.memory_space<hbm>> -> memref<64x128xf32, #tpu.memory_space<hbm>>
    %dma_wait3A_304 = arith.constant 0 : i32
    %dma_wait3A_305 = tpu.memref_slice %arg5[%arg0, %add3A_300, %dma_wait3A_304] : memref<2x10240x128xf32, #tpu.memory_space<hbm>> -> memref<1x64x128xf32, #tpu.memory_space<hbm>>
    %dma_wait3A_306 = tpu.memref_squeeze %dma_wait3A_305 : memref<1x64x128xf32, #tpu.memory_space<hbm>> -> memref<64x128xf32, #tpu.memory_space<hbm>>
    tpu.wait_dma2 semaphore(%arg22 : memref<!tpu.dma_semaphore, #tpu.memory_space<semaphore_mem>>) src(%arg14 : memref<64x128xf32, #tpu.memory_space<vmem>>) dst(%dma_wait3A_306 : memref<64x128xf32, #tpu.memory_space<hbm>>)
    %mul3A_307 = arith.constant 640 : i32
    %mul3A_308 = arith.muli %arg1, %mul3A_307 : i32
    %add3A_309 = arith.constant 384 : i32
    %add3A_310 = arith.addi %mul3A_308, %add3A_309 : i32
    "tpu.region"() ({
      %run_scoped3A = tpu.sem_alloc : memref<!tpu.dma_semaphore, #tpu.memory_space<semaphore_mem>>
      %dma_start3A_433 = arith.constant 0 : i32
      %dma_start3A_434 = tpu.memref_slice %arg6[%add3A_310, %dma_start3A_433] : memref<10240x128xf32, #tpu.memory_space<vmem_shared>> -> memref<64x128xf32, #tpu.memory_space<vmem_shared>>
      %dma_start3A_435 = arith.constant 0 : i32
      %dma_start3A_436 = tpu.memref_slice %arg6[%add3A_310, %dma_start3A_435] : memref<10240x128xf32, #tpu.memory_space<vmem_shared>> -> memref<64x128xf32, #tpu.memory_space<vmem_shared>>
      tpu.enqueue_dma source(%dma_start3A_436 : memref<64x128xf32, #tpu.memory_space<vmem_shared>>) target(%arg14 : memref<64x128xf32, #tpu.memory_space<vmem>>) target_semaphore(%run_scoped3A : memref<!tpu.dma_semaphore, #tpu.memory_space<semaphore_mem>>)
      %dma_wait3A_437 = arith.constant 0 : i32
      %dma_wait3A_438 = tpu.memref_slice %arg6[%add3A_310, %dma_wait3A_437] : memref<10240x128xf32, #tpu.memory_space<vmem_shared>> -> memref<64x128xf32, #tpu.memory_space<vmem_shared>>
      %dma_wait3A_439 = arith.constant 0 : i32
      %dma_wait3A_440 = tpu.memref_slice %arg6[%add3A_310, %dma_wait3A_439] : memref<10240x128xf32, #tpu.memory_space<vmem_shared>> -> memref<64x128xf32, #tpu.memory_space<vmem_shared>>
      tpu.wait_dma2 semaphore(%run_scoped3A : memref<!tpu.dma_semaphore, #tpu.memory_space<semaphore_mem>>) src(%dma_wait3A_440 : memref<64x128xf32, #tpu.memory_space<vmem_shared>>) dst(%arg14 : memref<64x128xf32, #tpu.memory_space<vmem>>)
      tpu.yield
    }) : () -> ()
    %mul3A_311 = arith.constant 640 : i32
    %mul3A_312 = arith.muli %arg1, %mul3A_311 : i32
    %add3A_313 = arith.constant 384 : i32
    %add3A_314 = arith.addi %mul3A_312, %add3A_313 : i32
    %dma_start3A_315 = arith.constant 0 : i32
    %dma_start3A_316 = tpu.memref_slice %arg5[%arg0, %add3A_314, %dma_start3A_315] : memref<2x10240x128xf32, #tpu.memory_space<hbm>> -> memref<1x64x128xf32, #tpu.memory_space<hbm>>
    %dma_start3A_317 = tpu.memref_squeeze %dma_start3A_316 : memref<1x64x128xf32, #tpu.memory_space<hbm>> -> memref<64x128xf32, #tpu.memory_space<hbm>>
    %dma_start3A_318 = arith.constant 0 : i32
    %dma_start3A_319 = tpu.memref_slice %arg5[%arg0, %add3A_314, %dma_start3A_318] : memref<2x10240x128xf32, #tpu.memory_space<hbm>> -> memref<1x64x128xf32, #tpu.memory_space<hbm>>
    %dma_start3A_320 = tpu.memref_squeeze %dma_start3A_319 : memref<1x64x128xf32, #tpu.memory_space<hbm>> -> memref<64x128xf32, #tpu.memory_space<hbm>>
    tpu.enqueue_dma source(%arg14 : memref<64x128xf32, #tpu.memory_space<vmem>>) target(%dma_start3A_320 : memref<64x128xf32, #tpu.memory_space<hbm>>) target_semaphore(%arg22 : memref<!tpu.dma_semaphore, #tpu.memory_space<semaphore_mem>>)
    %mul3A_321 = arith.constant 640 : i32
    %mul3A_322 = arith.muli %arg1, %mul3A_321 : i32
    %add3A_323 = arith.constant 192 : i32
    %add3A_324 = arith.addi %mul3A_322, %add3A_323 : i32
    %dma_wait3A_325 = arith.constant 0 : i32
    %dma_wait3A_326 = tpu.memref_slice %arg5[%arg0, %add3A_324, %dma_wait3A_325] : memref<2x10240x128xf32, #tpu.memory_space<hbm>> -> memref<1x64x128xf32, #tpu.memory_space<hbm>>
    %dma_wait3A_327 = tpu.memref_squeeze %dma_wait3A_326 : memref<1x64x128xf32, #tpu.memory_space<hbm>> -> memref<64x128xf32, #tpu.memory_space<hbm>>
    %dma_wait3A_328 = arith.constant 0 : i32
    %dma_wait3A_329 = tpu.memref_slice %arg5[%arg0, %add3A_324, %dma_wait3A_328] : memref<2x10240x128xf32, #tpu.memory_space<hbm>> -> memref<1x64x128xf32, #tpu.memory_space<hbm>>
    %dma_wait3A_330 = tpu.memref_squeeze %dma_wait3A_329 : memref<1x64x128xf32, #tpu.memory_space<hbm>> -> memref<64x128xf32, #tpu.memory_space<hbm>>
    tpu.wait_dma2 semaphore(%arg23 : memref<!tpu.dma_semaphore, #tpu.memory_space<semaphore_mem>>) src(%arg15 : memref<64x128xf32, #tpu.memory_space<vmem>>) dst(%dma_wait3A_330 : memref<64x128xf32, #tpu.memory_space<hbm>>)
    %mul3A_331 = arith.constant 640 : i32
    %mul3A_332 = arith.muli %arg1, %mul3A_331 : i32
    %add3A_333 = arith.constant 448 : i32
    %add3A_334 = arith.addi %mul3A_332, %add3A_333 : i32
    "tpu.region"() ({
      %run_scoped3A = tpu.sem_alloc : memref<!tpu.dma_semaphore, #tpu.memory_space<semaphore_mem>>
      %dma_start3A_433 = arith.constant 0 : i32
      %dma_start3A_434 = tpu.memref_slice %arg6[%add3A_334, %dma_start3A_433] : memref<10240x128xf32, #tpu.memory_space<vmem_shared>> -> memref<64x128xf32, #tpu.memory_space<vmem_shared>>
      %dma_start3A_435 = arith.constant 0 : i32
      %dma_start3A_436 = tpu.memref_slice %arg6[%add3A_334, %dma_start3A_435] : memref<10240x128xf32, #tpu.memory_space<vmem_shared>> -> memref<64x128xf32, #tpu.memory_space<vmem_shared>>
      tpu.enqueue_dma source(%dma_start3A_436 : memref<64x128xf32, #tpu.memory_space<vmem_shared>>) target(%arg15 : memref<64x128xf32, #tpu.memory_space<vmem>>) target_semaphore(%run_scoped3A : memref<!tpu.dma_semaphore, #tpu.memory_space<semaphore_mem>>)
      %dma_wait3A_437 = arith.constant 0 : i32
      %dma_wait3A_438 = tpu.memref_slice %arg6[%add3A_334, %dma_wait3A_437] : memref<10240x128xf32, #tpu.memory_space<vmem_shared>> -> memref<64x128xf32, #tpu.memory_space<vmem_shared>>
      %dma_wait3A_439 = arith.constant 0 : i32
      %dma_wait3A_440 = tpu.memref_slice %arg6[%add3A_334, %dma_wait3A_439] : memref<10240x128xf32, #tpu.memory_space<vmem_shared>> -> memref<64x128xf32, #tpu.memory_space<vmem_shared>>
      tpu.wait_dma2 semaphore(%run_scoped3A : memref<!tpu.dma_semaphore, #tpu.memory_space<semaphore_mem>>) src(%dma_wait3A_440 : memref<64x128xf32, #tpu.memory_space<vmem_shared>>) dst(%arg15 : memref<64x128xf32, #tpu.memory_space<vmem>>)
      tpu.yield
    }) : () -> ()
    %mul3A_335 = arith.constant 640 : i32
    %mul3A_336 = arith.muli %arg1, %mul3A_335 : i32
    %add3A_337 = arith.constant 448 : i32
    %add3A_338 = arith.addi %mul3A_336, %add3A_337 : i32
    %dma_start3A_339 = arith.constant 0 : i32
    %dma_start3A_340 = tpu.memref_slice %arg5[%arg0, %add3A_338, %dma_start3A_339] : memref<2x10240x128xf32, #tpu.memory_space<hbm>> -> memref<1x64x128xf32, #tpu.memory_space<hbm>>
    %dma_start3A_341 = tpu.memref_squeeze %dma_start3A_340 : memref<1x64x128xf32, #tpu.memory_space<hbm>> -> memref<64x128xf32, #tpu.memory_space<hbm>>
    %dma_start3A_342 = arith.constant 0 : i32
    %dma_start3A_343 = tpu.memref_slice %arg5[%arg0, %add3A_338, %dma_start3A_342] : memref<2x10240x128xf32, #tpu.memory_space<hbm>> -> memref<1x64x128xf32, #tpu.memory_space<hbm>>
    %dma_start3A_344 = tpu.memref_squeeze %dma_start3A_343 : memref<1x64x128xf32, #tpu.memory_space<hbm>> -> memref<64x128xf32, #tpu.memory_space<hbm>>
    tpu.enqueue_dma source(%arg15 : memref<64x128xf32, #tpu.memory_space<vmem>>) target(%dma_start3A_344 : memref<64x128xf32, #tpu.memory_space<hbm>>) target_semaphore(%arg23 : memref<!tpu.dma_semaphore, #tpu.memory_space<semaphore_mem>>)
    %mul3A_345 = arith.constant 640 : i32
    %mul3A_346 = arith.muli %arg1, %mul3A_345 : i32
    %add3A_347 = arith.constant 256 : i32
    %add3A_348 = arith.addi %mul3A_346, %add3A_347 : i32
    %dma_wait3A_349 = arith.constant 0 : i32
    %dma_wait3A_350 = tpu.memref_slice %arg5[%arg0, %add3A_348, %dma_wait3A_349] : memref<2x10240x128xf32, #tpu.memory_space<hbm>> -> memref<1x64x128xf32, #tpu.memory_space<hbm>>
    %dma_wait3A_351 = tpu.memref_squeeze %dma_wait3A_350 : memref<1x64x128xf32, #tpu.memory_space<hbm>> -> memref<64x128xf32, #tpu.memory_space<hbm>>
    %dma_wait3A_352 = arith.constant 0 : i32
    %dma_wait3A_353 = tpu.memref_slice %arg5[%arg0, %add3A_348, %dma_wait3A_352] : memref<2x10240x128xf32, #tpu.memory_space<hbm>> -> memref<1x64x128xf32, #tpu.memory_space<hbm>>
    %dma_wait3A_354 = tpu.memref_squeeze %dma_wait3A_353 : memref<1x64x128xf32, #tpu.memory_space<hbm>> -> memref<64x128xf32, #tpu.memory_space<hbm>>
    tpu.wait_dma2 semaphore(%arg20 : memref<!tpu.dma_semaphore, #tpu.memory_space<semaphore_mem>>) src(%arg12 : memref<64x128xf32, #tpu.memory_space<vmem>>) dst(%dma_wait3A_354 : memref<64x128xf32, #tpu.memory_space<hbm>>)
    %mul3A_355 = arith.constant 640 : i32
    %mul3A_356 = arith.muli %arg1, %mul3A_355 : i32
    %add3A_357 = arith.constant 512 : i32
    %add3A_358 = arith.addi %mul3A_356, %add3A_357 : i32
    "tpu.region"() ({
      %run_scoped3A = tpu.sem_alloc : memref<!tpu.dma_semaphore, #tpu.memory_space<semaphore_mem>>
      %dma_start3A_433 = arith.constant 0 : i32
      %dma_start3A_434 = tpu.memref_slice %arg6[%add3A_358, %dma_start3A_433] : memref<10240x128xf32, #tpu.memory_space<vmem_shared>> -> memref<64x128xf32, #tpu.memory_space<vmem_shared>>
      %dma_start3A_435 = arith.constant 0 : i32
      %dma_start3A_436 = tpu.memref_slice %arg6[%add3A_358, %dma_start3A_435] : memref<10240x128xf32, #tpu.memory_space<vmem_shared>> -> memref<64x128xf32, #tpu.memory_space<vmem_shared>>
      tpu.enqueue_dma source(%dma_start3A_436 : memref<64x128xf32, #tpu.memory_space<vmem_shared>>) target(%arg12 : memref<64x128xf32, #tpu.memory_space<vmem>>) target_semaphore(%run_scoped3A : memref<!tpu.dma_semaphore, #tpu.memory_space<semaphore_mem>>)
      %dma_wait3A_437 = arith.constant 0 : i32
      %dma_wait3A_438 = tpu.memref_slice %arg6[%add3A_358, %dma_wait3A_437] : memref<10240x128xf32, #tpu.memory_space<vmem_shared>> -> memref<64x128xf32, #tpu.memory_space<vmem_shared>>
      %dma_wait3A_439 = arith.constant 0 : i32
      %dma_wait3A_440 = tpu.memref_slice %arg6[%add3A_358, %dma_wait3A_439] : memref<10240x128xf32, #tpu.memory_space<vmem_shared>> -> memref<64x128xf32, #tpu.memory_space<vmem_shared>>
      tpu.wait_dma2 semaphore(%run_scoped3A : memref<!tpu.dma_semaphore, #tpu.memory_space<semaphore_mem>>) src(%dma_wait3A_440 : memref<64x128xf32, #tpu.memory_space<vmem_shared>>) dst(%arg12 : memref<64x128xf32, #tpu.memory_space<vmem>>)
      tpu.yield
    }) : () -> ()
    %mul3A_359 = arith.constant 640 : i32
    %mul3A_360 = arith.muli %arg1, %mul3A_359 : i32
    %add3A_361 = arith.constant 512 : i32
    %add3A_362 = arith.addi %mul3A_360, %add3A_361 : i32
    %dma_start3A_363 = arith.constant 0 : i32
    %dma_start3A_364 = tpu.memref_slice %arg5[%arg0, %add3A_362, %dma_start3A_363] : memref<2x10240x128xf32, #tpu.memory_space<hbm>> -> memref<1x64x128xf32, #tpu.memory_space<hbm>>
    %dma_start3A_365 = tpu.memref_squeeze %dma_start3A_364 : memref<1x64x128xf32, #tpu.memory_space<hbm>> -> memref<64x128xf32, #tpu.memory_space<hbm>>
    %dma_start3A_366 = arith.constant 0 : i32
    %dma_start3A_367 = tpu.memref_slice %arg5[%arg0, %add3A_362, %dma_start3A_366] : memref<2x10240x128xf32, #tpu.memory_space<hbm>> -> memref<1x64x128xf32, #tpu.memory_space<hbm>>
    %dma_start3A_368 = tpu.memref_squeeze %dma_start3A_367 : memref<1x64x128xf32, #tpu.memory_space<hbm>> -> memref<64x128xf32, #tpu.memory_space<hbm>>
    tpu.enqueue_dma source(%arg12 : memref<64x128xf32, #tpu.memory_space<vmem>>) target(%dma_start3A_368 : memref<64x128xf32, #tpu.memory_space<hbm>>) target_semaphore(%arg20 : memref<!tpu.dma_semaphore, #tpu.memory_space<semaphore_mem>>)
    %mul3A_369 = arith.constant 640 : i32
    %mul3A_370 = arith.muli %arg1, %mul3A_369 : i32
    %add3A_371 = arith.constant 320 : i32
    %add3A_372 = arith.addi %mul3A_370, %add3A_371 : i32
    %dma_wait3A_373 = arith.constant 0 : i32
    %dma_wait3A_374 = tpu.memref_slice %arg5[%arg0, %add3A_372, %dma_wait3A_373] : memref<2x10240x128xf32, #tpu.memory_space<hbm>> -> memref<1x64x128xf32, #tpu.memory_space<hbm>>
    %dma_wait3A_375 = tpu.memref_squeeze %dma_wait3A_374 : memref<1x64x128xf32, #tpu.memory_space<hbm>> -> memref<64x128xf32, #tpu.memory_space<hbm>>
    %dma_wait3A_376 = arith.constant 0 : i32
    %dma_wait3A_377 = tpu.memref_slice %arg5[%arg0, %add3A_372, %dma_wait3A_376] : memref<2x10240x128xf32, #tpu.memory_space<hbm>> -> memref<1x64x128xf32, #tpu.memory_space<hbm>>
    %dma_wait3A_378 = tpu.memref_squeeze %dma_wait3A_377 : memref<1x64x128xf32, #tpu.memory_space<hbm>> -> memref<64x128xf32, #tpu.memory_space<hbm>>
    tpu.wait_dma2 semaphore(%arg21 : memref<!tpu.dma_semaphore, #tpu.memory_space<semaphore_mem>>) src(%arg13 : memref<64x128xf32, #tpu.memory_space<vmem>>) dst(%dma_wait3A_378 : memref<64x128xf32, #tpu.memory_space<hbm>>)
    %mul3A_379 = arith.constant 640 : i32
    %mul3A_380 = arith.muli %arg1, %mul3A_379 : i32
    %add3A_381 = arith.constant 576 : i32
    %add3A_382 = arith.addi %mul3A_380, %add3A_381 : i32
    "tpu.region"() ({
      %run_scoped3A = tpu.sem_alloc : memref<!tpu.dma_semaphore, #tpu.memory_space<semaphore_mem>>
      %dma_start3A_433 = arith.constant 0 : i32
      %dma_start3A_434 = tpu.memref_slice %arg6[%add3A_382, %dma_start3A_433] : memref<10240x128xf32, #tpu.memory_space<vmem_shared>> -> memref<64x128xf32, #tpu.memory_space<vmem_shared>>
      %dma_start3A_435 = arith.constant 0 : i32
      %dma_start3A_436 = tpu.memref_slice %arg6[%add3A_382, %dma_start3A_435] : memref<10240x128xf32, #tpu.memory_space<vmem_shared>> -> memref<64x128xf32, #tpu.memory_space<vmem_shared>>
      tpu.enqueue_dma source(%dma_start3A_436 : memref<64x128xf32, #tpu.memory_space<vmem_shared>>) target(%arg13 : memref<64x128xf32, #tpu.memory_space<vmem>>) target_semaphore(%run_scoped3A : memref<!tpu.dma_semaphore, #tpu.memory_space<semaphore_mem>>)
      %dma_wait3A_437 = arith.constant 0 : i32
      %dma_wait3A_438 = tpu.memref_slice %arg6[%add3A_382, %dma_wait3A_437] : memref<10240x128xf32, #tpu.memory_space<vmem_shared>> -> memref<64x128xf32, #tpu.memory_space<vmem_shared>>
      %dma_wait3A_439 = arith.constant 0 : i32
      %dma_wait3A_440 = tpu.memref_slice %arg6[%add3A_382, %dma_wait3A_439] : memref<10240x128xf32, #tpu.memory_space<vmem_shared>> -> memref<64x128xf32, #tpu.memory_space<vmem_shared>>
      tpu.wait_dma2 semaphore(%run_scoped3A : memref<!tpu.dma_semaphore, #tpu.memory_space<semaphore_mem>>) src(%dma_wait3A_440 : memref<64x128xf32, #tpu.memory_space<vmem_shared>>) dst(%arg13 : memref<64x128xf32, #tpu.memory_space<vmem>>)
      tpu.yield
    }) : () -> ()
    %mul3A_383 = arith.constant 640 : i32
    %mul3A_384 = arith.muli %arg1, %mul3A_383 : i32
    %add3A_385 = arith.constant 576 : i32
    %add3A_386 = arith.addi %mul3A_384, %add3A_385 : i32
    %dma_start3A_387 = arith.constant 0 : i32
    %dma_start3A_388 = tpu.memref_slice %arg5[%arg0, %add3A_386, %dma_start3A_387] : memref<2x10240x128xf32, #tpu.memory_space<hbm>> -> memref<1x64x128xf32, #tpu.memory_space<hbm>>
    %dma_start3A_389 = tpu.memref_squeeze %dma_start3A_388 : memref<1x64x128xf32, #tpu.memory_space<hbm>> -> memref<64x128xf32, #tpu.memory_space<hbm>>
    %dma_start3A_390 = arith.constant 0 : i32
    %dma_start3A_391 = tpu.memref_slice %arg5[%arg0, %add3A_386, %dma_start3A_390] : memref<2x10240x128xf32, #tpu.memory_space<hbm>> -> memref<1x64x128xf32, #tpu.memory_space<hbm>>
    %dma_start3A_392 = tpu.memref_squeeze %dma_start3A_391 : memref<1x64x128xf32, #tpu.memory_space<hbm>> -> memref<64x128xf32, #tpu.memory_space<hbm>>
    tpu.enqueue_dma source(%arg13 : memref<64x128xf32, #tpu.memory_space<vmem>>) target(%dma_start3A_392 : memref<64x128xf32, #tpu.memory_space<hbm>>) target_semaphore(%arg21 : memref<!tpu.dma_semaphore, #tpu.memory_space<semaphore_mem>>)
    %mul3A_393 = arith.constant 640 : i32
    %mul3A_394 = arith.muli %arg1, %mul3A_393 : i32
    %add3A_395 = arith.constant 384 : i32
    %add3A_396 = arith.addi %mul3A_394, %add3A_395 : i32
    %dma_wait3A_397 = arith.constant 0 : i32
    %dma_wait3A_398 = tpu.memref_slice %arg5[%arg0, %add3A_396, %dma_wait3A_397] : memref<2x10240x128xf32, #tpu.memory_space<hbm>> -> memref<1x64x128xf32, #tpu.memory_space<hbm>>
    %dma_wait3A_399 = tpu.memref_squeeze %dma_wait3A_398 : memref<1x64x128xf32, #tpu.memory_space<hbm>> -> memref<64x128xf32, #tpu.memory_space<hbm>>
    %dma_wait3A_400 = arith.constant 0 : i32
    %dma_wait3A_401 = tpu.memref_slice %arg5[%arg0, %add3A_396, %dma_wait3A_400] : memref<2x10240x128xf32, #tpu.memory_space<hbm>> -> memref<1x64x128xf32, #tpu.memory_space<hbm>>
    %dma_wait3A_402 = tpu.memref_squeeze %dma_wait3A_401 : memref<1x64x128xf32, #tpu.memory_space<hbm>> -> memref<64x128xf32, #tpu.memory_space<hbm>>
    tpu.wait_dma2 semaphore(%arg22 : memref<!tpu.dma_semaphore, #tpu.memory_space<semaphore_mem>>) src(%arg14 : memref<64x128xf32, #tpu.memory_space<vmem>>) dst(%dma_wait3A_402 : memref<64x128xf32, #tpu.memory_space<hbm>>)
    %mul3A_403 = arith.constant 640 : i32
    %mul3A_404 = arith.muli %arg1, %mul3A_403 : i32
    %add3A_405 = arith.constant 448 : i32
    %add3A_406 = arith.addi %mul3A_404, %add3A_405 : i32
    %dma_wait3A_407 = arith.constant 0 : i32
    %dma_wait3A_408 = tpu.memref_slice %arg5[%arg0, %add3A_406, %dma_wait3A_407] : memref<2x10240x128xf32, #tpu.memory_space<hbm>> -> memref<1x64x128xf32, #tpu.memory_space<hbm>>
    %dma_wait3A_409 = tpu.memref_squeeze %dma_wait3A_408 : memref<1x64x128xf32, #tpu.memory_space<hbm>> -> memref<64x128xf32, #tpu.memory_space<hbm>>
    %dma_wait3A_410 = arith.constant 0 : i32
    %dma_wait3A_411 = tpu.memref_slice %arg5[%arg0, %add3A_406, %dma_wait3A_410] : memref<2x10240x128xf32, #tpu.memory_space<hbm>> -> memref<1x64x128xf32, #tpu.memory_space<hbm>>
    %dma_wait3A_412 = tpu.memref_squeeze %dma_wait3A_411 : memref<1x64x128xf32, #tpu.memory_space<hbm>> -> memref<64x128xf32, #tpu.memory_space<hbm>>
    tpu.wait_dma2 semaphore(%arg23 : memref<!tpu.dma_semaphore, #tpu.memory_space<semaphore_mem>>) src(%arg15 : memref<64x128xf32, #tpu.memory_space<vmem>>) dst(%dma_wait3A_412 : memref<64x128xf32, #tpu.memory_space<hbm>>)
    %mul3A_413 = arith.constant 640 : i32
    %mul3A_414 = arith.muli %arg1, %mul3A_413 : i32
    %add3A_415 = arith.constant 512 : i32
    %add3A_416 = arith.addi %mul3A_414, %add3A_415 : i32
    %dma_wait3A_417 = arith.constant 0 : i32
    %dma_wait3A_418 = tpu.memref_slice %arg5[%arg0, %add3A_416, %dma_wait3A_417] : memref<2x10240x128xf32, #tpu.memory_space<hbm>> -> memref<1x64x128xf32, #tpu.memory_space<hbm>>
    %dma_wait3A_419 = tpu.memref_squeeze %dma_wait3A_418 : memref<1x64x128xf32, #tpu.memory_space<hbm>> -> memref<64x128xf32, #tpu.memory_space<hbm>>
    %dma_wait3A_420 = arith.constant 0 : i32
    %dma_wait3A_421 = tpu.memref_slice %arg5[%arg0, %add3A_416, %dma_wait3A_420] : memref<2x10240x128xf32, #tpu.memory_space<hbm>> -> memref<1x64x128xf32, #tpu.memory_space<hbm>>
    %dma_wait3A_422 = tpu.memref_squeeze %dma_wait3A_421 : memref<1x64x128xf32, #tpu.memory_space<hbm>> -> memref<64x128xf32, #tpu.memory_space<hbm>>
    tpu.wait_dma2 semaphore(%arg20 : memref<!tpu.dma_semaphore, #tpu.memory_space<semaphore_mem>>) src(%arg12 : memref<64x128xf32, #tpu.memory_space<vmem>>) dst(%dma_wait3A_422 : memref<64x128xf32, #tpu.memory_space<hbm>>)
    %mul3A_423 = arith.constant 640 : i32
    %mul3A_424 = arith.muli %arg1, %mul3A_423 : i32
    %add3A_425 = arith.constant 576 : i32
    %add3A_426 = arith.addi %mul3A_424, %add3A_425 : i32
    %dma_wait3A_427 = arith.constant 0 : i32
    %dma_wait3A_428 = tpu.memref_slice %arg5[%arg0, %add3A_426, %dma_wait3A_427] : memref<2x10240x128xf32, #tpu.memory_space<hbm>> -> memref<1x64x128xf32, #tpu.memory_space<hbm>>
    %dma_wait3A_429 = tpu.memref_squeeze %dma_wait3A_428 : memref<1x64x128xf32, #tpu.memory_space<hbm>> -> memref<64x128xf32, #tpu.memory_space<hbm>>
    %dma_wait3A_430 = arith.constant 0 : i32
    %dma_wait3A_431 = tpu.memref_slice %arg5[%arg0, %add3A_426, %dma_wait3A_430] : memref<2x10240x128xf32, #tpu.memory_space<hbm>> -> memref<1x64x128xf32, #tpu.memory_space<hbm>>
    %dma_wait3A_432 = tpu.memref_squeeze %dma_wait3A_431 : memref<1x64x128xf32, #tpu.memory_space<hbm>> -> memref<64x128xf32, #tpu.memory_space<hbm>>
    tpu.wait_dma2 semaphore(%arg21 : memref<!tpu.dma_semaphore, #tpu.memory_space<semaphore_mem>>) src(%arg13 : memref<64x128xf32, #tpu.memory_space<vmem>>) dst(%dma_wait3A_432 : memref<64x128xf32, #tpu.memory_space<hbm>>)
    return
  }
}

module attributes {stable_mosaic.version = 14 : i64} {
  func.func @_tc_matmul_body(%arg0: i32, %arg1: memref<1000x128xf32, #tpu.memory_space<vmem>>, %arg2: memref<128x128xf32, #tpu.memory_space<vmem>>, %arg3: memref<1000x128xf32, #tpu.memory_space<vmem>>) attributes {dimension_semantics = [#tpu.dimension_semantics<arbitrary>], iteration_bounds = array<i64: 10>, scalar_prefetch = 0 : i64, scratch_operands = 0 : i64, tpu.core_type = #tpu.core_type<tc>, window_params = [{transform_indices = @transform_0, window_bounds = array<i64: 1000, 128>}, {pipeline_mode = #tpu.pipeline_mode<synchronous>, transform_indices = @transform_1, window_bounds = array<i64: 128, 128>}, {transform_indices = @transform_2, window_bounds = array<i64: 1000, 128>}]} {
    %get3A = arith.constant 0 : index
    %get3A_0 = arith.constant 0 : index
    %get3A_1 = vector.load %arg1[%get3A, %get3A_0] : memref<1000x128xf32, #tpu.memory_space<vmem>>, vector<1000x128xf32>
    %get3A_2 = arith.constant 0 : index
    %get3A_3 = arith.constant 0 : index
    %get3A_4 = vector.load %arg2[%get3A_2, %get3A_3] : memref<128x128xf32, #tpu.memory_space<vmem>>, vector<128x128xf32>
    %dot_general3A = arith.constant dense<0.000000e+00> : vector<1000x128xf32>
    %dot_general3A_5 = tpu.matmul %get3A_1, %get3A_4, %dot_general3A {dimension_numbers = #tpu.dot_dimension_numbers<[1], [0], [0], [1], [0, 0, 1, 1], [], []>, transpose_lhs_hint = false} : vector<1000x128xf32>, vector<128x128xf32>, vector<1000x128xf32> -> vector<1000x128xf32>
    %swap3A = arith.constant 0 : index
    %swap3A_6 = arith.constant 0 : index
    %swap3A_7 = vector.load %arg3[%swap3A, %swap3A_6] : memref<1000x128xf32, #tpu.memory_space<vmem>>, vector<1000x128xf32>
    tpu.vector_store %arg3[%swap3A, %swap3A_6], %dot_general3A_5 {strides = array<i32>} : memref<1000x128xf32, #tpu.memory_space<vmem>>, vector<1000x128xf32>,
    return
  }
  func.func @transform_0(%arg0: i32) -> (i32, i32) {
    %c0_i32 = arith.constant 0 : i32
    %c0_i32_0 = arith.constant 0 : i32
    return %arg0, %c0_i32 : i32, i32
  }
  func.func @transform_1(%arg0: i32) -> (i32, i32) {
    %c0_i32 = arith.constant 0 : i32
    %c0_i32_0 = arith.constant 0 : i32
    %c0_i32_1 = arith.constant 0 : i32
    return %c0_i32, %c0_i32_0 : i32, i32
  }
  func.func @transform_2(%arg0: i32) -> (i32, i32) {
    %c0_i32 = arith.constant 0 : i32
    %c0_i32_0 = arith.constant 0 : i32
    return %arg0, %c0_i32 : i32, i32
  }
}

module attributes {stable_mosaic.version = 14 : i64} {
  func.func @_tc_scale_body(%arg0: i32, %arg1: memref<1000x1xf32, #tpu.memory_space<vmem>>, %arg2: memref<1000x128xf32, #tpu.memory_space<vmem>>, %arg3: memref<1000x128xf32, #tpu.memory_space<vmem>>) attributes {dimension_semantics = [#tpu.dimension_semantics<arbitrary>], iteration_bounds = array<i64: 10>, scalar_prefetch = 0 : i64, scratch_operands = 0 : i64, tpu.core_type = #tpu.core_type<tc>, window_params = [{transform_indices = @transform_0, window_bounds = array<i64: 1000, 1>}, {transform_indices = @transform_1, window_bounds = array<i64: 1000, 128>}, {transform_indices = @transform_2, window_bounds = array<i64: 1000, 128>}]} {
    %get3A = arith.constant 0 : index
    %get3A_0 = arith.constant 0 : index
    %get3A_1 = vector.load %arg1[%get3A, %get3A_0] : memref<1000x1xf32, #tpu.memory_space<vmem>>, vector<1000x1xf32>
    %add3A = arith.constant 1.000000e+00 : f32
    %add3A_2 = vector.broadcast %add3A : f32 to vector<1000x1xf32>
    %add3A_3 = arith.addf %get3A_1, %add3A_2 : vector<1000x1xf32>
    %rsqrt3A = math.rsqrt %add3A_3 : vector<1000x1xf32>
    %get3A_4 = arith.constant 0 : index
    %get3A_5 = arith.constant 0 : index
    %get3A_6 = vector.load %arg2[%get3A_4, %get3A_5] : memref<1000x128xf32, #tpu.memory_space<vmem>>, vector<1000x128xf32>
    %mul3A = vector.broadcast %rsqrt3A : vector<1000x1xf32> to vector<1000x128xf32>
    %mul3A_7 = arith.mulf %get3A_6, %mul3A : vector<1000x128xf32>
    %swap3A = arith.constant 0 : index
    %swap3A_8 = arith.constant 0 : index
    %swap3A_9 = vector.load %arg3[%swap3A, %swap3A_8] : memref<1000x128xf32, #tpu.memory_space<vmem>>, vector<1000x128xf32>
    tpu.vector_store %arg3[%swap3A, %swap3A_8], %mul3A_7 {strides = array<i32>} : memref<1000x128xf32, #tpu.memory_space<vmem>>, vector<1000x128xf32>,
    return
  }
  func.func @transform_0(%arg0: i32) -> (i32, i32) {
    %c0_i32 = arith.constant 0 : i32
    %c0_i32_0 = arith.constant 0 : i32
    return %arg0, %c0_i32 : i32, i32
  }
  func.func @transform_1(%arg0: i32) -> (i32, i32) {
    %c0_i32 = arith.constant 0 : i32
    %c0_i32_0 = arith.constant 0 : i32
    return %arg0, %c0_i32 : i32, i32
  }
  func.func @transform_2(%arg0: i32) -> (i32, i32) {
    %c0_i32 = arith.constant 0 : i32
    %c0_i32_0 = arith.constant 0 : i32
    return %arg0, %c0_i32 : i32, i32
  }
}

module attributes {stable_mosaic.version = 14 : i64} {
  func.func @_tc_mid_body(%arg0: i32, %arg1: memref<1000x1xf32, #tpu.memory_space<vmem>>, %arg2: memref<1x1000x128xf32, #tpu.memory_space<vmem>>, %arg3: memref<1x1000x128xf32, #tpu.memory_space<vmem>>, %arg4: memref<1000x128xf32, #tpu.memory_space<vmem>>, %arg5: memref<1x128xf32, #tpu.memory_space<vmem>>, %arg6: memref<128x128xf32, #tpu.memory_space<vmem>>, %arg7: memref<1000x128xf32, #tpu.memory_space<vmem>>) attributes {dimension_semantics = [#tpu.dimension_semantics<arbitrary>], iteration_bounds = array<i64: 10>, scalar_prefetch = 0 : i64, scratch_operands = 0 : i64, tpu.core_type = #tpu.core_type<tc>, window_params = [{transform_indices = @transform_0, window_bounds = array<i64: 1000, 1>}, {transform_indices = @transform_1, window_bounds = array<i64: 1, 1000, 128>}, {transform_indices = @transform_2, window_bounds = array<i64: 1, 1000, 128>}, {transform_indices = @transform_3, window_bounds = array<i64: 1000, 128>}, {pipeline_mode = #tpu.pipeline_mode<synchronous>, transform_indices = @transform_4, window_bounds = array<i64: 1, 128>}, {pipeline_mode = #tpu.pipeline_mode<synchronous>, transform_indices = @transform_5, window_bounds = array<i64: 128, 128>}, {transform_indices = @transform_6, window_bounds = array<i64: 1000, 128>}]} {
    %get3A = arith.constant 0 : index
    %get3A_0 = arith.constant 0 : index
    %get3A_1 = vector.load %arg1[%get3A, %get3A_0] : memref<1000x1xf32, #tpu.memory_space<vmem>>, vector<1000x1xf32>
    %add3A = arith.constant 1.000000e+00 : f32
    %add3A_2 = vector.broadcast %add3A : f32 to vector<1000x1xf32>
    %add3A_3 = arith.addf %get3A_1, %add3A_2 : vector<1000x1xf32>
    %rsqrt3A = math.rsqrt %add3A_3 : vector<1000x1xf32>
    %get3A_4 = arith.constant 0 : index
    %get3A_5 = arith.constant 0 : index
    %get3A_6 = arith.constant 0 : index
    %get3A_7 = vector.load %arg2[%get3A_4, %get3A_5, %get3A_6] : memref<1x1000x128xf32, #tpu.memory_space<vmem>>, vector<1x1000x128xf32>
    %get3A_8 = vector.shape_cast %get3A_7 : vector<1x1000x128xf32> to vector<1000x128xf32>
    %get3A_9 = arith.constant 0 : index
    %get3A_10 = arith.constant 0 : index
    %get3A_11 = arith.constant 0 : index
    %get3A_12 = vector.load %arg3[%get3A_9, %get3A_10, %get3A_11] : memref<1x1000x128xf32, #tpu.memory_space<vmem>>, vector<1x1000x128xf32>
    %get3A_13 = vector.shape_cast %get3A_12 : vector<1x1000x128xf32> to vector<1000x128xf32>
    %add3A_14 = arith.addf %get3A_8, %get3A_13 : vector<1000x128xf32>
    %get3A_15 = arith.constant 0 : index
    %get3A_16 = arith.constant 0 : index
    %get3A_17 = vector.load %arg4[%get3A_15, %get3A_16] : memref<1000x128xf32, #tpu.memory_space<vmem>>, vector<1000x128xf32>
    %add3A_18 = arith.addf %add3A_14, %get3A_17 : vector<1000x128xf32>
    %mul3A = vector.broadcast %rsqrt3A : vector<1000x1xf32> to vector<1000x128xf32>
    %mul3A_19 = arith.mulf %add3A_18, %mul3A : vector<1000x128xf32>
    %get3A_20 = arith.constant 0 : index
    %get3A_21 = arith.constant 0 : index
    %get3A_22 = vector.load %arg5[%get3A_20, %get3A_21] : memref<1x128xf32, #tpu.memory_space<vmem>>, vector<1x128xf32>
    %add3A_23 = vector.broadcast %get3A_22 : vector<1x128xf32> to vector<1000x128xf32>
    %add3A_24 = arith.addf %mul3A_19, %add3A_23 : vector<1000x128xf32>
    %max3A = arith.constant 0.000000e+00 : f32
    %max3A_25 = vector.broadcast %max3A : f32 to vector<1000x128xf32>
    %max3A_26 = arith.maximumf %add3A_24, %max3A_25 : vector<1000x128xf32>
    %get3A_27 = arith.constant 0 : index
    %get3A_28 = arith.constant 0 : index
    %get3A_29 = vector.load %arg6[%get3A_27, %get3A_28] : memref<128x128xf32, #tpu.memory_space<vmem>>, vector<128x128xf32>
    %dot_general3A = arith.constant dense<0.000000e+00> : vector<1000x128xf32>
    %dot_general3A_30 = tpu.matmul %max3A_26, %get3A_29, %dot_general3A {dimension_numbers = #tpu.dot_dimension_numbers<[1], [0], [0], [1], [0, 0, 1, 1], [], []>, transpose_lhs_hint = false} : vector<1000x128xf32>, vector<128x128xf32>, vector<1000x128xf32> -> vector<1000x128xf32>
    %mul3A_31 = vector.broadcast %rsqrt3A : vector<1000x1xf32> to vector<1000x128xf32>
    %mul3A_32 = arith.mulf %dot_general3A_30, %mul3A_31 : vector<1000x128xf32>
    %swap3A = arith.constant 0 : index
    %swap3A_33 = arith.constant 0 : index
    %swap3A_34 = vector.load %arg7[%swap3A, %swap3A_33] : memref<1000x128xf32, #tpu.memory_space<vmem>>, vector<1000x128xf32>
    tpu.vector_store %arg7[%swap3A, %swap3A_33], %mul3A_32 {strides = array<i32>} : memref<1000x128xf32, #tpu.memory_space<vmem>>, vector<1000x128xf32>,
    return
  }
  func.func @transform_0(%arg0: i32) -> (i32, i32) {
    %c0_i32 = arith.constant 0 : i32
    %c0_i32_0 = arith.constant 0 : i32
    return %arg0, %c0_i32 : i32, i32
  }
  func.func @transform_1(%arg0: i32) -> (i32, i32, i32) {
    %c0_i32 = arith.constant 0 : i32
    %c0_i32_0 = arith.constant 0 : i32
    %c0_i32_1 = arith.constant 0 : i32
    return %c0_i32, %arg0, %c0_i32_0 : i32, i32, i32
  }
  func.func @transform_2(%arg0: i32) -> (i32, i32, i32) {
    %c1_i32 = arith.constant 1 : i32
    %c0_i32 = arith.constant 0 : i32
    %c0_i32_0 = arith.constant 0 : i32
    return %c1_i32, %arg0, %c0_i32 : i32, i32, i32
  }
  func.func @transform_3(%arg0: i32) -> (i32, i32) {
    %c0_i32 = arith.constant 0 : i32
    %c0_i32_0 = arith.constant 0 : i32
    return %arg0, %c0_i32 : i32, i32
  }
  func.func @transform_4(%arg0: i32) -> (i32, i32) {
    %c0_i32 = arith.constant 0 : i32
    %c0_i32_0 = arith.constant 0 : i32
    %c0_i32_1 = arith.constant 0 : i32
    return %c0_i32, %c0_i32_0 : i32, i32
  }
  func.func @transform_5(%arg0: i32) -> (i32, i32) {
    %c0_i32 = arith.constant 0 : i32
    %c0_i32_0 = arith.constant 0 : i32
    %c0_i32_1 = arith.constant 0 : i32
    return %c0_i32, %c0_i32_0 : i32, i32
  }
  func.func @transform_6(%arg0: i32) -> (i32, i32) {
    %c0_i32 = arith.constant 0 : i32
    %c0_i32_0 = arith.constant 0 : i32
    return %arg0, %c0_i32 : i32, i32
  }
}

module attributes {stable_mosaic.version = 14 : i64} {
  func.func @_tc_final_body(%arg0: i32, %arg1: memref<1000x1xf32, #tpu.memory_space<vmem>>, %arg2: memref<1x1000x128xf32, #tpu.memory_space<vmem>>, %arg3: memref<1x1000x128xf32, #tpu.memory_space<vmem>>, %arg4: memref<1000x128xf32, #tpu.memory_space<vmem>>, %arg5: memref<1x128xf32, #tpu.memory_space<vmem>>, %arg6: memref<1000x128xf32, #tpu.memory_space<vmem>>, %arg7: memref<1000x128xf32, #tpu.memory_space<vmem>>) attributes {dimension_semantics = [#tpu.dimension_semantics<arbitrary>], iteration_bounds = array<i64: 10>, scalar_prefetch = 0 : i64, scratch_operands = 0 : i64, tpu.core_type = #tpu.core_type<tc>, window_params = [{transform_indices = @transform_0, window_bounds = array<i64: 1000, 1>}, {transform_indices = @transform_1, window_bounds = array<i64: 1, 1000, 128>}, {transform_indices = @transform_2, window_bounds = array<i64: 1, 1000, 128>}, {transform_indices = @transform_3, window_bounds = array<i64: 1000, 128>}, {pipeline_mode = #tpu.pipeline_mode<synchronous>, transform_indices = @transform_4, window_bounds = array<i64: 1, 128>}, {transform_indices = @transform_5, window_bounds = array<i64: 1000, 128>}, {transform_indices = @transform_6, window_bounds = array<i64: 1000, 128>}]} {
    %get3A = arith.constant 0 : index
    %get3A_0 = arith.constant 0 : index
    %get3A_1 = vector.load %arg1[%get3A, %get3A_0] : memref<1000x1xf32, #tpu.memory_space<vmem>>, vector<1000x1xf32>
    %add3A = arith.constant 1.000000e+00 : f32
    %add3A_2 = vector.broadcast %add3A : f32 to vector<1000x1xf32>
    %add3A_3 = arith.addf %get3A_1, %add3A_2 : vector<1000x1xf32>
    %rsqrt3A = math.rsqrt %add3A_3 : vector<1000x1xf32>
    %get3A_4 = arith.constant 0 : index
    %get3A_5 = arith.constant 0 : index
    %get3A_6 = arith.constant 0 : index
    %get3A_7 = vector.load %arg2[%get3A_4, %get3A_5, %get3A_6] : memref<1x1000x128xf32, #tpu.memory_space<vmem>>, vector<1x1000x128xf32>
    %get3A_8 = vector.shape_cast %get3A_7 : vector<1x1000x128xf32> to vector<1000x128xf32>
    %get3A_9 = arith.constant 0 : index
    %get3A_10 = arith.constant 0 : index
    %get3A_11 = arith.constant 0 : index
    %get3A_12 = vector.load %arg3[%get3A_9, %get3A_10, %get3A_11] : memref<1x1000x128xf32, #tpu.memory_space<vmem>>, vector<1x1000x128xf32>
    %get3A_13 = vector.shape_cast %get3A_12 : vector<1x1000x128xf32> to vector<1000x128xf32>
    %add3A_14 = arith.addf %get3A_8, %get3A_13 : vector<1000x128xf32>
    %get3A_15 = arith.constant 0 : index
    %get3A_16 = arith.constant 0 : index
    %get3A_17 = vector.load %arg4[%get3A_15, %get3A_16] : memref<1000x128xf32, #tpu.memory_space<vmem>>, vector<1000x128xf32>
    %add3A_18 = arith.addf %add3A_14, %get3A_17 : vector<1000x128xf32>
    %mul3A = vector.broadcast %rsqrt3A : vector<1000x1xf32> to vector<1000x128xf32>
    %mul3A_19 = arith.mulf %add3A_18, %mul3A : vector<1000x128xf32>
    %get3A_20 = arith.constant 0 : index
    %get3A_21 = arith.constant 0 : index
    %get3A_22 = vector.load %arg5[%get3A_20, %get3A_21] : memref<1x128xf32, #tpu.memory_space<vmem>>, vector<1x128xf32>
    %add3A_23 = vector.broadcast %get3A_22 : vector<1x128xf32> to vector<1000x128xf32>
    %add3A_24 = arith.addf %mul3A_19, %add3A_23 : vector<1000x128xf32>
    %max3A = arith.constant 0.000000e+00 : f32
    %max3A_25 = vector.broadcast %max3A : f32 to vector<1000x128xf32>
    %max3A_26 = arith.maximumf %add3A_24, %max3A_25 : vector<1000x128xf32>
    %get3A_27 = arith.constant 0 : index
    %get3A_28 = arith.constant 0 : index
    %get3A_29 = vector.load %arg6[%get3A_27, %get3A_28] : memref<1000x128xf32, #tpu.memory_space<vmem>>, vector<1000x128xf32>
    %add3A_30 = arith.addf %get3A_29, %max3A_26 : vector<1000x128xf32>
    %mul3A_31 = arith.constant 5.000000e-01 : f32
    %mul3A_32 = vector.broadcast %mul3A_31 : f32 to vector<1000x128xf32>
    %mul3A_33 = arith.mulf %add3A_30, %mul3A_32 : vector<1000x128xf32>
    %swap3A = arith.constant 0 : index
    %swap3A_34 = arith.constant 0 : index
    %swap3A_35 = vector.load %arg7[%swap3A, %swap3A_34] : memref<1000x128xf32, #tpu.memory_space<vmem>>, vector<1000x128xf32>
    tpu.vector_store %arg7[%swap3A, %swap3A_34], %mul3A_33 {strides = array<i32>} : memref<1000x128xf32, #tpu.memory_space<vmem>>, vector<1000x128xf32>,
    return
  }
  func.func @transform_0(%arg0: i32) -> (i32, i32) {
    %c0_i32 = arith.constant 0 : i32
    %c0_i32_0 = arith.constant 0 : i32
    return %arg0, %c0_i32 : i32, i32
  }
  func.func @transform_1(%arg0: i32) -> (i32, i32, i32) {
    %c0_i32 = arith.constant 0 : i32
    %c0_i32_0 = arith.constant 0 : i32
    %c0_i32_1 = arith.constant 0 : i32
    return %c0_i32, %arg0, %c0_i32_0 : i32, i32, i32
  }
  func.func @transform_2(%arg0: i32) -> (i32, i32, i32) {
    %c1_i32 = arith.constant 1 : i32
    %c0_i32 = arith.constant 0 : i32
    %c0_i32_0 = arith.constant 0 : i32
    return %c1_i32, %arg0, %c0_i32 : i32, i32, i32
  }
  func.func @transform_3(%arg0: i32) -> (i32, i32) {
    %c0_i32 = arith.constant 0 : i32
    %c0_i32_0 = arith.constant 0 : i32
    return %arg0, %c0_i32 : i32, i32
  }
  func.func @transform_4(%arg0: i32) -> (i32, i32) {
    %c0_i32 = arith.constant 0 : i32
    %c0_i32_0 = arith.constant 0 : i32
    %c0_i32_1 = arith.constant 0 : i32
    return %c0_i32, %c0_i32_0 : i32, i32
  }
  func.func @transform_5(%arg0: i32) -> (i32, i32) {
    %c0_i32 = arith.constant 0 : i32
    %c0_i32_0 = arith.constant 0 : i32
    return %arg0, %c0_i32 : i32, i32
  }
  func.func @transform_6(%arg0: i32) -> (i32, i32) {
    %c0_i32 = arith.constant 0 : i32
    %c0_i32_0 = arith.constant 0 : i32
    return %arg0, %c0_i32 : i32, i32
  }
}

</mosaic_0001>

<sc_bundles>
// kernel: kernel.12.cloned.1.call-start
scs
__scs_entry_jumppad:
0x0: {  	(pc) =	sbr.rel $0x88, $3  }
0x1: {  	(tag) =	ssettag $0x0;
	lr =	simm.s32 $0x1  }
0x2: {  	[smem:$0x3F9B] =	sst lr;
	_ =	strace $0xD0000000  }
0x3: {  	_ = 	snop  }
0x4: {  	_ = 	snop  }
0x5: {  	_ = 	snop  }
0x6: {  	_ = 	snop  }
0x7: {  	_ = 	snop  }
__scs_overlays_trampoline_lowered:
0x8: {  	[smem:$0x3FAA] =	sst s0  }
0x9: {  	[smem:$0x3FAB] =	sst s1  }
0xa: {  	[smem:$0x3FAC] =	sst s2  }
0xb: {  	[smem:$0x3FAD] =	sst s3  }
0xc: {  	[smem:$0x3FAE] =	sst s4  }
0xd: {  	[smem:$0x3FAF] =	sst s5  }
0xe: {  	[smem:$0x3FB0] =	sst s6  }
0xf: {  	[smem:$0x3FB1] =	sst s7  }
0x10: {  	[smem:$0x3FB2] =	sst s8  }
0x11: {  	[smem:$0x3FB3] =	sst s9;
	s0 =	simm.s32 @!p0 $0x0  }
0x12: {  	s1 =	sld [smem:$0x3F99];
	s0 =	simm.s32 @p0 $0x1  }
0x13: {  	[smem:$0x3FB4] =	sst s0;
	s0 =	simm.s32 @!p1 $0x0  }
0x14: {  	s2 =	sld [smem:$0x3F98];
	s0 =	simm.s32 @p1 $0x1  }
0x15: {  	[smem:$0x3FB5] =	sst s0;
	s0 =	simm.s32 @!p2 $0x0  }
0x16: {  	s3 =	sld [smem:$0x3FDB];
	s0 =	simm.s32 @p2 $0x1  }
0x17: {  	s4 =	simm.s32 $0x1BF5;
	[smem:$0x3FB7] =	sst s0  }
0x18: {  	s0 =	sld [smem:$0x3F9A];
	_ =	swait.ge [sflag:s4], $0x0  }
0x19: {  	s7 =	sld [smem:$0x3F9B]  }
0x1a: {  	s8 =	sadd.s32 $0xFFFFE003, lr  }
0x1b: {  	s9 =	sadd.s32 $0xFFFFFEF7, lr;
	s5 =	simm.s32 $0xFFFFFFFF;
	p2 =	slt.u32 s8, $0xFFFFF086  }
0x1c: {  	p1 =	slt.u32 s9, $0xF7A;
	s5 =	simm.s32 @!p2 $0x0  }
0x1d: {  	s5 =	simm.s32 @p1 $0x1;
	p0 =	seq.s32 s7, s2  }
0x1e: {  	s7 =	smul.u32 @!p0 $0xF7A, s2;
	p2 =	seq.s32 @!p0 s5, $0x0  }
0x1f: {  	s9 =	smul.u32 $0xF7A, s1;
	s8 =	simm.s32 @!p0 $0x1BF5;
	p2 =	por !p2, p0  }
0x20: {  	[sflag:s8] =	ssyncset.s32 @!p0 $0xFFFFF086;
	s6 =	sadd.s32 @!p0 s3, s7;
	s7 =	simm.s32 @!p0 $0x108  }
0x21: {  	s3 =	sadd.s32 s3, s9;
	s6 =	sadd.s32 @!p0 $0x88, s6;
	s7 =	simm.s32 @p2 $0x1082  }
0x22: {  	[simem:s7], [sflag:s8] =	dma.local @!p0 [hbm:s6], $0xF7A  }
0x23: {  	s9 =	sor.u32 $0xD0000000, s2;
	s6 =	simm.s32 $0x108;
	_ =	swait.ge @!p0 [sflag:s8], $0x0  }
0x24: {  	s3 =	sadd.s32 $0x88, s3;
	s6 =	simm.s32 @!p1 $0x1082;
	[sflag:s4] =	ssyncset.s32 $0xFFFFF086  }
0x25: {  	[simem:s6], [sflag:s4] =	dma.local [hbm:s3], $0xF7A  }
0x26: {  	[smem:$0x3F9B] =	sst s1;
	(tag) =	ssettag s2;
	_ =	strace s9  }
0x27: {  	s1 =	sld [smem:$0x3FAB]  }
0x28: {  	s2 =	sld [smem:$0x3FAC]  }
0x29: {  	s4 =	sld [smem:$0x3FAE]  }
0x2a: {  	p0 =	seq.s32 s5, $0x0;
	s5 =	sld [smem:$0x3FAF]  }
0x2b: {  	s6 =	sld [smem:$0x3FB0]  }
0x2c: {  	s7 =	sld [smem:$0x3FB1]  }
0x2d: {  	s3 =	simm.s32 $0x108;
	s8 =	sld [smem:$0x3FB2]  }
0x2e: {  	s3 =	simm.s32 @!p0 $0x1082;
	s9 =	sld [smem:$0x3FB3]  }
0x2f: {  	lr =	sadd.s32 s0, s3;
	s0 =	sld [smem:$0x3FAA]  }
0x30: {  	s3 =	sld [smem:$0x3FAD]  }
0x31: {  	[smem:$0x3FB6] =	sst s10  }
0x32: {  	s10 =	sld [smem:$0x3FB4];
	_ =	sdelay $0x3  }
0x33: {  	p0 =	seq.s32 s10, $0x1;
	s10 =	sld [smem:$0x3FB6];
	_ =	sdelay $0x3  }
0x34: {  	[smem:$0x3FB6] =	sst s10  }
0x35: {  	s10 =	sld [smem:$0x3FB5];
	_ =	sdelay $0x3  }
0x36: {  	p1 =	seq.s32 s10, $0x1;
	s10 =	sld [smem:$0x3FB6];
	_ =	sdelay $0x3  }
0x37: {  	[smem:$0x3FB6] =	sst s10  }
0x38: {  	s10 =	sld [smem:$0x3FB7]  }
0x39: {  	_ = 	snop;
	(pc) =	sbr.ind lr, $3  }
0x3a: {  	_ = 	snop  }
0x3b: {  	_ = 	snop  }
0x3c: {  	p2 =	seq.s32 s10, $0x1;
	s10 =	sld [smem:$0x3FB6]  }
0x3d: {  	_ =	shalt  }
0x3e: {  	_ =	shalt  }
0x3f: {  	_ =	shalt  }
0x40: {  	_ =	shalt  }
0x41: {  	_ =	shalt  }
0x42: {  	_ =	shalt  }
0x43: {  	_ =	shalt  }
0x44: {  	_ =	shalt  }
0x45: {  	_ =	shalt  }
0x46: {  	_ =	shalt  }
0x47: {  	_ =	shalt  }
0x48: {  	_ =	shalt  }
0x49: {  	_ =	shalt  }
0x4a: {  	_ =	shalt  }
0x4b: {  	_ =	shalt  }
0x4c: {  	_ =	shalt  }
0x4d: {  	_ =	shalt  }
0x4e: {  	_ =	shalt  }
0x4f: {  	_ =	shalt  }
0x50: {  	_ =	shalt  }
0x51: {  	_ =	shalt  }
0x52: {  	_ =	shalt  }
0x53: {  	_ =	shalt  }
0x54: {  	_ =	shalt  }
0x55: {  	_ =	shalt  }
0x56: {  	_ =	shalt  }
0x57: {  	_ =	shalt  }
0x58: {  	_ =	shalt  }
0x59: {  	_ =	shalt  }
0x5a: {  	_ =	shalt  }
0x5b: {  	_ =	shalt  }
0x5c: {  	_ =	shalt  }
0x5d: {  	_ =	shalt  }
0x5e: {  	_ =	shalt  }
0x5f: {  	_ =	shalt  }
0x60: {  	_ =	shalt  }
0x61: {  	_ =	shalt  }
0x62: {  	_ =	shalt  }
0x63: {  	_ =	shalt  }
0x64: {  	_ =	shalt  }
0x65: {  	_ =	shalt  }
0x66: {  	_ =	shalt  }
0x67: {  	_ =	shalt  }
0x68: {  	_ =	shalt  }
0x69: {  	_ =	shalt  }
0x6a: {  	_ =	shalt  }
0x6b: {  	_ =	shalt  }
0x6c: {  	_ =	shalt  }
0x6d: {  	_ =	shalt  }
0x6e: {  	_ =	shalt  }
0x6f: {  	_ =	shalt  }
0x70: {  	_ =	shalt  }
0x71: {  	_ =	shalt  }
0x72: {  	_ =	shalt  }
0x73: {  	_ =	shalt  }
0x74: {  	_ =	shalt  }
0x75: {  	_ =	shalt  }
0x76: {  	_ =	shalt  }
0x77: {  	_ =	shalt  }
0x78: {  	_ =	shalt  }
0x79: {  	_ =	shalt  }
0x7a: {  	_ =	shalt  }
0x7b: {  	_ =	shalt  }
0x7c: {  	_ =	shalt  }
0x7d: {  	_ =	shalt  }
0x7e: {  	_ =	shalt  }
0x7f: {  	_ =	shalt  }
0x80: {  	_ =	shalt  }
0x81: {  	_ =	shalt  }
0x82: {  	_ =	shalt  }
0x83: {  	_ =	shalt  }
0x84: {  	_ =	shalt  }
0x85: {  	_ =	shalt  }
0x86: {  	_ =	shalt  }
0x87: {  	_ =	shalt  }
.Lfunc_end0:
.L_simem_size_0:
called_computation.1_lowered:
.L_overlay_start_0:
0x88: {  	s2 =	sld [smem:$0x3FD9]  }
0x89: {  	s3 =	sld [smem:$0x3FFE];
	_ =	sdelay $0x1  }
0x8a: {  	s1 =	srdreg.scid  }
0x8b: {  	s0 =	sand.u32 $0x1, s1  }
0x8c: {  	s17 =	sshll.u32 s0, $0xA;
	s2 =	sadd.s32 s3, s2  }
0x8d: {  	s2 =	sadd.s32 s2, s17  }
0x8e: {  	[smem:$0x3FC2] =	sst s2  }
0x8f: {  	_ = 	snop  }
0x90: {  	s2 =	sld [smem:$0x3FD0];
	(tm) =	ssettm $0x1  }
0x91: {  	s18 =	sld [smem:$0x3FFB];
	_ =	sdelay $0x3  }
0x92: {  	_ =	strace s18  }
0x93: {  	s3 =	sld [smem:$0x3FFC];
	_ =	sdelay $0x3  }
0x94: {  	_ =	strace s3  }
0x95: {  	s3 =	sld [smem:$0x3FFD];
	_ =	sdelay $0x3  }
0x96: {  	_ =	strace s3  }
0x97: {  	_ =	strace $0x8FFFFFFF  }
0x98: {  	s19 =	sld [smem:$0x3FDB];
	_ =	sdelay $0x1  }
0x99: {  	s4 =	simm.s32 $_scs_section_size  }
0x9a: {  	s5 =	simm.s32 $_size__tile_overlayer_lowered;
	s6 =	simm.s32 $_tile_overlayer_lowered  }
0x9b: {  	s22 =	simm.s32 $0x1BFF;
	s21 =	sshll.u32 s6, $0x1;
	s3 =	sadd.s32 s4, s19  }
0x9c: {  	s7 =	simm.s32 $0x0;
	s20 =	sshll.u32 s5, $0x1;
	s5 =	sadd.s32 s21, s3  }
0x9d: {  	[timem:s7], [sflag:s22] =	dma.local [hbm:s5], s20  }
0x9e: {  	_ =	swait.ge [sflag:s22], s20  }
0x9f: {  	s4 =	ssub.s32 $0x0, s20;
	[sflag:s22] =	ssyncset.done $0x0  }
0xa0: {  	[sflag:s22] =	ssyncadd.s32 s4;
	_ =	sdelay $0x1  }
0xa1: {  	s23 =	simm.s32 $0x1B8B  }
0xa2: {  	_ =	swait.ge [sflag:s23], $0x1  }
0xa3: {  	[sflag:s23] =	ssyncset.done $0x0  }
0xa4: {  	s25 =	simm.s32 $0x1B8E;
	s24 =	sld [smem:$0x3FFE];
	[sflag:s23] =	ssyncadd.s32 $0xFFFFFFFF  }
0xa5: {  	s26 =	simm.s32 $execute0_lowered;
	[smem:$0x3FD2] =	sst s25  }
0xa6: {  	s5 =	sshll.u32 s26, $0x1;
	_ =	strace $0x80000049;
	[dreg:$0x1] =	wrdreg $0xFFFFFFFF  }
0xa7: {  	s28 =	simm.s32 $_size_execute0_lowered;
	s3 =	sadd.s32 s3, s5;
	[dreg:$0x0] =	wrdreg $0x0  }
0xa8: {  	s5 =	sshll.u32 s28, $0x1;
	[dreg:$0x2] =	wrdreg s3  }
0xa9: {  	[dreg:$0x3] =	wrdreg s5  }
0xaa: {  	[dreg:$0x4] =	wrdreg $0xC0  }
0xab: {  	_ =	task [dreg:s7], $0x5FFFF  }
0xac: {  	[dreg:$0x1] =	wrdreg $0xFFFFFFFF  }
0xad: {  	[dreg:$0x0] =	wrdreg $0x60  }
0xae: {  	[dreg:$0x2] =	wrdreg s2  }
0xaf: {  	[dreg:$0x3] =	wrdreg s24  }
0xb0: {  	[dreg:$0x4] =	wrdreg $0x0  }
0xb1: {  	[dreg:$0x5] =	wrdreg $0x9  }
0xb2: {  	_ =	task.clear_ibuf [dreg:s7], $0x6FFFF;
	_ =	strace $0x90000049  }
0xb3: {  	s29 =	simm.s32 $0x9;
	_ =	strace $0x8000004B  }
0xb4: {  	_ =	swait.ge [sflag:s29], $0x1  }
0xb5: {  	[sflag:s29] =	ssyncadd.s32 $0xFFFFFFFF  }
0xb6: {  	_ =	strace $0x9000004B  }
0xb7: {  	_ =	sfence  }
0xb8: {  	s30 =	sld [smem:$0x0];
	_ =	sdelay $0x2  }
0xb9: {  	s31 =	sshll.u32 s1, $0xD;
	s1 =	sshrl.u32 s1, $0x2  }
0xba: {  	s3 =	sand.u32 $0x4000, s31;
	s1 =	sadd.s32 s1, s30  }
0xbb: {  	s0 =	sor.u32 s3, s0;
	s1 =	sshll.u32 s1, $0x11  }
0xbc: {  	s0 =	sor.u32 s1, s0  }
0xbd: {  	s0 =	sadd.s32 $0x8F2B, s0  }
0xbe: {  	[sflag:s0] =	ssyncadd.remote.s32 $0x1  }
0xbf: {  	_ =	sfence.sel $0xFFFF  }
0xc0: {  	[dreg:$0x0] =	wrdreg $0xFFFFFFFF;
	(pc) =	sbr.abs _section_cstart, $3  }
0xc1: {  	[dreg:$0x1] =	wrdreg $0xFFFFFFFF  }
0xc2: {  	_ =	task.clear_ibuf [dreg:s7], $0x2FFFF;
	_ =	strace $0x9FFFFFFF  }
0xc3: {  	(tm) =	ssettm $0x7FFFFFFF  }
tec
execute0_lowered:
.L_overlay_start_1:
0x0: {  	(tag) =	ssettag $0x1  }
0x1: {  	s1 =	rddreg [dreg:$0x0]  }
0x2: {  	s8 =	stileid.u32;
	s0 =	srdreg.scid  }
0x3: {  	s4 =	rddreg [dreg:$0x1];
	s2 =	simm.s32 $0x0;
	s28 =	simm.s32 $0x16980  }
0x4: {  	s3 =	smul.u32 $0x2800, s8;
	s5 =	sand.u32 $0x1, s0;
	[smem:$0x7FF] =	sst s2  }
0x5: {  	s6 =	smul.u32 $0x14000, s8;
	p0 =	seq.s32 s5, $0x0;
	s20 =	ssub.s32 $0x2, s5  }
0x6: {  	s5 =	smul.u32 $0x140000, s5;
	s0 =	sadd.s32 $0x28000, s3;
	s7 =	sshrl.u32 s20, $0x1  }
0x7: {  	s9 =	sadd.s32 $0x4000, s6;
	s10 =	sadd.s32 $0x6000, s6;
	s11 =	sadd.s32 $0x8000, s6  }
0x8: {  	s12 =	sadd.s32 $0xA000, s6;
	s14 =	sadd.s32 $0xC000, s6;
	s15 =	sadd.s32 $0xE000, s6  }
0x9: {  	s16 =	sadd.s32 $0x10000, s6;
	s0 =	smov.u32 @p0 s3;
	s3 =	ssub.s32 s20, s7  }
0xa: {  	s7 =	smul.u32 $0x50000, s8;
	s8 =	sor.u32 $0x2000, s6;
	s13 =	sadd.s32 s6, s5  }
0xb: {  	s6 =	sadd.s32 $0x12000, s6;
	s22 =	sadd.s32 s5, s9;
	s24 =	sadd.s32 s5, s10  }
0xc: {  	s26 =	sadd.s32 s5, s11;
	s19 =	sadd.s32 s5, s12;
	s0 =	sshrl.u32 s0, $0x3  }
0xd: {  	s13 =	sshrl.u32 s13, $0x3;
	s17 =	sadd.s32 s5, s8;
	s23 =	sshrl.u32 s22, $0x3  }
0xe: {  	s25 =	sshrl.u32 s24, $0x3;
	s0 =	sadd.s32 s0, s4;
	s4 =	sadd.s32 $0x15C00, s4  }
0xf: {  	s18 =	sshrl.u32 s26, $0x3;
	s21 =	sshrl.u32 s17, $0x3;
	s13 =	sadd.s32 s4, s13  }
0x10: {  	s20 =	sshrl.u32 s19, $0x3;
	[dreg:$0x4] =	wrdreg s13;
	s13 =	sadd.s32 s4, s21  }
0x11: {  	s21 =	sadd.s32 s5, s14;
	[dreg:$0x5] =	wrdreg s13;
	s13 =	sadd.s32 s4, s23  }
0x12: {  	s22 =	sshrl.u32 s21, $0x3;
	[dreg:$0x6] =	wrdreg s13;
	s13 =	sadd.s32 s4, s25  }
0x13: {  	s23 =	sadd.s32 s5, s15;
	[dreg:$0x7] =	wrdreg s13;
	s13 =	sadd.s32 s4, s18  }
0x14: {  	s24 =	sshrl.u32 s23, $0x3;
	[dreg:$0x8] =	wrdreg s13;
	s13 =	sadd.s32 s4, s20  }
0x15: {  	s25 =	sadd.s32 s5, s16;
	[dreg:$0x9] =	wrdreg s13;
	s13 =	sadd.s32 s4, s22  }
0x16: {  	s26 =	sshrl.u32 s25, $0x3;
	[dreg:$0xa] =	wrdreg s13;
	s13 =	sadd.s32 s4, s24  }
0x17: {  	s5 =	sadd.s32 s5, s6;
	[dreg:$0xb] =	wrdreg s13;
	s13 =	sadd.s32 s4, s26  }
0x18: {  	s29 =	simm.s32 $0x1CA00;
	s5 =	sshrl.u32 s5, $0x3;
	[dreg:$0xc] =	wrdreg s13  }
0x19: {  	s30 =	simm.s32 $0x1;
	s4 =	sadd.s32 s4, s5;
	s13 =	rddreg [dreg:$0x2]  }
0x1a: {  	s31 =	simm.s32 $0x2;
	s3 =	smax.u32 s3, $0x1;
	[dreg:$0xd] =	wrdreg s4  }
0x1b: {  	s17 =	sadd.s32 $0x1C08, s0;
	_ =	strace $0x8000004A;
	[dreg:$0x18] =	wrdreg s3  }
0x1c: {  	s7 =	sshrl.u32 s7, $0x2;
	s18 =	sadd.s32 $0x1C10, s0;
	[dreg:$0x1b] =	wrdreg s17  }
0x1d: {  	s21 =	sadd.s32 $0x1C30, s0;
	s20 =	sadd.s32 $0x1C18, s0;
	[dreg:$0x1c] =	wrdreg s18  }
0x1e: {  	s25 =	sadd.s32 $0x1C28, s0;
	s26 =	sadd.s32 $0x1C20, s0;
	[dreg:$0x1d] =	wrdreg s20  }
0x1f: {  	s5 =	simm.s32 $0x16A00;
	s4 =	simm.s32 $0x8;
	[dreg:$0x1e] =	wrdreg s21  }
0x20: {  	s19 =	sadd.s32 s7, s13;
	s22 =	sadd.s32 s8, s13;
	[dreg:$0x1f] =	wrdreg s25  }
0x21: {  	s23 =	sadd.s32 s9, s13;
	s8 =	sadd.s32 s11, s13;
	[smem:$0x7FC] =	sst s26  }
0x22: {  	s24 =	sadd.s32 s10, s13;
	s9 =	sadd.s32 s12, s13;
	[dreg:$0x12] =	wrdreg s8  }
0x23: {  	s10 =	sadd.s32 s14, s13;
	s11 =	sadd.s32 s15, s13;
	[dreg:$0x13] =	wrdreg s9  }
0x24: {  	s12 =	sadd.s32 s16, s13;
	s14 =	sadd.s32 s6, s13;
	[dreg:$0x14] =	wrdreg s10  }
0x25: {  	s15 =	sadd.s32 $0xBC00, s0;
	s16 =	sadd.s32 $0x1C00, s0;
	[dreg:$0x15] =	wrdreg s11  }
0x26: {  	s0 =	sadd.s32 $0x1C38, s0;
	s6 =	simm.s32 $0x5;
	[dreg:$0x16] =	wrdreg s12  }
0x27: {  	s25 =	simm.s32 $0x16900;
	s26 =	simm.s32 $0x1AA00;
	[dreg:$0x17] =	wrdreg s14  }
0x28: {  	s7 =	simm.s32 $0x6;
	s3 =	simm.s32 $0x4;
	[dreg:$0x19] =	wrdreg s15  }
0x29: {  	s17 =	simm.s32 $0xB;
	s18 =	simm.s32 $0xC;
	[dreg:$0x1a] =	wrdreg s16  }
.Ltmp0:
0x2a: {  	s20 =	simm.s32 $0x0;
	[smem:$0x7FD] =	sst s0;
	(pc) =	sbr.rel .LBB2_1-.Ltmp0, $4  }
0x2b: {  	s9 =	simm.s32 $0x16800;
	s10 =	simm.s32 $0x40;
	[dreg:$0xe] =	wrdreg s19  }
0x2c: {  	s12 =	simm.s32 $0x16880;
	s14 =	simm.s32 $0x18A00;
	[dreg:$0xf] =	wrdreg s22  }
0x2d: {  	s11 =	simm.s32 $0x3;
	s0 =	simm.s32 $0x7;
	[dreg:$0x10] =	wrdreg s23  }
0x2e: {  	v0 =	vimm.f32 $0.0e+00;
	s15 =	simm.s32 $0x9;
	s16 =	simm.s32 $0xA;
	[dreg:$0x11] =	wrdreg s24  }
.LBB2_6:
0x2f: {  	_ =	swait.ge [sflag:s15], $0x2000  }
0x30: {  	[sflag:s15] =	ssyncset.done $0x0  }
0x31: {  	[sflag:s15] =	ssyncadd.s32 $0xFFFFE000  }
0x32: {  	_ =	swait.ge [sflag:s16], $0x2000  }
0x33: {  	[sflag:s16] =	ssyncset.done $0x0  }
0x34: {  	[sflag:s16] =	ssyncadd.s32 $0xFFFFE000  }
0x35: {  	_ =	swait.ge [sflag:s17], $0x2000  }
0x36: {  	[sflag:s17] =	ssyncset.done $0x0  }
0x37: {  	[sflag:s17] =	ssyncadd.s32 $0xFFFFE000  }
0x38: {  	_ =	swait.ge [sflag:s18], $0x2000  }
0x39: {  	[sflag:s18] =	ssyncset.done $0x0  }
0x3a: {  	[sflag:s18] =	ssyncadd.s32 $0xFFFFE000  }
0x3b: {  	[bflag:$0x0] =	sbarrier.arrive $0xFFFF  }
0x3c: {  	s20 =	simm.s32 $0xD;
	s19 =	rddreg [dreg:$0xe]  }
0x3d: {  	[tilespmem:s5], [sflag:$0xD] =	stream.linear.gather [spmem:s19], $0x2000, $0x38;
	[tilespmem:$0x1EA00] =	vst v63  }
0x3e: {  	_ =	swait.ge [sflag:s20], $0x2000  }
0x3f: {  	[sflag:s20] =	ssyncset.done $0x0  }
0x40: {  	s8 =	rddreg [dreg:$0x4];
	[sflag:s20] =	ssyncadd.s32 $0xFFFFE000  }
0x41: {  	[hbm4b:s8+s2] =	stream.linear.scatter [tilespmem:s5], [sflag:$0x5], $0x2000, $0x38;
	[tilespmem:$0x1EA00] =	vst v63  }
0x42: {  	s22 =	rddreg [dreg:$0xf]  }
0x43: {  	[tilespmem:s14], [sflag:$0xD] =	stream.linear.gather [spmem:s22], $0x2000, $0x38;
	[tilespmem:$0x1EA00] =	vst v63  }
0x44: {  	_ =	swait.ge [sflag:s20], $0x2000  }
0x45: {  	[sflag:s20] =	ssyncset.done $0x0  }
0x46: {  	s23 =	rddreg [dreg:$0x5];
	[sflag:s20] =	ssyncadd.s32 $0xFFFFE000  }
0x47: {  	[hbm4b:s23+s2] =	stream.linear.scatter [tilespmem:s14], [sflag:$0x6], $0x2000, $0x38;
	[tilespmem:$0x1EA00] =	vst v63  }
0x48: {  	s23 =	rddreg [dreg:$0x10]  }
0x49: {  	[tilespmem:s26], [sflag:$0xD] =	stream.linear.gather [spmem:s23], $0x2000, $0x38;
	[tilespmem:$0x1EA00] =	vst v63  }
0x4a: {  	_ =	swait.ge [sflag:s20], $0x2000  }
0x4b: {  	[sflag:s20] =	ssyncset.done $0x0  }
0x4c: {  	s24 =	rddreg [dreg:$0x6];
	[sflag:s20] =	ssyncadd.s32 $0xFFFFE000  }
0x4d: {  	[hbm4b:s24+s2] =	stream.linear.scatter [tilespmem:s26], [sflag:$0x7], $0x2000, $0x38;
	[tilespmem:$0x1EA00] =	vst v63  }
0x4e: {  	s24 =	rddreg [dreg:$0x11]  }
0x4f: {  	[tilespmem:s29], [sflag:$0xD] =	stream.linear.gather [spmem:s24], $0x2000, $0x38;
	[tilespmem:$0x1EA00] =	vst v63  }
0x50: {  	_ =	swait.ge [sflag:s20], $0x2000  }
0x51: {  	[sflag:s20] =	ssyncset.done $0x0  }
0x52: {  	s21 =	rddreg [dreg:$0x7];
	[sflag:s20] =	ssyncadd.s32 $0xFFFFE000  }
0x53: {  	[hbm4b:s21+s2] =	stream.linear.scatter [tilespmem:s29], [sflag:$0x8], $0x2000, $0x38;
	[tilespmem:$0x1EA00] =	vst v63  }
0x54: {  	_ =	swait.ge [sflag:s6], $0x2000  }
0x55: {  	[sflag:s6] =	ssyncset.done $0x0  }
0x56: {  	s21 =	rddreg [dreg:$0x12];
	[sflag:s6] =	ssyncadd.s32 $0xFFFFE000  }
0x57: {  	[tilespmem:s5], [sflag:$0xD] =	stream.linear.gather [spmem:s21], $0x2000, $0x38;
	[tilespmem:$0x1EA00] =	vst v63  }
0x58: {  	_ =	swait.ge [sflag:s20], $0x2000  }
0x59: {  	[sflag:s20] =	ssyncset.done $0x0  }
0x5a: {  	s21 =	rddreg [dreg:$0x8];
	[sflag:s20] =	ssyncadd.s32 $0xFFFFE000  }
0x5b: {  	[hbm4b:s21+s2] =	stream.linear.scatter [tilespmem:s5], [sflag:$0x5], $0x2000, $0x38;
	[tilespmem:$0x1EA00] =	vst v63  }
0x5c: {  	_ =	swait.ge [sflag:s7], $0x2000  }
0x5d: {  	[sflag:s7] =	ssyncset.done $0x0  }
0x5e: {  	s21 =	rddreg [dreg:$0x13];
	[sflag:s7] =	ssyncadd.s32 $0xFFFFE000  }
0x5f: {  	[tilespmem:s14], [sflag:$0xD] =	stream.linear.gather [spmem:s21], $0x2000, $0x38;
	[tilespmem:$0x1EA00] =	vst v63  }
0x60: {  	_ =	swait.ge [sflag:s20], $0x2000  }
0x61: {  	[sflag:s20] =	ssyncset.done $0x0  }
0x62: {  	s21 =	rddreg [dreg:$0x9];
	[sflag:s20] =	ssyncadd.s32 $0xFFFFE000  }
0x63: {  	[hbm4b:s21+s2] =	stream.linear.scatter [tilespmem:s14], [sflag:$0x6], $0x2000, $0x38;
	[tilespmem:$0x1EA00] =	vst v63  }
0x64: {  	_ =	swait.ge [sflag:s0], $0x2000  }
0x65: {  	[sflag:s0] =	ssyncset.done $0x0  }
0x66: {  	s21 =	rddreg [dreg:$0x14];
	[sflag:s0] =	ssyncadd.s32 $0xFFFFE000  }
0x67: {  	[tilespmem:s26], [sflag:$0xD] =	stream.linear.gather [spmem:s21], $0x2000, $0x38;
	[tilespmem:$0x1EA00] =	vst v63  }
0x68: {  	_ =	swait.ge [sflag:s20], $0x2000  }
0x69: {  	[sflag:s20] =	ssyncset.done $0x0  }
0x6a: {  	s21 =	rddreg [dreg:$0xa];
	[sflag:s20] =	ssyncadd.s32 $0xFFFFE000  }
0x6b: {  	[hbm4b:s21+s2] =	stream.linear.scatter [tilespmem:s26], [sflag:$0x7], $0x2000, $0x38;
	[tilespmem:$0x1EA00] =	vst v63  }
0x6c: {  	_ =	swait.ge [sflag:s4], $0x2000  }
0x6d: {  	[sflag:s4] =	ssyncset.done $0x0  }
0x6e: {  	s21 =	rddreg [dreg:$0x15];
	[sflag:s4] =	ssyncadd.s32 $0xFFFFE000  }
0x6f: {  	[tilespmem:s29], [sflag:$0xD] =	stream.linear.gather [spmem:s21], $0x2000, $0x38;
	[tilespmem:$0x1EA00] =	vst v63  }
0x70: {  	_ =	swait.ge [sflag:s20], $0x2000  }
0x71: {  	[sflag:s20] =	ssyncset.done $0x0  }
0x72: {  	s21 =	rddreg [dreg:$0xb];
	[sflag:s20] =	ssyncadd.s32 $0xFFFFE000  }
0x73: {  	[hbm4b:s21+s2] =	stream.linear.scatter [tilespmem:s29], [sflag:$0x8], $0x2000, $0x38;
	[tilespmem:$0x1EA00] =	vst v63  }
0x74: {  	_ =	swait.ge [sflag:s6], $0x2000  }
0x75: {  	[sflag:s6] =	ssyncset.done $0x0  }
0x76: {  	s21 =	rddreg [dreg:$0x16];
	[sflag:s6] =	ssyncadd.s32 $0xFFFFE000  }
0x77: {  	[tilespmem:s5], [sflag:$0xD] =	stream.linear.gather [spmem:s21], $0x2000, $0x38;
	[tilespmem:$0x1EA00] =	vst v63  }
0x78: {  	_ =	swait.ge [sflag:s20], $0x2000  }
0x79: {  	[sflag:s20] =	ssyncset.done $0x0  }
0x7a: {  	s21 =	rddreg [dreg:$0xc];
	[sflag:s20] =	ssyncadd.s32 $0xFFFFE000  }
0x7b: {  	[hbm4b:s21+s2] =	stream.linear.scatter [tilespmem:s5], [sflag:$0x5], $0x2000, $0x38;
	[tilespmem:$0x1EA00] =	vst v63  }
0x7c: {  	_ =	swait.ge [sflag:s7], $0x2000  }
0x7d: {  	[sflag:s7] =	ssyncset.done $0x0  }
0x7e: {  	s21 =	rddreg [dreg:$0x17];
	[sflag:s7] =	ssyncadd.s32 $0xFFFFE000  }
0x7f: {  	[tilespmem:s14], [sflag:$0xD] =	stream.linear.gather [spmem:s21], $0x2000, $0x38;
	[tilespmem:$0x1EA00] =	vst v63  }
0x80: {  	_ =	swait.ge [sflag:s20], $0x2000  }
0x81: {  	[sflag:s20] =	ssyncset.done $0x0  }
0x82: {  	s21 =	rddreg [dreg:$0xd];
	[sflag:s20] =	ssyncadd.s32 $0xFFFFE000  }
0x83: {  	[hbm4b:s21+s2] =	stream.linear.scatter [tilespmem:s14], [sflag:$0x6], $0x2000, $0x38;
	[tilespmem:$0x1EA00] =	vst v63  }
0x84: {  	_ =	swait.ge [sflag:s0], $0x2000  }
0x85: {  	[sflag:s0] =	ssyncset.done $0x0  }
0x86: {  	[sflag:s0] =	ssyncadd.s32 $0xFFFFE000  }
0x87: {  	_ =	swait.ge [sflag:s4], $0x2000  }
0x88: {  	[sflag:s4] =	ssyncset.done $0x0  }
0x89: {  	[sflag:s4] =	ssyncadd.s32 $0xFFFFE000  }
0x8a: {  	_ =	swait.ge [sflag:s6], $0x2000  }
0x8b: {  	[sflag:s6] =	ssyncset.done $0x0  }
0x8c: {  	[sflag:s6] =	ssyncadd.s32 $0xFFFFE000  }
0x8d: {  	_ =	swait.ge [sflag:s7], $0x2000  }
0x8e: {  	s8 =	sld [smem:$0x7FB];
	_ =	sdelay $0x2  }
0x8f: {  	s21 =	rddreg [dreg:$0x18];
	s20 =	sadd.s32 $0x1, s8  }
0x90: {  	p0 =	sne.s32 s20, s21  }
.Ltmp1:
0x91: {  	_ = 	snop;
	(pc) =	sbr.rel @!p0 .LBB2_7-.Ltmp1, $3  }
0x92: {  	_ =	sdelay $0x1  }
0x93: {  	[sflag:s7] =	ssyncset.done $0x0  }
0x94: {  	[sflag:s7] =	ssyncadd.s32 $0xFFFFE000  }
.LBB2_1:
0x95: {  	[smem:$0x7FB] =	sst s20;
	s20 =	simm.s32 $0x0;
	s21 =	simm.s32 $0x200  }
.LBB2_2:
0x96: {  	p0 =	sne.s32 s21, $0x7E00;
	[tilespmem:s20+$0x16A70] =	vst v0  }
0x97: {  	[tilespmem:s20+$0x16A00] =	vst v0  }
0x98: {  	[tilespmem:s20+$0x16A10] =	vst v0  }
.Ltmp2:
0x99: {  	[tilespmem:s20+$0x16A20] =	vst v0;
	(pc) =	sbr.rel @p0 .LBB2_2-.Ltmp2, $4  }
0x9a: {  	[tilespmem:s20+$0x16A30] =	vst v0  }
0x9b: {  	[tilespmem:s20+$0x16A40] =	vst v0  }
0x9c: {  	[tilespmem:s20+$0x16A50] =	vst v0  }
0x9d: {  	[tilespmem:s20+$0x16A60] =	vst v0;
	s20 =	sshra.s32 s21, $0x2;
	s21 =	sadd.s32 $0x200, s21  }
0x9e: {  	[tilespmem:s20+$0x16A70] =	vst v0  }
0x9f: {  	[tilespmem:s20+$0x16A00] =	vst v0  }
0xa0: {  	[tilespmem:s20+$0x16A10] =	vst v0  }
0xa1: {  	[tilespmem:s20+$0x16A20] =	vst v0  }
0xa2: {  	[tilespmem:s20+$0x16A30] =	vst v0  }
0xa3: {  	[tilespmem:s20+$0x16A40] =	vst v0  }
0xa4: {  	[tilespmem:s20+$0x16A50] =	vst v0  }
0xa5: {  	[tilespmem:s20+$0x16A60] =	vst v0  }
0xa6: {  	[spmem:s19] =	stream.linear.scatter [tilespmem:s5], [sflag:$0x5], $0x2000, $0x38;
	[tilespmem:$0x1EA00] =	vst v63  }
0xa7: {  	_ = 	snop  }
0xa8: {  	[spmem:s22] =	stream.linear.scatter [tilespmem:s5], [sflag:$0x5], $0x2000, $0x38;
	[tilespmem:$0x1EA00] =	vst v63  }
0xa9: {  	_ = 	snop  }
0xaa: {  	[spmem:s23] =	stream.linear.scatter [tilespmem:s5], [sflag:$0x5], $0x2000, $0x38;
	[tilespmem:$0x1EA00] =	vst v63  }
0xab: {  	_ = 	snop  }
0xac: {  	[spmem:s24] =	stream.linear.scatter [tilespmem:s5], [sflag:$0x5], $0x2000, $0x38;
	[tilespmem:$0x1EA00] =	vst v63  }
0xad: {  	s8 =	rddreg [dreg:$0x12]  }
0xae: {  	[spmem:s8] =	stream.linear.scatter [tilespmem:s5], [sflag:$0x5], $0x2000, $0x38;
	[tilespmem:$0x1EA00] =	vst v63  }
0xaf: {  	s20 =	rddreg [dreg:$0x13]  }
0xb0: {  	[spmem:s20] =	stream.linear.scatter [tilespmem:s5], [sflag:$0x5], $0x2000, $0x38;
	[tilespmem:$0x1EA00] =	vst v63  }
0xb1: {  	s21 =	rddreg [dreg:$0x14]  }
0xb2: {  	[spmem:s21] =	stream.linear.scatter [tilespmem:s5], [sflag:$0x5], $0x2000, $0x38;
	[tilespmem:$0x1EA00] =	vst v63  }
0xb3: {  	s22 =	rddreg [dreg:$0x15]  }
0xb4: {  	[spmem:s22] =	stream.linear.scatter [tilespmem:s5], [sflag:$0x5], $0x2000, $0x38;
	[tilespmem:$0x1EA00] =	vst v63  }
0xb5: {  	s23 =	rddreg [dreg:$0x16]  }
0xb6: {  	[spmem:s23] =	stream.linear.scatter [tilespmem:s5], [sflag:$0x5], $0x2000, $0x38;
	[tilespmem:$0x1EA00] =	vst v63  }
0xb7: {  	s24 =	rddreg [dreg:$0x17]  }
0xb8: {  	[spmem:s24] =	stream.linear.scatter [tilespmem:s5], [sflag:$0x5], $0x2000, $0x38;
	[tilespmem:$0x1EA00] =	vst v63  }
0xb9: {  	_ =	swait.ge [sflag:s6], $0x2000  }
0xba: {  	[sflag:s6] =	ssyncset.done $0x0  }
0xbb: {  	[sflag:s6] =	ssyncadd.s32 $0xFFFFE000  }
0xbc: {  	_ =	swait.ge [sflag:s6], $0x2000  }
0xbd: {  	[sflag:s6] =	ssyncset.done $0x0  }
0xbe: {  	[sflag:s6] =	ssyncadd.s32 $0xFFFFE000  }
0xbf: {  	_ =	swait.ge [sflag:s6], $0x2000  }
0xc0: {  	[sflag:s6] =	ssyncset.done $0x0  }
0xc1: {  	[sflag:s6] =	ssyncadd.s32 $0xFFFFE000  }
0xc2: {  	_ =	swait.ge [sflag:s6], $0x2000  }
0xc3: {  	[sflag:s6] =	ssyncset.done $0x0  }
0xc4: {  	[sflag:s6] =	ssyncadd.s32 $0xFFFFE000  }
0xc5: {  	_ =	swait.ge [sflag:s6], $0x2000  }
0xc6: {  	[sflag:s6] =	ssyncset.done $0x0  }
0xc7: {  	[sflag:s6] =	ssyncadd.s32 $0xFFFFE000  }
0xc8: {  	_ =	swait.ge [sflag:s6], $0x2000  }
0xc9: {  	[sflag:s6] =	ssyncset.done $0x0  }
0xca: {  	[sflag:s6] =	ssyncadd.s32 $0xFFFFE000  }
0xcb: {  	_ =	swait.ge [sflag:s6], $0x2000  }
0xcc: {  	[sflag:s6] =	ssyncset.done $0x0  }
0xcd: {  	[sflag:s6] =	ssyncadd.s32 $0xFFFFE000  }
0xce: {  	_ =	swait.ge [sflag:s6], $0x2000  }
0xcf: {  	[sflag:s6] =	ssyncset.done $0x0  }
0xd0: {  	[sflag:s6] =	ssyncadd.s32 $0xFFFFE000  }
0xd1: {  	_ =	swait.ge [sflag:s6], $0x2000  }
0xd2: {  	[sflag:s6] =	ssyncset.done $0x0  }
0xd3: {  	[sflag:s6] =	ssyncadd.s32 $0xFFFFE000  }
0xd4: {  	_ =	swait.ge [sflag:s6], $0x2000  }
0xd5: {  	[sflag:s6] =	ssyncset.done $0x0  }
0xd6: {  	[sflag:s6] =	ssyncadd.s32 $0xFFFFE000  }
0xd7: {  	s20 =	simm.s32 $0x0;
	[bflag:$0x0] =	sbarrier.arrive $0xFFFF  }
0xd8: {  	s21 =	simm.s32 $0x14000;
	s22 =	simm.s32 $0xD;
	s19 =	rddreg [dreg:$0x19]  }
0xd9: {  	[tilespmem:s21], [sflag:$0xD] =	stream.linear.gather [hbm4b:s19+s20], $0x2800, $0x38;
	[tilespmem:$0x1EA00] =	vst v63  }
0xda: {  	_ =	swait.ge [sflag:s22], $0x2800  }
0xdb: {  	[sflag:s22] =	ssyncset.done $0x0  }
0xdc: {  	s23 =	rddreg [dreg:$0x1a];
	[sflag:s22] =	ssyncadd.s32 $0xFFFFD800  }
0xdd: {  	[tilespmem:s9], [sflag:$0x1] =	stream.linear.gather [hbm4b:s23+s20], $0x40, $0x38;
	[tilespmem:$0x1EA00] =	vst v63  }
0xde: {  	_ = 	snop  }
0xdf: {  	[tilespmem:s5], [sflag:$0x5] =	stream.indirect.gather [hbm4b:s1+s10], $0x80, s21, s10, $0xb8;
	[tilespmem:$0x1EA00] =	vst v63  }
0xe0: {  	s24 =	rddreg [dreg:$0x1b]  }
0xe1: {  	[tilespmem:s12], [sflag:$0x2] =	stream.linear.gather [hbm4b:s24+s20], $0x40, $0x38;
	[tilespmem:$0x1EA00] =	vst v63  }
0xe2: {  	s19 =	simm.s32 $0x14040;
	s23 =	rddreg [dreg:$0x1d]  }
0xe3: {  	[tilespmem:s14], [sflag:$0x6] =	stream.indirect.gather [hbm4b:s1+s10], $0x80, s19, s10, $0xb8;
	[tilespmem:$0x1EA00] =	vst v63  }
0xe4: {  	s21 =	rddreg [dreg:$0x1c]  }
0xe5: {  	[tilespmem:s25], [sflag:$0x3] =	stream.linear.gather [hbm4b:s21+s20], $0x40, $0x38;
	[tilespmem:$0x1EA00] =	vst v63  }
0xe6: {  	s22 =	simm.s32 $0x14080;
	s21 =	sld [smem:$0x7FD]  }
0xe7: {  	[tilespmem:s26], [sflag:$0x7] =	stream.indirect.gather [hbm4b:s1+s10], $0x80, s22, s10, $0xb8;
	[tilespmem:$0x1EA00] =	vst v63  }
0xe8: {  	s22 =	sld [smem:$0x7FC]  }
0xe9: {  	[tilespmem:s28], [sflag:$0x4] =	stream.linear.gather [hbm4b:s23+s20], $0x40, $0x38;
	[tilespmem:$0x1EA00] =	vst v63  }
0xea: {  	s24 =	simm.s32 $0x140C0;
	s23 =	rddreg [dreg:$0x1f]  }
0xeb: {  	[tilespmem:s29], [sflag:$0x8] =	stream.indirect.gather [hbm4b:s1+s10], $0x80, s24, s10, $0xb8;
	[tilespmem:$0x1EA00] =	vst v63  }
0xec: {  	s24 =	rddreg [dreg:$0x1e]  }
.LBB2_4:
0xed: {  	_ =	swait.ge [sflag:s30], $0x40  }
0xee: {  	[sflag:s30] =	ssyncset.done $0x0  }
0xef: {  	[sflag:s30] =	ssyncadd.s32 $0xFFFFFFC0  }
0xf0: {  	_ =	swait.ge [sflag:s6], $0x2000  }
0xf1: {  	[sflag:s6] =	ssyncset.done $0x0  }
0xf2: {  	[sflag:s6] =	ssyncadd.s32 $0xFFFFE000  }
0xf3: {  	[spmem:s13] =	stream.indirect.scatter.add.f32 [tilespmem:s5], [sflag:$0x9], $0x80, s9, s10, $0xb8;
	[tilespmem:$0x1EA00] =	vst v63  }
0xf4: {  	_ =	swait.ge [sflag:s31], $0x40  }
0xf5: {  	[sflag:s31] =	ssyncset.done $0x0  }
0xf6: {  	[sflag:s31] =	ssyncadd.s32 $0xFFFFFFC0  }
0xf7: {  	_ =	swait.ge [sflag:s7], $0x2000  }
0xf8: {  	[sflag:s7] =	ssyncset.done $0x0  }
0xf9: {  	[sflag:s7] =	ssyncadd.s32 $0xFFFFE000  }
0xfa: {  	[spmem:s13] =	stream.indirect.scatter.add.f32 [tilespmem:s14], [sflag:$0xA], $0x80, s12, s10, $0xb8;
	[tilespmem:$0x1EA00] =	vst v63  }
0xfb: {  	_ =	swait.ge [sflag:s11], $0x40  }
0xfc: {  	[sflag:s11] =	ssyncset.done $0x0  }
0xfd: {  	[sflag:s11] =	ssyncadd.s32 $0xFFFFFFC0  }
0xfe: {  	_ =	swait.ge [sflag:s0], $0x2000  }
0xff: {  	[sflag:s0] =	ssyncset.done $0x0  }
0x100: {  	[sflag:s0] =	ssyncadd.s32 $0xFFFFE000  }
0x101: {  	[spmem:s13] =	stream.indirect.scatter.add.f32 [tilespmem:s26], [sflag:$0xB], $0x80, s25, s10, $0xb8;
	[tilespmem:$0x1EA00] =	vst v63  }
0x102: {  	_ =	swait.ge [sflag:s3], $0x40  }
0x103: {  	p0 =	seq.s32 s20, $0x9C00;
	[sflag:s3] =	ssyncset.done $0x0  }
.Ltmp3:
0x104: {  	[sflag:s3] =	ssyncadd.s32 $0xFFFFFFC0;
	(pc) =	sbr.rel @p0 .LBB2_6-.Ltmp3, $4  }
0x105: {  	_ =	swait.ge [sflag:s4], $0x2000  }
0x106: {  	[sflag:s4] =	ssyncset.done $0x0  }
0x107: {  	[sflag:s4] =	ssyncadd.s32 $0xFFFFE000  }
0x108: {  	[spmem:s13] =	stream.indirect.scatter.add.f32 [tilespmem:s29], [sflag:$0xC], $0x80, s28, s10, $0xb8;
	[tilespmem:$0x1EA00] =	vst v63  }
0x109: {  	_ =	swait.ge [sflag:s15], $0x2000  }
0x10a: {  	[sflag:s15] =	ssyncset.done $0x0  }
0x10b: {  	s19 =	sshra.s32 s20, $0x2;
	[sflag:s15] =	ssyncadd.s32 $0xFFFFE000  }
0x10c: {  	[tilespmem:s9], [sflag:$0x1] =	stream.linear.gather [hbm4b:s22+s2], $0x40, $0x38;
	[tilespmem:$0x1EA00] =	vst v63  }
0x10d: {  	s8 =	sadd.s32 $0x14100, s19  }
0x10e: {  	[tilespmem:s5], [sflag:$0x5] =	stream.indirect.gather [hbm4b:s1+s10], $0x80, s8, s10, $0xb8;
	[tilespmem:$0x1EA00] =	vst v63  }
0x10f: {  	_ =	swait.ge [sflag:s16], $0x2000  }
0x110: {  	[sflag:s16] =	ssyncset.done $0x0  }
0x111: {  	[sflag:s16] =	ssyncadd.s32 $0xFFFFE000  }
0x112: {  	[tilespmem:s12], [sflag:$0x2] =	stream.linear.gather [hbm4b:s23+s2], $0x40, $0x38;
	[tilespmem:$0x1EA00] =	vst v63  }
0x113: {  	s8 =	sadd.s32 $0x14140, s19  }
0x114: {  	[tilespmem:s14], [sflag:$0x6] =	stream.indirect.gather [hbm4b:s1+s10], $0x80, s8, s10, $0xb8;
	[tilespmem:$0x1EA00] =	vst v63  }
0x115: {  	_ =	swait.ge [sflag:s17], $0x2000  }
0x116: {  	[sflag:s17] =	ssyncset.done $0x0  }
0x117: {  	[sflag:s17] =	ssyncadd.s32 $0xFFFFE000  }
0x118: {  	[tilespmem:s25], [sflag:$0x3] =	stream.linear.gather [hbm4b:s24+s2], $0x40, $0x38;
	[tilespmem:$0x1EA00] =	vst v63  }
0x119: {  	s8 =	sadd.s32 $0x14180, s19  }
0x11a: {  	[tilespmem:s26], [sflag:$0x7] =	stream.indirect.gather [hbm4b:s1+s10], $0x80, s8, s10, $0xb8;
	[tilespmem:$0x1EA00] =	vst v63  }
0x11b: {  	_ =	swait.ge [sflag:s18], $0x2000  }
.Ltmp4:
0x11c: {  	s20 =	sadd.s32 $0x400, s20;
	[sflag:s18] =	ssyncset.done $0x0;
	(pc) =	sbr.rel .LBB2_4-.Ltmp4, $4  }
0x11d: {  	s22 =	sadd.s32 $0x20, s22;
	s23 =	sadd.s32 $0x20, s23;
	[sflag:s18] =	ssyncadd.s32 $0xFFFFE000  }
0x11e: {  	[tilespmem:s28], [sflag:$0x4] =	stream.linear.gather [hbm4b:s21+s2], $0x40, $0x38;
	[tilespmem:$0x1EA00] =	vst v63  }
0x11f: {  	s19 =	sadd.s32 $0x141C0, s19;
	s24 =	sadd.s32 $0x20, s24;
	s21 =	sadd.s32 $0x20, s21  }
0x120: {  	[tilespmem:s29], [sflag:$0x8] =	stream.indirect.gather [hbm4b:s1+s10], $0x80, s19, s10, $0xb8;
	[tilespmem:$0x1EA00] =	vst v63  }
.LBB2_7:
0x121: {  	_ =	sfence.sel $0x180000  }
0x122: {  	[bflag:$0x0] =	sbarrier.arrive $0xFFFF  }
0x123: {  	_ =	strace $0x9000004A  }
0x124: {  	s0 =	stileid.u32;
	[bflag:$0x2] =	sbarrier.arrive $0xFFFF  }
0x125: {  	p0 =	sne.s32 s0, $0x0;
	s0 =	rddreg [dreg:$0x3]  }
0x126: {  	s0 =	sadd.s32 @!p0 $0x100000, s0  }
0x127: {  	[sflag:s0] =	ssyncadd.tile.s32 @!p0 $0x1;
	_ =	shalt  }
.Lfunc_end2:
_tile_overlayer_lowered:
.L_overlay_start_2:
0x128: {  	(tag) =	ssettag $0x2  }
0x129: {  	s0 =	rddreg [dreg:$0x0];
	s2 =	stileid.u32  }
0x12a: {  	s1 =	rddreg [dreg:$0x1];
	p0 =	sne.s32 s2, $0x0  }
0x12b: {  	s3 =	rddreg [dreg:$0x2];
	[bflag:$0x3] =	sbarrier.arrive $0xFFFF;
	s2 =	simm.s32 @!p0 $0x1C0D  }
0x12c: {  	[timem:s3], [sflag:s2] =	dma.local @!p0 [hbm:s0], s1  }
0x12d: {  	s0 =	simm.s32 @!p0 $0xD  }
0x12e: {  	_ =	swait.ge @!p0 [sflag:s0], s1  }
0x12f: {  	s1 =	ssub.s32 @!p0 $0x0, s1;
	[sflag:s0] =	ssyncset.done @!p0 $0x0  }
0x130: {  	[sflag:s0] =	ssyncadd.s32 @!p0 s1  }
0x131: {  	[bflag:$0x3] =	sbarrier.arrive $0xFFFF  }
0x132: {  	_ =	shalt  }

// kernel: kernel.15.cloned.1.call-start
scs
__scs_entry_jumppad:
0x0: {  	(pc) =	sbr.rel $0x88, $3  }
0x1: {  	(tag) =	ssettag $0x0;
	lr =	simm.s32 $0x1  }
0x2: {  	[smem:$0x3F9B] =	sst lr;
	_ =	strace $0xD0000000  }
0x3: {  	_ = 	snop  }
0x4: {  	_ = 	snop  }
0x5: {  	_ = 	snop  }
0x6: {  	_ = 	snop  }
0x7: {  	_ = 	snop  }
__scs_overlays_trampoline_lowered:
0x8: {  	[smem:$0x3FAA] =	sst s0  }
0x9: {  	[smem:$0x3FAB] =	sst s1  }
0xa: {  	[smem:$0x3FAC] =	sst s2  }
0xb: {  	[smem:$0x3FAD] =	sst s3  }
0xc: {  	[smem:$0x3FAE] =	sst s4  }
0xd: {  	[smem:$0x3FAF] =	sst s5  }
0xe: {  	[smem:$0x3FB0] =	sst s6  }
0xf: {  	[smem:$0x3FB1] =	sst s7  }
0x10: {  	[smem:$0x3FB2] =	sst s8  }
0x11: {  	[smem:$0x3FB3] =	sst s9;
	s0 =	simm.s32 @!p0 $0x0  }
0x12: {  	s1 =	sld [smem:$0x3F99];
	s0 =	simm.s32 @p0 $0x1  }
0x13: {  	[smem:$0x3FB4] =	sst s0;
	s0 =	simm.s32 @!p1 $0x0  }
0x14: {  	s2 =	sld [smem:$0x3F98];
	s0 =	simm.s32 @p1 $0x1  }
0x15: {  	[smem:$0x3FB5] =	sst s0;
	s0 =	simm.s32 @!p2 $0x0  }
0x16: {  	s3 =	sld [smem:$0x3FDB];
	s0 =	simm.s32 @p2 $0x1  }
0x17: {  	s4 =	simm.s32 $0x1BF5;
	[smem:$0x3FB7] =	sst s0  }
0x18: {  	s0 =	sld [smem:$0x3F9A];
	_ =	swait.ge [sflag:s4], $0x0  }
0x19: {  	s7 =	sld [smem:$0x3F9B]  }
0x1a: {  	s8 =	sadd.s32 $0xFFFFE003, lr  }
0x1b: {  	s9 =	sadd.s32 $0xFFFFFEF7, lr;
	s5 =	simm.s32 $0xFFFFFFFF;
	p2 =	slt.u32 s8, $0xFFFFF086  }
0x1c: {  	p1 =	slt.u32 s9, $0xF7A;
	s5 =	simm.s32 @!p2 $0x0  }
0x1d: {  	s5 =	simm.s32 @p1 $0x1;
	p0 =	seq.s32 s7, s2  }
0x1e: {  	s7 =	smul.u32 @!p0 $0xF7A, s2;
	p2 =	seq.s32 @!p0 s5, $0x0  }
0x1f: {  	s9 =	smul.u32 $0xF7A, s1;
	s8 =	simm.s32 @!p0 $0x1BF5;
	p2 =	por !p2, p0  }
0x20: {  	[sflag:s8] =	ssyncset.s32 @!p0 $0xFFFFF086;
	s6 =	sadd.s32 @!p0 s3, s7;
	s7 =	simm.s32 @!p0 $0x108  }
0x21: {  	s3 =	sadd.s32 s3, s9;
	s6 =	sadd.s32 @!p0 $0x88, s6;
	s7 =	simm.s32 @p2 $0x1082  }
0x22: {  	[simem:s7], [sflag:s8] =	dma.local @!p0 [hbm:s6], $0xF7A  }
0x23: {  	s9 =	sor.u32 $0xD0000000, s2;
	s6 =	simm.s32 $0x108;
	_ =	swait.ge @!p0 [sflag:s8], $0x0  }
0x24: {  	s3 =	sadd.s32 $0x88, s3;
	s6 =	simm.s32 @!p1 $0x1082;
	[sflag:s4] =	ssyncset.s32 $0xFFFFF086  }
0x25: {  	[simem:s6], [sflag:s4] =	dma.local [hbm:s3], $0xF7A  }
0x26: {  	[smem:$0x3F9B] =	sst s1;
	(tag) =	ssettag s2;
	_ =	strace s9  }
0x27: {  	s1 =	sld [smem:$0x3FAB]  }
0x28: {  	s2 =	sld [smem:$0x3FAC]  }
0x29: {  	s4 =	sld [smem:$0x3FAE]  }
0x2a: {  	p0 =	seq.s32 s5, $0x0;
	s5 =	sld [smem:$0x3FAF]  }
0x2b: {  	s6 =	sld [smem:$0x3FB0]  }
0x2c: {  	s7 =	sld [smem:$0x3FB1]  }
0x2d: {  	s3 =	simm.s32 $0x108;
	s8 =	sld [smem:$0x3FB2]  }
0x2e: {  	s3 =	simm.s32 @!p0 $0x1082;
	s9 =	sld [smem:$0x3FB3]  }
0x2f: {  	lr =	sadd.s32 s0, s3;
	s0 =	sld [smem:$0x3FAA]  }
0x30: {  	s3 =	sld [smem:$0x3FAD]  }
0x31: {  	[smem:$0x3FB6] =	sst s10  }
0x32: {  	s10 =	sld [smem:$0x3FB4];
	_ =	sdelay $0x3  }
0x33: {  	p0 =	seq.s32 s10, $0x1;
	s10 =	sld [smem:$0x3FB6];
	_ =	sdelay $0x3  }
0x34: {  	[smem:$0x3FB6] =	sst s10  }
0x35: {  	s10 =	sld [smem:$0x3FB5];
	_ =	sdelay $0x3  }
0x36: {  	p1 =	seq.s32 s10, $0x1;
	s10 =	sld [smem:$0x3FB6];
	_ =	sdelay $0x3  }
0x37: {  	[smem:$0x3FB6] =	sst s10  }
0x38: {  	s10 =	sld [smem:$0x3FB7]  }
0x39: {  	_ = 	snop;
	(pc) =	sbr.ind lr, $3  }
0x3a: {  	_ = 	snop  }
0x3b: {  	_ = 	snop  }
0x3c: {  	p2 =	seq.s32 s10, $0x1;
	s10 =	sld [smem:$0x3FB6]  }
0x3d: {  	_ =	shalt  }
0x3e: {  	_ =	shalt  }
0x3f: {  	_ =	shalt  }
0x40: {  	_ =	shalt  }
0x41: {  	_ =	shalt  }
0x42: {  	_ =	shalt  }
0x43: {  	_ =	shalt  }
0x44: {  	_ =	shalt  }
0x45: {  	_ =	shalt  }
0x46: {  	_ =	shalt  }
0x47: {  	_ =	shalt  }
0x48: {  	_ =	shalt  }
0x49: {  	_ =	shalt  }
0x4a: {  	_ =	shalt  }
0x4b: {  	_ =	shalt  }
0x4c: {  	_ =	shalt  }
0x4d: {  	_ =	shalt  }
0x4e: {  	_ =	shalt  }
0x4f: {  	_ =	shalt  }
0x50: {  	_ =	shalt  }
0x51: {  	_ =	shalt  }
0x52: {  	_ =	shalt  }
0x53: {  	_ =	shalt  }
0x54: {  	_ =	shalt  }
0x55: {  	_ =	shalt  }
0x56: {  	_ =	shalt  }
0x57: {  	_ =	shalt  }
0x58: {  	_ =	shalt  }
0x59: {  	_ =	shalt  }
0x5a: {  	_ =	shalt  }
0x5b: {  	_ =	shalt  }
0x5c: {  	_ =	shalt  }
0x5d: {  	_ =	shalt  }
0x5e: {  	_ =	shalt  }
0x5f: {  	_ =	shalt  }
0x60: {  	_ =	shalt  }
0x61: {  	_ =	shalt  }
0x62: {  	_ =	shalt  }
0x63: {  	_ =	shalt  }
0x64: {  	_ =	shalt  }
0x65: {  	_ =	shalt  }
0x66: {  	_ =	shalt  }
0x67: {  	_ =	shalt  }
0x68: {  	_ =	shalt  }
0x69: {  	_ =	shalt  }
0x6a: {  	_ =	shalt  }
0x6b: {  	_ =	shalt  }
0x6c: {  	_ =	shalt  }
0x6d: {  	_ =	shalt  }
0x6e: {  	_ =	shalt  }
0x6f: {  	_ =	shalt  }
0x70: {  	_ =	shalt  }
0x71: {  	_ =	shalt  }
0x72: {  	_ =	shalt  }
0x73: {  	_ =	shalt  }
0x74: {  	_ =	shalt  }
0x75: {  	_ =	shalt  }
0x76: {  	_ =	shalt  }
0x77: {  	_ =	shalt  }
0x78: {  	_ =	shalt  }
0x79: {  	_ =	shalt  }
0x7a: {  	_ =	shalt  }
0x7b: {  	_ =	shalt  }
0x7c: {  	_ =	shalt  }
0x7d: {  	_ =	shalt  }
0x7e: {  	_ =	shalt  }
0x7f: {  	_ =	shalt  }
0x80: {  	_ =	shalt  }
0x81: {  	_ =	shalt  }
0x82: {  	_ =	shalt  }
0x83: {  	_ =	shalt  }
0x84: {  	_ =	shalt  }
0x85: {  	_ =	shalt  }
0x86: {  	_ =	shalt  }
0x87: {  	_ =	shalt  }
.Lfunc_end0:
.L_simem_size_0:
called_computation.2_lowered:
.L_overlay_start_0:
0x88: {  	s2 =	sld [smem:$0x3FD9]  }
0x89: {  	s3 =	sld [smem:$0x3FFE];
	_ =	sdelay $0x1  }
0x8a: {  	s1 =	srdreg.scid  }
0x8b: {  	s0 =	sand.u32 $0x1, s1  }
0x8c: {  	s17 =	sshll.u32 s0, $0xA;
	s2 =	sadd.s32 s3, s2  }
0x8d: {  	s2 =	sadd.s32 s2, s17  }
0x8e: {  	[smem:$0x3FC2] =	sst s2  }
0x8f: {  	_ = 	snop  }
0x90: {  	s2 =	sld [smem:$0x3FD0];
	(tm) =	ssettm $0x1  }
0x91: {  	s18 =	sld [smem:$0x3FFB];
	_ =	sdelay $0x3  }
0x92: {  	_ =	strace s18  }
0x93: {  	s3 =	sld [smem:$0x3FFC];
	_ =	sdelay $0x3  }
0x94: {  	_ =	strace s3  }
0x95: {  	s3 =	sld [smem:$0x3FFD];
	_ =	sdelay $0x3  }
0x96: {  	_ =	strace s3  }
0x97: {  	_ =	strace $0x8FFFFFFF  }
0x98: {  	s19 =	sld [smem:$0x3FDB];
	_ =	sdelay $0x1  }
0x99: {  	s4 =	simm.s32 $_scs_section_size  }
0x9a: {  	s5 =	simm.s32 $_size__tile_overlayer_lowered;
	s6 =	simm.s32 $_tile_overlayer_lowered  }
0x9b: {  	s22 =	simm.s32 $0x1BFF;
	s21 =	sshll.u32 s6, $0x1;
	s3 =	sadd.s32 s4, s19  }
0x9c: {  	s7 =	simm.s32 $0x0;
	s20 =	sshll.u32 s5, $0x1;
	s5 =	sadd.s32 s21, s3  }
0x9d: {  	[timem:s7], [sflag:s22] =	dma.local [hbm:s5], s20  }
0x9e: {  	_ =	swait.ge [sflag:s22], s20  }
0x9f: {  	s4 =	ssub.s32 $0x0, s20;
	[sflag:s22] =	ssyncset.done $0x0  }
0xa0: {  	[sflag:s22] =	ssyncadd.s32 s4;
	_ =	sdelay $0x1  }
0xa1: {  	s23 =	simm.s32 $0x1B8B  }
0xa2: {  	_ =	swait.ge [sflag:s23], $0x1  }
0xa3: {  	[sflag:s23] =	ssyncset.done $0x0  }
0xa4: {  	s25 =	simm.s32 $0x1B8E;
	s24 =	sld [smem:$0x3FFE];
	[sflag:s23] =	ssyncadd.s32 $0xFFFFFFFF  }
0xa5: {  	s26 =	simm.s32 $execute0_lowered;
	[smem:$0x3FD2] =	sst s25  }
0xa6: {  	s5 =	sshll.u32 s26, $0x1;
	_ =	strace $0x8000004C;
	[dreg:$0x1] =	wrdreg $0xFFFFFFFF  }
0xa7: {  	s28 =	simm.s32 $_size_execute0_lowered;
	s3 =	sadd.s32 s3, s5;
	[dreg:$0x0] =	wrdreg $0x0  }
0xa8: {  	s5 =	sshll.u32 s28, $0x1;
	[dreg:$0x2] =	wrdreg s3  }
0xa9: {  	[dreg:$0x3] =	wrdreg s5  }
0xaa: {  	[dreg:$0x4] =	wrdreg $0xC0  }
0xab: {  	_ =	task [dreg:s7], $0x5FFFF  }
0xac: {  	[dreg:$0x1] =	wrdreg $0xFFFFFFFF  }
0xad: {  	[dreg:$0x0] =	wrdreg $0x60  }
0xae: {  	[dreg:$0x2] =	wrdreg s2  }
0xaf: {  	[dreg:$0x3] =	wrdreg s24  }
0xb0: {  	[dreg:$0x4] =	wrdreg $0x0  }
0xb1: {  	[dreg:$0x5] =	wrdreg $0x9  }
0xb2: {  	_ =	task.clear_ibuf [dreg:s7], $0x6FFFF;
	_ =	strace $0x9000004C  }
0xb3: {  	s29 =	simm.s32 $0x9;
	_ =	strace $0x8000004E  }
0xb4: {  	_ =	swait.ge [sflag:s29], $0x1  }
0xb5: {  	[sflag:s29] =	ssyncadd.s32 $0xFFFFFFFF  }
0xb6: {  	_ =	strace $0x9000004E  }
0xb7: {  	_ =	sfence  }
0xb8: {  	s30 =	sld [smem:$0x0];
	_ =	sdelay $0x2  }
0xb9: {  	s31 =	sshll.u32 s1, $0xD;
	s1 =	sshrl.u32 s1, $0x2  }
0xba: {  	s3 =	sand.u32 $0x4000, s31;
	s1 =	sadd.s32 s1, s30  }
0xbb: {  	s0 =	sor.u32 s3, s0;
	s1 =	sshll.u32 s1, $0x11  }
0xbc: {  	s0 =	sor.u32 s1, s0  }
0xbd: {  	s0 =	sadd.s32 $0x8F2B, s0  }
0xbe: {  	[sflag:s0] =	ssyncadd.remote.s32 $0x1  }
0xbf: {  	_ =	sfence.sel $0xFFFF  }
0xc0: {  	[dreg:$0x0] =	wrdreg $0xFFFFFFFF;
	(pc) =	sbr.abs _section_cstart, $3  }
0xc1: {  	[dreg:$0x1] =	wrdreg $0xFFFFFFFF  }
0xc2: {  	_ =	task.clear_ibuf [dreg:s7], $0x2FFFF;
	_ =	strace $0x9FFFFFFF  }
0xc3: {  	(tm) =	ssettm $0x7FFFFFFF  }
tec
execute0_lowered:
.L_overlay_start_1:
0x0: {  	(tag) =	ssettag $0x1  }
0x1: {  	s1 =	rddreg [dreg:$0x0]  }
0x2: {  	s8 =	stileid.u32;
	s0 =	srdreg.scid  }
0x3: {  	s4 =	rddreg [dreg:$0x1];
	s2 =	simm.s32 $0x0;
	s28 =	simm.s32 $0x16980  }
0x4: {  	s3 =	smul.u32 $0x2800, s8;
	s5 =	sand.u32 $0x1, s0;
	[smem:$0x7FF] =	sst s2  }
0x5: {  	s6 =	smul.u32 $0x14000, s8;
	p0 =	seq.s32 s5, $0x0;
	s20 =	ssub.s32 $0x2, s5  }
0x6: {  	s5 =	smul.u32 $0x140000, s5;
	s0 =	sadd.s32 $0x28000, s3;
	s7 =	sshrl.u32 s20, $0x1  }
0x7: {  	s9 =	sadd.s32 $0x4000, s6;
	s10 =	sadd.s32 $0x6000, s6;
	s11 =	sadd.s32 $0x8000, s6  }
0x8: {  	s12 =	sadd.s32 $0xA000, s6;
	s14 =	sadd.s32 $0xC000, s6;
	s15 =	sadd.s32 $0xE000, s6  }
0x9: {  	s16 =	sadd.s32 $0x10000, s6;
	s0 =	smov.u32 @p0 s3;
	s3 =	ssub.s32 s20, s7  }
0xa: {  	s7 =	smul.u32 $0x50000, s8;
	s8 =	sor.u32 $0x2000, s6;
	s13 =	sadd.s32 s6, s5  }
0xb: {  	s6 =	sadd.s32 $0x12000, s6;
	s22 =	sadd.s32 s5, s9;
	s24 =	sadd.s32 s5, s10  }
0xc: {  	s26 =	sadd.s32 s5, s11;
	s19 =	sadd.s32 s5, s12;
	s0 =	sshrl.u32 s0, $0x3  }
0xd: {  	s13 =	sshrl.u32 s13, $0x3;
	s17 =	sadd.s32 s5, s8;
	s23 =	sshrl.u32 s22, $0x3  }
0xe: {  	s25 =	sshrl.u32 s24, $0x3;
	s0 =	sadd.s32 s0, s4;
	s4 =	sadd.s32 $0x15C00, s4  }
0xf: {  	s18 =	sshrl.u32 s26, $0x3;
	s21 =	sshrl.u32 s17, $0x3;
	s13 =	sadd.s32 s4, s13  }
0x10: {  	s20 =	sshrl.u32 s19, $0x3;
	[dreg:$0x4] =	wrdreg s13;
	s13 =	sadd.s32 s4, s21  }
0x11: {  	s21 =	sadd.s32 s5, s14;
	[dreg:$0x5] =	wrdreg s13;
	s13 =	sadd.s32 s4, s23  }
0x12: {  	s22 =	sshrl.u32 s21, $0x3;
	[dreg:$0x6] =	wrdreg s13;
	s13 =	sadd.s32 s4, s25  }
0x13: {  	s23 =	sadd.s32 s5, s15;
	[dreg:$0x7] =	wrdreg s13;
	s13 =	sadd.s32 s4, s18  }
0x14: {  	s24 =	sshrl.u32 s23, $0x3;
	[dreg:$0x8] =	wrdreg s13;
	s13 =	sadd.s32 s4, s20  }
0x15: {  	s25 =	sadd.s32 s5, s16;
	[dreg:$0x9] =	wrdreg s13;
	s13 =	sadd.s32 s4, s22  }
0x16: {  	s26 =	sshrl.u32 s25, $0x3;
	[dreg:$0xa] =	wrdreg s13;
	s13 =	sadd.s32 s4, s24  }
0x17: {  	s5 =	sadd.s32 s5, s6;
	[dreg:$0xb] =	wrdreg s13;
	s13 =	sadd.s32 s4, s26  }
0x18: {  	s29 =	simm.s32 $0x1CA00;
	s5 =	sshrl.u32 s5, $0x3;
	[dreg:$0xc] =	wrdreg s13  }
0x19: {  	s30 =	simm.s32 $0x1;
	s4 =	sadd.s32 s4, s5;
	s13 =	rddreg [dreg:$0x2]  }
0x1a: {  	s31 =	simm.s32 $0x2;
	s3 =	smax.u32 s3, $0x1;
	[dreg:$0xd] =	wrdreg s4  }
0x1b: {  	s17 =	sadd.s32 $0x1C08, s0;
	_ =	strace $0x8000004D;
	[dreg:$0x18] =	wrdreg s3  }
0x1c: {  	s7 =	sshrl.u32 s7, $0x2;
	s18 =	sadd.s32 $0x1C10, s0;
	[dreg:$0x1b] =	wrdreg s17  }
0x1d: {  	s21 =	sadd.s32 $0x1C30, s0;
	s20 =	sadd.s32 $0x1C18, s0;
	[dreg:$0x1c] =	wrdreg s18  }
0x1e: {  	s25 =	sadd.s32 $0x1C28, s0;
	s26 =	sadd.s32 $0x1C20, s0;
	[dreg:$0x1d] =	wrdreg s20  }
0x1f: {  	s5 =	simm.s32 $0x16A00;
	s4 =	simm.s32 $0x8;
	[dreg:$0x1e] =	wrdreg s21  }
0x20: {  	s19 =	sadd.s32 s7, s13;
	s22 =	sadd.s32 s8, s13;
	[dreg:$0x1f] =	wrdreg s25  }
0x21: {  	s23 =	sadd.s32 s9, s13;
	s8 =	sadd.s32 s11, s13;
	[smem:$0x7FC] =	sst s26  }
0x22: {  	s24 =	sadd.s32 s10, s13;
	s9 =	sadd.s32 s12, s13;
	[dreg:$0x12] =	wrdreg s8  }
0x23: {  	s10 =	sadd.s32 s14, s13;
	s11 =	sadd.s32 s15, s13;
	[dreg:$0x13] =	wrdreg s9  }
0x24: {  	s12 =	sadd.s32 s16, s13;
	s14 =	sadd.s32 s6, s13;
	[dreg:$0x14] =	wrdreg s10  }
0x25: {  	s15 =	sadd.s32 $0xBC00, s0;
	s16 =	sadd.s32 $0x1C00, s0;
	[dreg:$0x15] =	wrdreg s11  }
0x26: {  	s0 =	sadd.s32 $0x1C38, s0;
	s6 =	simm.s32 $0x5;
	[dreg:$0x16] =	wrdreg s12  }
0x27: {  	s25 =	simm.s32 $0x16900;
	s26 =	simm.s32 $0x1AA00;
	[dreg:$0x17] =	wrdreg s14  }
0x28: {  	s7 =	simm.s32 $0x6;
	s3 =	simm.s32 $0x4;
	[dreg:$0x19] =	wrdreg s15  }
0x29: {  	s17 =	simm.s32 $0xB;
	s18 =	simm.s32 $0xC;
	[dreg:$0x1a] =	wrdreg s16  }
.Ltmp0:
0x2a: {  	s20 =	simm.s32 $0x0;
	[smem:$0x7FD] =	sst s0;
	(pc) =	sbr.rel .LBB2_1-.Ltmp0, $4  }
0x2b: {  	s9 =	simm.s32 $0x16800;
	s10 =	simm.s32 $0x40;
	[dreg:$0xe] =	wrdreg s19  }
0x2c: {  	s12 =	simm.s32 $0x16880;
	s14 =	simm.s32 $0x18A00;
	[dreg:$0xf] =	wrdreg s22  }
0x2d: {  	s11 =	simm.s32 $0x3;
	s0 =	simm.s32 $0x7;
	[dreg:$0x10] =	wrdreg s23  }
0x2e: {  	v0 =	vimm.f32 $0.0e+00;
	s15 =	simm.s32 $0x9;
	s16 =	simm.s32 $0xA;
	[dreg:$0x11] =	wrdreg s24  }
.LBB2_6:
0x2f: {  	_ =	swait.ge [sflag:s15], $0x2000  }
0x30: {  	[sflag:s15] =	ssyncset.done $0x0  }
0x31: {  	[sflag:s15] =	ssyncadd.s32 $0xFFFFE000  }
0x32: {  	_ =	swait.ge [sflag:s16], $0x2000  }
0x33: {  	[sflag:s16] =	ssyncset.done $0x0  }
0x34: {  	[sflag:s16] =	ssyncadd.s32 $0xFFFFE000  }
0x35: {  	_ =	swait.ge [sflag:s17], $0x2000  }
0x36: {  	[sflag:s17] =	ssyncset.done $0x0  }
0x37: {  	[sflag:s17] =	ssyncadd.s32 $0xFFFFE000  }
0x38: {  	_ =	swait.ge [sflag:s18], $0x2000  }
0x39: {  	[sflag:s18] =	ssyncset.done $0x0  }
0x3a: {  	[sflag:s18] =	ssyncadd.s32 $0xFFFFE000  }
0x3b: {  	[bflag:$0x0] =	sbarrier.arrive $0xFFFF  }
0x3c: {  	s20 =	simm.s32 $0xD;
	s19 =	rddreg [dreg:$0xe]  }
0x3d: {  	[tilespmem:s5], [sflag:$0xD] =	stream.linear.gather [spmem:s19], $0x2000, $0x38;
	[tilespmem:$0x1EA00] =	vst v63  }
0x3e: {  	_ =	swait.ge [sflag:s20], $0x2000  }
0x3f: {  	[sflag:s20] =	ssyncset.done $0x0  }
0x40: {  	s8 =	rddreg [dreg:$0x4];
	[sflag:s20] =	ssyncadd.s32 $0xFFFFE000  }
0x41: {  	[hbm4b:s8+s2] =	stream.linear.scatter [tilespmem:s5], [sflag:$0x5], $0x2000, $0x38;
	[tilespmem:$0x1EA00] =	vst v63  }
0x42: {  	s22 =	rddreg [dreg:$0xf]  }
0x43: {  	[tilespmem:s14], [sflag:$0xD] =	stream.linear.gather [spmem:s22], $0x2000, $0x38;
	[tilespmem:$0x1EA00] =	vst v63  }
0x44: {  	_ =	swait.ge [sflag:s20], $0x2000  }
0x45: {  	[sflag:s20] =	ssyncset.done $0x0  }
0x46: {  	s23 =	rddreg [dreg:$0x5];
	[sflag:s20] =	ssyncadd.s32 $0xFFFFE000  }
0x47: {  	[hbm4b:s23+s2] =	stream.linear.scatter [tilespmem:s14], [sflag:$0x6], $0x2000, $0x38;
	[tilespmem:$0x1EA00] =	vst v63  }
0x48: {  	s23 =	rddreg [dreg:$0x10]  }
0x49: {  	[tilespmem:s26], [sflag:$0xD] =	stream.linear.gather [spmem:s23], $0x2000, $0x38;
	[tilespmem:$0x1EA00] =	vst v63  }
0x4a: {  	_ =	swait.ge [sflag:s20], $0x2000  }
0x4b: {  	[sflag:s20] =	ssyncset.done $0x0  }
0x4c: {  	s24 =	rddreg [dreg:$0x6];
	[sflag:s20] =	ssyncadd.s32 $0xFFFFE000  }
0x4d: {  	[hbm4b:s24+s2] =	stream.linear.scatter [tilespmem:s26], [sflag:$0x7], $0x2000, $0x38;
	[tilespmem:$0x1EA00] =	vst v63  }
0x4e: {  	s24 =	rddreg [dreg:$0x11]  }
0x4f: {  	[tilespmem:s29], [sflag:$0xD] =	stream.linear.gather [spmem:s24], $0x2000, $0x38;
	[tilespmem:$0x1EA00] =	vst v63  }
0x50: {  	_ =	swait.ge [sflag:s20], $0x2000  }
0x51: {  	[sflag:s20] =	ssyncset.done $0x0  }
0x52: {  	s21 =	rddreg [dreg:$0x7];
	[sflag:s20] =	ssyncadd.s32 $0xFFFFE000  }
0x53: {  	[hbm4b:s21+s2] =	stream.linear.scatter [tilespmem:s29], [sflag:$0x8], $0x2000, $0x38;
	[tilespmem:$0x1EA00] =	vst v63  }
0x54: {  	_ =	swait.ge [sflag:s6], $0x2000  }
0x55: {  	[sflag:s6] =	ssyncset.done $0x0  }
0x56: {  	s21 =	rddreg [dreg:$0x12];
	[sflag:s6] =	ssyncadd.s32 $0xFFFFE000  }
0x57: {  	[tilespmem:s5], [sflag:$0xD] =	stream.linear.gather [spmem:s21], $0x2000, $0x38;
	[tilespmem:$0x1EA00] =	vst v63  }
0x58: {  	_ =	swait.ge [sflag:s20], $0x2000  }
0x59: {  	[sflag:s20] =	ssyncset.done $0x0  }
0x5a: {  	s21 =	rddreg [dreg:$0x8];
	[sflag:s20] =	ssyncadd.s32 $0xFFFFE000  }
0x5b: {  	[hbm4b:s21+s2] =	stream.linear.scatter [tilespmem:s5], [sflag:$0x5], $0x2000, $0x38;
	[tilespmem:$0x1EA00] =	vst v63  }
0x5c: {  	_ =	swait.ge [sflag:s7], $0x2000  }
0x5d: {  	[sflag:s7] =	ssyncset.done $0x0  }
0x5e: {  	s21 =	rddreg [dreg:$0x13];
	[sflag:s7] =	ssyncadd.s32 $0xFFFFE000  }
0x5f: {  	[tilespmem:s14], [sflag:$0xD] =	stream.linear.gather [spmem:s21], $0x2000, $0x38;
	[tilespmem:$0x1EA00] =	vst v63  }
0x60: {  	_ =	swait.ge [sflag:s20], $0x2000  }
0x61: {  	[sflag:s20] =	ssyncset.done $0x0  }
0x62: {  	s21 =	rddreg [dreg:$0x9];
	[sflag:s20] =	ssyncadd.s32 $0xFFFFE000  }
0x63: {  	[hbm4b:s21+s2] =	stream.linear.scatter [tilespmem:s14], [sflag:$0x6], $0x2000, $0x38;
	[tilespmem:$0x1EA00] =	vst v63  }
0x64: {  	_ =	swait.ge [sflag:s0], $0x2000  }
0x65: {  	[sflag:s0] =	ssyncset.done $0x0  }
0x66: {  	s21 =	rddreg [dreg:$0x14];
	[sflag:s0] =	ssyncadd.s32 $0xFFFFE000  }
0x67: {  	[tilespmem:s26], [sflag:$0xD] =	stream.linear.gather [spmem:s21], $0x2000, $0x38;
	[tilespmem:$0x1EA00] =	vst v63  }
0x68: {  	_ =	swait.ge [sflag:s20], $0x2000  }
0x69: {  	[sflag:s20] =	ssyncset.done $0x0  }
0x6a: {  	s21 =	rddreg [dreg:$0xa];
	[sflag:s20] =	ssyncadd.s32 $0xFFFFE000  }
0x6b: {  	[hbm4b:s21+s2] =	stream.linear.scatter [tilespmem:s26], [sflag:$0x7], $0x2000, $0x38;
	[tilespmem:$0x1EA00] =	vst v63  }
0x6c: {  	_ =	swait.ge [sflag:s4], $0x2000  }
0x6d: {  	[sflag:s4] =	ssyncset.done $0x0  }
0x6e: {  	s21 =	rddreg [dreg:$0x15];
	[sflag:s4] =	ssyncadd.s32 $0xFFFFE000  }
0x6f: {  	[tilespmem:s29], [sflag:$0xD] =	stream.linear.gather [spmem:s21], $0x2000, $0x38;
	[tilespmem:$0x1EA00] =	vst v63  }
0x70: {  	_ =	swait.ge [sflag:s20], $0x2000  }
0x71: {  	[sflag:s20] =	ssyncset.done $0x0  }
0x72: {  	s21 =	rddreg [dreg:$0xb];
	[sflag:s20] =	ssyncadd.s32 $0xFFFFE000  }
0x73: {  	[hbm4b:s21+s2] =	stream.linear.scatter [tilespmem:s29], [sflag:$0x8], $0x2000, $0x38;
	[tilespmem:$0x1EA00] =	vst v63  }
0x74: {  	_ =	swait.ge [sflag:s6], $0x2000  }
0x75: {  	[sflag:s6] =	ssyncset.done $0x0  }
0x76: {  	s21 =	rddreg [dreg:$0x16];
	[sflag:s6] =	ssyncadd.s32 $0xFFFFE000  }
0x77: {  	[tilespmem:s5], [sflag:$0xD] =	stream.linear.gather [spmem:s21], $0x2000, $0x38;
	[tilespmem:$0x1EA00] =	vst v63  }
0x78: {  	_ =	swait.ge [sflag:s20], $0x2000  }
0x79: {  	[sflag:s20] =	ssyncset.done $0x0  }
0x7a: {  	s21 =	rddreg [dreg:$0xc];
	[sflag:s20] =	ssyncadd.s32 $0xFFFFE000  }
0x7b: {  	[hbm4b:s21+s2] =	stream.linear.scatter [tilespmem:s5], [sflag:$0x5], $0x2000, $0x38;
	[tilespmem:$0x1EA00] =	vst v63  }
0x7c: {  	_ =	swait.ge [sflag:s7], $0x2000  }
0x7d: {  	[sflag:s7] =	ssyncset.done $0x0  }
0x7e: {  	s21 =	rddreg [dreg:$0x17];
	[sflag:s7] =	ssyncadd.s32 $0xFFFFE000  }
0x7f: {  	[tilespmem:s14], [sflag:$0xD] =	stream.linear.gather [spmem:s21], $0x2000, $0x38;
	[tilespmem:$0x1EA00] =	vst v63  }
0x80: {  	_ =	swait.ge [sflag:s20], $0x2000  }
0x81: {  	[sflag:s20] =	ssyncset.done $0x0  }
0x82: {  	s21 =	rddreg [dreg:$0xd];
	[sflag:s20] =	ssyncadd.s32 $0xFFFFE000  }
0x83: {  	[hbm4b:s21+s2] =	stream.linear.scatter [tilespmem:s14], [sflag:$0x6], $0x2000, $0x38;
	[tilespmem:$0x1EA00] =	vst v63  }
0x84: {  	_ =	swait.ge [sflag:s0], $0x2000  }
0x85: {  	[sflag:s0] =	ssyncset.done $0x0  }
0x86: {  	[sflag:s0] =	ssyncadd.s32 $0xFFFFE000  }
0x87: {  	_ =	swait.ge [sflag:s4], $0x2000  }
0x88: {  	[sflag:s4] =	ssyncset.done $0x0  }
0x89: {  	[sflag:s4] =	ssyncadd.s32 $0xFFFFE000  }
0x8a: {  	_ =	swait.ge [sflag:s6], $0x2000  }
0x8b: {  	[sflag:s6] =	ssyncset.done $0x0  }
0x8c: {  	[sflag:s6] =	ssyncadd.s32 $0xFFFFE000  }
0x8d: {  	_ =	swait.ge [sflag:s7], $0x2000  }
0x8e: {  	s8 =	sld [smem:$0x7FB];
	_ =	sdelay $0x2  }
0x8f: {  	s21 =	rddreg [dreg:$0x18];
	s20 =	sadd.s32 $0x1, s8  }
0x90: {  	p0 =	sne.s32 s20, s21  }
.Ltmp1:
0x91: {  	_ = 	snop;
	(pc) =	sbr.rel @!p0 .LBB2_7-.Ltmp1, $3  }
0x92: {  	_ =	sdelay $0x1  }
0x93: {  	[sflag:s7] =	ssyncset.done $0x0  }
0x94: {  	[sflag:s7] =	ssyncadd.s32 $0xFFFFE000  }
.LBB2_1:
0x95: {  	[smem:$0x7FB] =	sst s20;
	s20 =	simm.s32 $0x0;
	s21 =	simm.s32 $0x200  }
.LBB2_2:
0x96: {  	p0 =	sne.s32 s21, $0x7E00;
	[tilespmem:s20+$0x16A70] =	vst v0  }
0x97: {  	[tilespmem:s20+$0x16A00] =	vst v0  }
0x98: {  	[tilespmem:s20+$0x16A10] =	vst v0  }
.Ltmp2:
0x99: {  	[tilespmem:s20+$0x16A20] =	vst v0;
	(pc) =	sbr.rel @p0 .LBB2_2-.Ltmp2, $4  }
0x9a: {  	[tilespmem:s20+$0x16A30] =	vst v0  }
0x9b: {  	[tilespmem:s20+$0x16A40] =	vst v0  }
0x9c: {  	[tilespmem:s20+$0x16A50] =	vst v0  }
0x9d: {  	[tilespmem:s20+$0x16A60] =	vst v0;
	s20 =	sshra.s32 s21, $0x2;
	s21 =	sadd.s32 $0x200, s21  }
0x9e: {  	[tilespmem:s20+$0x16A70] =	vst v0  }
0x9f: {  	[tilespmem:s20+$0x16A00] =	vst v0  }
0xa0: {  	[tilespmem:s20+$0x16A10] =	vst v0  }
0xa1: {  	[tilespmem:s20+$0x16A20] =	vst v0  }
0xa2: {  	[tilespmem:s20+$0x16A30] =	vst v0  }
0xa3: {  	[tilespmem:s20+$0x16A40] =	vst v0  }
0xa4: {  	[tilespmem:s20+$0x16A50] =	vst v0  }
0xa5: {  	[tilespmem:s20+$0x16A60] =	vst v0  }
0xa6: {  	[spmem:s19] =	stream.linear.scatter [tilespmem:s5], [sflag:$0x5], $0x2000, $0x38;
	[tilespmem:$0x1EA00] =	vst v63  }
0xa7: {  	_ = 	snop  }
0xa8: {  	[spmem:s22] =	stream.linear.scatter [tilespmem:s5], [sflag:$0x5], $0x2000, $0x38;
	[tilespmem:$0x1EA00] =	vst v63  }
0xa9: {  	_ = 	snop  }
0xaa: {  	[spmem:s23] =	stream.linear.scatter [tilespmem:s5], [sflag:$0x5], $0x2000, $0x38;
	[tilespmem:$0x1EA00] =	vst v63  }
0xab: {  	_ = 	snop  }
0xac: {  	[spmem:s24] =	stream.linear.scatter [tilespmem:s5], [sflag:$0x5], $0x2000, $0x38;
	[tilespmem:$0x1EA00] =	vst v63  }
0xad: {  	s8 =	rddreg [dreg:$0x12]  }
0xae: {  	[spmem:s8] =	stream.linear.scatter [tilespmem:s5], [sflag:$0x5], $0x2000, $0x38;
	[tilespmem:$0x1EA00] =	vst v63  }
0xaf: {  	s20 =	rddreg [dreg:$0x13]  }
0xb0: {  	[spmem:s20] =	stream.linear.scatter [tilespmem:s5], [sflag:$0x5], $0x2000, $0x38;
	[tilespmem:$0x1EA00] =	vst v63  }
0xb1: {  	s21 =	rddreg [dreg:$0x14]  }
0xb2: {  	[spmem:s21] =	stream.linear.scatter [tilespmem:s5], [sflag:$0x5], $0x2000, $0x38;
	[tilespmem:$0x1EA00] =	vst v63  }
0xb3: {  	s22 =	rddreg [dreg:$0x15]  }
0xb4: {  	[spmem:s22] =	stream.linear.scatter [tilespmem:s5], [sflag:$0x5], $0x2000, $0x38;
	[tilespmem:$0x1EA00] =	vst v63  }
0xb5: {  	s23 =	rddreg [dreg:$0x16]  }
0xb6: {  	[spmem:s23] =	stream.linear.scatter [tilespmem:s5], [sflag:$0x5], $0x2000, $0x38;
	[tilespmem:$0x1EA00] =	vst v63  }
0xb7: {  	s24 =	rddreg [dreg:$0x17]  }
0xb8: {  	[spmem:s24] =	stream.linear.scatter [tilespmem:s5], [sflag:$0x5], $0x2000, $0x38;
	[tilespmem:$0x1EA00] =	vst v63  }
0xb9: {  	_ =	swait.ge [sflag:s6], $0x2000  }
0xba: {  	[sflag:s6] =	ssyncset.done $0x0  }
0xbb: {  	[sflag:s6] =	ssyncadd.s32 $0xFFFFE000  }
0xbc: {  	_ =	swait.ge [sflag:s6], $0x2000  }
0xbd: {  	[sflag:s6] =	ssyncset.done $0x0  }
0xbe: {  	[sflag:s6] =	ssyncadd.s32 $0xFFFFE000  }
0xbf: {  	_ =	swait.ge [sflag:s6], $0x2000  }
0xc0: {  	[sflag:s6] =	ssyncset.done $0x0  }
0xc1: {  	[sflag:s6] =	ssyncadd.s32 $0xFFFFE000  }
0xc2: {  	_ =	swait.ge [sflag:s6], $0x2000  }
0xc3: {  	[sflag:s6] =	ssyncset.done $0x0  }
0xc4: {  	[sflag:s6] =	ssyncadd.s32 $0xFFFFE000  }
0xc5: {  	_ =	swait.ge [sflag:s6], $0x2000  }
0xc6: {  	[sflag:s6] =	ssyncset.done $0x0  }
0xc7: {  	[sflag:s6] =	ssyncadd.s32 $0xFFFFE000  }
0xc8: {  	_ =	swait.ge [sflag:s6], $0x2000  }
0xc9: {  	[sflag:s6] =	ssyncset.done $0x0  }
0xca: {  	[sflag:s6] =	ssyncadd.s32 $0xFFFFE000  }
0xcb: {  	_ =	swait.ge [sflag:s6], $0x2000  }
0xcc: {  	[sflag:s6] =	ssyncset.done $0x0  }
0xcd: {  	[sflag:s6] =	ssyncadd.s32 $0xFFFFE000  }
0xce: {  	_ =	swait.ge [sflag:s6], $0x2000  }
0xcf: {  	[sflag:s6] =	ssyncset.done $0x0  }
0xd0: {  	[sflag:s6] =	ssyncadd.s32 $0xFFFFE000  }
0xd1: {  	_ =	swait.ge [sflag:s6], $0x2000  }
0xd2: {  	[sflag:s6] =	ssyncset.done $0x0  }
0xd3: {  	[sflag:s6] =	ssyncadd.s32 $0xFFFFE000  }
0xd4: {  	_ =	swait.ge [sflag:s6], $0x2000  }
0xd5: {  	[sflag:s6] =	ssyncset.done $0x0  }
0xd6: {  	[sflag:s6] =	ssyncadd.s32 $0xFFFFE000  }
0xd7: {  	s20 =	simm.s32 $0x0;
	[bflag:$0x0] =	sbarrier.arrive $0xFFFF  }
0xd8: {  	s21 =	simm.s32 $0x14000;
	s22 =	simm.s32 $0xD;
	s19 =	rddreg [dreg:$0x19]  }
0xd9: {  	[tilespmem:s21], [sflag:$0xD] =	stream.linear.gather [hbm4b:s19+s20], $0x2800, $0x38;
	[tilespmem:$0x1EA00] =	vst v63  }
0xda: {  	_ =	swait.ge [sflag:s22], $0x2800  }
0xdb: {  	[sflag:s22] =	ssyncset.done $0x0  }
0xdc: {  	s23 =	rddreg [dreg:$0x1a];
	[sflag:s22] =	ssyncadd.s32 $0xFFFFD800  }
0xdd: {  	[tilespmem:s9], [sflag:$0x1] =	stream.linear.gather [hbm4b:s23+s20], $0x40, $0x38;
	[tilespmem:$0x1EA00] =	vst v63  }
0xde: {  	_ = 	snop  }
0xdf: {  	[tilespmem:s5], [sflag:$0x5] =	stream.indirect.gather [hbm4b:s1+s10], $0x80, s21, s10, $0xb8;
	[tilespmem:$0x1EA00] =	vst v63  }
0xe0: {  	s24 =	rddreg [dreg:$0x1b]  }
0xe1: {  	[tilespmem:s12], [sflag:$0x2] =	stream.linear.gather [hbm4b:s24+s20], $0x40, $0x38;
	[tilespmem:$0x1EA00] =	vst v63  }
0xe2: {  	s19 =	simm.s32 $0x14040;
	s23 =	rddreg [dreg:$0x1d]  }
0xe3: {  	[tilespmem:s14], [sflag:$0x6] =	stream.indirect.gather [hbm4b:s1+s10], $0x80, s19, s10, $0xb8;
	[tilespmem:$0x1EA00] =	vst v63  }
0xe4: {  	s21 =	rddreg [dreg:$0x1c]  }
0xe5: {  	[tilespmem:s25], [sflag:$0x3] =	stream.linear.gather [hbm4b:s21+s20], $0x40, $0x38;
	[tilespmem:$0x1EA00] =	vst v63  }
0xe6: {  	s22 =	simm.s32 $0x14080;
	s21 =	sld [smem:$0x7FD]  }
0xe7: {  	[tilespmem:s26], [sflag:$0x7] =	stream.indirect.gather [hbm4b:s1+s10], $0x80, s22, s10, $0xb8;
	[tilespmem:$0x1EA00] =	vst v63  }
0xe8: {  	s22 =	sld [smem:$0x7FC]  }
0xe9: {  	[tilespmem:s28], [sflag:$0x4] =	stream.linear.gather [hbm4b:s23+s20], $0x40, $0x38;
	[tilespmem:$0x1EA00] =	vst v63  }
0xea: {  	s24 =	simm.s32 $0x140C0;
	s23 =	rddreg [dreg:$0x1f]  }
0xeb: {  	[tilespmem:s29], [sflag:$0x8] =	stream.indirect.gather [hbm4b:s1+s10], $0x80, s24, s10, $0xb8;
	[tilespmem:$0x1EA00] =	vst v63  }
0xec: {  	s24 =	rddreg [dreg:$0x1e]  }
.LBB2_4:
0xed: {  	_ =	swait.ge [sflag:s30], $0x40  }
0xee: {  	[sflag:s30] =	ssyncset.done $0x0  }
0xef: {  	[sflag:s30] =	ssyncadd.s32 $0xFFFFFFC0  }
0xf0: {  	_ =	swait.ge [sflag:s6], $0x2000  }
0xf1: {  	[sflag:s6] =	ssyncset.done $0x0  }
0xf2: {  	[sflag:s6] =	ssyncadd.s32 $0xFFFFE000  }
0xf3: {  	[spmem:s13] =	stream.indirect.scatter.add.f32 [tilespmem:s5], [sflag:$0x9], $0x80, s9, s10, $0xb8;
	[tilespmem:$0x1EA00] =	vst v63  }
0xf4: {  	_ =	swait.ge [sflag:s31], $0x40  }
0xf5: {  	[sflag:s31] =	ssyncset.done $0x0  }
0xf6: {  	[sflag:s31] =	ssyncadd.s32 $0xFFFFFFC0  }
0xf7: {  	_ =	swait.ge [sflag:s7], $0x2000  }
0xf8: {  	[sflag:s7] =	ssyncset.done $0x0  }
0xf9: {  	[sflag:s7] =	ssyncadd.s32 $0xFFFFE000  }
0xfa: {  	[spmem:s13] =	stream.indirect.scatter.add.f32 [tilespmem:s14], [sflag:$0xA], $0x80, s12, s10, $0xb8;
	[tilespmem:$0x1EA00] =	vst v63  }
0xfb: {  	_ =	swait.ge [sflag:s11], $0x40  }
0xfc: {  	[sflag:s11] =	ssyncset.done $0x0  }
0xfd: {  	[sflag:s11] =	ssyncadd.s32 $0xFFFFFFC0  }
0xfe: {  	_ =	swait.ge [sflag:s0], $0x2000  }
0xff: {  	[sflag:s0] =	ssyncset.done $0x0  }
0x100: {  	[sflag:s0] =	ssyncadd.s32 $0xFFFFE000  }
0x101: {  	[spmem:s13] =	stream.indirect.scatter.add.f32 [tilespmem:s26], [sflag:$0xB], $0x80, s25, s10, $0xb8;
	[tilespmem:$0x1EA00] =	vst v63  }
0x102: {  	_ =	swait.ge [sflag:s3], $0x40  }
0x103: {  	p0 =	seq.s32 s20, $0x9C00;
	[sflag:s3] =	ssyncset.done $0x0  }
.Ltmp3:
0x104: {  	[sflag:s3] =	ssyncadd.s32 $0xFFFFFFC0;
	(pc) =	sbr.rel @p0 .LBB2_6-.Ltmp3, $4  }
0x105: {  	_ =	swait.ge [sflag:s4], $0x2000  }
0x106: {  	[sflag:s4] =	ssyncset.done $0x0  }
0x107: {  	[sflag:s4] =	ssyncadd.s32 $0xFFFFE000  }
0x108: {  	[spmem:s13] =	stream.indirect.scatter.add.f32 [tilespmem:s29], [sflag:$0xC], $0x80, s28, s10, $0xb8;
	[tilespmem:$0x1EA00] =	vst v63  }
0x109: {  	_ =	swait.ge [sflag:s15], $0x2000  }
0x10a: {  	[sflag:s15] =	ssyncset.done $0x0  }
0x10b: {  	s19 =	sshra.s32 s20, $0x2;
	[sflag:s15] =	ssyncadd.s32 $0xFFFFE000  }
0x10c: {  	[tilespmem:s9], [sflag:$0x1] =	stream.linear.gather [hbm4b:s22+s2], $0x40, $0x38;
	[tilespmem:$0x1EA00] =	vst v63  }
0x10d: {  	s8 =	sadd.s32 $0x14100, s19  }
0x10e: {  	[tilespmem:s5], [sflag:$0x5] =	stream.indirect.gather [hbm4b:s1+s10], $0x80, s8, s10, $0xb8;
	[tilespmem:$0x1EA00] =	vst v63  }
0x10f: {  	_ =	swait.ge [sflag:s16], $0x2000  }
0x110: {  	[sflag:s16] =	ssyncset.done $0x0  }
0x111: {  	[sflag:s16] =	ssyncadd.s32 $0xFFFFE000  }
0x112: {  	[tilespmem:s12], [sflag:$0x2] =	stream.linear.gather [hbm4b:s23+s2], $0x40, $0x38;
	[tilespmem:$0x1EA00] =	vst v63  }
0x113: {  	s8 =	sadd.s32 $0x14140, s19  }
0x114: {  	[tilespmem:s14], [sflag:$0x6] =	stream.indirect.gather [hbm4b:s1+s10], $0x80, s8, s10, $0xb8;
	[tilespmem:$0x1EA00] =	vst v63  }
0x115: {  	_ =	swait.ge [sflag:s17], $0x2000  }
0x116: {  	[sflag:s17] =	ssyncset.done $0x0  }
0x117: {  	[sflag:s17] =	ssyncadd.s32 $0xFFFFE000  }
0x118: {  	[tilespmem:s25], [sflag:$0x3] =	stream.linear.gather [hbm4b:s24+s2], $0x40, $0x38;
	[tilespmem:$0x1EA00] =	vst v63  }
0x119: {  	s8 =	sadd.s32 $0x14180, s19  }
0x11a: {  	[tilespmem:s26], [sflag:$0x7] =	stream.indirect.gather [hbm4b:s1+s10], $0x80, s8, s10, $0xb8;
	[tilespmem:$0x1EA00] =	vst v63  }
0x11b: {  	_ =	swait.ge [sflag:s18], $0x2000  }
.Ltmp4:
0x11c: {  	s20 =	sadd.s32 $0x400, s20;
	[sflag:s18] =	ssyncset.done $0x0;
	(pc) =	sbr.rel .LBB2_4-.Ltmp4, $4  }
0x11d: {  	s22 =	sadd.s32 $0x20, s22;
	s23 =	sadd.s32 $0x20, s23;
	[sflag:s18] =	ssyncadd.s32 $0xFFFFE000  }
0x11e: {  	[tilespmem:s28], [sflag:$0x4] =	stream.linear.gather [hbm4b:s21+s2], $0x40, $0x38;
	[tilespmem:$0x1EA00] =	vst v63  }
0x11f: {  	s19 =	sadd.s32 $0x141C0, s19;
	s24 =	sadd.s32 $0x20, s24;
	s21 =	sadd.s32 $0x20, s21  }
0x120: {  	[tilespmem:s29], [sflag:$0x8] =	stream.indirect.gather [hbm4b:s1+s10], $0x80, s19, s10, $0xb8;
	[tilespmem:$0x1EA00] =	vst v63  }
.LBB2_7:
0x121: {  	_ =	sfence.sel $0x180000  }
0x122: {  	[bflag:$0x0] =	sbarrier.arrive $0xFFFF  }
0x123: {  	_ =	strace $0x9000004D  }
0x124: {  	s0 =	stileid.u32;
	[bflag:$0x2] =	sbarrier.arrive $0xFFFF  }
0x125: {  	p0 =	sne.s32 s0, $0x0;
	s0 =	rddreg [dreg:$0x3]  }
0x126: {  	s0 =	sadd.s32 @!p0 $0x100000, s0  }
0x127: {  	[sflag:s0] =	ssyncadd.tile.s32 @!p0 $0x1;
	_ =	shalt  }
.Lfunc_end2:
_tile_overlayer_lowered:
.L_overlay_start_2:
0x128: {  	(tag) =	ssettag $0x2  }
0x129: {  	s0 =	rddreg [dreg:$0x0];
	s2 =	stileid.u32  }
0x12a: {  	s1 =	rddreg [dreg:$0x1];
	p0 =	sne.s32 s2, $0x0  }
0x12b: {  	s3 =	rddreg [dreg:$0x2];
	[bflag:$0x3] =	sbarrier.arrive $0xFFFF;
	s2 =	simm.s32 @!p0 $0x1C0D  }
0x12c: {  	[timem:s3], [sflag:s2] =	dma.local @!p0 [hbm:s0], s1  }
0x12d: {  	s0 =	simm.s32 @!p0 $0xD  }
0x12e: {  	_ =	swait.ge @!p0 [sflag:s0], s1  }
0x12f: {  	s1 =	ssub.s32 @!p0 $0x0, s1;
	[sflag:s0] =	ssyncset.done @!p0 $0x0  }
0x130: {  	[sflag:s0] =	ssyncadd.s32 @!p0 s1  }
0x131: {  	[bflag:$0x3] =	sbarrier.arrive $0xFFFF  }
0x132: {  	_ =	shalt  }

// kernel: kernel.9.cloned.1.call-start
scs
__scs_entry_jumppad:
0x0: {  	(pc) =	sbr.rel $0x88, $3  }
0x1: {  	(tag) =	ssettag $0x0;
	lr =	simm.s32 $0x1  }
0x2: {  	[smem:$0x3F9B] =	sst lr;
	_ =	strace $0xD0000000  }
0x3: {  	_ = 	snop  }
0x4: {  	_ = 	snop  }
0x5: {  	_ = 	snop  }
0x6: {  	_ = 	snop  }
0x7: {  	_ = 	snop  }
__scs_overlays_trampoline_lowered:
0x8: {  	[smem:$0x3FAA] =	sst s0  }
0x9: {  	[smem:$0x3FAB] =	sst s1  }
0xa: {  	[smem:$0x3FAC] =	sst s2  }
0xb: {  	[smem:$0x3FAD] =	sst s3  }
0xc: {  	[smem:$0x3FAE] =	sst s4  }
0xd: {  	[smem:$0x3FAF] =	sst s5  }
0xe: {  	[smem:$0x3FB0] =	sst s6  }
0xf: {  	[smem:$0x3FB1] =	sst s7  }
0x10: {  	[smem:$0x3FB2] =	sst s8  }
0x11: {  	[smem:$0x3FB3] =	sst s9;
	s0 =	simm.s32 @!p0 $0x0  }
0x12: {  	s1 =	sld [smem:$0x3F99];
	s0 =	simm.s32 @p0 $0x1  }
0x13: {  	[smem:$0x3FB4] =	sst s0;
	s0 =	simm.s32 @!p1 $0x0  }
0x14: {  	s2 =	sld [smem:$0x3F98];
	s0 =	simm.s32 @p1 $0x1  }
0x15: {  	[smem:$0x3FB5] =	sst s0;
	s0 =	simm.s32 @!p2 $0x0  }
0x16: {  	s3 =	sld [smem:$0x3FDB];
	s0 =	simm.s32 @p2 $0x1  }
0x17: {  	s4 =	simm.s32 $0x1BF5;
	[smem:$0x3FB7] =	sst s0  }
0x18: {  	s0 =	sld [smem:$0x3F9A];
	_ =	swait.ge [sflag:s4], $0x0  }
0x19: {  	s7 =	sld [smem:$0x3F9B]  }
0x1a: {  	s8 =	sadd.s32 $0xFFFFE003, lr  }
0x1b: {  	s9 =	sadd.s32 $0xFFFFFEF7, lr;
	s5 =	simm.s32 $0xFFFFFFFF;
	p2 =	slt.u32 s8, $0xFFFFF086  }
0x1c: {  	p1 =	slt.u32 s9, $0xF7A;
	s5 =	simm.s32 @!p2 $0x0  }
0x1d: {  	s5 =	simm.s32 @p1 $0x1;
	p0 =	seq.s32 s7, s2  }
0x1e: {  	s7 =	smul.u32 @!p0 $0xF7A, s2;
	p2 =	seq.s32 @!p0 s5, $0x0  }
0x1f: {  	s9 =	smul.u32 $0xF7A, s1;
	s8 =	simm.s32 @!p0 $0x1BF5;
	p2 =	por !p2, p0  }
0x20: {  	[sflag:s8] =	ssyncset.s32 @!p0 $0xFFFFF086;
	s6 =	sadd.s32 @!p0 s3, s7;
	s7 =	simm.s32 @!p0 $0x108  }
0x21: {  	s3 =	sadd.s32 s3, s9;
	s6 =	sadd.s32 @!p0 $0x88, s6;
	s7 =	simm.s32 @p2 $0x1082  }
0x22: {  	[simem:s7], [sflag:s8] =	dma.local @!p0 [hbm:s6], $0xF7A  }
0x23: {  	s9 =	sor.u32 $0xD0000000, s2;
	s6 =	simm.s32 $0x108;
	_ =	swait.ge @!p0 [sflag:s8], $0x0  }
0x24: {  	s3 =	sadd.s32 $0x88, s3;
	s6 =	simm.s32 @!p1 $0x1082;
	[sflag:s4] =	ssyncset.s32 $0xFFFFF086  }
0x25: {  	[simem:s6], [sflag:s4] =	dma.local [hbm:s3], $0xF7A  }
0x26: {  	[smem:$0x3F9B] =	sst s1;
	(tag) =	ssettag s2;
	_ =	strace s9  }
0x27: {  	s1 =	sld [smem:$0x3FAB]  }
0x28: {  	s2 =	sld [smem:$0x3FAC]  }
0x29: {  	s4 =	sld [smem:$0x3FAE]  }
0x2a: {  	p0 =	seq.s32 s5, $0x0;
	s5 =	sld [smem:$0x3FAF]  }
0x2b: {  	s6 =	sld [smem:$0x3FB0]  }
0x2c: {  	s7 =	sld [smem:$0x3FB1]  }
0x2d: {  	s3 =	simm.s32 $0x108;
	s8 =	sld [smem:$0x3FB2]  }
0x2e: {  	s3 =	simm.s32 @!p0 $0x1082;
	s9 =	sld [smem:$0x3FB3]  }
0x2f: {  	lr =	sadd.s32 s0, s3;
	s0 =	sld [smem:$0x3FAA]  }
0x30: {  	s3 =	sld [smem:$0x3FAD]  }
0x31: {  	[smem:$0x3FB6] =	sst s10  }
0x32: {  	s10 =	sld [smem:$0x3FB4];
	_ =	sdelay $0x3  }
0x33: {  	p0 =	seq.s32 s10, $0x1;
	s10 =	sld [smem:$0x3FB6];
	_ =	sdelay $0x3  }
0x34: {  	[smem:$0x3FB6] =	sst s10  }
0x35: {  	s10 =	sld [smem:$0x3FB5];
	_ =	sdelay $0x3  }
0x36: {  	p1 =	seq.s32 s10, $0x1;
	s10 =	sld [smem:$0x3FB6];
	_ =	sdelay $0x3  }
0x37: {  	[smem:$0x3FB6] =	sst s10  }
0x38: {  	s10 =	sld [smem:$0x3FB7]  }
0x39: {  	_ = 	snop;
	(pc) =	sbr.ind lr, $3  }
0x3a: {  	_ = 	snop  }
0x3b: {  	_ = 	snop  }
0x3c: {  	p2 =	seq.s32 s10, $0x1;
	s10 =	sld [smem:$0x3FB6]  }
0x3d: {  	_ =	shalt  }
0x3e: {  	_ =	shalt  }
0x3f: {  	_ =	shalt  }
0x40: {  	_ =	shalt  }
0x41: {  	_ =	shalt  }
0x42: {  	_ =	shalt  }
0x43: {  	_ =	shalt  }
0x44: {  	_ =	shalt  }
0x45: {  	_ =	shalt  }
0x46: {  	_ =	shalt  }
0x47: {  	_ =	shalt  }
0x48: {  	_ =	shalt  }
0x49: {  	_ =	shalt  }
0x4a: {  	_ =	shalt  }
0x4b: {  	_ =	shalt  }
0x4c: {  	_ =	shalt  }
0x4d: {  	_ =	shalt  }
0x4e: {  	_ =	shalt  }
0x4f: {  	_ =	shalt  }
0x50: {  	_ =	shalt  }
0x51: {  	_ =	shalt  }
0x52: {  	_ =	shalt  }
0x53: {  	_ =	shalt  }
0x54: {  	_ =	shalt  }
0x55: {  	_ =	shalt  }
0x56: {  	_ =	shalt  }
0x57: {  	_ =	shalt  }
0x58: {  	_ =	shalt  }
0x59: {  	_ =	shalt  }
0x5a: {  	_ =	shalt  }
0x5b: {  	_ =	shalt  }
0x5c: {  	_ =	shalt  }
0x5d: {  	_ =	shalt  }
0x5e: {  	_ =	shalt  }
0x5f: {  	_ =	shalt  }
0x60: {  	_ =	shalt  }
0x61: {  	_ =	shalt  }
0x62: {  	_ =	shalt  }
0x63: {  	_ =	shalt  }
0x64: {  	_ =	shalt  }
0x65: {  	_ =	shalt  }
0x66: {  	_ =	shalt  }
0x67: {  	_ =	shalt  }
0x68: {  	_ =	shalt  }
0x69: {  	_ =	shalt  }
0x6a: {  	_ =	shalt  }
0x6b: {  	_ =	shalt  }
0x6c: {  	_ =	shalt  }
0x6d: {  	_ =	shalt  }
0x6e: {  	_ =	shalt  }
0x6f: {  	_ =	shalt  }
0x70: {  	_ =	shalt  }
0x71: {  	_ =	shalt  }
0x72: {  	_ =	shalt  }
0x73: {  	_ =	shalt  }
0x74: {  	_ =	shalt  }
0x75: {  	_ =	shalt  }
0x76: {  	_ =	shalt  }
0x77: {  	_ =	shalt  }
0x78: {  	_ =	shalt  }
0x79: {  	_ =	shalt  }
0x7a: {  	_ =	shalt  }
0x7b: {  	_ =	shalt  }
0x7c: {  	_ =	shalt  }
0x7d: {  	_ =	shalt  }
0x7e: {  	_ =	shalt  }
0x7f: {  	_ =	shalt  }
0x80: {  	_ =	shalt  }
0x81: {  	_ =	shalt  }
0x82: {  	_ =	shalt  }
0x83: {  	_ =	shalt  }
0x84: {  	_ =	shalt  }
0x85: {  	_ =	shalt  }
0x86: {  	_ =	shalt  }
0x87: {  	_ =	shalt  }
.Lfunc_end0:
.L_simem_size_0:
called_computation_lowered:
.L_overlay_start_0:
0x88: {  	s2 =	sld [smem:$0x3FD9]  }
0x89: {  	s3 =	sld [smem:$0x3FFE];
	_ =	sdelay $0x1  }
0x8a: {  	s1 =	srdreg.scid  }
0x8b: {  	s0 =	sand.u32 $0x1, s1  }
0x8c: {  	s17 =	sshll.u32 s0, $0xA;
	s2 =	sadd.s32 s3, s2  }
0x8d: {  	s2 =	sadd.s32 s2, s17  }
0x8e: {  	[smem:$0x3FC2] =	sst s2  }
0x8f: {  	_ = 	snop  }
0x90: {  	s2 =	sld [smem:$0x3FD0];
	(tm) =	ssettm $0x1  }
0x91: {  	s18 =	sld [smem:$0x3FFB];
	_ =	sdelay $0x3  }
0x92: {  	_ =	strace s18  }
0x93: {  	s3 =	sld [smem:$0x3FFC];
	_ =	sdelay $0x3  }
0x94: {  	_ =	strace s3  }
0x95: {  	s3 =	sld [smem:$0x3FFD];
	_ =	sdelay $0x3  }
0x96: {  	_ =	strace s3  }
0x97: {  	_ =	strace $0x8FFFFFFF  }
0x98: {  	s19 =	sld [smem:$0x3FDB];
	_ =	sdelay $0x1  }
0x99: {  	s4 =	simm.s32 $_scs_section_size  }
0x9a: {  	s5 =	simm.s32 $_size__tile_overlayer_lowered;
	s6 =	simm.s32 $_tile_overlayer_lowered  }
0x9b: {  	s22 =	simm.s32 $0x1BFF;
	s21 =	sshll.u32 s6, $0x1;
	s3 =	sadd.s32 s4, s19  }
0x9c: {  	s7 =	simm.s32 $0x0;
	s20 =	sshll.u32 s5, $0x1;
	s5 =	sadd.s32 s21, s3  }
0x9d: {  	[timem:s7], [sflag:s22] =	dma.local [hbm:s5], s20  }
0x9e: {  	_ =	swait.ge [sflag:s22], s20  }
0x9f: {  	s4 =	ssub.s32 $0x0, s20;
	[sflag:s22] =	ssyncset.done $0x0  }
0xa0: {  	[sflag:s22] =	ssyncadd.s32 s4;
	_ =	sdelay $0x1  }
0xa1: {  	s23 =	simm.s32 $0x1B8B  }
0xa2: {  	_ =	swait.ge [sflag:s23], $0x1  }
0xa3: {  	[sflag:s23] =	ssyncset.done $0x0  }
0xa4: {  	s25 =	simm.s32 $0x1B8E;
	s24 =	sld [smem:$0x3FFE];
	[sflag:s23] =	ssyncadd.s32 $0xFFFFFFFF  }
0xa5: {  	s26 =	simm.s32 $execute0_lowered;
	[smem:$0x3FD2] =	sst s25  }
0xa6: {  	s5 =	sshll.u32 s26, $0x1;
	_ =	strace $0x80000046;
	[dreg:$0x1] =	wrdreg $0xFFFFFFFF  }
0xa7: {  	s28 =	simm.s32 $_size_execute0_lowered;
	s3 =	sadd.s32 s3, s5;
	[dreg:$0x0] =	wrdreg $0x0  }
0xa8: {  	s5 =	sshll.u32 s28, $0x1;
	[dreg:$0x2] =	wrdreg s3  }
0xa9: {  	[dreg:$0x3] =	wrdreg s5  }
0xaa: {  	[dreg:$0x4] =	wrdreg $0xC0  }
0xab: {  	_ =	task [dreg:s7], $0x5FFFF  }
0xac: {  	[dreg:$0x1] =	wrdreg $0xFFFFFFFF  }
0xad: {  	[dreg:$0x0] =	wrdreg $0x60  }
0xae: {  	[dreg:$0x2] =	wrdreg s24  }
0xaf: {  	[dreg:$0x3] =	wrdreg s2  }
0xb0: {  	[dreg:$0x4] =	wrdreg $0x0  }
0xb1: {  	[dreg:$0x5] =	wrdreg $0x9  }
0xb2: {  	_ =	task.clear_ibuf [dreg:s7], $0x6FFFF;
	_ =	strace $0x90000046  }
0xb3: {  	s29 =	simm.s32 $0x9;
	_ =	strace $0x80000048  }
0xb4: {  	_ =	swait.ge [sflag:s29], $0x1  }
0xb5: {  	[sflag:s29] =	ssyncadd.s32 $0xFFFFFFFF  }
0xb6: {  	_ =	strace $0x90000048  }
0xb7: {  	_ =	sfence  }
0xb8: {  	s30 =	sld [smem:$0x0];
	_ =	sdelay $0x2  }
0xb9: {  	s31 =	sshll.u32 s1, $0xD;
	s1 =	sshrl.u32 s1, $0x2  }
0xba: {  	s3 =	sand.u32 $0x4000, s31;
	s1 =	sadd.s32 s1, s30  }
0xbb: {  	s0 =	sor.u32 s3, s0;
	s1 =	sshll.u32 s1, $0x11  }
0xbc: {  	s0 =	sor.u32 s1, s0  }
0xbd: {  	s0 =	sadd.s32 $0x8F2B, s0  }
0xbe: {  	[sflag:s0] =	ssyncadd.remote.s32 $0x1  }
0xbf: {  	_ =	sfence.sel $0xFFFF  }
0xc0: {  	[dreg:$0x0] =	wrdreg $0xFFFFFFFF;
	(pc) =	sbr.abs _section_cstart, $3  }
0xc1: {  	[dreg:$0x1] =	wrdreg $0xFFFFFFFF  }
0xc2: {  	_ =	task.clear_ibuf [dreg:s7], $0x2FFFF;
	_ =	strace $0x9FFFFFFF  }
0xc3: {  	(tm) =	ssettm $0x7FFFFFFF  }
tec
execute0_lowered:
.L_overlay_start_1:
0x0: {  	(tag) =	ssettag $0x1  }
0x1: {  	s1 =	srdreg.scid  }
0x2: {  	s1 =	sand.u32 $0x1, s1  }
0x3: {  	p0 =	seq.s32 s1, $0x1  }
.Ltmp0:
0x4: {  	s6 =	rddreg [dreg:$0x0];
	(pc) =	sbr.rel @p0 .LBB2_4-.Ltmp0, $4  }
0x5: {  	s4 =	rddreg [dreg:$0x1]  }
0x6: {  	s2 =	rddreg [dreg:$0x2];
	s3 =	simm.s32 $0x0  }
0x7: {  	[smem:$0x7FF] =	sst s3  }
0x8: {  	s0 =	rddreg [dreg:$0x3];
	_ =	strace $0x80000047;
	s1 =	stileid.u32  }
0x9: {  	v0 =	vimm.f32 $0.0e+00  }
0xa: {  	[tilespmem:$0x380] =	vst v0  }
0xb: {  	[tilespmem:$0x390] =	vst v0  }
0xc: {  	[tilespmem:$0x3A0] =	vst v0  }
0xd: {  	[tilespmem:$0x3B0] =	vst v0  }
0xe: {  	[tilespmem:$0x3C0] =	vst v0  }
0xf: {  	[tilespmem:$0x3D0] =	vst v0  }
0x10: {  	[tilespmem:$0x3E0] =	vst v0  }
0x11: {  	[tilespmem:$0x3F0] =	vst v0  }
0x12: {  	[tilespmem:$0x400] =	vst v0  }
0x13: {  	[tilespmem:$0x410] =	vst v0  }
0x14: {  	[tilespmem:$0x420] =	vst v0  }
0x15: {  	[tilespmem:$0x430] =	vst v0  }
0x16: {  	[tilespmem:$0x440] =	vst v0  }
0x17: {  	[tilespmem:$0x450] =	vst v0  }
0x18: {  	[tilespmem:$0x460] =	vst v0  }
0x19: {  	[tilespmem:$0x470] =	vst v0  }
0x1a: {  	[tilespmem:$0x480] =	vst v0  }
0x1b: {  	[tilespmem:$0x490] =	vst v0  }
0x1c: {  	[tilespmem:$0x4A0] =	vst v0  }
0x1d: {  	[tilespmem:$0x4B0] =	vst v0  }
0x1e: {  	[tilespmem:$0x4C0] =	vst v0  }
0x1f: {  	[tilespmem:$0x4D0] =	vst v0  }
0x20: {  	[tilespmem:$0x4E0] =	vst v0  }
0x21: {  	[tilespmem:$0x4F0] =	vst v0  }
0x22: {  	[tilespmem:$0x500] =	vst v0  }
0x23: {  	[tilespmem:$0x510] =	vst v0  }
0x24: {  	[tilespmem:$0x520] =	vst v0  }
0x25: {  	[tilespmem:$0x530] =	vst v0  }
0x26: {  	[tilespmem:$0x540] =	vst v0  }
0x27: {  	[tilespmem:$0x550] =	vst v0  }
0x28: {  	[tilespmem:$0x560] =	vst v0  }
0x29: {  	[tilespmem:$0x570] =	vst v0  }
0x2a: {  	[tilespmem:$0x580] =	vst v0  }
0x2b: {  	[tilespmem:$0x590] =	vst v0  }
0x2c: {  	[tilespmem:$0x5A0] =	vst v0  }
0x2d: {  	[tilespmem:$0x5B0] =	vst v0  }
0x2e: {  	[tilespmem:$0x5C0] =	vst v0  }
0x2f: {  	s9 =	smul.u32 $0x280, s1;
	[tilespmem:$0x5D0] =	vst v0  }
0x30: {  	[tilespmem:$0x5E0] =	vst v0  }
0x31: {  	s7 =	simm.s32 $0x380;
	[tilespmem:$0x5F0] =	vst v0;
	s5 =	sadd.s32 s9, s2  }
0x32: {  	[spmem:s5] =	stream.linear.scatter [tilespmem:s7], [sflag:$0x1], $0x280, $0x38;
	[tilespmem:$0x600] =	vst v63  }
0x33: {  	s7 =	simm.s32 $0x1  }
0x34: {  	_ =	swait.ge [sflag:s7], $0x280  }
0x35: {  	[sflag:s7] =	ssyncset.done $0x0  }
0x36: {  	v63 =	vimm.f32 $1.000000000e+00;
	[sflag:s7] =	ssyncadd.s32 $0xFFFFFD80  }
0x37: {  	[tilespmem:$0x300] =	vst v63  }
0x38: {  	[tilespmem:$0x310] =	vst v63  }
0x39: {  	[tilespmem:$0x320] =	vst v63  }
0x3a: {  	[tilespmem:$0x330] =	vst v63  }
0x3b: {  	[tilespmem:$0x340] =	vst v63  }
0x3c: {  	s8 =	smul.u32 $0xA00, s1;
	[tilespmem:$0x350] =	vst v63  }
0x3d: {  	s6 =	sadd.s32 $0x1C00, s6;
	[tilespmem:$0x360] =	vst v63  }
0x3e: {  	s8 =	sadd.s32 s8, s6;
	[tilespmem:$0x370] =	vst v63  }
0x3f: {  	s6 =	simm.s32 $0x280;
	s10 =	sadd.s32 $0x0, s8;
	[bflag:$0x0] =	sbarrier.arrive $0xFFFF  }
0x40: {  	[tilespmem:s6], [sflag:$0x1] =	stream.linear.gather [hbm4b:s10+s3], $0x80, $0x38;
	[tilespmem:$0x600] =	vst v63  }
0x41: {  	_ =	swait.ge [sflag:s7], $0x80  }
0x42: {  	s11 =	sshrl.u32 s9, $0x3;
	[sflag:s7] =	ssyncset.done $0x0  }
0x43: {  	s9 =	simm.s32 $0x80;
	s10 =	simm.s32 $0x300;
	[sflag:s7] =	ssyncadd.s32 $0xFFFFFF80  }
0x44: {  	[spmem:s2] =	stream.indirect.scatter.add.f32 [tilespmem:s10], [sflag:$0x1], $0x1, s6, s9, $0xb8;
	[tilespmem:$0x600] =	vst v63  }
0x45: {  	s12 =	simm.s32 $0x20;
	_ =	swait.ge [sflag:s7], $0x80  }
0x46: {  	s4 =	sadd.s32 s4, s11;
	s11 =	simm.s32 $0x10;
	[sflag:s7] =	ssyncset.done $0x0  }
.LBB2_2:
0x47: {  	s13 =	sadd.s32 s11, s8  }
0x48: {  	[sflag:s7] =	ssyncadd.s32 $0xFFFFFF80;
	s11 =	smov.u32 s12;
	s14 =	sadd.s32 $0x10, s12  }
0x49: {  	[tilespmem:s6], [sflag:$0x1] =	stream.linear.gather [hbm4b:s13+s3], $0x80, $0x38;
	[tilespmem:$0x600] =	vst v63  }
0x4a: {  	p0 =	sne.s32 s12, $0x9F0;
	_ =	swait.ge [sflag:s7], $0x80  }
.Ltmp1:
0x4b: {  	[sflag:s7] =	ssyncset.done $0x0;
	(pc) =	sbr.rel @p0 .LBB2_2-.Ltmp1, $4  }
0x4c: {  	[sflag:s7] =	ssyncadd.s32 $0xFFFFFF80  }
0x4d: {  	[spmem:s2] =	stream.indirect.scatter.add.f32 [tilespmem:s10], [sflag:$0x1], $0x1, s6, s9, $0xb8;
	[tilespmem:$0x600] =	vst v63  }
0x4e: {  	_ =	swait.ge [sflag:s7], $0x80  }
0x4f: {  	s12 =	smov.u32 s14;
	[sflag:s7] =	ssyncset.done $0x0  }
0x50: {  	s8 =	sadd.s32 s11, s8;
	[sflag:s7] =	ssyncadd.s32 $0xFFFFFF80  }
0x51: {  	[tilespmem:s6], [sflag:$0x1] =	stream.linear.gather [hbm4b:s8+s3], $0x80, $0x38;
	[tilespmem:$0x600] =	vst v63  }
0x52: {  	_ =	swait.ge [sflag:s7], $0x80  }
0x53: {  	[sflag:s7] =	ssyncset.done $0x0  }
0x54: {  	[sflag:s7] =	ssyncadd.s32 $0xFFFFFF80  }
0x55: {  	[spmem:s2] =	stream.indirect.scatter.add.f32 [tilespmem:s10], [sflag:$0x1], $0x1, s6, s9, $0xb8;
	[tilespmem:$0x600] =	vst v63  }
0x56: {  	_ =	swait.ge [sflag:s7], $0x80  }
0x57: {  	[sflag:s7] =	ssyncset.done $0x0  }
0x58: {  	[sflag:s7] =	ssyncadd.s32 $0xFFFFFF80  }
0x59: {  	s29 =	simm.s32 $0x380;
	s30 =	simm.s32 $0x1;
	[bflag:$0x0] =	sbarrier.arrive $0xFFFF  }
0x5a: {  	[tilespmem:s29], [sflag:$0x1] =	stream.linear.gather [spmem:s5], $0x280, $0x38;
	[tilespmem:$0x600] =	vst v63  }
0x5b: {  	_ =	swait.ge [sflag:s30], $0x280  }
0x5c: {  	[sflag:s30] =	ssyncset.done $0x0  }
0x5d: {  	s31 =	simm.s32 $0x0;
	[sflag:s30] =	ssyncadd.s32 $0xFFFFFD80  }
0x5e: {  	[hbm4b:s4+s31] =	stream.linear.scatter [tilespmem:s29], [sflag:$0x1], $0x280, $0x38;
	[tilespmem:$0x600] =	vst v63  }
0x5f: {  	_ =	swait.ge [sflag:s30], $0x280  }
0x60: {  	[sflag:s30] =	ssyncset.done $0x0  }
0x61: {  	[sflag:s30] =	ssyncadd.s32 $0xFFFFFD80  }
.LBB2_4:
0x62: {  	_ =	sfence.sel $0x180000  }
0x63: {  	[bflag:$0x0] =	sbarrier.arrive $0xFFFF  }
0x64: {  	p0 =	sne.s32 s1, $0x0;
	_ =	strace $0x90000047  }
0x65: {  	s0 =	sadd.s32 @!p0 $0x100000, s0;
	[bflag:$0x2] =	sbarrier.arrive $0xFFFF  }
0x66: {  	[sflag:s0] =	ssyncadd.tile.s32 @!p0 $0x1;
	_ =	shalt  }
.Lfunc_end2:
_tile_overlayer_lowered:
.L_overlay_start_2:
0x67: {  	(tag) =	ssettag $0x2  }
0x68: {  	s0 =	rddreg [dreg:$0x0];
	s2 =	stileid.u32  }
0x69: {  	s1 =	rddreg [dreg:$0x1];
	p0 =	sne.s32 s2, $0x0  }
0x6a: {  	s3 =	rddreg [dreg:$0x2];
	[bflag:$0x3] =	sbarrier.arrive $0xFFFF;
	s2 =	simm.s32 @!p0 $0x1C01  }
0x6b: {  	[timem:s3], [sflag:s2] =	dma.local @!p0 [hbm:s0], s1  }
0x6c: {  	s0 =	simm.s32 @!p0 $0x1  }
0x6d: {  	_ =	swait.ge @!p0 [sflag:s0], s1  }
0x6e: {  	s1 =	ssub.s32 @!p0 $0x0, s1;
	[sflag:s0] =	ssyncset.done @!p0 $0x0  }
0x6f: {  	[sflag:s0] =	ssyncadd.s32 @!p0 s1  }
0x70: {  	[bflag:$0x3] =	sbarrier.arrive $0xFFFF  }
0x71: {  	_ =	shalt  }

</sc_bundles>
